<compile_context>
chip_gen: v7x
topology: tpu7x:2x2x1
jax: 0.10.2.dev20260603
libtpu: 0.0.44.dev20260713+nightly
codegen_flags: <defaults>
</compile_context>

<pallas_src>
import jax
import jax.numpy as jnp
from jax import lax
from jax.experimental import pallas as pl
from jax.experimental.pallas import tpu as pltpu
from jax.experimental.pallas import tpu_sc as plsc

B, N, GRID = 16, 8192, 32768
NC, NS, L = 2, 16, 16
NW = NC * NS
HALF = N // 2
GB = GRID // 128
PB = HALF // 128


def _rsqrt(v):
    bits = lax.bitcast_convert_type(v, jnp.int32)
    r = lax.bitcast_convert_type(0x5F3759DF - (bits >> 1), jnp.float32)
    h = 0.5 * v
    r = r * (1.5 - h * r * r)
    r = r * (1.5 - h * r * r)
    r = r * (1.5 - h * r * r)
    return r


def _sc_body(grid_hbm, pts_hbm, prm_hbm, out_hbm, grid_v, pts_v, prm_v, cf_v, out_v, sem):
    wid = lax.axis_index("s") * NC + lax.axis_index("c")
    b = wid // 2
    half = wid % 2
    bhi = b // 8
    blo = b % 8

    cps = [pltpu.make_async_copy(prm_hbm, prm_v, sem)]
    for c in range(3):
        cps.append(pltpu.make_async_copy(
            grid_hbm.at[c, bhi, :, blo, :], grid_v.at[pl.ds(c * GB, GB), :], sem))
        cps.append(pltpu.make_async_copy(
            pts_hbm.at[c, bhi, pl.ds(half * PB, PB), blo, :],
            pts_v.at[pl.ds(c * PB, PB), :], sem))
    for cp in cps:
        cp.start()
    for cp in cps:
        cp.wait()

    for t in range(3):
        base = jnp.full((L,), b * 24 + 4 * t, jnp.int32)
        n0 = plsc.load_gather(prm_v, [base])
        n1 = plsc.load_gather(prm_v, [base + 1])
        n2 = plsc.load_gather(prm_v, [base + 2])
        d = plsc.load_gather(prm_v, [base + 3])
        inv = 1.0 / (n0 * n0 + n1 * n1 + n2 * n2)
        cf_v[5 * t, :] = n0
        cf_v[5 * t + 1, :] = n1
        cf_v[5 * t + 2, :] = n2
        cf_v[5 * t + 3, :] = d
        cf_v[5 * t + 4, :] = inv + inv
    for t in range(3):
        base = jnp.full((L,), b * 24 + 12 + 4 * t, jnp.int32)
        w = plsc.load_gather(prm_v, [base])
        x = plsc.load_gather(prm_v, [base + 1])
        y = plsc.load_gather(prm_v, [base + 2])
        z = plsc.load_gather(prm_v, [base + 3])
        rn = _rsqrt(w * w + x * x + y * y + z * z)
        ww, xx, yy, zz = w * w, x * x, y * y, z * z
        xy, xz, yz = x * y, x * z, y * z
        wx, wy, wz = w * x, w * y, w * z
        m = [
            (ww + xx - yy - zz) * rn, 2.0 * (xy - wz) * rn, 2.0 * (xz + wy) * rn,
            2.0 * (xy + wz) * rn, (ww - xx + yy - zz) * rn, 2.0 * (yz - wx) * rn,
            2.0 * (xz - wy) * rn, 2.0 * (yz + wx) * rn, (ww - xx - yy + zz) * rn,
        ]
        for k in range(9):
            cf_v[15 + 9 * t + k, :] = m[k]

    def _tail(sx, sy, sz, acc):
        ix = jnp.clip(sx, 0.0, 32.0).astype(jnp.int32)
        iy = jnp.clip(sy, 0.0, 32.0).astype(jnp.int32)
        iz = jnp.clip(sz, 0.0, 32.0).astype(jnp.int32)
        lin = jnp.minimum(ix * 1024 + iy * 32 + iz, GRID - 1)
        row = lin >> 7
        col = lin & 127
        cx = plsc.load_gather(grid_v, [row, col])
        cy = plsc.load_gather(grid_v, [row + GB, col])
        cz = plsc.load_gather(grid_v, [row + 2 * GB, col])
        dx = sx - cx
        dy = sy - cy
        dz = sz - cz
        ss = dx * dx + dy * dy + dz * dz
        ssc = jnp.maximum(ss, 1e-20)
        bits = lax.bitcast_convert_type(ssc, jnp.int32)
        r = lax.bitcast_convert_type(0x5F3759DF - (bits >> 1), jnp.float32)
        h = 0.5 * ssc
        r = r * (1.5 - h * r * r)
        r = r * (1.5 - h * r * r)
        return acc + ss * r

    def refl_body(j, acc):
        t5 = (j >> 5) * 5
        jr = j & 31
        n0 = cf_v[t5, :]
        n1 = cf_v[t5 + 1, :]
        n2 = cf_v[t5 + 2, :]
        d = cf_v[t5 + 3, :]
        t2 = cf_v[t5 + 4, :]
        for lo in range(0, 128, L):
            x = pts_v[jr, pl.ds(lo, L)]
            y = pts_v[PB + jr, pl.ds(lo, L)]
            z = pts_v[2 * PB + jr, pl.ds(lo, L)]
            s = (n0 * x + n1 * y + n2 * z + d) * t2
            acc = _tail(x - s * n0, y - s * n1, z - s * n2, acc)
        return acc

    def rot_body(j, acc):
        t9 = (j >> 5) * 9
        jr = j & 31
        m = [cf_v[15 + t9 + k, :] for k in range(9)]
        for lo in range(0, 128, L):
            x = pts_v[jr, pl.ds(lo, L)]
            y = pts_v[PB + jr, pl.ds(lo, L)]
            z = pts_v[2 * PB + jr, pl.ds(lo, L)]
            sx = m[0] * x + m[1] * y + m[2] * z
            sy = m[3] * x + m[4] * y + m[5] * z
            sz = m[6] * x + m[7] * y + m[8] * z
            acc = _tail(sx, sy, sz, acc)
        return acc

    acc = jnp.zeros((L,), jnp.float32)
    acc = plsc.parallel_loop(0, 3 * PB, step=1, unroll=1, carry=acc)(refl_body)
    acc = plsc.parallel_loop(0, 3 * PB, step=1, unroll=1, carry=acc)(rot_body)

    out_v[...] = acc
    pltpu.sync_copy(out_v, out_hbm.at[pl.ds(wid * L, L)])


def kernel(output, points, closest):
    grid5 = closest.transpose(2, 0, 1).reshape(3, 2, 8, GB, 128).transpose(0, 1, 3, 2, 4)
    pts5 = points.transpose(2, 0, 1).reshape(3, 2, 8, N // 128, 128).transpose(0, 1, 3, 2, 4)
    prm = output.reshape(-1)

    mesh = plsc.VectorSubcoreMesh(core_axis_name="c", subcore_axis_name="s")
    partials = pl.kernel(
        _sc_body,
        mesh=mesh,
        out_type=jax.ShapeDtypeStruct((NW * L,), jnp.float32),
        scratch_types=[
            pltpu.VMEM((3 * GB, 128), jnp.float32),
            pltpu.VMEM((3 * PB, 128), jnp.float32),
            pltpu.VMEM((B * 24,), jnp.float32),
            pltpu.VMEM((42, L), jnp.float32),
            pltpu.VMEM((L,), jnp.float32),
            pltpu.SemaphoreType.DMA,
        ],
        compiler_params=pltpu.CompilerParams(needs_layout_passes=False),
    )(grid5, pts5, prm)
    return jnp.sum(partials) / B

# --- scband reference (transcript-rebuilt; emitter-appended) ---
"""Pipeline reference for scband-symmetry-distance-loss-72962904425128 (READ-ONLY COPY).

The authoritative reference and input builder live on the scoring server;
editing this copy changes nothing except your own understanding.
"""

import jax, jax.numpy as jnp
import numpy as np

B, N, GRID = 16, 8192, 32768

def setup_inputs(seed: int = 0) -> dict:
    key = jax.random.key(seed)
    k1, k2, k3 = jax.random.split(key, 3)
    output = jax.random.normal(k1, (B, 6, 4), dtype=jnp.float32)
    points = jax.random.normal(k2, (B, N, 3), dtype=jnp.float32)
    closest = jax.random.normal(k3, (B, GRID, 3), dtype=jnp.float32)
    return {"output": output, "points": points, "closest": closest}

def _quat_prod(a, b):
    # a, b: [..., 4]; Qres[0] = a0*b0 - dot(av, bv); Qres[1:] = a0*bv + b0*av + cross(av, bv)
    aw, av = a[..., 0:1], a[..., 1:]
    bw, bv = b[..., 0:1], b[..., 1:]
    w = aw * bw - jnp.sum(av * bv, axis=-1, keepdims=True)
    v = aw * bv + bw * av + jnp.cross(av, bv)
    return jnp.concatenate([w, v], axis=-1)

def _per_batch(out_b, Q, CG):
    # Reflective symmetry for planes 0..2
    planes = out_b[:3]                      # [3, 4]
    nv = planes[:, :3]                      # [3, 3]
    d = planes[:, 3]                        # [3]
    dot_nq = jnp.einsum('ij,kj->ik', nv, Q) # [3, N]
    dis = (dot_nq + d[:, None]) / jnp.sum(nv * nv, axis=1)[:, None]  # [3, N]
    sym_refl = Q[None, :, :] - 2.0 * dis[..., None] * nv[:, None, :]  # [3, N, 3]
    # Rotational symmetry for quaternions 3..5
    quats = out_b[3:6]                      # [3, 4]
    q_hat = jnp.concatenate([jnp.zeros((Q.shape[0], 1), Q.dtype), Q], axis=-1)  # [N, 4]
    tmp = _quat_prod(quats[:, None, :], q_hat[None, :, :])  # [3, N, 4]
    # QuaternionInverse: [q0, -qv] / ||q|| (norm, not norm^2, exactly as original code)
    qinv = jnp.concatenate([quats[:, 0:1], -quats[:, 1:]], axis=-1)
    qinv = qinv / jnp.linalg.norm(quats, axis=-1, keepdims=True)
    sym_rot = _quat_prod(tmp, qinv[:, None, :])[..., 1:]    # [3, N, 3]
    all_sym = jnp.concatenate([sym_refl, sym_rot], axis=0).reshape(-1, 3)  # [6N, 3]
    # totalDis: clamp coords to [0, 32], truncate to int, linear index into 32^3 grid
    clamped = jnp.clip(all_sym, 0.0, 32.0)
    idx = jnp.floor(clamped).astype(jnp.int32)
    lin = idx[:, 0] * (32 * 32) + idx[:, 1] * 32 + idx[:, 2]
    lin = jnp.clip(lin, 0, CG.shape[0] - 1)
    cp = jnp.take(CG, lin, axis=0)          # [6N, 3] gather
    return jnp.sum(jnp.linalg.norm(all_sym - cp, axis=-1))

def reference(output, points, closest):
    per = jax.vmap(_per_batch)(output, points, closest)  # [B]
    return jnp.sum(per) / output.shape[0]

if __name__ == "__main__":
    import jax
    _d = setup_inputs()
    print(jax.jit(kernel)(*tuple(_d.values())))

</pallas_src>

<mosaic_0001>
#map = affine_map<(d0, d1) -> (0, 0, 0, 0, 0)>
#map1 = affine_map<(d0, d1) -> (0)>
module attributes {stable_mosaic.version = 14 : i64} {
  func.func @_sc_body(%arg0: i32, %arg1: i32, %arg2: memref<3x2x256x8x128xf32, #tpu.memory_space<hbm>>, %arg3: memref<3x2x64x8x128xf32, #tpu.memory_space<hbm>>, %arg4: memref<384xf32, #tpu.memory_space<hbm>>, %arg5: memref<512xf32, #tpu.memory_space<hbm>>, %arg6: memref<768x128xf32, #tpu.memory_space<vmem>>, %arg7: memref<96x128xf32, #tpu.memory_space<vmem>>, %arg8: memref<384xf32, #tpu.memory_space<vmem>>, %arg9: memref<42x16xf32, #tpu.memory_space<vmem>>, %arg10: memref<16xf32, #tpu.memory_space<vmem>>, %arg11: memref<!tpu.dma_semaphore, #tpu.memory_space<semaphore_mem>>) attributes {dimension_semantics = [#tpu.dimension_semantics<core_parallel>, #tpu.dimension_semantics<subcore_parallel>], iteration_bounds = array<i64: 2, 16>, scalar_prefetch = 0 : i64, scratch_operands = 6 : i64, tpu.core_type = #tpu.core_type<sc_vector_subcore>, window_params = [{transform_indices = #map}, {transform_indices = #map}, {transform_indices = #map1}, {transform_indices = #map1}]} {
    %mul3A = arith.constant 2 : i32
    %mul3A_0 = arith.muli %arg1, %mul3A : i32
    %add3A = arith.addi %mul3A_0, %arg0 : i32
    %jit3A = arith.constant 2 : i32
    %div3A = arith.divsi %add3A, %jit3A : i32
    %sign3A = arith.constant 0 : i32
    %sign3A_1 = arith.cmpi sgt, %add3A, %sign3A : i32
    %sign3A_2 = arith.extui %sign3A_1 : i1 to i32
    %sign3A_3 = arith.constant 0 : i32
    %sign3A_4 = arith.cmpi slt, %add3A, %sign3A_3 : i32
    %sign3A_5 = arith.extui %sign3A_4 : i1 to i32
    %sign3A_6 = arith.subi %sign3A_2, %sign3A_5 : i32
    %sign3A_7 = arith.constant 0 : i32
    %sign3A_8 = arith.cmpi sgt, %jit3A, %sign3A_7 : i32
    %sign3A_9 = arith.extui %sign3A_8 : i1 to i32
    %sign3A_10 = arith.constant 0 : i32
    %sign3A_11 = arith.cmpi slt, %jit3A, %sign3A_10 : i32
    %sign3A_12 = arith.extui %sign3A_11 : i1 to i32
    %sign3A_13 = arith.subi %sign3A_9, %sign3A_12 : i32
    %ne3A = arith.cmpi ne, %sign3A_6, %sign3A_13 : i32
    %rem3A = arith.remsi %add3A, %jit3A : i32
    %ne3A_14 = arith.constant 0 : i32
    %ne3A_15 = arith.cmpi ne, %rem3A, %ne3A_14 : i32
    %and3A = arith.andi %ne3A, %ne3A_15 : i1
    %sub3A = arith.constant 1 : i32
    %sub3A_16 = arith.subi %div3A, %sub3A : i32
    %select_n3A = arith.select %and3A, %sub3A_16, %div3A : i32
    %jit3A_17 = arith.constant 2 : i32
    %eq3A = arith.constant 0 : i32
    %eq3A_18 = arith.cmpi eq, %jit3A_17, %eq3A : i32
    %jit3A_19 = arith.constant 1 : i32
    %select_n3A_20 = arith.select %eq3A_18, %jit3A_19, %jit3A_17 : i32
    %rem3A_21 = arith.remsi %add3A, %select_n3A_20 : i32
    %ne3A_22 = arith.constant 0 : i32
    %ne3A_23 = arith.cmpi ne, %rem3A_21, %ne3A_22 : i32
    %lt3A = arith.constant 0 : i32
    %lt3A_24 = arith.cmpi slt, %rem3A_21, %lt3A : i32
    %lt3A_25 = arith.constant 0 : i32
    %lt3A_26 = arith.cmpi slt, %select_n3A_20, %lt3A_25 : i32
    %ne3A_27 = arith.xori %lt3A_24, %lt3A_26 : i1
    %and3A_28 = arith.andi %ne3A_27, %ne3A_23 : i1
    %add3A_29 = arith.addi %rem3A_21, %select_n3A_20 : i32
    %select_n3A_30 = arith.select %and3A_28, %add3A_29, %rem3A_21 : i32
    %jit3A_31 = arith.constant 8 : i32
    %div3A_32 = arith.divsi %select_n3A, %jit3A_31 : i32
    %sign3A_33 = arith.constant 0 : i32
    %sign3A_34 = arith.cmpi sgt, %select_n3A, %sign3A_33 : i32
    %sign3A_35 = arith.extui %sign3A_34 : i1 to i32
    %sign3A_36 = arith.constant 0 : i32
    %sign3A_37 = arith.cmpi slt, %select_n3A, %sign3A_36 : i32
    %sign3A_38 = arith.extui %sign3A_37 : i1 to i32
    %sign3A_39 = arith.subi %sign3A_35, %sign3A_38 : i32
    %sign3A_40 = arith.constant 0 : i32
    %sign3A_41 = arith.cmpi sgt, %jit3A_31, %sign3A_40 : i32
    %sign3A_42 = arith.extui %sign3A_41 : i1 to i32
    %sign3A_43 = arith.constant 0 : i32
    %sign3A_44 = arith.cmpi slt, %jit3A_31, %sign3A_43 : i32
    %sign3A_45 = arith.extui %sign3A_44 : i1 to i32
    %sign3A_46 = arith.subi %sign3A_42, %sign3A_45 : i32
    %ne3A_47 = arith.cmpi ne, %sign3A_39, %sign3A_46 : i32
    %rem3A_48 = arith.remsi %select_n3A, %jit3A_31 : i32
    %ne3A_49 = arith.constant 0 : i32
    %ne3A_50 = arith.cmpi ne, %rem3A_48, %ne3A_49 : i32
    %and3A_51 = arith.andi %ne3A_47, %ne3A_50 : i1
    %sub3A_52 = arith.constant 1 : i32
    %sub3A_53 = arith.subi %div3A_32, %sub3A_52 : i32
    %select_n3A_54 = arith.select %and3A_51, %sub3A_53, %div3A_32 : i32
    %jit3A_55 = arith.constant 8 : i32
    %eq3A_56 = arith.constant 0 : i32
    %eq3A_57 = arith.cmpi eq, %jit3A_55, %eq3A_56 : i32
    %jit3A_58 = arith.constant 1 : i32
    %select_n3A_59 = arith.select %eq3A_57, %jit3A_58, %jit3A_55 : i32
    %rem3A_60 = arith.remsi %select_n3A, %select_n3A_59 : i32
    %ne3A_61 = arith.constant 0 : i32
    %ne3A_62 = arith.cmpi ne, %rem3A_60, %ne3A_61 : i32
    %lt3A_63 = arith.constant 0 : i32
    %lt3A_64 = arith.cmpi slt, %rem3A_60, %lt3A_63 : i32
    %lt3A_65 = arith.constant 0 : i32
    %lt3A_66 = arith.cmpi slt, %select_n3A_59, %lt3A_65 : i32
    %ne3A_67 = arith.xori %lt3A_64, %lt3A_66 : i1
    %and3A_68 = arith.andi %ne3A_67, %ne3A_62 : i1
    %add3A_69 = arith.addi %rem3A_60, %select_n3A_59 : i32
    %select_n3A_70 = arith.select %and3A_68, %add3A_69, %rem3A_60 : i32
    %mul3A_71 = arith.constant 32 : i32
    %mul3A_72 = arith.muli %select_n3A_30, %mul3A_71 : i32
    %mul3A_73 = arith.constant 32 : i32
    %mul3A_74 = arith.muli %select_n3A_30, %mul3A_73 : i32
    %mul3A_75 = arith.constant 32 : i32
    %mul3A_76 = arith.muli %select_n3A_30, %mul3A_75 : i32
    tpu.enqueue_dma source(%arg4 : memref<384xf32, #tpu.memory_space<hbm>>) target(%arg8 : memref<384xf32, #tpu.memory_space<vmem>>) target_semaphore(%arg11 : memref<!tpu.dma_semaphore, #tpu.memory_space<semaphore_mem>>)
    %dma_start3A = arith.constant 0 : i32
    %dma_start3A_77 = arith.constant 0 : i32
    %dma_start3A_78 = arith.constant 0 : i32
    %dma_start3A_79 = tpu.memref_slice %arg6[%dma_start3A_77, %dma_start3A_78] : memref<768x128xf32, #tpu.memory_space<vmem>> -> memref<256x128xf32, #tpu.memory_space<vmem>>
    %dma_start3A_80 = arith.constant 0 : i32
    %dma_start3A_81 = arith.constant 0 : i32
    %dma_start3A_82 = tpu.memref_slice %arg2[%dma_start3A, %select_n3A_54, %dma_start3A_80, %select_n3A_70, %dma_start3A_81] : memref<3x2x256x8x128xf32, #tpu.memory_space<hbm>> -> memref<1x1x256x1x128xf32, #tpu.memory_space<hbm>>
    %dma_start3A_83 = tpu.memref_squeeze %dma_start3A_82 : memref<1x1x256x1x128xf32, #tpu.memory_space<hbm>> -> memref<256x128xf32, #tpu.memory_space<hbm>>
    %dma_start3A_84 = arith.constant 0 : i32
    %dma_start3A_85 = arith.constant 0 : i32
    %dma_start3A_86 = tpu.memref_slice %arg6[%dma_start3A_84, %dma_start3A_85] : memref<768x128xf32, #tpu.memory_space<vmem>> -> memref<256x128xf32, #tpu.memory_space<vmem>>
    %dma_start3A_87 = arith.constant 0 : i32
    %dma_start3A_88 = arith.constant 0 : i32
    %dma_start3A_89 = tpu.memref_slice %arg2[%dma_start3A, %select_n3A_54, %dma_start3A_87, %select_n3A_70, %dma_start3A_88] : memref<3x2x256x8x128xf32, #tpu.memory_space<hbm>> -> memref<1x1x256x1x128xf32, #tpu.memory_space<hbm>>
    %dma_start3A_90 = tpu.memref_squeeze %dma_start3A_89 : memref<1x1x256x1x128xf32, #tpu.memory_space<hbm>> -> memref<256x128xf32, #tpu.memory_space<hbm>>
    tpu.enqueue_dma source(%dma_start3A_90 : memref<256x128xf32, #tpu.memory_space<hbm>>) target(%dma_start3A_86 : memref<256x128xf32, #tpu.memory_space<vmem>>) target_semaphore(%arg11 : memref<!tpu.dma_semaphore, #tpu.memory_space<semaphore_mem>>)
    %dma_start3A_91 = arith.constant 0 : i32
    %dma_start3A_92 = arith.constant 0 : i32
    %dma_start3A_93 = arith.constant 0 : i32
    %dma_start3A_94 = tpu.memref_slice %arg7[%dma_start3A_92, %dma_start3A_93] : memref<96x128xf32, #tpu.memory_space<vmem>> -> memref<32x128xf32, #tpu.memory_space<vmem>>
    %dma_start3A_95 = arith.constant 0 : i32
    %dma_start3A_96 = tpu.memref_slice %arg3[%dma_start3A_91, %select_n3A_54, %mul3A_72, %select_n3A_70, %dma_start3A_95] : memref<3x2x64x8x128xf32, #tpu.memory_space<hbm>> -> memref<1x1x32x1x128xf32, #tpu.memory_space<hbm>>
    %dma_start3A_97 = tpu.memref_squeeze %dma_start3A_96 : memref<1x1x32x1x128xf32, #tpu.memory_space<hbm>> -> memref<32x128xf32, #tpu.memory_space<hbm>>
    %dma_start3A_98 = arith.constant 0 : i32
    %dma_start3A_99 = arith.constant 0 : i32
    %dma_start3A_100 = tpu.memref_slice %arg7[%dma_start3A_98, %dma_start3A_99] : memref<96x128xf32, #tpu.memory_space<vmem>> -> memref<32x128xf32, #tpu.memory_space<vmem>>
    %dma_start3A_101 = arith.constant 0 : i32
    %dma_start3A_102 = tpu.memref_slice %arg3[%dma_start3A_91, %select_n3A_54, %mul3A_72, %select_n3A_70, %dma_start3A_101] : memref<3x2x64x8x128xf32, #tpu.memory_space<hbm>> -> memref<1x1x32x1x128xf32, #tpu.memory_space<hbm>>
    %dma_start3A_103 = tpu.memref_squeeze %dma_start3A_102 : memref<1x1x32x1x128xf32, #tpu.memory_space<hbm>> -> memref<32x128xf32, #tpu.memory_space<hbm>>
    tpu.enqueue_dma source(%dma_start3A_103 : memref<32x128xf32, #tpu.memory_space<hbm>>) target(%dma_start3A_100 : memref<32x128xf32, #tpu.memory_space<vmem>>) target_semaphore(%arg11 : memref<!tpu.dma_semaphore, #tpu.memory_space<semaphore_mem>>)
    %dma_start3A_104 = arith.constant 1 : i32
    %dma_start3A_105 = arith.constant 256 : i32
    %dma_start3A_106 = arith.constant 0 : i32
    %dma_start3A_107 = tpu.memref_slice %arg6[%dma_start3A_105, %dma_start3A_106] : memref<768x128xf32, #tpu.memory_space<vmem>> -> memref<256x128xf32, #tpu.memory_space<vmem>>
    %dma_start3A_108 = arith.constant 0 : i32
    %dma_start3A_109 = arith.constant 0 : i32
    %dma_start3A_110 = tpu.memref_slice %arg2[%dma_start3A_104, %select_n3A_54, %dma_start3A_108, %select_n3A_70, %dma_start3A_109] : memref<3x2x256x8x128xf32, #tpu.memory_space<hbm>> -> memref<1x1x256x1x128xf32, #tpu.memory_space<hbm>>
    %dma_start3A_111 = tpu.memref_squeeze %dma_start3A_110 : memref<1x1x256x1x128xf32, #tpu.memory_space<hbm>> -> memref<256x128xf32, #tpu.memory_space<hbm>>
    %dma_start3A_112 = arith.constant 256 : i32
    %dma_start3A_113 = arith.constant 0 : i32
    %dma_start3A_114 = tpu.memref_slice %arg6[%dma_start3A_112, %dma_start3A_113] : memref<768x128xf32, #tpu.memory_space<vmem>> -> memref<256x128xf32, #tpu.memory_space<vmem>>
    %dma_start3A_115 = arith.constant 0 : i32
    %dma_start3A_116 = arith.constant 0 : i32
    %dma_start3A_117 = tpu.memref_slice %arg2[%dma_start3A_104, %select_n3A_54, %dma_start3A_115, %select_n3A_70, %dma_start3A_116] : memref<3x2x256x8x128xf32, #tpu.memory_space<hbm>> -> memref<1x1x256x1x128xf32, #tpu.memory_space<hbm>>
    %dma_start3A_118 = tpu.memref_squeeze %dma_start3A_117 : memref<1x1x256x1x128xf32, #tpu.memory_space<hbm>> -> memref<256x128xf32, #tpu.memory_space<hbm>>
    tpu.enqueue_dma source(%dma_start3A_118 : memref<256x128xf32, #tpu.memory_space<hbm>>) target(%dma_start3A_114 : memref<256x128xf32, #tpu.memory_space<vmem>>) target_semaphore(%arg11 : memref<!tpu.dma_semaphore, #tpu.memory_space<semaphore_mem>>)
    %dma_start3A_119 = arith.constant 1 : i32
    %dma_start3A_120 = arith.constant 32 : i32
    %dma_start3A_121 = arith.constant 0 : i32
    %dma_start3A_122 = tpu.memref_slice %arg7[%dma_start3A_120, %dma_start3A_121] : memref<96x128xf32, #tpu.memory_space<vmem>> -> memref<32x128xf32, #tpu.memory_space<vmem>>
    %dma_start3A_123 = arith.constant 0 : i32
    %dma_start3A_124 = tpu.memref_slice %arg3[%dma_start3A_119, %select_n3A_54, %mul3A_74, %select_n3A_70, %dma_start3A_123] : memref<3x2x64x8x128xf32, #tpu.memory_space<hbm>> -> memref<1x1x32x1x128xf32, #tpu.memory_space<hbm>>
    %dma_start3A_125 = tpu.memref_squeeze %dma_start3A_124 : memref<1x1x32x1x128xf32, #tpu.memory_space<hbm>> -> memref<32x128xf32, #tpu.memory_space<hbm>>
    %dma_start3A_126 = arith.constant 32 : i32
    %dma_start3A_127 = arith.constant 0 : i32
    %dma_start3A_128 = tpu.memref_slice %arg7[%dma_start3A_126, %dma_start3A_127] : memref<96x128xf32, #tpu.memory_space<vmem>> -> memref<32x128xf32, #tpu.memory_space<vmem>>
    %dma_start3A_129 = arith.constant 0 : i32
    %dma_start3A_130 = tpu.memref_slice %arg3[%dma_start3A_119, %select_n3A_54, %mul3A_74, %select_n3A_70, %dma_start3A_129] : memref<3x2x64x8x128xf32, #tpu.memory_space<hbm>> -> memref<1x1x32x1x128xf32, #tpu.memory_space<hbm>>
    %dma_start3A_131 = tpu.memref_squeeze %dma_start3A_130 : memref<1x1x32x1x128xf32, #tpu.memory_space<hbm>> -> memref<32x128xf32, #tpu.memory_space<hbm>>
    tpu.enqueue_dma source(%dma_start3A_131 : memref<32x128xf32, #tpu.memory_space<hbm>>) target(%dma_start3A_128 : memref<32x128xf32, #tpu.memory_space<vmem>>) target_semaphore(%arg11 : memref<!tpu.dma_semaphore, #tpu.memory_space<semaphore_mem>>)
    %dma_start3A_132 = arith.constant 2 : i32
    %dma_start3A_133 = arith.constant 512 : i32
    %dma_start3A_134 = arith.constant 0 : i32
    %dma_start3A_135 = tpu.memref_slice %arg6[%dma_start3A_133, %dma_start3A_134] : memref<768x128xf32, #tpu.memory_space<vmem>> -> memref<256x128xf32, #tpu.memory_space<vmem>>
    %dma_start3A_136 = arith.constant 0 : i32
    %dma_start3A_137 = arith.constant 0 : i32
    %dma_start3A_138 = tpu.memref_slice %arg2[%dma_start3A_132, %select_n3A_54, %dma_start3A_136, %select_n3A_70, %dma_start3A_137] : memref<3x2x256x8x128xf32, #tpu.memory_space<hbm>> -> memref<1x1x256x1x128xf32, #tpu.memory_space<hbm>>
    %dma_start3A_139 = tpu.memref_squeeze %dma_start3A_138 : memref<1x1x256x1x128xf32, #tpu.memory_space<hbm>> -> memref<256x128xf32, #tpu.memory_space<hbm>>
    %dma_start3A_140 = arith.constant 512 : i32
    %dma_start3A_141 = arith.constant 0 : i32
    %dma_start3A_142 = tpu.memref_slice %arg6[%dma_start3A_140, %dma_start3A_141] : memref<768x128xf32, #tpu.memory_space<vmem>> -> memref<256x128xf32, #tpu.memory_space<vmem>>
    %dma_start3A_143 = arith.constant 0 : i32
    %dma_start3A_144 = arith.constant 0 : i32
    %dma_start3A_145 = tpu.memref_slice %arg2[%dma_start3A_132, %select_n3A_54, %dma_start3A_143, %select_n3A_70, %dma_start3A_144] : memref<3x2x256x8x128xf32, #tpu.memory_space<hbm>> -> memref<1x1x256x1x128xf32, #tpu.memory_space<hbm>>
    %dma_start3A_146 = tpu.memref_squeeze %dma_start3A_145 : memref<1x1x256x1x128xf32, #tpu.memory_space<hbm>> -> memref<256x128xf32, #tpu.memory_space<hbm>>
    tpu.enqueue_dma source(%dma_start3A_146 : memref<256x128xf32, #tpu.memory_space<hbm>>) target(%dma_start3A_142 : memref<256x128xf32, #tpu.memory_space<vmem>>) target_semaphore(%arg11 : memref<!tpu.dma_semaphore, #tpu.memory_space<semaphore_mem>>)
    %dma_start3A_147 = arith.constant 2 : i32
    %dma_start3A_148 = arith.constant 64 : i32
    %dma_start3A_149 = arith.constant 0 : i32
    %dma_start3A_150 = tpu.memref_slice %arg7[%dma_start3A_148, %dma_start3A_149] : memref<96x128xf32, #tpu.memory_space<vmem>> -> memref<32x128xf32, #tpu.memory_space<vmem>>
    %dma_start3A_151 = arith.constant 0 : i32
    %dma_start3A_152 = tpu.memref_slice %arg3[%dma_start3A_147, %select_n3A_54, %mul3A_76, %select_n3A_70, %dma_start3A_151] : memref<3x2x64x8x128xf32, #tpu.memory_space<hbm>> -> memref<1x1x32x1x128xf32, #tpu.memory_space<hbm>>
    %dma_start3A_153 = tpu.memref_squeeze %dma_start3A_152 : memref<1x1x32x1x128xf32, #tpu.memory_space<hbm>> -> memref<32x128xf32, #tpu.memory_space<hbm>>
    %dma_start3A_154 = arith.constant 64 : i32
    %dma_start3A_155 = arith.constant 0 : i32
    %dma_start3A_156 = tpu.memref_slice %arg7[%dma_start3A_154, %dma_start3A_155] : memref<96x128xf32, #tpu.memory_space<vmem>> -> memref<32x128xf32, #tpu.memory_space<vmem>>
    %dma_start3A_157 = arith.constant 0 : i32
    %dma_start3A_158 = tpu.memref_slice %arg3[%dma_start3A_147, %select_n3A_54, %mul3A_76, %select_n3A_70, %dma_start3A_157] : memref<3x2x64x8x128xf32, #tpu.memory_space<hbm>> -> memref<1x1x32x1x128xf32, #tpu.memory_space<hbm>>
    %dma_start3A_159 = tpu.memref_squeeze %dma_start3A_158 : memref<1x1x32x1x128xf32, #tpu.memory_space<hbm>> -> memref<32x128xf32, #tpu.memory_space<hbm>>
    tpu.enqueue_dma source(%dma_start3A_159 : memref<32x128xf32, #tpu.memory_space<hbm>>) target(%dma_start3A_156 : memref<32x128xf32, #tpu.memory_space<vmem>>) target_semaphore(%arg11 : memref<!tpu.dma_semaphore, #tpu.memory_space<semaphore_mem>>)
    tpu.wait_dma2 semaphore(%arg11 : memref<!tpu.dma_semaphore, #tpu.memory_space<semaphore_mem>>) src(%arg4 : memref<384xf32, #tpu.memory_space<hbm>>) dst(%arg8 : memref<384xf32, #tpu.memory_space<vmem>>)
    %dma_wait3A = arith.constant 0 : i32
    %dma_wait3A_160 = arith.constant 0 : i32
    %dma_wait3A_161 = arith.constant 0 : i32
    %dma_wait3A_162 = tpu.memref_slice %arg6[%dma_wait3A_160, %dma_wait3A_161] : memref<768x128xf32, #tpu.memory_space<vmem>> -> memref<256x128xf32, #tpu.memory_space<vmem>>
    %dma_wait3A_163 = arith.constant 0 : i32
    %dma_wait3A_164 = arith.constant 0 : i32
    %dma_wait3A_165 = tpu.memref_slice %arg2[%dma_wait3A, %select_n3A_54, %dma_wait3A_163, %select_n3A_70, %dma_wait3A_164] : memref<3x2x256x8x128xf32, #tpu.memory_space<hbm>> -> memref<1x1x256x1x128xf32, #tpu.memory_space<hbm>>
    %dma_wait3A_166 = tpu.memref_squeeze %dma_wait3A_165 : memref<1x1x256x1x128xf32, #tpu.memory_space<hbm>> -> memref<256x128xf32, #tpu.memory_space<hbm>>
    %dma_wait3A_167 = arith.constant 0 : i32
    %dma_wait3A_168 = arith.constant 0 : i32
    %dma_wait3A_169 = tpu.memref_slice %arg6[%dma_wait3A_167, %dma_wait3A_168] : memref<768x128xf32, #tpu.memory_space<vmem>> -> memref<256x128xf32, #tpu.memory_space<vmem>>
    %dma_wait3A_170 = arith.constant 0 : i32
    %dma_wait3A_171 = arith.constant 0 : i32
    %dma_wait3A_172 = tpu.memref_slice %arg2[%dma_wait3A, %select_n3A_54, %dma_wait3A_170, %select_n3A_70, %dma_wait3A_171] : memref<3x2x256x8x128xf32, #tpu.memory_space<hbm>> -> memref<1x1x256x1x128xf32, #tpu.memory_space<hbm>>
    %dma_wait3A_173 = tpu.memref_squeeze %dma_wait3A_172 : memref<1x1x256x1x128xf32, #tpu.memory_space<hbm>> -> memref<256x128xf32, #tpu.memory_space<hbm>>
    tpu.wait_dma2 semaphore(%arg11 : memref<!tpu.dma_semaphore, #tpu.memory_space<semaphore_mem>>) src(%dma_wait3A_173 : memref<256x128xf32, #tpu.memory_space<hbm>>) dst(%dma_wait3A_169 : memref<256x128xf32, #tpu.memory_space<vmem>>)
    %dma_wait3A_174 = arith.constant 0 : i32
    %dma_wait3A_175 = arith.constant 0 : i32
    %dma_wait3A_176 = arith.constant 0 : i32
    %dma_wait3A_177 = tpu.memref_slice %arg7[%dma_wait3A_175, %dma_wait3A_176] : memref<96x128xf32, #tpu.memory_space<vmem>> -> memref<32x128xf32, #tpu.memory_space<vmem>>
    %dma_wait3A_178 = arith.constant 0 : i32
    %dma_wait3A_179 = tpu.memref_slice %arg3[%dma_wait3A_174, %select_n3A_54, %mul3A_72, %select_n3A_70, %dma_wait3A_178] : memref<3x2x64x8x128xf32, #tpu.memory_space<hbm>> -> memref<1x1x32x1x128xf32, #tpu.memory_space<hbm>>
    %dma_wait3A_180 = tpu.memref_squeeze %dma_wait3A_179 : memref<1x1x32x1x128xf32, #tpu.memory_space<hbm>> -> memref<32x128xf32, #tpu.memory_space<hbm>>
    %dma_wait3A_181 = arith.constant 0 : i32
    %dma_wait3A_182 = arith.constant 0 : i32
    %dma_wait3A_183 = tpu.memref_slice %arg7[%dma_wait3A_181, %dma_wait3A_182] : memref<96x128xf32, #tpu.memory_space<vmem>> -> memref<32x128xf32, #tpu.memory_space<vmem>>
    %dma_wait3A_184 = arith.constant 0 : i32
    %dma_wait3A_185 = tpu.memref_slice %arg3[%dma_wait3A_174, %select_n3A_54, %mul3A_72, %select_n3A_70, %dma_wait3A_184] : memref<3x2x64x8x128xf32, #tpu.memory_space<hbm>> -> memref<1x1x32x1x128xf32, #tpu.memory_space<hbm>>
    %dma_wait3A_186 = tpu.memref_squeeze %dma_wait3A_185 : memref<1x1x32x1x128xf32, #tpu.memory_space<hbm>> -> memref<32x128xf32, #tpu.memory_space<hbm>>
    tpu.wait_dma2 semaphore(%arg11 : memref<!tpu.dma_semaphore, #tpu.memory_space<semaphore_mem>>) src(%dma_wait3A_186 : memref<32x128xf32, #tpu.memory_space<hbm>>) dst(%dma_wait3A_183 : memref<32x128xf32, #tpu.memory_space<vmem>>)
    %dma_wait3A_187 = arith.constant 1 : i32
    %dma_wait3A_188 = arith.constant 256 : i32
    %dma_wait3A_189 = arith.constant 0 : i32
    %dma_wait3A_190 = tpu.memref_slice %arg6[%dma_wait3A_188, %dma_wait3A_189] : memref<768x128xf32, #tpu.memory_space<vmem>> -> memref<256x128xf32, #tpu.memory_space<vmem>>
    %dma_wait3A_191 = arith.constant 0 : i32
    %dma_wait3A_192 = arith.constant 0 : i32
    %dma_wait3A_193 = tpu.memref_slice %arg2[%dma_wait3A_187, %select_n3A_54, %dma_wait3A_191, %select_n3A_70, %dma_wait3A_192] : memref<3x2x256x8x128xf32, #tpu.memory_space<hbm>> -> memref<1x1x256x1x128xf32, #tpu.memory_space<hbm>>
    %dma_wait3A_194 = tpu.memref_squeeze %dma_wait3A_193 : memref<1x1x256x1x128xf32, #tpu.memory_space<hbm>> -> memref<256x128xf32, #tpu.memory_space<hbm>>
    %dma_wait3A_195 = arith.constant 256 : i32
    %dma_wait3A_196 = arith.constant 0 : i32
    %dma_wait3A_197 = tpu.memref_slice %arg6[%dma_wait3A_195, %dma_wait3A_196] : memref<768x128xf32, #tpu.memory_space<vmem>> -> memref<256x128xf32, #tpu.memory_space<vmem>>
    %dma_wait3A_198 = arith.constant 0 : i32
    %dma_wait3A_199 = arith.constant 0 : i32
    %dma_wait3A_200 = tpu.memref_slice %arg2[%dma_wait3A_187, %select_n3A_54, %dma_wait3A_198, %select_n3A_70, %dma_wait3A_199] : memref<3x2x256x8x128xf32, #tpu.memory_space<hbm>> -> memref<1x1x256x1x128xf32, #tpu.memory_space<hbm>>
    %dma_wait3A_201 = tpu.memref_squeeze %dma_wait3A_200 : memref<1x1x256x1x128xf32, #tpu.memory_space<hbm>> -> memref<256x128xf32, #tpu.memory_space<hbm>>
    tpu.wait_dma2 semaphore(%arg11 : memref<!tpu.dma_semaphore, #tpu.memory_space<semaphore_mem>>) src(%dma_wait3A_201 : memref<256x128xf32, #tpu.memory_space<hbm>>) dst(%dma_wait3A_197 : memref<256x128xf32, #tpu.memory_space<vmem>>)
    %dma_wait3A_202 = arith.constant 1 : i32
    %dma_wait3A_203 = arith.constant 32 : i32
    %dma_wait3A_204 = arith.constant 0 : i32
    %dma_wait3A_205 = tpu.memref_slice %arg7[%dma_wait3A_203, %dma_wait3A_204] : memref<96x128xf32, #tpu.memory_space<vmem>> -> memref<32x128xf32, #tpu.memory_space<vmem>>
    %dma_wait3A_206 = arith.constant 0 : i32
    %dma_wait3A_207 = tpu.memref_slice %arg3[%dma_wait3A_202, %select_n3A_54, %mul3A_74, %select_n3A_70, %dma_wait3A_206] : memref<3x2x64x8x128xf32, #tpu.memory_space<hbm>> -> memref<1x1x32x1x128xf32, #tpu.memory_space<hbm>>
    %dma_wait3A_208 = tpu.memref_squeeze %dma_wait3A_207 : memref<1x1x32x1x128xf32, #tpu.memory_space<hbm>> -> memref<32x128xf32, #tpu.memory_space<hbm>>
    %dma_wait3A_209 = arith.constant 32 : i32
    %dma_wait3A_210 = arith.constant 0 : i32
    %dma_wait3A_211 = tpu.memref_slice %arg7[%dma_wait3A_209, %dma_wait3A_210] : memref<96x128xf32, #tpu.memory_space<vmem>> -> memref<32x128xf32, #tpu.memory_space<vmem>>
    %dma_wait3A_212 = arith.constant 0 : i32
    %dma_wait3A_213 = tpu.memref_slice %arg3[%dma_wait3A_202, %select_n3A_54, %mul3A_74, %select_n3A_70, %dma_wait3A_212] : memref<3x2x64x8x128xf32, #tpu.memory_space<hbm>> -> memref<1x1x32x1x128xf32, #tpu.memory_space<hbm>>
    %dma_wait3A_214 = tpu.memref_squeeze %dma_wait3A_213 : memref<1x1x32x1x128xf32, #tpu.memory_space<hbm>> -> memref<32x128xf32, #tpu.memory_space<hbm>>
    tpu.wait_dma2 semaphore(%arg11 : memref<!tpu.dma_semaphore, #tpu.memory_space<semaphore_mem>>) src(%dma_wait3A_214 : memref<32x128xf32, #tpu.memory_space<hbm>>) dst(%dma_wait3A_211 : memref<32x128xf32, #tpu.memory_space<vmem>>)
    %dma_wait3A_215 = arith.constant 2 : i32
    %dma_wait3A_216 = arith.constant 512 : i32
    %dma_wait3A_217 = arith.constant 0 : i32
    %dma_wait3A_218 = tpu.memref_slice %arg6[%dma_wait3A_216, %dma_wait3A_217] : memref<768x128xf32, #tpu.memory_space<vmem>> -> memref<256x128xf32, #tpu.memory_space<vmem>>
    %dma_wait3A_219 = arith.constant 0 : i32
    %dma_wait3A_220 = arith.constant 0 : i32
    %dma_wait3A_221 = tpu.memref_slice %arg2[%dma_wait3A_215, %select_n3A_54, %dma_wait3A_219, %select_n3A_70, %dma_wait3A_220] : memref<3x2x256x8x128xf32, #tpu.memory_space<hbm>> -> memref<1x1x256x1x128xf32, #tpu.memory_space<hbm>>
    %dma_wait3A_222 = tpu.memref_squeeze %dma_wait3A_221 : memref<1x1x256x1x128xf32, #tpu.memory_space<hbm>> -> memref<256x128xf32, #tpu.memory_space<hbm>>
    %dma_wait3A_223 = arith.constant 512 : i32
    %dma_wait3A_224 = arith.constant 0 : i32
    %dma_wait3A_225 = tpu.memref_slice %arg6[%dma_wait3A_223, %dma_wait3A_224] : memref<768x128xf32, #tpu.memory_space<vmem>> -> memref<256x128xf32, #tpu.memory_space<vmem>>
    %dma_wait3A_226 = arith.constant 0 : i32
    %dma_wait3A_227 = arith.constant 0 : i32
    %dma_wait3A_228 = tpu.memref_slice %arg2[%dma_wait3A_215, %select_n3A_54, %dma_wait3A_226, %select_n3A_70, %dma_wait3A_227] : memref<3x2x256x8x128xf32, #tpu.memory_space<hbm>> -> memref<1x1x256x1x128xf32, #tpu.memory_space<hbm>>
    %dma_wait3A_229 = tpu.memref_squeeze %dma_wait3A_228 : memref<1x1x256x1x128xf32, #tpu.memory_space<hbm>> -> memref<256x128xf32, #tpu.memory_space<hbm>>
    tpu.wait_dma2 semaphore(%arg11 : memref<!tpu.dma_semaphore, #tpu.memory_space<semaphore_mem>>) src(%dma_wait3A_229 : memref<256x128xf32, #tpu.memory_space<hbm>>) dst(%dma_wait3A_225 : memref<256x128xf32, #tpu.memory_space<vmem>>)
    %dma_wait3A_230 = arith.constant 2 : i32
    %dma_wait3A_231 = arith.constant 64 : i32
    %dma_wait3A_232 = arith.constant 0 : i32
    %dma_wait3A_233 = tpu.memref_slice %arg7[%dma_wait3A_231, %dma_wait3A_232] : memref<96x128xf32, #tpu.memory_space<vmem>> -> memref<32x128xf32, #tpu.memory_space<vmem>>
    %dma_wait3A_234 = arith.constant 0 : i32
    %dma_wait3A_235 = tpu.memref_slice %arg3[%dma_wait3A_230, %select_n3A_54, %mul3A_76, %select_n3A_70, %dma_wait3A_234] : memref<3x2x64x8x128xf32, #tpu.memory_space<hbm>> -> memref<1x1x32x1x128xf32, #tpu.memory_space<hbm>>
    %dma_wait3A_236 = tpu.memref_squeeze %dma_wait3A_235 : memref<1x1x32x1x128xf32, #tpu.memory_space<hbm>> -> memref<32x128xf32, #tpu.memory_space<hbm>>
    %dma_wait3A_237 = arith.constant 64 : i32
    %dma_wait3A_238 = arith.constant 0 : i32
    %dma_wait3A_239 = tpu.memref_slice %arg7[%dma_wait3A_237, %dma_wait3A_238] : memref<96x128xf32, #tpu.memory_space<vmem>> -> memref<32x128xf32, #tpu.memory_space<vmem>>
    %dma_wait3A_240 = arith.constant 0 : i32
    %dma_wait3A_241 = tpu.memref_slice %arg3[%dma_wait3A_230, %select_n3A_54, %mul3A_76, %select_n3A_70, %dma_wait3A_240] : memref<3x2x64x8x128xf32, #tpu.memory_space<hbm>> -> memref<1x1x32x1x128xf32, #tpu.memory_space<hbm>>
    %dma_wait3A_242 = tpu.memref_squeeze %dma_wait3A_241 : memref<1x1x32x1x128xf32, #tpu.memory_space<hbm>> -> memref<32x128xf32, #tpu.memory_space<hbm>>
    tpu.wait_dma2 semaphore(%arg11 : memref<!tpu.dma_semaphore, #tpu.memory_space<semaphore_mem>>) src(%dma_wait3A_242 : memref<32x128xf32, #tpu.memory_space<hbm>>) dst(%dma_wait3A_239 : memref<32x128xf32, #tpu.memory_space<vmem>>)
    %mul3A_243 = arith.constant 24 : i32
    %mul3A_244 = arith.muli %select_n3A, %mul3A_243 : i32
    %add3A_245 = arith.constant 0 : i32
    %add3A_246 = arith.addi %mul3A_244, %add3A_245 : i32
    %broadcast_in_dim3A = vector.broadcast %add3A_246 : i32 to vector<16xi32>
    %gather3A = tpu.vector_load_idx %arg8[%broadcast_in_dim3A] : memref<384xf32, #tpu.memory_space<vmem>>[vector<16xi32>], vector<16xf32>,
    %add3A_247 = arith.constant 1 : i32
    %add3A_248 = vector.broadcast %add3A_247 : i32 to vector<16xi32>
    %add3A_249 = arith.addi %broadcast_in_dim3A, %add3A_248 : vector<16xi32>
    %gather3A_250 = tpu.vector_load_idx %arg8[%add3A_249] : memref<384xf32, #tpu.memory_space<vmem>>[vector<16xi32>], vector<16xf32>,
    %add3A_251 = arith.constant 2 : i32
    %add3A_252 = vector.broadcast %add3A_251 : i32 to vector<16xi32>
    %add3A_253 = arith.addi %broadcast_in_dim3A, %add3A_252 : vector<16xi32>
    %gather3A_254 = tpu.vector_load_idx %arg8[%add3A_253] : memref<384xf32, #tpu.memory_space<vmem>>[vector<16xi32>], vector<16xf32>,
    %add3A_255 = arith.constant 3 : i32
    %add3A_256 = vector.broadcast %add3A_255 : i32 to vector<16xi32>
    %add3A_257 = arith.addi %broadcast_in_dim3A, %add3A_256 : vector<16xi32>
    %gather3A_258 = tpu.vector_load_idx %arg8[%add3A_257] : memref<384xf32, #tpu.memory_space<vmem>>[vector<16xi32>], vector<16xf32>,
    %mul3A_259 = arith.mulf %gather3A, %gather3A : vector<16xf32>
    %mul3A_260 = arith.mulf %gather3A_250, %gather3A_250 : vector<16xf32>
    %add3A_261 = arith.addf %mul3A_259, %mul3A_260 : vector<16xf32>
    %mul3A_262 = arith.mulf %gather3A_254, %gather3A_254 : vector<16xf32>
    %add3A_263 = arith.addf %add3A_261, %mul3A_262 : vector<16xf32>
    %div3A_264 = arith.constant 1.000000e+00 : f32
    %div3A_265 = vector.broadcast %div3A_264 : f32 to vector<16xf32>
    %div3A_266 = arith.divf %div3A_265, %add3A_263 : vector<16xf32>
    %swap3A = arith.constant 0 : i32
    %swap3A_267 = arith.index_cast %swap3A : i32 to index
    %swap3A_268 = arith.constant 0 : index
    %swap3A_269 = tpu.vector_load %arg9[%swap3A_267, %swap3A_268] {strides = array<i32>} : memref<42x16xf32, #tpu.memory_space<vmem>>, vector<16xf32>,
    tpu.vector_store %arg9[%swap3A_267, %swap3A_268], %gather3A {strides = array<i32>} : memref<42x16xf32, #tpu.memory_space<vmem>>, vector<16xf32>,
    %swap3A_270 = arith.constant 1 : i32
    %swap3A_271 = arith.index_cast %swap3A_270 : i32 to index
    %swap3A_272 = arith.constant 0 : index
    %swap3A_273 = tpu.vector_load %arg9[%swap3A_271, %swap3A_272] {strides = array<i32>} : memref<42x16xf32, #tpu.memory_space<vmem>>, vector<16xf32>,
    tpu.vector_store %arg9[%swap3A_271, %swap3A_272], %gather3A_250 {strides = array<i32>} : memref<42x16xf32, #tpu.memory_space<vmem>>, vector<16xf32>,
    %swap3A_274 = arith.constant 2 : i32
    %swap3A_275 = arith.index_cast %swap3A_274 : i32 to index
    %swap3A_276 = arith.constant 0 : index
    %swap3A_277 = tpu.vector_load %arg9[%swap3A_275, %swap3A_276] {strides = array<i32>} : memref<42x16xf32, #tpu.memory_space<vmem>>, vector<16xf32>,
    tpu.vector_store %arg9[%swap3A_275, %swap3A_276], %gather3A_254 {strides = array<i32>} : memref<42x16xf32, #tpu.memory_space<vmem>>, vector<16xf32>,
    %swap3A_278 = arith.constant 3 : i32
    %swap3A_279 = arith.index_cast %swap3A_278 : i32 to index
    %swap3A_280 = arith.constant 0 : index
    %swap3A_281 = tpu.vector_load %arg9[%swap3A_279, %swap3A_280] {strides = array<i32>} : memref<42x16xf32, #tpu.memory_space<vmem>>, vector<16xf32>,
    tpu.vector_store %arg9[%swap3A_279, %swap3A_280], %gather3A_258 {strides = array<i32>} : memref<42x16xf32, #tpu.memory_space<vmem>>, vector<16xf32>,
    %add3A_282 = arith.addf %div3A_266, %div3A_266 : vector<16xf32>
    %swap3A_283 = arith.constant 4 : i32
    %swap3A_284 = arith.index_cast %swap3A_283 : i32 to index
    %swap3A_285 = arith.constant 0 : index
    %swap3A_286 = tpu.vector_load %arg9[%swap3A_284, %swap3A_285] {strides = array<i32>} : memref<42x16xf32, #tpu.memory_space<vmem>>, vector<16xf32>,
    tpu.vector_store %arg9[%swap3A_284, %swap3A_285], %add3A_282 {strides = array<i32>} : memref<42x16xf32, #tpu.memory_space<vmem>>, vector<16xf32>,
    %mul3A_287 = arith.constant 24 : i32
    %mul3A_288 = arith.muli %select_n3A, %mul3A_287 : i32
    %add3A_289 = arith.constant 4 : i32
    %add3A_290 = arith.addi %mul3A_288, %add3A_289 : i32
    %broadcast_in_dim3A_291 = vector.broadcast %add3A_290 : i32 to vector<16xi32>
    %gather3A_292 = tpu.vector_load_idx %arg8[%broadcast_in_dim3A_291] : memref<384xf32, #tpu.memory_space<vmem>>[vector<16xi32>], vector<16xf32>,
    %add3A_293 = arith.constant 1 : i32
    %add3A_294 = vector.broadcast %add3A_293 : i32 to vector<16xi32>
    %add3A_295 = arith.addi %broadcast_in_dim3A_291, %add3A_294 : vector<16xi32>
    %gather3A_296 = tpu.vector_load_idx %arg8[%add3A_295] : memref<384xf32, #tpu.memory_space<vmem>>[vector<16xi32>], vector<16xf32>,
    %add3A_297 = arith.constant 2 : i32
    %add3A_298 = vector.broadcast %add3A_297 : i32 to vector<16xi32>
    %add3A_299 = arith.addi %broadcast_in_dim3A_291, %add3A_298 : vector<16xi32>
    %gather3A_300 = tpu.vector_load_idx %arg8[%add3A_299] : memref<384xf32, #tpu.memory_space<vmem>>[vector<16xi32>], vector<16xf32>,
    %add3A_301 = arith.constant 3 : i32
    %add3A_302 = vector.broadcast %add3A_301 : i32 to vector<16xi32>
    %add3A_303 = arith.addi %broadcast_in_dim3A_291, %add3A_302 : vector<16xi32>
    %gather3A_304 = tpu.vector_load_idx %arg8[%add3A_303] : memref<384xf32, #tpu.memory_space<vmem>>[vector<16xi32>], vector<16xf32>,
    %mul3A_305 = arith.mulf %gather3A_292, %gather3A_292 : vector<16xf32>
    %mul3A_306 = arith.mulf %gather3A_296, %gather3A_296 : vector<16xf32>
    %add3A_307 = arith.addf %mul3A_305, %mul3A_306 : vector<16xf32>
    %mul3A_308 = arith.mulf %gather3A_300, %gather3A_300 : vector<16xf32>
    %add3A_309 = arith.addf %add3A_307, %mul3A_308 : vector<16xf32>
    %div3A_310 = arith.constant 1.000000e+00 : f32
    %div3A_311 = vector.broadcast %div3A_310 : f32 to vector<16xf32>
    %div3A_312 = arith.divf %div3A_311, %add3A_309 : vector<16xf32>
    %swap3A_313 = arith.constant 5 : i32
    %swap3A_314 = arith.index_cast %swap3A_313 : i32 to index
    %swap3A_315 = arith.constant 0 : index
    %swap3A_316 = tpu.vector_load %arg9[%swap3A_314, %swap3A_315] {strides = array<i32>} : memref<42x16xf32, #tpu.memory_space<vmem>>, vector<16xf32>,
    tpu.vector_store %arg9[%swap3A_314, %swap3A_315], %gather3A_292 {strides = array<i32>} : memref<42x16xf32, #tpu.memory_space<vmem>>, vector<16xf32>,
    %swap3A_317 = arith.constant 6 : i32
    %swap3A_318 = arith.index_cast %swap3A_317 : i32 to index
    %swap3A_319 = arith.constant 0 : index
    %swap3A_320 = tpu.vector_load %arg9[%swap3A_318, %swap3A_319] {strides = array<i32>} : memref<42x16xf32, #tpu.memory_space<vmem>>, vector<16xf32>,
    tpu.vector_store %arg9[%swap3A_318, %swap3A_319], %gather3A_296 {strides = array<i32>} : memref<42x16xf32, #tpu.memory_space<vmem>>, vector<16xf32>,
    %swap3A_321 = arith.constant 7 : i32
    %swap3A_322 = arith.index_cast %swap3A_321 : i32 to index
    %swap3A_323 = arith.constant 0 : index
    %swap3A_324 = tpu.vector_load %arg9[%swap3A_322, %swap3A_323] {strides = array<i32>} : memref<42x16xf32, #tpu.memory_space<vmem>>, vector<16xf32>,
    tpu.vector_store %arg9[%swap3A_322, %swap3A_323], %gather3A_300 {strides = array<i32>} : memref<42x16xf32, #tpu.memory_space<vmem>>, vector<16xf32>,
    %swap3A_325 = arith.constant 8 : i32
    %swap3A_326 = arith.index_cast %swap3A_325 : i32 to index
    %swap3A_327 = arith.constant 0 : index
    %swap3A_328 = tpu.vector_load %arg9[%swap3A_326, %swap3A_327] {strides = array<i32>} : memref<42x16xf32, #tpu.memory_space<vmem>>, vector<16xf32>,
    tpu.vector_store %arg9[%swap3A_326, %swap3A_327], %gather3A_304 {strides = array<i32>} : memref<42x16xf32, #tpu.memory_space<vmem>>, vector<16xf32>,
    %add3A_329 = arith.addf %div3A_312, %div3A_312 : vector<16xf32>
    %swap3A_330 = arith.constant 9 : i32
    %swap3A_331 = arith.index_cast %swap3A_330 : i32 to index
    %swap3A_332 = arith.constant 0 : index
    %swap3A_333 = tpu.vector_load %arg9[%swap3A_331, %swap3A_332] {strides = array<i32>} : memref<42x16xf32, #tpu.memory_space<vmem>>, vector<16xf32>,
    tpu.vector_store %arg9[%swap3A_331, %swap3A_332], %add3A_329 {strides = array<i32>} : memref<42x16xf32, #tpu.memory_space<vmem>>, vector<16xf32>,
    %mul3A_334 = arith.constant 24 : i32
    %mul3A_335 = arith.muli %select_n3A, %mul3A_334 : i32
    %add3A_336 = arith.constant 8 : i32
    %add3A_337 = arith.addi %mul3A_335, %add3A_336 : i32
    %broadcast_in_dim3A_338 = vector.broadcast %add3A_337 : i32 to vector<16xi32>
    %gather3A_339 = tpu.vector_load_idx %arg8[%broadcast_in_dim3A_338] : memref<384xf32, #tpu.memory_space<vmem>>[vector<16xi32>], vector<16xf32>,
    %add3A_340 = arith.constant 1 : i32
    %add3A_341 = vector.broadcast %add3A_340 : i32 to vector<16xi32>
    %add3A_342 = arith.addi %broadcast_in_dim3A_338, %add3A_341 : vector<16xi32>
    %gather3A_343 = tpu.vector_load_idx %arg8[%add3A_342] : memref<384xf32, #tpu.memory_space<vmem>>[vector<16xi32>], vector<16xf32>,
    %add3A_344 = arith.constant 2 : i32
    %add3A_345 = vector.broadcast %add3A_344 : i32 to vector<16xi32>
    %add3A_346 = arith.addi %broadcast_in_dim3A_338, %add3A_345 : vector<16xi32>
    %gather3A_347 = tpu.vector_load_idx %arg8[%add3A_346] : memref<384xf32, #tpu.memory_space<vmem>>[vector<16xi32>], vector<16xf32>,
    %add3A_348 = arith.constant 3 : i32
    %add3A_349 = vector.broadcast %add3A_348 : i32 to vector<16xi32>
    %add3A_350 = arith.addi %broadcast_in_dim3A_338, %add3A_349 : vector<16xi32>
    %gather3A_351 = tpu.vector_load_idx %arg8[%add3A_350] : memref<384xf32, #tpu.memory_space<vmem>>[vector<16xi32>], vector<16xf32>,
    %mul3A_352 = arith.mulf %gather3A_339, %gather3A_339 : vector<16xf32>
    %mul3A_353 = arith.mulf %gather3A_343, %gather3A_343 : vector<16xf32>
    %add3A_354 = arith.addf %mul3A_352, %mul3A_353 : vector<16xf32>
    %mul3A_355 = arith.mulf %gather3A_347, %gather3A_347 : vector<16xf32>
    %add3A_356 = arith.addf %add3A_354, %mul3A_355 : vector<16xf32>
    %div3A_357 = arith.constant 1.000000e+00 : f32
    %div3A_358 = vector.broadcast %div3A_357 : f32 to vector<16xf32>
    %div3A_359 = arith.divf %div3A_358, %add3A_356 : vector<16xf32>
    %swap3A_360 = arith.constant 10 : i32
    %swap3A_361 = arith.index_cast %swap3A_360 : i32 to index
    %swap3A_362 = arith.constant 0 : index
    %swap3A_363 = tpu.vector_load %arg9[%swap3A_361, %swap3A_362] {strides = array<i32>} : memref<42x16xf32, #tpu.memory_space<vmem>>, vector<16xf32>,
    tpu.vector_store %arg9[%swap3A_361, %swap3A_362], %gather3A_339 {strides = array<i32>} : memref<42x16xf32, #tpu.memory_space<vmem>>, vector<16xf32>,
    %swap3A_364 = arith.constant 11 : i32
    %swap3A_365 = arith.index_cast %swap3A_364 : i32 to index
    %swap3A_366 = arith.constant 0 : index
    %swap3A_367 = tpu.vector_load %arg9[%swap3A_365, %swap3A_366] {strides = array<i32>} : memref<42x16xf32, #tpu.memory_space<vmem>>, vector<16xf32>,
    tpu.vector_store %arg9[%swap3A_365, %swap3A_366], %gather3A_343 {strides = array<i32>} : memref<42x16xf32, #tpu.memory_space<vmem>>, vector<16xf32>,
    %swap3A_368 = arith.constant 12 : i32
    %swap3A_369 = arith.index_cast %swap3A_368 : i32 to index
    %swap3A_370 = arith.constant 0 : index
    %swap3A_371 = tpu.vector_load %arg9[%swap3A_369, %swap3A_370] {strides = array<i32>} : memref<42x16xf32, #tpu.memory_space<vmem>>, vector<16xf32>,
    tpu.vector_store %arg9[%swap3A_369, %swap3A_370], %gather3A_347 {strides = array<i32>} : memref<42x16xf32, #tpu.memory_space<vmem>>, vector<16xf32>,
    %swap3A_372 = arith.constant 13 : i32
    %swap3A_373 = arith.index_cast %swap3A_372 : i32 to index
    %swap3A_374 = arith.constant 0 : index
    %swap3A_375 = tpu.vector_load %arg9[%swap3A_373, %swap3A_374] {strides = array<i32>} : memref<42x16xf32, #tpu.memory_space<vmem>>, vector<16xf32>,
    tpu.vector_store %arg9[%swap3A_373, %swap3A_374], %gather3A_351 {strides = array<i32>} : memref<42x16xf32, #tpu.memory_space<vmem>>, vector<16xf32>,
    %add3A_376 = arith.addf %div3A_359, %div3A_359 : vector<16xf32>
    %swap3A_377 = arith.constant 14 : i32
    %swap3A_378 = arith.index_cast %swap3A_377 : i32 to index
    %swap3A_379 = arith.constant 0 : index
    %swap3A_380 = tpu.vector_load %arg9[%swap3A_378, %swap3A_379] {strides = array<i32>} : memref<42x16xf32, #tpu.memory_space<vmem>>, vector<16xf32>,
    tpu.vector_store %arg9[%swap3A_378, %swap3A_379], %add3A_376 {strides = array<i32>} : memref<42x16xf32, #tpu.memory_space<vmem>>, vector<16xf32>,
    %mul3A_381 = arith.constant 24 : i32
    %mul3A_382 = arith.muli %select_n3A, %mul3A_381 : i32
    %add3A_383 = arith.constant 12 : i32
    %add3A_384 = arith.addi %mul3A_382, %add3A_383 : i32
    %add3A_385 = arith.constant 0 : i32
    %add3A_386 = arith.addi %add3A_384, %add3A_385 : i32
    %broadcast_in_dim3A_387 = vector.broadcast %add3A_386 : i32 to vector<16xi32>
    %gather3A_388 = tpu.vector_load_idx %arg8[%broadcast_in_dim3A_387] : memref<384xf32, #tpu.memory_space<vmem>>[vector<16xi32>], vector<16xf32>,
    %add3A_389 = arith.constant 1 : i32
    %add3A_390 = vector.broadcast %add3A_389 : i32 to vector<16xi32>
    %add3A_391 = arith.addi %broadcast_in_dim3A_387, %add3A_390 : vector<16xi32>
    %gather3A_392 = tpu.vector_load_idx %arg8[%add3A_391] : memref<384xf32, #tpu.memory_space<vmem>>[vector<16xi32>], vector<16xf32>,
    %add3A_393 = arith.constant 2 : i32
    %add3A_394 = vector.broadcast %add3A_393 : i32 to vector<16xi32>
    %add3A_395 = arith.addi %broadcast_in_dim3A_387, %add3A_394 : vector<16xi32>
    %gather3A_396 = tpu.vector_load_idx %arg8[%add3A_395] : memref<384xf32, #tpu.memory_space<vmem>>[vector<16xi32>], vector<16xf32>,
    %add3A_397 = arith.constant 3 : i32
    %add3A_398 = vector.broadcast %add3A_397 : i32 to vector<16xi32>
    %add3A_399 = arith.addi %broadcast_in_dim3A_387, %add3A_398 : vector<16xi32>
    %gather3A_400 = tpu.vector_load_idx %arg8[%add3A_399] : memref<384xf32, #tpu.memory_space<vmem>>[vector<16xi32>], vector<16xf32>,
    %mul3A_401 = arith.mulf %gather3A_388, %gather3A_388 : vector<16xf32>
    %mul3A_402 = arith.mulf %gather3A_392, %gather3A_392 : vector<16xf32>
    %add3A_403 = arith.addf %mul3A_401, %mul3A_402 : vector<16xf32>
    %mul3A_404 = arith.mulf %gather3A_396, %gather3A_396 : vector<16xf32>
    %add3A_405 = arith.addf %add3A_403, %mul3A_404 : vector<16xf32>
    %mul3A_406 = arith.mulf %gather3A_400, %gather3A_400 : vector<16xf32>
    %add3A_407 = arith.addf %add3A_405, %mul3A_406 : vector<16xf32>
    %bitcast_convert_type3A = tpu.bitcast %add3A_407 : vector<16xf32> -> vector<16xi32>
    %shift_right_arithmetic3A = arith.constant 1 : i32
    %shift_right_arithmetic3A_408 = vector.broadcast %shift_right_arithmetic3A : i32 to vector<16xi32>
    %shift_right_arithmetic3A_409 = arith.shrsi %bitcast_convert_type3A, %shift_right_arithmetic3A_408 : vector<16xi32>
    %sub3A_410 = arith.constant 1597463007 : i32
    %sub3A_411 = vector.broadcast %sub3A_410 : i32 to vector<16xi32>
    %sub3A_412 = arith.subi %sub3A_411, %shift_right_arithmetic3A_409 : vector<16xi32>
    %bitcast_convert_type3A_413 = tpu.bitcast %sub3A_412 : vector<16xi32> -> vector<16xf32>
    %mul3A_414 = arith.constant 5.000000e-01 : f32
    %mul3A_415 = vector.broadcast %mul3A_414 : f32 to vector<16xf32>
    %mul3A_416 = arith.mulf %mul3A_415, %add3A_407 : vector<16xf32>
    %mul3A_417 = arith.mulf %mul3A_416, %bitcast_convert_type3A_413 : vector<16xf32>
    %mul3A_418 = arith.mulf %mul3A_417, %bitcast_convert_type3A_413 : vector<16xf32>
    %sub3A_419 = arith.constant 1.500000e+00 : f32
    %sub3A_420 = vector.broadcast %sub3A_419 : f32 to vector<16xf32>
    %sub3A_421 = arith.subf %sub3A_420, %mul3A_418 : vector<16xf32>
    %mul3A_422 = arith.mulf %bitcast_convert_type3A_413, %sub3A_421 : vector<16xf32>
    %mul3A_423 = arith.mulf %mul3A_416, %mul3A_422 : vector<16xf32>
    %mul3A_424 = arith.mulf %mul3A_423, %mul3A_422 : vector<16xf32>
    %sub3A_425 = arith.constant 1.500000e+00 : f32
    %sub3A_426 = vector.broadcast %sub3A_425 : f32 to vector<16xf32>
    %sub3A_427 = arith.subf %sub3A_426, %mul3A_424 : vector<16xf32>
    %mul3A_428 = arith.mulf %mul3A_422, %sub3A_427 : vector<16xf32>
    %mul3A_429 = arith.mulf %mul3A_416, %mul3A_428 : vector<16xf32>
    %mul3A_430 = arith.mulf %mul3A_429, %mul3A_428 : vector<16xf32>
    %sub3A_431 = arith.constant 1.500000e+00 : f32
    %sub3A_432 = vector.broadcast %sub3A_431 : f32 to vector<16xf32>
    %sub3A_433 = arith.subf %sub3A_432, %mul3A_430 : vector<16xf32>
    %mul3A_434 = arith.mulf %mul3A_428, %sub3A_433 : vector<16xf32>
    %mul3A_435 = arith.mulf %gather3A_388, %gather3A_388 : vector<16xf32>
    %mul3A_436 = arith.mulf %gather3A_392, %gather3A_392 : vector<16xf32>
    %mul3A_437 = arith.mulf %gather3A_396, %gather3A_396 : vector<16xf32>
    %mul3A_438 = arith.mulf %gather3A_400, %gather3A_400 : vector<16xf32>
    %mul3A_439 = arith.mulf %gather3A_392, %gather3A_396 : vector<16xf32>
    %mul3A_440 = arith.mulf %gather3A_392, %gather3A_400 : vector<16xf32>
    %mul3A_441 = arith.mulf %gather3A_396, %gather3A_400 : vector<16xf32>
    %mul3A_442 = arith.mulf %gather3A_388, %gather3A_392 : vector<16xf32>
    %mul3A_443 = arith.mulf %gather3A_388, %gather3A_396 : vector<16xf32>
    %mul3A_444 = arith.mulf %gather3A_388, %gather3A_400 : vector<16xf32>
    %add3A_445 = arith.addf %mul3A_435, %mul3A_436 : vector<16xf32>
    %sub3A_446 = arith.subf %add3A_445, %mul3A_437 : vector<16xf32>
    %sub3A_447 = arith.subf %sub3A_446, %mul3A_438 : vector<16xf32>
    %mul3A_448 = arith.mulf %sub3A_447, %mul3A_434 : vector<16xf32>
    %sub3A_449 = arith.subf %mul3A_439, %mul3A_444 : vector<16xf32>
    %mul3A_450 = arith.constant 2.000000e+00 : f32
    %mul3A_451 = vector.broadcast %mul3A_450 : f32 to vector<16xf32>
    %mul3A_452 = arith.mulf %mul3A_451, %sub3A_449 : vector<16xf32>
    %mul3A_453 = arith.mulf %mul3A_452, %mul3A_434 : vector<16xf32>
    %add3A_454 = arith.addf %mul3A_440, %mul3A_443 : vector<16xf32>
    %mul3A_455 = arith.constant 2.000000e+00 : f32
    %mul3A_456 = vector.broadcast %mul3A_455 : f32 to vector<16xf32>
    %mul3A_457 = arith.mulf %mul3A_456, %add3A_454 : vector<16xf32>
    %mul3A_458 = arith.mulf %mul3A_457, %mul3A_434 : vector<16xf32>
    %add3A_459 = arith.addf %mul3A_439, %mul3A_444 : vector<16xf32>
    %mul3A_460 = arith.constant 2.000000e+00 : f32
    %mul3A_461 = vector.broadcast %mul3A_460 : f32 to vector<16xf32>
    %mul3A_462 = arith.mulf %mul3A_461, %add3A_459 : vector<16xf32>
    %mul3A_463 = arith.mulf %mul3A_462, %mul3A_434 : vector<16xf32>
    %sub3A_464 = arith.subf %mul3A_435, %mul3A_436 : vector<16xf32>
    %add3A_465 = arith.addf %sub3A_464, %mul3A_437 : vector<16xf32>
    %sub3A_466 = arith.subf %add3A_465, %mul3A_438 : vector<16xf32>
    %mul3A_467 = arith.mulf %sub3A_466, %mul3A_434 : vector<16xf32>
    %sub3A_468 = arith.subf %mul3A_441, %mul3A_442 : vector<16xf32>
    %mul3A_469 = arith.constant 2.000000e+00 : f32
    %mul3A_470 = vector.broadcast %mul3A_469 : f32 to vector<16xf32>
    %mul3A_471 = arith.mulf %mul3A_470, %sub3A_468 : vector<16xf32>
    %mul3A_472 = arith.mulf %mul3A_471, %mul3A_434 : vector<16xf32>
    %sub3A_473 = arith.subf %mul3A_440, %mul3A_443 : vector<16xf32>
    %mul3A_474 = arith.constant 2.000000e+00 : f32
    %mul3A_475 = vector.broadcast %mul3A_474 : f32 to vector<16xf32>
    %mul3A_476 = arith.mulf %mul3A_475, %sub3A_473 : vector<16xf32>
    %mul3A_477 = arith.mulf %mul3A_476, %mul3A_434 : vector<16xf32>
    %add3A_478 = arith.addf %mul3A_441, %mul3A_442 : vector<16xf32>
    %mul3A_479 = arith.constant 2.000000e+00 : f32
    %mul3A_480 = vector.broadcast %mul3A_479 : f32 to vector<16xf32>
    %mul3A_481 = arith.mulf %mul3A_480, %add3A_478 : vector<16xf32>
    %mul3A_482 = arith.mulf %mul3A_481, %mul3A_434 : vector<16xf32>
    %sub3A_483 = arith.subf %mul3A_435, %mul3A_436 : vector<16xf32>
    %sub3A_484 = arith.subf %sub3A_483, %mul3A_437 : vector<16xf32>
    %add3A_485 = arith.addf %sub3A_484, %mul3A_438 : vector<16xf32>
    %mul3A_486 = arith.mulf %add3A_485, %mul3A_434 : vector<16xf32>
    %swap3A_487 = arith.constant 15 : i32
    %swap3A_488 = arith.index_cast %swap3A_487 : i32 to index
    %swap3A_489 = arith.constant 0 : index
    %swap3A_490 = tpu.vector_load %arg9[%swap3A_488, %swap3A_489] {strides = array<i32>} : memref<42x16xf32, #tpu.memory_space<vmem>>, vector<16xf32>,
    tpu.vector_store %arg9[%swap3A_488, %swap3A_489], %mul3A_448 {strides = array<i32>} : memref<42x16xf32, #tpu.memory_space<vmem>>, vector<16xf32>,
    %swap3A_491 = arith.constant 16 : i32
    %swap3A_492 = arith.index_cast %swap3A_491 : i32 to index
    %swap3A_493 = arith.constant 0 : index
    %swap3A_494 = tpu.vector_load %arg9[%swap3A_492, %swap3A_493] {strides = array<i32>} : memref<42x16xf32, #tpu.memory_space<vmem>>, vector<16xf32>,
    tpu.vector_store %arg9[%swap3A_492, %swap3A_493], %mul3A_453 {strides = array<i32>} : memref<42x16xf32, #tpu.memory_space<vmem>>, vector<16xf32>,
    %swap3A_495 = arith.constant 17 : i32
    %swap3A_496 = arith.index_cast %swap3A_495 : i32 to index
    %swap3A_497 = arith.constant 0 : index
    %swap3A_498 = tpu.vector_load %arg9[%swap3A_496, %swap3A_497] {strides = array<i32>} : memref<42x16xf32, #tpu.memory_space<vmem>>, vector<16xf32>,
    tpu.vector_store %arg9[%swap3A_496, %swap3A_497], %mul3A_458 {strides = array<i32>} : memref<42x16xf32, #tpu.memory_space<vmem>>, vector<16xf32>,
    %swap3A_499 = arith.constant 18 : i32
    %swap3A_500 = arith.index_cast %swap3A_499 : i32 to index
    %swap3A_501 = arith.constant 0 : index
    %swap3A_502 = tpu.vector_load %arg9[%swap3A_500, %swap3A_501] {strides = array<i32>} : memref<42x16xf32, #tpu.memory_space<vmem>>, vector<16xf32>,
    tpu.vector_store %arg9[%swap3A_500, %swap3A_501], %mul3A_463 {strides = array<i32>} : memref<42x16xf32, #tpu.memory_space<vmem>>, vector<16xf32>,
    %swap3A_503 = arith.constant 19 : i32
    %swap3A_504 = arith.index_cast %swap3A_503 : i32 to index
    %swap3A_505 = arith.constant 0 : index
    %swap3A_506 = tpu.vector_load %arg9[%swap3A_504, %swap3A_505] {strides = array<i32>} : memref<42x16xf32, #tpu.memory_space<vmem>>, vector<16xf32>,
    tpu.vector_store %arg9[%swap3A_504, %swap3A_505], %mul3A_467 {strides = array<i32>} : memref<42x16xf32, #tpu.memory_space<vmem>>, vector<16xf32>,
    %swap3A_507 = arith.constant 20 : i32
    %swap3A_508 = arith.index_cast %swap3A_507 : i32 to index
    %swap3A_509 = arith.constant 0 : index
    %swap3A_510 = tpu.vector_load %arg9[%swap3A_508, %swap3A_509] {strides = array<i32>} : memref<42x16xf32, #tpu.memory_space<vmem>>, vector<16xf32>,
    tpu.vector_store %arg9[%swap3A_508, %swap3A_509], %mul3A_472 {strides = array<i32>} : memref<42x16xf32, #tpu.memory_space<vmem>>, vector<16xf32>,
    %swap3A_511 = arith.constant 21 : i32
    %swap3A_512 = arith.index_cast %swap3A_511 : i32 to index
    %swap3A_513 = arith.constant 0 : index
    %swap3A_514 = tpu.vector_load %arg9[%swap3A_512, %swap3A_513] {strides = array<i32>} : memref<42x16xf32, #tpu.memory_space<vmem>>, vector<16xf32>,
    tpu.vector_store %arg9[%swap3A_512, %swap3A_513], %mul3A_477 {strides = array<i32>} : memref<42x16xf32, #tpu.memory_space<vmem>>, vector<16xf32>,
    %swap3A_515 = arith.constant 22 : i32
    %swap3A_516 = arith.index_cast %swap3A_515 : i32 to index
    %swap3A_517 = arith.constant 0 : index
    %swap3A_518 = tpu.vector_load %arg9[%swap3A_516, %swap3A_517] {strides = array<i32>} : memref<42x16xf32, #tpu.memory_space<vmem>>, vector<16xf32>,
    tpu.vector_store %arg9[%swap3A_516, %swap3A_517], %mul3A_482 {strides = array<i32>} : memref<42x16xf32, #tpu.memory_space<vmem>>, vector<16xf32>,
    %swap3A_519 = arith.constant 23 : i32
    %swap3A_520 = arith.index_cast %swap3A_519 : i32 to index
    %swap3A_521 = arith.constant 0 : index
    %swap3A_522 = tpu.vector_load %arg9[%swap3A_520, %swap3A_521] {strides = array<i32>} : memref<42x16xf32, #tpu.memory_space<vmem>>, vector<16xf32>,
    tpu.vector_store %arg9[%swap3A_520, %swap3A_521], %mul3A_486 {strides = array<i32>} : memref<42x16xf32, #tpu.memory_space<vmem>>, vector<16xf32>,
    %mul3A_523 = arith.constant 24 : i32
    %mul3A_524 = arith.muli %select_n3A, %mul3A_523 : i32
    %add3A_525 = arith.constant 12 : i32
    %add3A_526 = arith.addi %mul3A_524, %add3A_525 : i32
    %add3A_527 = arith.constant 4 : i32
    %add3A_528 = arith.addi %add3A_526, %add3A_527 : i32
    %broadcast_in_dim3A_529 = vector.broadcast %add3A_528 : i32 to vector<16xi32>
    %gather3A_530 = tpu.vector_load_idx %arg8[%broadcast_in_dim3A_529] : memref<384xf32, #tpu.memory_space<vmem>>[vector<16xi32>], vector<16xf32>,
    %add3A_531 = arith.constant 1 : i32
    %add3A_532 = vector.broadcast %add3A_531 : i32 to vector<16xi32>
    %add3A_533 = arith.addi %broadcast_in_dim3A_529, %add3A_532 : vector<16xi32>
    %gather3A_534 = tpu.vector_load_idx %arg8[%add3A_533] : memref<384xf32, #tpu.memory_space<vmem>>[vector<16xi32>], vector<16xf32>,
    %add3A_535 = arith.constant 2 : i32
    %add3A_536 = vector.broadcast %add3A_535 : i32 to vector<16xi32>
    %add3A_537 = arith.addi %broadcast_in_dim3A_529, %add3A_536 : vector<16xi32>
    %gather3A_538 = tpu.vector_load_idx %arg8[%add3A_537] : memref<384xf32, #tpu.memory_space<vmem>>[vector<16xi32>], vector<16xf32>,
    %add3A_539 = arith.constant 3 : i32
    %add3A_540 = vector.broadcast %add3A_539 : i32 to vector<16xi32>
    %add3A_541 = arith.addi %broadcast_in_dim3A_529, %add3A_540 : vector<16xi32>
    %gather3A_542 = tpu.vector_load_idx %arg8[%add3A_541] : memref<384xf32, #tpu.memory_space<vmem>>[vector<16xi32>], vector<16xf32>,
    %mul3A_543 = arith.mulf %gather3A_530, %gather3A_530 : vector<16xf32>
    %mul3A_544 = arith.mulf %gather3A_534, %gather3A_534 : vector<16xf32>
    %add3A_545 = arith.addf %mul3A_543, %mul3A_544 : vector<16xf32>
    %mul3A_546 = arith.mulf %gather3A_538, %gather3A_538 : vector<16xf32>
    %add3A_547 = arith.addf %add3A_545, %mul3A_546 : vector<16xf32>
    %mul3A_548 = arith.mulf %gather3A_542, %gather3A_542 : vector<16xf32>
    %add3A_549 = arith.addf %add3A_547, %mul3A_548 : vector<16xf32>
    %bitcast_convert_type3A_550 = tpu.bitcast %add3A_549 : vector<16xf32> -> vector<16xi32>
    %shift_right_arithmetic3A_551 = arith.constant 1 : i32
    %shift_right_arithmetic3A_552 = vector.broadcast %shift_right_arithmetic3A_551 : i32 to vector<16xi32>
    %shift_right_arithmetic3A_553 = arith.shrsi %bitcast_convert_type3A_550, %shift_right_arithmetic3A_552 : vector<16xi32>
    %sub3A_554 = arith.constant 1597463007 : i32
    %sub3A_555 = vector.broadcast %sub3A_554 : i32 to vector<16xi32>
    %sub3A_556 = arith.subi %sub3A_555, %shift_right_arithmetic3A_553 : vector<16xi32>
    %bitcast_convert_type3A_557 = tpu.bitcast %sub3A_556 : vector<16xi32> -> vector<16xf32>
    %mul3A_558 = arith.constant 5.000000e-01 : f32
    %mul3A_559 = vector.broadcast %mul3A_558 : f32 to vector<16xf32>
    %mul3A_560 = arith.mulf %mul3A_559, %add3A_549 : vector<16xf32>
    %mul3A_561 = arith.mulf %mul3A_560, %bitcast_convert_type3A_557 : vector<16xf32>
    %mul3A_562 = arith.mulf %mul3A_561, %bitcast_convert_type3A_557 : vector<16xf32>
    %sub3A_563 = arith.constant 1.500000e+00 : f32
    %sub3A_564 = vector.broadcast %sub3A_563 : f32 to vector<16xf32>
    %sub3A_565 = arith.subf %sub3A_564, %mul3A_562 : vector<16xf32>
    %mul3A_566 = arith.mulf %bitcast_convert_type3A_557, %sub3A_565 : vector<16xf32>
    %mul3A_567 = arith.mulf %mul3A_560, %mul3A_566 : vector<16xf32>
    %mul3A_568 = arith.mulf %mul3A_567, %mul3A_566 : vector<16xf32>
    %sub3A_569 = arith.constant 1.500000e+00 : f32
    %sub3A_570 = vector.broadcast %sub3A_569 : f32 to vector<16xf32>
    %sub3A_571 = arith.subf %sub3A_570, %mul3A_568 : vector<16xf32>
    %mul3A_572 = arith.mulf %mul3A_566, %sub3A_571 : vector<16xf32>
    %mul3A_573 = arith.mulf %mul3A_560, %mul3A_572 : vector<16xf32>
    %mul3A_574 = arith.mulf %mul3A_573, %mul3A_572 : vector<16xf32>
    %sub3A_575 = arith.constant 1.500000e+00 : f32
    %sub3A_576 = vector.broadcast %sub3A_575 : f32 to vector<16xf32>
    %sub3A_577 = arith.subf %sub3A_576, %mul3A_574 : vector<16xf32>
    %mul3A_578 = arith.mulf %mul3A_572, %sub3A_577 : vector<16xf32>
    %mul3A_579 = arith.mulf %gather3A_530, %gather3A_530 : vector<16xf32>
    %mul3A_580 = arith.mulf %gather3A_534, %gather3A_534 : vector<16xf32>
    %mul3A_581 = arith.mulf %gather3A_538, %gather3A_538 : vector<16xf32>
    %mul3A_582 = arith.mulf %gather3A_542, %gather3A_542 : vector<16xf32>
    %mul3A_583 = arith.mulf %gather3A_534, %gather3A_538 : vector<16xf32>
    %mul3A_584 = arith.mulf %gather3A_534, %gather3A_542 : vector<16xf32>
    %mul3A_585 = arith.mulf %gather3A_538, %gather3A_542 : vector<16xf32>
    %mul3A_586 = arith.mulf %gather3A_530, %gather3A_534 : vector<16xf32>
    %mul3A_587 = arith.mulf %gather3A_530, %gather3A_538 : vector<16xf32>
    %mul3A_588 = arith.mulf %gather3A_530, %gather3A_542 : vector<16xf32>
    %add3A_589 = arith.addf %mul3A_579, %mul3A_580 : vector<16xf32>
    %sub3A_590 = arith.subf %add3A_589, %mul3A_581 : vector<16xf32>
    %sub3A_591 = arith.subf %sub3A_590, %mul3A_582 : vector<16xf32>
    %mul3A_592 = arith.mulf %sub3A_591, %mul3A_578 : vector<16xf32>
    %sub3A_593 = arith.subf %mul3A_583, %mul3A_588 : vector<16xf32>
    %mul3A_594 = arith.constant 2.000000e+00 : f32
    %mul3A_595 = vector.broadcast %mul3A_594 : f32 to vector<16xf32>
    %mul3A_596 = arith.mulf %mul3A_595, %sub3A_593 : vector<16xf32>
    %mul3A_597 = arith.mulf %mul3A_596, %mul3A_578 : vector<16xf32>
    %add3A_598 = arith.addf %mul3A_584, %mul3A_587 : vector<16xf32>
    %mul3A_599 = arith.constant 2.000000e+00 : f32
    %mul3A_600 = vector.broadcast %mul3A_599 : f32 to vector<16xf32>
    %mul3A_601 = arith.mulf %mul3A_600, %add3A_598 : vector<16xf32>
    %mul3A_602 = arith.mulf %mul3A_601, %mul3A_578 : vector<16xf32>
    %add3A_603 = arith.addf %mul3A_583, %mul3A_588 : vector<16xf32>
    %mul3A_604 = arith.constant 2.000000e+00 : f32
    %mul3A_605 = vector.broadcast %mul3A_604 : f32 to vector<16xf32>
    %mul3A_606 = arith.mulf %mul3A_605, %add3A_603 : vector<16xf32>
    %mul3A_607 = arith.mulf %mul3A_606, %mul3A_578 : vector<16xf32>
    %sub3A_608 = arith.subf %mul3A_579, %mul3A_580 : vector<16xf32>
    %add3A_609 = arith.addf %sub3A_608, %mul3A_581 : vector<16xf32>
    %sub3A_610 = arith.subf %add3A_609, %mul3A_582 : vector<16xf32>
    %mul3A_611 = arith.mulf %sub3A_610, %mul3A_578 : vector<16xf32>
    %sub3A_612 = arith.subf %mul3A_585, %mul3A_586 : vector<16xf32>
    %mul3A_613 = arith.constant 2.000000e+00 : f32
    %mul3A_614 = vector.broadcast %mul3A_613 : f32 to vector<16xf32>
    %mul3A_615 = arith.mulf %mul3A_614, %sub3A_612 : vector<16xf32>
    %mul3A_616 = arith.mulf %mul3A_615, %mul3A_578 : vector<16xf32>
    %sub3A_617 = arith.subf %mul3A_584, %mul3A_587 : vector<16xf32>
    %mul3A_618 = arith.constant 2.000000e+00 : f32
    %mul3A_619 = vector.broadcast %mul3A_618 : f32 to vector<16xf32>
    %mul3A_620 = arith.mulf %mul3A_619, %sub3A_617 : vector<16xf32>
    %mul3A_621 = arith.mulf %mul3A_620, %mul3A_578 : vector<16xf32>
    %add3A_622 = arith.addf %mul3A_585, %mul3A_586 : vector<16xf32>
    %mul3A_623 = arith.constant 2.000000e+00 : f32
    %mul3A_624 = vector.broadcast %mul3A_623 : f32 to vector<16xf32>
    %mul3A_625 = arith.mulf %mul3A_624, %add3A_622 : vector<16xf32>
    %mul3A_626 = arith.mulf %mul3A_625, %mul3A_578 : vector<16xf32>
    %sub3A_627 = arith.subf %mul3A_579, %mul3A_580 : vector<16xf32>
    %sub3A_628 = arith.subf %sub3A_627, %mul3A_581 : vector<16xf32>
    %add3A_629 = arith.addf %sub3A_628, %mul3A_582 : vector<16xf32>
    %mul3A_630 = arith.mulf %add3A_629, %mul3A_578 : vector<16xf32>
    %swap3A_631 = arith.constant 24 : i32
    %swap3A_632 = arith.index_cast %swap3A_631 : i32 to index
    %swap3A_633 = arith.constant 0 : index
    %swap3A_634 = tpu.vector_load %arg9[%swap3A_632, %swap3A_633] {strides = array<i32>} : memref<42x16xf32, #tpu.memory_space<vmem>>, vector<16xf32>,
    tpu.vector_store %arg9[%swap3A_632, %swap3A_633], %mul3A_592 {strides = array<i32>} : memref<42x16xf32, #tpu.memory_space<vmem>>, vector<16xf32>,
    %swap3A_635 = arith.constant 25 : i32
    %swap3A_636 = arith.index_cast %swap3A_635 : i32 to index
    %swap3A_637 = arith.constant 0 : index
    %swap3A_638 = tpu.vector_load %arg9[%swap3A_636, %swap3A_637] {strides = array<i32>} : memref<42x16xf32, #tpu.memory_space<vmem>>, vector<16xf32>,
    tpu.vector_store %arg9[%swap3A_636, %swap3A_637], %mul3A_597 {strides = array<i32>} : memref<42x16xf32, #tpu.memory_space<vmem>>, vector<16xf32>,
    %swap3A_639 = arith.constant 26 : i32
    %swap3A_640 = arith.index_cast %swap3A_639 : i32 to index
    %swap3A_641 = arith.constant 0 : index
    %swap3A_642 = tpu.vector_load %arg9[%swap3A_640, %swap3A_641] {strides = array<i32>} : memref<42x16xf32, #tpu.memory_space<vmem>>, vector<16xf32>,
    tpu.vector_store %arg9[%swap3A_640, %swap3A_641], %mul3A_602 {strides = array<i32>} : memref<42x16xf32, #tpu.memory_space<vmem>>, vector<16xf32>,
    %swap3A_643 = arith.constant 27 : i32
    %swap3A_644 = arith.index_cast %swap3A_643 : i32 to index
    %swap3A_645 = arith.constant 0 : index
    %swap3A_646 = tpu.vector_load %arg9[%swap3A_644, %swap3A_645] {strides = array<i32>} : memref<42x16xf32, #tpu.memory_space<vmem>>, vector<16xf32>,
    tpu.vector_store %arg9[%swap3A_644, %swap3A_645], %mul3A_607 {strides = array<i32>} : memref<42x16xf32, #tpu.memory_space<vmem>>, vector<16xf32>,
    %swap3A_647 = arith.constant 28 : i32
    %swap3A_648 = arith.index_cast %swap3A_647 : i32 to index
    %swap3A_649 = arith.constant 0 : index
    %swap3A_650 = tpu.vector_load %arg9[%swap3A_648, %swap3A_649] {strides = array<i32>} : memref<42x16xf32, #tpu.memory_space<vmem>>, vector<16xf32>,
    tpu.vector_store %arg9[%swap3A_648, %swap3A_649], %mul3A_611 {strides = array<i32>} : memref<42x16xf32, #tpu.memory_space<vmem>>, vector<16xf32>,
    %swap3A_651 = arith.constant 29 : i32
    %swap3A_652 = arith.index_cast %swap3A_651 : i32 to index
    %swap3A_653 = arith.constant 0 : index
    %swap3A_654 = tpu.vector_load %arg9[%swap3A_652, %swap3A_653] {strides = array<i32>} : memref<42x16xf32, #tpu.memory_space<vmem>>, vector<16xf32>,
    tpu.vector_store %arg9[%swap3A_652, %swap3A_653], %mul3A_616 {strides = array<i32>} : memref<42x16xf32, #tpu.memory_space<vmem>>, vector<16xf32>,
    %swap3A_655 = arith.constant 30 : i32
    %swap3A_656 = arith.index_cast %swap3A_655 : i32 to index
    %swap3A_657 = arith.constant 0 : index
    %swap3A_658 = tpu.vector_load %arg9[%swap3A_656, %swap3A_657] {strides = array<i32>} : memref<42x16xf32, #tpu.memory_space<vmem>>, vector<16xf32>,
    tpu.vector_store %arg9[%swap3A_656, %swap3A_657], %mul3A_621 {strides = array<i32>} : memref<42x16xf32, #tpu.memory_space<vmem>>, vector<16xf32>,
    %swap3A_659 = arith.constant 31 : i32
    %swap3A_660 = arith.index_cast %swap3A_659 : i32 to index
    %swap3A_661 = arith.constant 0 : index
    %swap3A_662 = tpu.vector_load %arg9[%swap3A_660, %swap3A_661] {strides = array<i32>} : memref<42x16xf32, #tpu.memory_space<vmem>>, vector<16xf32>,
    tpu.vector_store %arg9[%swap3A_660, %swap3A_661], %mul3A_626 {strides = array<i32>} : memref<42x16xf32, #tpu.memory_space<vmem>>, vector<16xf32>,
    %swap3A_663 = arith.constant 32 : i32
    %swap3A_664 = arith.index_cast %swap3A_663 : i32 to index
    %swap3A_665 = arith.constant 0 : index
    %swap3A_666 = tpu.vector_load %arg9[%swap3A_664, %swap3A_665] {strides = array<i32>} : memref<42x16xf32, #tpu.memory_space<vmem>>, vector<16xf32>,
    tpu.vector_store %arg9[%swap3A_664, %swap3A_665], %mul3A_630 {strides = array<i32>} : memref<42x16xf32, #tpu.memory_space<vmem>>, vector<16xf32>,
    %mul3A_667 = arith.constant 24 : i32
    %mul3A_668 = arith.muli %select_n3A, %mul3A_667 : i32
    %add3A_669 = arith.constant 12 : i32
    %add3A_670 = arith.addi %mul3A_668, %add3A_669 : i32
    %add3A_671 = arith.constant 8 : i32
    %add3A_672 = arith.addi %add3A_670, %add3A_671 : i32
    %broadcast_in_dim3A_673 = vector.broadcast %add3A_672 : i32 to vector<16xi32>
    %gather3A_674 = tpu.vector_load_idx %arg8[%broadcast_in_dim3A_673] : memref<384xf32, #tpu.memory_space<vmem>>[vector<16xi32>], vector<16xf32>,
    %add3A_675 = arith.constant 1 : i32
    %add3A_676 = vector.broadcast %add3A_675 : i32 to vector<16xi32>
    %add3A_677 = arith.addi %broadcast_in_dim3A_673, %add3A_676 : vector<16xi32>
    %gather3A_678 = tpu.vector_load_idx %arg8[%add3A_677] : memref<384xf32, #tpu.memory_space<vmem>>[vector<16xi32>], vector<16xf32>,
    %add3A_679 = arith.constant 2 : i32
    %add3A_680 = vector.broadcast %add3A_679 : i32 to vector<16xi32>
    %add3A_681 = arith.addi %broadcast_in_dim3A_673, %add3A_680 : vector<16xi32>
    %gather3A_682 = tpu.vector_load_idx %arg8[%add3A_681] : memref<384xf32, #tpu.memory_space<vmem>>[vector<16xi32>], vector<16xf32>,
    %add3A_683 = arith.constant 3 : i32
    %add3A_684 = vector.broadcast %add3A_683 : i32 to vector<16xi32>
    %add3A_685 = arith.addi %broadcast_in_dim3A_673, %add3A_684 : vector<16xi32>
    %gather3A_686 = tpu.vector_load_idx %arg8[%add3A_685] : memref<384xf32, #tpu.memory_space<vmem>>[vector<16xi32>], vector<16xf32>,
    %mul3A_687 = arith.mulf %gather3A_674, %gather3A_674 : vector<16xf32>
    %mul3A_688 = arith.mulf %gather3A_678, %gather3A_678 : vector<16xf32>
    %add3A_689 = arith.addf %mul3A_687, %mul3A_688 : vector<16xf32>
    %mul3A_690 = arith.mulf %gather3A_682, %gather3A_682 : vector<16xf32>
    %add3A_691 = arith.addf %add3A_689, %mul3A_690 : vector<16xf32>
    %mul3A_692 = arith.mulf %gather3A_686, %gather3A_686 : vector<16xf32>
    %add3A_693 = arith.addf %add3A_691, %mul3A_692 : vector<16xf32>
    %bitcast_convert_type3A_694 = tpu.bitcast %add3A_693 : vector<16xf32> -> vector<16xi32>
    %shift_right_arithmetic3A_695 = arith.constant 1 : i32
    %shift_right_arithmetic3A_696 = vector.broadcast %shift_right_arithmetic3A_695 : i32 to vector<16xi32>
    %shift_right_arithmetic3A_697 = arith.shrsi %bitcast_convert_type3A_694, %shift_right_arithmetic3A_696 : vector<16xi32>
    %sub3A_698 = arith.constant 1597463007 : i32
    %sub3A_699 = vector.broadcast %sub3A_698 : i32 to vector<16xi32>
    %sub3A_700 = arith.subi %sub3A_699, %shift_right_arithmetic3A_697 : vector<16xi32>
    %bitcast_convert_type3A_701 = tpu.bitcast %sub3A_700 : vector<16xi32> -> vector<16xf32>
    %mul3A_702 = arith.constant 5.000000e-01 : f32
    %mul3A_703 = vector.broadcast %mul3A_702 : f32 to vector<16xf32>
    %mul3A_704 = arith.mulf %mul3A_703, %add3A_693 : vector<16xf32>
    %mul3A_705 = arith.mulf %mul3A_704, %bitcast_convert_type3A_701 : vector<16xf32>
    %mul3A_706 = arith.mulf %mul3A_705, %bitcast_convert_type3A_701 : vector<16xf32>
    %sub3A_707 = arith.constant 1.500000e+00 : f32
    %sub3A_708 = vector.broadcast %sub3A_707 : f32 to vector<16xf32>
    %sub3A_709 = arith.subf %sub3A_708, %mul3A_706 : vector<16xf32>
    %mul3A_710 = arith.mulf %bitcast_convert_type3A_701, %sub3A_709 : vector<16xf32>
    %mul3A_711 = arith.mulf %mul3A_704, %mul3A_710 : vector<16xf32>
    %mul3A_712 = arith.mulf %mul3A_711, %mul3A_710 : vector<16xf32>
    %sub3A_713 = arith.constant 1.500000e+00 : f32
    %sub3A_714 = vector.broadcast %sub3A_713 : f32 to vector<16xf32>
    %sub3A_715 = arith.subf %sub3A_714, %mul3A_712 : vector<16xf32>
    %mul3A_716 = arith.mulf %mul3A_710, %sub3A_715 : vector<16xf32>
    %mul3A_717 = arith.mulf %mul3A_704, %mul3A_716 : vector<16xf32>
    %mul3A_718 = arith.mulf %mul3A_717, %mul3A_716 : vector<16xf32>
    %sub3A_719 = arith.constant 1.500000e+00 : f32
    %sub3A_720 = vector.broadcast %sub3A_719 : f32 to vector<16xf32>
    %sub3A_721 = arith.subf %sub3A_720, %mul3A_718 : vector<16xf32>
    %mul3A_722 = arith.mulf %mul3A_716, %sub3A_721 : vector<16xf32>
    %mul3A_723 = arith.mulf %gather3A_674, %gather3A_674 : vector<16xf32>
    %mul3A_724 = arith.mulf %gather3A_678, %gather3A_678 : vector<16xf32>
    %mul3A_725 = arith.mulf %gather3A_682, %gather3A_682 : vector<16xf32>
    %mul3A_726 = arith.mulf %gather3A_686, %gather3A_686 : vector<16xf32>
    %mul3A_727 = arith.mulf %gather3A_678, %gather3A_682 : vector<16xf32>
    %mul3A_728 = arith.mulf %gather3A_678, %gather3A_686 : vector<16xf32>
    %mul3A_729 = arith.mulf %gather3A_682, %gather3A_686 : vector<16xf32>
    %mul3A_730 = arith.mulf %gather3A_674, %gather3A_678 : vector<16xf32>
    %mul3A_731 = arith.mulf %gather3A_674, %gather3A_682 : vector<16xf32>
    %mul3A_732 = arith.mulf %gather3A_674, %gather3A_686 : vector<16xf32>
    %add3A_733 = arith.addf %mul3A_723, %mul3A_724 : vector<16xf32>
    %sub3A_734 = arith.subf %add3A_733, %mul3A_725 : vector<16xf32>
    %sub3A_735 = arith.subf %sub3A_734, %mul3A_726 : vector<16xf32>
    %mul3A_736 = arith.mulf %sub3A_735, %mul3A_722 : vector<16xf32>
    %sub3A_737 = arith.subf %mul3A_727, %mul3A_732 : vector<16xf32>
    %mul3A_738 = arith.constant 2.000000e+00 : f32
    %mul3A_739 = vector.broadcast %mul3A_738 : f32 to vector<16xf32>
    %mul3A_740 = arith.mulf %mul3A_739, %sub3A_737 : vector<16xf32>
    %mul3A_741 = arith.mulf %mul3A_740, %mul3A_722 : vector<16xf32>
    %add3A_742 = arith.addf %mul3A_728, %mul3A_731 : vector<16xf32>
    %mul3A_743 = arith.constant 2.000000e+00 : f32
    %mul3A_744 = vector.broadcast %mul3A_743 : f32 to vector<16xf32>
    %mul3A_745 = arith.mulf %mul3A_744, %add3A_742 : vector<16xf32>
    %mul3A_746 = arith.mulf %mul3A_745, %mul3A_722 : vector<16xf32>
    %add3A_747 = arith.addf %mul3A_727, %mul3A_732 : vector<16xf32>
    %mul3A_748 = arith.constant 2.000000e+00 : f32
    %mul3A_749 = vector.broadcast %mul3A_748 : f32 to vector<16xf32>
    %mul3A_750 = arith.mulf %mul3A_749, %add3A_747 : vector<16xf32>
    %mul3A_751 = arith.mulf %mul3A_750, %mul3A_722 : vector<16xf32>
    %sub3A_752 = arith.subf %mul3A_723, %mul3A_724 : vector<16xf32>
    %add3A_753 = arith.addf %sub3A_752, %mul3A_725 : vector<16xf32>
    %sub3A_754 = arith.subf %add3A_753, %mul3A_726 : vector<16xf32>
    %mul3A_755 = arith.mulf %sub3A_754, %mul3A_722 : vector<16xf32>
    %sub3A_756 = arith.subf %mul3A_729, %mul3A_730 : vector<16xf32>
    %mul3A_757 = arith.constant 2.000000e+00 : f32
    %mul3A_758 = vector.broadcast %mul3A_757 : f32 to vector<16xf32>
    %mul3A_759 = arith.mulf %mul3A_758, %sub3A_756 : vector<16xf32>
    %mul3A_760 = arith.mulf %mul3A_759, %mul3A_722 : vector<16xf32>
    %sub3A_761 = arith.subf %mul3A_728, %mul3A_731 : vector<16xf32>
    %mul3A_762 = arith.constant 2.000000e+00 : f32
    %mul3A_763 = vector.broadcast %mul3A_762 : f32 to vector<16xf32>
    %mul3A_764 = arith.mulf %mul3A_763, %sub3A_761 : vector<16xf32>
    %mul3A_765 = arith.mulf %mul3A_764, %mul3A_722 : vector<16xf32>
    %add3A_766 = arith.addf %mul3A_729, %mul3A_730 : vector<16xf32>
    %mul3A_767 = arith.constant 2.000000e+00 : f32
    %mul3A_768 = vector.broadcast %mul3A_767 : f32 to vector<16xf32>
    %mul3A_769 = arith.mulf %mul3A_768, %add3A_766 : vector<16xf32>
    %mul3A_770 = arith.mulf %mul3A_769, %mul3A_722 : vector<16xf32>
    %sub3A_771 = arith.subf %mul3A_723, %mul3A_724 : vector<16xf32>
    %sub3A_772 = arith.subf %sub3A_771, %mul3A_725 : vector<16xf32>
    %add3A_773 = arith.addf %sub3A_772, %mul3A_726 : vector<16xf32>
    %mul3A_774 = arith.mulf %add3A_773, %mul3A_722 : vector<16xf32>
    %swap3A_775 = arith.constant 33 : i32
    %swap3A_776 = arith.index_cast %swap3A_775 : i32 to index
    %swap3A_777 = arith.constant 0 : index
    %swap3A_778 = tpu.vector_load %arg9[%swap3A_776, %swap3A_777] {strides = array<i32>} : memref<42x16xf32, #tpu.memory_space<vmem>>, vector<16xf32>,
    tpu.vector_store %arg9[%swap3A_776, %swap3A_777], %mul3A_736 {strides = array<i32>} : memref<42x16xf32, #tpu.memory_space<vmem>>, vector<16xf32>,
    %swap3A_779 = arith.constant 34 : i32
    %swap3A_780 = arith.index_cast %swap3A_779 : i32 to index
    %swap3A_781 = arith.constant 0 : index
    %swap3A_782 = tpu.vector_load %arg9[%swap3A_780, %swap3A_781] {strides = array<i32>} : memref<42x16xf32, #tpu.memory_space<vmem>>, vector<16xf32>,
    tpu.vector_store %arg9[%swap3A_780, %swap3A_781], %mul3A_741 {strides = array<i32>} : memref<42x16xf32, #tpu.memory_space<vmem>>, vector<16xf32>,
    %swap3A_783 = arith.constant 35 : i32
    %swap3A_784 = arith.index_cast %swap3A_783 : i32 to index
    %swap3A_785 = arith.constant 0 : index
    %swap3A_786 = tpu.vector_load %arg9[%swap3A_784, %swap3A_785] {strides = array<i32>} : memref<42x16xf32, #tpu.memory_space<vmem>>, vector<16xf32>,
    tpu.vector_store %arg9[%swap3A_784, %swap3A_785], %mul3A_746 {strides = array<i32>} : memref<42x16xf32, #tpu.memory_space<vmem>>, vector<16xf32>,
    %swap3A_787 = arith.constant 36 : i32
    %swap3A_788 = arith.index_cast %swap3A_787 : i32 to index
    %swap3A_789 = arith.constant 0 : index
    %swap3A_790 = tpu.vector_load %arg9[%swap3A_788, %swap3A_789] {strides = array<i32>} : memref<42x16xf32, #tpu.memory_space<vmem>>, vector<16xf32>,
    tpu.vector_store %arg9[%swap3A_788, %swap3A_789], %mul3A_751 {strides = array<i32>} : memref<42x16xf32, #tpu.memory_space<vmem>>, vector<16xf32>,
    %swap3A_791 = arith.constant 37 : i32
    %swap3A_792 = arith.index_cast %swap3A_791 : i32 to index
    %swap3A_793 = arith.constant 0 : index
    %swap3A_794 = tpu.vector_load %arg9[%swap3A_792, %swap3A_793] {strides = array<i32>} : memref<42x16xf32, #tpu.memory_space<vmem>>, vector<16xf32>,
    tpu.vector_store %arg9[%swap3A_792, %swap3A_793], %mul3A_755 {strides = array<i32>} : memref<42x16xf32, #tpu.memory_space<vmem>>, vector<16xf32>,
    %swap3A_795 = arith.constant 38 : i32
    %swap3A_796 = arith.index_cast %swap3A_795 : i32 to index
    %swap3A_797 = arith.constant 0 : index
    %swap3A_798 = tpu.vector_load %arg9[%swap3A_796, %swap3A_797] {strides = array<i32>} : memref<42x16xf32, #tpu.memory_space<vmem>>, vector<16xf32>,
    tpu.vector_store %arg9[%swap3A_796, %swap3A_797], %mul3A_760 {strides = array<i32>} : memref<42x16xf32, #tpu.memory_space<vmem>>, vector<16xf32>,
    %swap3A_799 = arith.constant 39 : i32
    %swap3A_800 = arith.index_cast %swap3A_799 : i32 to index
    %swap3A_801 = arith.constant 0 : index
    %swap3A_802 = tpu.vector_load %arg9[%swap3A_800, %swap3A_801] {strides = array<i32>} : memref<42x16xf32, #tpu.memory_space<vmem>>, vector<16xf32>,
    tpu.vector_store %arg9[%swap3A_800, %swap3A_801], %mul3A_765 {strides = array<i32>} : memref<42x16xf32, #tpu.memory_space<vmem>>, vector<16xf32>,
    %swap3A_803 = arith.constant 40 : i32
    %swap3A_804 = arith.index_cast %swap3A_803 : i32 to index
    %swap3A_805 = arith.constant 0 : index
    %swap3A_806 = tpu.vector_load %arg9[%swap3A_804, %swap3A_805] {strides = array<i32>} : memref<42x16xf32, #tpu.memory_space<vmem>>, vector<16xf32>,
    tpu.vector_store %arg9[%swap3A_804, %swap3A_805], %mul3A_770 {strides = array<i32>} : memref<42x16xf32, #tpu.memory_space<vmem>>, vector<16xf32>,
    %swap3A_807 = arith.constant 41 : i32
    %swap3A_808 = arith.index_cast %swap3A_807 : i32 to index
    %swap3A_809 = arith.constant 0 : index
    %swap3A_810 = tpu.vector_load %arg9[%swap3A_808, %swap3A_809] {strides = array<i32>} : memref<42x16xf32, #tpu.memory_space<vmem>>, vector<16xf32>,
    tpu.vector_store %arg9[%swap3A_808, %swap3A_809], %mul3A_774 {strides = array<i32>} : memref<42x16xf32, #tpu.memory_space<vmem>>, vector<16xf32>,
    %broadcast_in_dim3A_811 = arith.constant 0.000000e+00 : f32
    %broadcast_in_dim3A_812 = vector.broadcast %broadcast_in_dim3A_811 : f32 to vector<16xf32>
    %parallel_loop3A = arith.constant 0 : i32
    %parallel_loop3A_813 = arith.constant 96 : i32
    %parallel_loop3A_814 = arith.constant 1 : i32
    %parallel_loop3A_815 = scf.for %parallel_loop3A_824 = %parallel_loop3A to %parallel_loop3A_813 step %parallel_loop3A_814 iter_args(%parallel_loop3A_825 = %broadcast_in_dim3A_812) -> (vector<16xf32>)  : i32 {
      %parallel_loop3A_826 = arith.constant 5 : i32
      %parallel_loop3A_827 = arith.shrsi %parallel_loop3A_824, %parallel_loop3A_826 : i32
      %parallel_loop3A_828 = arith.constant 5 : i32
      %parallel_loop3A_829 = arith.muli %parallel_loop3A_827, %parallel_loop3A_828 : i32
      %parallel_loop3A_830 = arith.constant 31 : i32
      %parallel_loop3A_831 = arith.andi %parallel_loop3A_824, %parallel_loop3A_830 : i32
      %parallel_loop3A_832 = arith.index_cast %parallel_loop3A_829 : i32 to index
      %parallel_loop3A_833 = arith.constant 0 : index
      %parallel_loop3A_834 = tpu.vector_load %arg9[%parallel_loop3A_832, %parallel_loop3A_833] {strides = array<i32>} : memref<42x16xf32, #tpu.memory_space<vmem>>, vector<16xf32>,
      %parallel_loop3A_835 = arith.constant 1 : i32
      %parallel_loop3A_836 = arith.addi %parallel_loop3A_829, %parallel_loop3A_835 : i32
      %parallel_loop3A_837 = arith.index_cast %parallel_loop3A_836 : i32 to index
      %parallel_loop3A_838 = arith.constant 0 : index
      %parallel_loop3A_839 = tpu.vector_load %arg9[%parallel_loop3A_837, %parallel_loop3A_838] {strides = array<i32>} : memref<42x16xf32, #tpu.memory_space<vmem>>, vector<16xf32>,
      %parallel_loop3A_840 = arith.constant 2 : i32
      %parallel_loop3A_841 = arith.addi %parallel_loop3A_829, %parallel_loop3A_840 : i32
      %parallel_loop3A_842 = arith.index_cast %parallel_loop3A_841 : i32 to index
      %parallel_loop3A_843 = arith.constant 0 : index
      %parallel_loop3A_844 = tpu.vector_load %arg9[%parallel_loop3A_842, %parallel_loop3A_843] {strides = array<i32>} : memref<42x16xf32, #tpu.memory_space<vmem>>, vector<16xf32>,
      %parallel_loop3A_845 = arith.constant 3 : i32
      %parallel_loop3A_846 = arith.addi %parallel_loop3A_829, %parallel_loop3A_845 : i32
      %parallel_loop3A_847 = arith.index_cast %parallel_loop3A_846 : i32 to index
      %parallel_loop3A_848 = arith.constant 0 : index
      %parallel_loop3A_849 = tpu.vector_load %arg9[%parallel_loop3A_847, %parallel_loop3A_848] {strides = array<i32>} : memref<42x16xf32, #tpu.memory_space<vmem>>, vector<16xf32>,
      %parallel_loop3A_850 = arith.constant 4 : i32
      %parallel_loop3A_851 = arith.addi %parallel_loop3A_829, %parallel_loop3A_850 : i32
      %parallel_loop3A_852 = arith.index_cast %parallel_loop3A_851 : i32 to index
      %parallel_loop3A_853 = arith.constant 0 : index
      %parallel_loop3A_854 = tpu.vector_load %arg9[%parallel_loop3A_852, %parallel_loop3A_853] {strides = array<i32>} : memref<42x16xf32, #tpu.memory_space<vmem>>, vector<16xf32>,
      %parallel_loop3A_855 = arith.index_cast %parallel_loop3A_831 : i32 to index
      %parallel_loop3A_856 = arith.constant 0 : index
      %parallel_loop3A_857 = tpu.vector_load %arg7[%parallel_loop3A_855, %parallel_loop3A_856] {strides = array<i32>} : memref<96x128xf32, #tpu.memory_space<vmem>>, vector<16xf32>,
      %parallel_loop3A_858 = arith.constant 32 : i32
      %parallel_loop3A_859 = arith.addi %parallel_loop3A_858, %parallel_loop3A_831 : i32
      %parallel_loop3A_860 = arith.index_cast %parallel_loop3A_859 : i32 to index
      %parallel_loop3A_861 = arith.constant 0 : index
      %parallel_loop3A_862 = tpu.vector_load %arg7[%parallel_loop3A_860, %parallel_loop3A_861] {strides = array<i32>} : memref<96x128xf32, #tpu.memory_space<vmem>>, vector<16xf32>,
      %parallel_loop3A_863 = arith.constant 64 : i32
      %parallel_loop3A_864 = arith.addi %parallel_loop3A_863, %parallel_loop3A_831 : i32
      %parallel_loop3A_865 = arith.index_cast %parallel_loop3A_864 : i32 to index
      %parallel_loop3A_866 = arith.constant 0 : index
      %parallel_loop3A_867 = tpu.vector_load %arg7[%parallel_loop3A_865, %parallel_loop3A_866] {strides = array<i32>} : memref<96x128xf32, #tpu.memory_space<vmem>>, vector<16xf32>,
      %parallel_loop3A_868 = arith.mulf %parallel_loop3A_834, %parallel_loop3A_857 : vector<16xf32>
      %parallel_loop3A_869 = arith.mulf %parallel_loop3A_839, %parallel_loop3A_862 : vector<16xf32>
      %parallel_loop3A_870 = arith.addf %parallel_loop3A_868, %parallel_loop3A_869 : vector<16xf32>
      %parallel_loop3A_871 = arith.mulf %parallel_loop3A_844, %parallel_loop3A_867 : vector<16xf32>
      %parallel_loop3A_872 = arith.addf %parallel_loop3A_870, %parallel_loop3A_871 : vector<16xf32>
      %parallel_loop3A_873 = arith.addf %parallel_loop3A_872, %parallel_loop3A_849 : vector<16xf32>
      %parallel_loop3A_874 = arith.mulf %parallel_loop3A_873, %parallel_loop3A_854 : vector<16xf32>
      %parallel_loop3A_875 = arith.mulf %parallel_loop3A_874, %parallel_loop3A_834 : vector<16xf32>
      %parallel_loop3A_876 = arith.subf %parallel_loop3A_857, %parallel_loop3A_875 : vector<16xf32>
      %parallel_loop3A_877 = arith.mulf %parallel_loop3A_874, %parallel_loop3A_839 : vector<16xf32>
      %parallel_loop3A_878 = arith.subf %parallel_loop3A_862, %parallel_loop3A_877 : vector<16xf32>
      %parallel_loop3A_879 = arith.mulf %parallel_loop3A_874, %parallel_loop3A_844 : vector<16xf32>
      %parallel_loop3A_880 = arith.subf %parallel_loop3A_867, %parallel_loop3A_879 : vector<16xf32>
      %parallel_loop3A_881 = arith.constant 0.000000e+00 : f32
      %parallel_loop3A_882 = arith.constant 3.200000e+01 : f32
      %parallel_loop3A_883 = vector.broadcast %parallel_loop3A_881 : f32 to vector<16xf32>
      %parallel_loop3A_884 = arith.maximumf %parallel_loop3A_883, %parallel_loop3A_876 : vector<16xf32>
      %parallel_loop3A_885 = vector.broadcast %parallel_loop3A_882 : f32 to vector<16xf32>
      %parallel_loop3A_886 = arith.minimumf %parallel_loop3A_885, %parallel_loop3A_884 : vector<16xf32>
      %parallel_loop3A_887 = arith.fptosi %parallel_loop3A_886 : vector<16xf32> to vector<16xi32>
      %parallel_loop3A_888 = arith.constant 0.000000e+00 : f32
      %parallel_loop3A_889 = arith.constant 3.200000e+01 : f32
      %parallel_loop3A_890 = vector.broadcast %parallel_loop3A_888 : f32 to vector<16xf32>
      %parallel_loop3A_891 = arith.maximumf %parallel_loop3A_890, %parallel_loop3A_878 : vector<16xf32>
      %parallel_loop3A_892 = vector.broadcast %parallel_loop3A_889 : f32 to vector<16xf32>
      %parallel_loop3A_893 = arith.minimumf %parallel_loop3A_892, %parallel_loop3A_891 : vector<16xf32>
      %parallel_loop3A_894 = arith.fptosi %parallel_loop3A_893 : vector<16xf32> to vector<16xi32>
      %parallel_loop3A_895 = arith.constant 0.000000e+00 : f32
      %parallel_loop3A_896 = arith.constant 3.200000e+01 : f32
      %parallel_loop3A_897 = vector.broadcast %parallel_loop3A_895 : f32 to vector<16xf32>
      %parallel_loop3A_898 = arith.maximumf %parallel_loop3A_897, %parallel_loop3A_880 : vector<16xf32>
      %parallel_loop3A_899 = vector.broadcast %parallel_loop3A_896 : f32 to vector<16xf32>
      %parallel_loop3A_900 = arith.minimumf %parallel_loop3A_899, %parallel_loop3A_898 : vector<16xf32>
      %parallel_loop3A_901 = arith.fptosi %parallel_loop3A_900 : vector<16xf32> to vector<16xi32>
      %parallel_loop3A_902 = arith.constant 1024 : i32
      %parallel_loop3A_903 = vector.broadcast %parallel_loop3A_902 : i32 to vector<16xi32>
      %parallel_loop3A_904 = arith.muli %parallel_loop3A_887, %parallel_loop3A_903 : vector<16xi32>
      %parallel_loop3A_905 = arith.constant 32 : i32
      %parallel_loop3A_906 = vector.broadcast %parallel_loop3A_905 : i32 to vector<16xi32>
      %parallel_loop3A_907 = arith.muli %parallel_loop3A_894, %parallel_loop3A_906 : vector<16xi32>
      %parallel_loop3A_908 = arith.addi %parallel_loop3A_904, %parallel_loop3A_907 : vector<16xi32>
      %parallel_loop3A_909 = arith.addi %parallel_loop3A_908, %parallel_loop3A_901 : vector<16xi32>
      %parallel_loop3A_910 = arith.constant 32767 : i32
      %parallel_loop3A_911 = vector.broadcast %parallel_loop3A_910 : i32 to vector<16xi32>
      %parallel_loop3A_912 = arith.minsi %parallel_loop3A_909, %parallel_loop3A_911 : vector<16xi32>
      %parallel_loop3A_913 = arith.constant 7 : i32
      %parallel_loop3A_914 = vector.broadcast %parallel_loop3A_913 : i32 to vector<16xi32>
      %parallel_loop3A_915 = arith.shrsi %parallel_loop3A_912, %parallel_loop3A_914 : vector<16xi32>
      %parallel_loop3A_916 = arith.constant 127 : i32
      %parallel_loop3A_917 = vector.broadcast %parallel_loop3A_916 : i32 to vector<16xi32>
      %parallel_loop3A_918 = arith.andi %parallel_loop3A_912, %parallel_loop3A_917 : vector<16xi32>
      %parallel_loop3A_919 = tpu.vector_load_idx %arg6[%parallel_loop3A_915, %parallel_loop3A_918] : memref<768x128xf32, #tpu.memory_space<vmem>>[vector<16xi32>, vector<16xi32>], vector<16xf32>,
      %parallel_loop3A_920 = arith.constant 256 : i32
      %parallel_loop3A_921 = vector.broadcast %parallel_loop3A_920 : i32 to vector<16xi32>
      %parallel_loop3A_922 = arith.addi %parallel_loop3A_915, %parallel_loop3A_921 : vector<16xi32>
      %parallel_loop3A_923 = tpu.vector_load_idx %arg6[%parallel_loop3A_922, %parallel_loop3A_918] : memref<768x128xf32, #tpu.memory_space<vmem>>[vector<16xi32>, vector<16xi32>], vector<16xf32>,
      %parallel_loop3A_924 = arith.constant 512 : i32
      %parallel_loop3A_925 = vector.broadcast %parallel_loop3A_924 : i32 to vector<16xi32>
      %parallel_loop3A_926 = arith.addi %parallel_loop3A_915, %parallel_loop3A_925 : vector<16xi32>
      %parallel_loop3A_927 = tpu.vector_load_idx %arg6[%parallel_loop3A_926, %parallel_loop3A_918] : memref<768x128xf32, #tpu.memory_space<vmem>>[vector<16xi32>, vector<16xi32>], vector<16xf32>,
      %parallel_loop3A_928 = arith.subf %parallel_loop3A_876, %parallel_loop3A_919 : vector<16xf32>
      %parallel_loop3A_929 = arith.subf %parallel_loop3A_878, %parallel_loop3A_923 : vector<16xf32>
      %parallel_loop3A_930 = arith.subf %parallel_loop3A_880, %parallel_loop3A_927 : vector<16xf32>
      %parallel_loop3A_931 = arith.mulf %parallel_loop3A_928, %parallel_loop3A_928 : vector<16xf32>
      %parallel_loop3A_932 = arith.mulf %parallel_loop3A_929, %parallel_loop3A_929 : vector<16xf32>
      %parallel_loop3A_933 = arith.addf %parallel_loop3A_931, %parallel_loop3A_932 : vector<16xf32>
      %parallel_loop3A_934 = arith.mulf %parallel_loop3A_930, %parallel_loop3A_930 : vector<16xf32>
      %parallel_loop3A_935 = arith.addf %parallel_loop3A_933, %parallel_loop3A_934 : vector<16xf32>
      %parallel_loop3A_936 = arith.constant 9.99999968E-21 : f32
      %parallel_loop3A_937 = vector.broadcast %parallel_loop3A_936 : f32 to vector<16xf32>
      %parallel_loop3A_938 = arith.maximumf %parallel_loop3A_935, %parallel_loop3A_937 : vector<16xf32>
      %parallel_loop3A_939 = tpu.bitcast %parallel_loop3A_938 : vector<16xf32> -> vector<16xi32>
      %parallel_loop3A_940 = arith.constant 1 : i32
      %parallel_loop3A_941 = vector.broadcast %parallel_loop3A_940 : i32 to vector<16xi32>
      %parallel_loop3A_942 = arith.shrsi %parallel_loop3A_939, %parallel_loop3A_941 : vector<16xi32>
      %parallel_loop3A_943 = arith.constant 1597463007 : i32
      %parallel_loop3A_944 = vector.broadcast %parallel_loop3A_943 : i32 to vector<16xi32>
      %parallel_loop3A_945 = arith.subi %parallel_loop3A_944, %parallel_loop3A_942 : vector<16xi32>
      %parallel_loop3A_946 = tpu.bitcast %parallel_loop3A_945 : vector<16xi32> -> vector<16xf32>
      %parallel_loop3A_947 = arith.constant 5.000000e-01 : f32
      %parallel_loop3A_948 = vector.broadcast %parallel_loop3A_947 : f32 to vector<16xf32>
      %parallel_loop3A_949 = arith.mulf %parallel_loop3A_948, %parallel_loop3A_938 : vector<16xf32>
      %parallel_loop3A_950 = arith.mulf %parallel_loop3A_949, %parallel_loop3A_946 : vector<16xf32>
      %parallel_loop3A_951 = arith.mulf %parallel_loop3A_950, %parallel_loop3A_946 : vector<16xf32>
      %parallel_loop3A_952 = arith.constant 1.500000e+00 : f32
      %parallel_loop3A_953 = vector.broadcast %parallel_loop3A_952 : f32 to vector<16xf32>
      %parallel_loop3A_954 = arith.subf %parallel_loop3A_953, %parallel_loop3A_951 : vector<16xf32>
      %parallel_loop3A_955 = arith.mulf %parallel_loop3A_946, %parallel_loop3A_954 : vector<16xf32>
      %parallel_loop3A_956 = arith.mulf %parallel_loop3A_949, %parallel_loop3A_955 : vector<16xf32>
      %parallel_loop3A_957 = arith.mulf %parallel_loop3A_956, %parallel_loop3A_955 : vector<16xf32>
      %parallel_loop3A_958 = arith.constant 1.500000e+00 : f32
      %parallel_loop3A_959 = vector.broadcast %parallel_loop3A_958 : f32 to vector<16xf32>
      %parallel_loop3A_960 = arith.subf %parallel_loop3A_959, %parallel_loop3A_957 : vector<16xf32>
      %parallel_loop3A_961 = arith.mulf %parallel_loop3A_955, %parallel_loop3A_960 : vector<16xf32>
      %parallel_loop3A_962 = arith.mulf %parallel_loop3A_935, %parallel_loop3A_961 : vector<16xf32>
      %parallel_loop3A_963 = arith.addf %parallel_loop3A_825, %parallel_loop3A_962 : vector<16xf32>
      %parallel_loop3A_964 = arith.index_cast %parallel_loop3A_831 : i32 to index
      %parallel_loop3A_965 = arith.constant 16 : index
      %parallel_loop3A_966 = tpu.vector_load %arg7[%parallel_loop3A_964, %parallel_loop3A_965] {strides = array<i32>} : memref<96x128xf32, #tpu.memory_space<vmem>>, vector<16xf32>,
      %parallel_loop3A_967 = arith.constant 32 : i32
      %parallel_loop3A_968 = arith.addi %parallel_loop3A_967, %parallel_loop3A_831 : i32
      %parallel_loop3A_969 = arith.index_cast %parallel_loop3A_968 : i32 to index
      %parallel_loop3A_970 = arith.constant 16 : index
      %parallel_loop3A_971 = tpu.vector_load %arg7[%parallel_loop3A_969, %parallel_loop3A_970] {strides = array<i32>} : memref<96x128xf32, #tpu.memory_space<vmem>>, vector<16xf32>,
      %parallel_loop3A_972 = arith.constant 64 : i32
      %parallel_loop3A_973 = arith.addi %parallel_loop3A_972, %parallel_loop3A_831 : i32
      %parallel_loop3A_974 = arith.index_cast %parallel_loop3A_973 : i32 to index
      %parallel_loop3A_975 = arith.constant 16 : index
      %parallel_loop3A_976 = tpu.vector_load %arg7[%parallel_loop3A_974, %parallel_loop3A_975] {strides = array<i32>} : memref<96x128xf32, #tpu.memory_space<vmem>>, vector<16xf32>,
      %parallel_loop3A_977 = arith.mulf %parallel_loop3A_834, %parallel_loop3A_966 : vector<16xf32>
      %parallel_loop3A_978 = arith.mulf %parallel_loop3A_839, %parallel_loop3A_971 : vector<16xf32>
      %parallel_loop3A_979 = arith.addf %parallel_loop3A_977, %parallel_loop3A_978 : vector<16xf32>
      %parallel_loop3A_980 = arith.mulf %parallel_loop3A_844, %parallel_loop3A_976 : vector<16xf32>
      %parallel_loop3A_981 = arith.addf %parallel_loop3A_979, %parallel_loop3A_980 : vector<16xf32>
      %parallel_loop3A_982 = arith.addf %parallel_loop3A_981, %parallel_loop3A_849 : vector<16xf32>
      %parallel_loop3A_983 = arith.mulf %parallel_loop3A_982, %parallel_loop3A_854 : vector<16xf32>
      %parallel_loop3A_984 = arith.mulf %parallel_loop3A_983, %parallel_loop3A_834 : vector<16xf32>
      %parallel_loop3A_985 = arith.subf %parallel_loop3A_966, %parallel_loop3A_984 : vector<16xf32>
      %parallel_loop3A_986 = arith.mulf %parallel_loop3A_983, %parallel_loop3A_839 : vector<16xf32>
      %parallel_loop3A_987 = arith.subf %parallel_loop3A_971, %parallel_loop3A_986 : vector<16xf32>
      %parallel_loop3A_988 = arith.mulf %parallel_loop3A_983, %parallel_loop3A_844 : vector<16xf32>
      %parallel_loop3A_989 = arith.subf %parallel_loop3A_976, %parallel_loop3A_988 : vector<16xf32>
      %parallel_loop3A_990 = arith.constant 0.000000e+00 : f32
      %parallel_loop3A_991 = arith.constant 3.200000e+01 : f32
      %parallel_loop3A_992 = vector.broadcast %parallel_loop3A_990 : f32 to vector<16xf32>
      %parallel_loop3A_993 = arith.maximumf %parallel_loop3A_992, %parallel_loop3A_985 : vector<16xf32>
      %parallel_loop3A_994 = vector.broadcast %parallel_loop3A_991 : f32 to vector<16xf32>
      %parallel_loop3A_995 = arith.minimumf %parallel_loop3A_994, %parallel_loop3A_993 : vector<16xf32>
      %parallel_loop3A_996 = arith.fptosi %parallel_loop3A_995 : vector<16xf32> to vector<16xi32>
      %parallel_loop3A_997 = arith.constant 0.000000e+00 : f32
      %parallel_loop3A_998 = arith.constant 3.200000e+01 : f32
      %parallel_loop3A_999 = vector.broadcast %parallel_loop3A_997 : f32 to vector<16xf32>
      %parallel_loop3A_1000 = arith.maximumf %parallel_loop3A_999, %parallel_loop3A_987 : vector<16xf32>
      %parallel_loop3A_1001 = vector.broadcast %parallel_loop3A_998 : f32 to vector<16xf32>
      %parallel_loop3A_1002 = arith.minimumf %parallel_loop3A_1001, %parallel_loop3A_1000 : vector<16xf32>
      %parallel_loop3A_1003 = arith.fptosi %parallel_loop3A_1002 : vector<16xf32> to vector<16xi32>
      %parallel_loop3A_1004 = arith.constant 0.000000e+00 : f32
      %parallel_loop3A_1005 = arith.constant 3.200000e+01 : f32
      %parallel_loop3A_1006 = vector.broadcast %parallel_loop3A_1004 : f32 to vector<16xf32>
      %parallel_loop3A_1007 = arith.maximumf %parallel_loop3A_1006, %parallel_loop3A_989 : vector<16xf32>
      %parallel_loop3A_1008 = vector.broadcast %parallel_loop3A_1005 : f32 to vector<16xf32>
      %parallel_loop3A_1009 = arith.minimumf %parallel_loop3A_1008, %parallel_loop3A_1007 : vector<16xf32>
      %parallel_loop3A_1010 = arith.fptosi %parallel_loop3A_1009 : vector<16xf32> to vector<16xi32>
      %parallel_loop3A_1011 = arith.constant 1024 : i32
      %parallel_loop3A_1012 = vector.broadcast %parallel_loop3A_1011 : i32 to vector<16xi32>
      %parallel_loop3A_1013 = arith.muli %parallel_loop3A_996, %parallel_loop3A_1012 : vector<16xi32>
      %parallel_loop3A_1014 = arith.constant 32 : i32
      %parallel_loop3A_1015 = vector.broadcast %parallel_loop3A_1014 : i32 to vector<16xi32>
      %parallel_loop3A_1016 = arith.muli %parallel_loop3A_1003, %parallel_loop3A_1015 : vector<16xi32>
      %parallel_loop3A_1017 = arith.addi %parallel_loop3A_1013, %parallel_loop3A_1016 : vector<16xi32>
      %parallel_loop3A_1018 = arith.addi %parallel_loop3A_1017, %parallel_loop3A_1010 : vector<16xi32>
      %parallel_loop3A_1019 = arith.constant 32767 : i32
      %parallel_loop3A_1020 = vector.broadcast %parallel_loop3A_1019 : i32 to vector<16xi32>
      %parallel_loop3A_1021 = arith.minsi %parallel_loop3A_1018, %parallel_loop3A_1020 : vector<16xi32>
      %parallel_loop3A_1022 = arith.constant 7 : i32
      %parallel_loop3A_1023 = vector.broadcast %parallel_loop3A_1022 : i32 to vector<16xi32>
      %parallel_loop3A_1024 = arith.shrsi %parallel_loop3A_1021, %parallel_loop3A_1023 : vector<16xi32>
      %parallel_loop3A_1025 = arith.constant 127 : i32
      %parallel_loop3A_1026 = vector.broadcast %parallel_loop3A_1025 : i32 to vector<16xi32>
      %parallel_loop3A_1027 = arith.andi %parallel_loop3A_1021, %parallel_loop3A_1026 : vector<16xi32>
      %parallel_loop3A_1028 = tpu.vector_load_idx %arg6[%parallel_loop3A_1024, %parallel_loop3A_1027] : memref<768x128xf32, #tpu.memory_space<vmem>>[vector<16xi32>, vector<16xi32>], vector<16xf32>,
      %parallel_loop3A_1029 = arith.constant 256 : i32
      %parallel_loop3A_1030 = vector.broadcast %parallel_loop3A_1029 : i32 to vector<16xi32>
      %parallel_loop3A_1031 = arith.addi %parallel_loop3A_1024, %parallel_loop3A_1030 : vector<16xi32>
      %parallel_loop3A_1032 = tpu.vector_load_idx %arg6[%parallel_loop3A_1031, %parallel_loop3A_1027] : memref<768x128xf32, #tpu.memory_space<vmem>>[vector<16xi32>, vector<16xi32>], vector<16xf32>,
      %parallel_loop3A_1033 = arith.constant 512 : i32
      %parallel_loop3A_1034 = vector.broadcast %parallel_loop3A_1033 : i32 to vector<16xi32>
      %parallel_loop3A_1035 = arith.addi %parallel_loop3A_1024, %parallel_loop3A_1034 : vector<16xi32>
      %parallel_loop3A_1036 = tpu.vector_load_idx %arg6[%parallel_loop3A_1035, %parallel_loop3A_1027] : memref<768x128xf32, #tpu.memory_space<vmem>>[vector<16xi32>, vector<16xi32>], vector<16xf32>,
      %parallel_loop3A_1037 = arith.subf %parallel_loop3A_985, %parallel_loop3A_1028 : vector<16xf32>
      %parallel_loop3A_1038 = arith.subf %parallel_loop3A_987, %parallel_loop3A_1032 : vector<16xf32>
      %parallel_loop3A_1039 = arith.subf %parallel_loop3A_989, %parallel_loop3A_1036 : vector<16xf32>
      %parallel_loop3A_1040 = arith.mulf %parallel_loop3A_1037, %parallel_loop3A_1037 : vector<16xf32>
      %parallel_loop3A_1041 = arith.mulf %parallel_loop3A_1038, %parallel_loop3A_1038 : vector<16xf32>
      %parallel_loop3A_1042 = arith.addf %parallel_loop3A_1040, %parallel_loop3A_1041 : vector<16xf32>
      %parallel_loop3A_1043 = arith.mulf %parallel_loop3A_1039, %parallel_loop3A_1039 : vector<16xf32>
      %parallel_loop3A_1044 = arith.addf %parallel_loop3A_1042, %parallel_loop3A_1043 : vector<16xf32>
      %parallel_loop3A_1045 = arith.constant 9.99999968E-21 : f32
      %parallel_loop3A_1046 = vector.broadcast %parallel_loop3A_1045 : f32 to vector<16xf32>
      %parallel_loop3A_1047 = arith.maximumf %parallel_loop3A_1044, %parallel_loop3A_1046 : vector<16xf32>
      %parallel_loop3A_1048 = tpu.bitcast %parallel_loop3A_1047 : vector<16xf32> -> vector<16xi32>
      %parallel_loop3A_1049 = arith.constant 1 : i32
      %parallel_loop3A_1050 = vector.broadcast %parallel_loop3A_1049 : i32 to vector<16xi32>
      %parallel_loop3A_1051 = arith.shrsi %parallel_loop3A_1048, %parallel_loop3A_1050 : vector<16xi32>
      %parallel_loop3A_1052 = arith.constant 1597463007 : i32
      %parallel_loop3A_1053 = vector.broadcast %parallel_loop3A_1052 : i32 to vector<16xi32>
      %parallel_loop3A_1054 = arith.subi %parallel_loop3A_1053, %parallel_loop3A_1051 : vector<16xi32>
      %parallel_loop3A_1055 = tpu.bitcast %parallel_loop3A_1054 : vector<16xi32> -> vector<16xf32>
      %parallel_loop3A_1056 = arith.constant 5.000000e-01 : f32
      %parallel_loop3A_1057 = vector.broadcast %parallel_loop3A_1056 : f32 to vector<16xf32>
      %parallel_loop3A_1058 = arith.mulf %parallel_loop3A_1057, %parallel_loop3A_1047 : vector<16xf32>
      %parallel_loop3A_1059 = arith.mulf %parallel_loop3A_1058, %parallel_loop3A_1055 : vector<16xf32>
      %parallel_loop3A_1060 = arith.mulf %parallel_loop3A_1059, %parallel_loop3A_1055 : vector<16xf32>
      %parallel_loop3A_1061 = arith.constant 1.500000e+00 : f32
      %parallel_loop3A_1062 = vector.broadcast %parallel_loop3A_1061 : f32 to vector<16xf32>
      %parallel_loop3A_1063 = arith.subf %parallel_loop3A_1062, %parallel_loop3A_1060 : vector<16xf32>
      %parallel_loop3A_1064 = arith.mulf %parallel_loop3A_1055, %parallel_loop3A_1063 : vector<16xf32>
      %parallel_loop3A_1065 = arith.mulf %parallel_loop3A_1058, %parallel_loop3A_1064 : vector<16xf32>
      %parallel_loop3A_1066 = arith.mulf %parallel_loop3A_1065, %parallel_loop3A_1064 : vector<16xf32>
      %parallel_loop3A_1067 = arith.constant 1.500000e+00 : f32
      %parallel_loop3A_1068 = vector.broadcast %parallel_loop3A_1067 : f32 to vector<16xf32>
      %parallel_loop3A_1069 = arith.subf %parallel_loop3A_1068, %parallel_loop3A_1066 : vector<16xf32>
      %parallel_loop3A_1070 = arith.mulf %parallel_loop3A_1064, %parallel_loop3A_1069 : vector<16xf32>
      %parallel_loop3A_1071 = arith.mulf %parallel_loop3A_1044, %parallel_loop3A_1070 : vector<16xf32>
      %parallel_loop3A_1072 = arith.addf %parallel_loop3A_963, %parallel_loop3A_1071 : vector<16xf32>
      %parallel_loop3A_1073 = arith.index_cast %parallel_loop3A_831 : i32 to index
      %parallel_loop3A_1074 = arith.constant 32 : index
      %parallel_loop3A_1075 = tpu.vector_load %arg7[%parallel_loop3A_1073, %parallel_loop3A_1074] {strides = array<i32>} : memref<96x128xf32, #tpu.memory_space<vmem>>, vector<16xf32>,
      %parallel_loop3A_1076 = arith.constant 32 : i32
      %parallel_loop3A_1077 = arith.addi %parallel_loop3A_1076, %parallel_loop3A_831 : i32
      %parallel_loop3A_1078 = arith.index_cast %parallel_loop3A_1077 : i32 to index
      %parallel_loop3A_1079 = arith.constant 32 : index
      %parallel_loop3A_1080 = tpu.vector_load %arg7[%parallel_loop3A_1078, %parallel_loop3A_1079] {strides = array<i32>} : memref<96x128xf32, #tpu.memory_space<vmem>>, vector<16xf32>,
      %parallel_loop3A_1081 = arith.constant 64 : i32
      %parallel_loop3A_1082 = arith.addi %parallel_loop3A_1081, %parallel_loop3A_831 : i32
      %parallel_loop3A_1083 = arith.index_cast %parallel_loop3A_1082 : i32 to index
      %parallel_loop3A_1084 = arith.constant 32 : index
      %parallel_loop3A_1085 = tpu.vector_load %arg7[%parallel_loop3A_1083, %parallel_loop3A_1084] {strides = array<i32>} : memref<96x128xf32, #tpu.memory_space<vmem>>, vector<16xf32>,
      %parallel_loop3A_1086 = arith.mulf %parallel_loop3A_834, %parallel_loop3A_1075 : vector<16xf32>
      %parallel_loop3A_1087 = arith.mulf %parallel_loop3A_839, %parallel_loop3A_1080 : vector<16xf32>
      %parallel_loop3A_1088 = arith.addf %parallel_loop3A_1086, %parallel_loop3A_1087 : vector<16xf32>
      %parallel_loop3A_1089 = arith.mulf %parallel_loop3A_844, %parallel_loop3A_1085 : vector<16xf32>
      %parallel_loop3A_1090 = arith.addf %parallel_loop3A_1088, %parallel_loop3A_1089 : vector<16xf32>
      %parallel_loop3A_1091 = arith.addf %parallel_loop3A_1090, %parallel_loop3A_849 : vector<16xf32>
      %parallel_loop3A_1092 = arith.mulf %parallel_loop3A_1091, %parallel_loop3A_854 : vector<16xf32>
      %parallel_loop3A_1093 = arith.mulf %parallel_loop3A_1092, %parallel_loop3A_834 : vector<16xf32>
      %parallel_loop3A_1094 = arith.subf %parallel_loop3A_1075, %parallel_loop3A_1093 : vector<16xf32>
      %parallel_loop3A_1095 = arith.mulf %parallel_loop3A_1092, %parallel_loop3A_839 : vector<16xf32>
      %parallel_loop3A_1096 = arith.subf %parallel_loop3A_1080, %parallel_loop3A_1095 : vector<16xf32>
      %parallel_loop3A_1097 = arith.mulf %parallel_loop3A_1092, %parallel_loop3A_844 : vector<16xf32>
      %parallel_loop3A_1098 = arith.subf %parallel_loop3A_1085, %parallel_loop3A_1097 : vector<16xf32>
      %parallel_loop3A_1099 = arith.constant 0.000000e+00 : f32
      %parallel_loop3A_1100 = arith.constant 3.200000e+01 : f32
      %parallel_loop3A_1101 = vector.broadcast %parallel_loop3A_1099 : f32 to vector<16xf32>
      %parallel_loop3A_1102 = arith.maximumf %parallel_loop3A_1101, %parallel_loop3A_1094 : vector<16xf32>
      %parallel_loop3A_1103 = vector.broadcast %parallel_loop3A_1100 : f32 to vector<16xf32>
      %parallel_loop3A_1104 = arith.minimumf %parallel_loop3A_1103, %parallel_loop3A_1102 : vector<16xf32>
      %parallel_loop3A_1105 = arith.fptosi %parallel_loop3A_1104 : vector<16xf32> to vector<16xi32>
      %parallel_loop3A_1106 = arith.constant 0.000000e+00 : f32
      %parallel_loop3A_1107 = arith.constant 3.200000e+01 : f32
      %parallel_loop3A_1108 = vector.broadcast %parallel_loop3A_1106 : f32 to vector<16xf32>
      %parallel_loop3A_1109 = arith.maximumf %parallel_loop3A_1108, %parallel_loop3A_1096 : vector<16xf32>
      %parallel_loop3A_1110 = vector.broadcast %parallel_loop3A_1107 : f32 to vector<16xf32>
      %parallel_loop3A_1111 = arith.minimumf %parallel_loop3A_1110, %parallel_loop3A_1109 : vector<16xf32>
      %parallel_loop3A_1112 = arith.fptosi %parallel_loop3A_1111 : vector<16xf32> to vector<16xi32>
      %parallel_loop3A_1113 = arith.constant 0.000000e+00 : f32
      %parallel_loop3A_1114 = arith.constant 3.200000e+01 : f32
      %parallel_loop3A_1115 = vector.broadcast %parallel_loop3A_1113 : f32 to vector<16xf32>
      %parallel_loop3A_1116 = arith.maximumf %parallel_loop3A_1115, %parallel_loop3A_1098 : vector<16xf32>
      %parallel_loop3A_1117 = vector.broadcast %parallel_loop3A_1114 : f32 to vector<16xf32>
      %parallel_loop3A_1118 = arith.minimumf %parallel_loop3A_1117, %parallel_loop3A_1116 : vector<16xf32>
      %parallel_loop3A_1119 = arith.fptosi %parallel_loop3A_1118 : vector<16xf32> to vector<16xi32>
      %parallel_loop3A_1120 = arith.constant 1024 : i32
      %parallel_loop3A_1121 = vector.broadcast %parallel_loop3A_1120 : i32 to vector<16xi32>
      %parallel_loop3A_1122 = arith.muli %parallel_loop3A_1105, %parallel_loop3A_1121 : vector<16xi32>
      %parallel_loop3A_1123 = arith.constant 32 : i32
      %parallel_loop3A_1124 = vector.broadcast %parallel_loop3A_1123 : i32 to vector<16xi32>
      %parallel_loop3A_1125 = arith.muli %parallel_loop3A_1112, %parallel_loop3A_1124 : vector<16xi32>
      %parallel_loop3A_1126 = arith.addi %parallel_loop3A_1122, %parallel_loop3A_1125 : vector<16xi32>
      %parallel_loop3A_1127 = arith.addi %parallel_loop3A_1126, %parallel_loop3A_1119 : vector<16xi32>
      %parallel_loop3A_1128 = arith.constant 32767 : i32
      %parallel_loop3A_1129 = vector.broadcast %parallel_loop3A_1128 : i32 to vector<16xi32>
      %parallel_loop3A_1130 = arith.minsi %parallel_loop3A_1127, %parallel_loop3A_1129 : vector<16xi32>
      %parallel_loop3A_1131 = arith.constant 7 : i32
      %parallel_loop3A_1132 = vector.broadcast %parallel_loop3A_1131 : i32 to vector<16xi32>
      %parallel_loop3A_1133 = arith.shrsi %parallel_loop3A_1130, %parallel_loop3A_1132 : vector<16xi32>
      %parallel_loop3A_1134 = arith.constant 127 : i32
      %parallel_loop3A_1135 = vector.broadcast %parallel_loop3A_1134 : i32 to vector<16xi32>
      %parallel_loop3A_1136 = arith.andi %parallel_loop3A_1130, %parallel_loop3A_1135 : vector<16xi32>
      %parallel_loop3A_1137 = tpu.vector_load_idx %arg6[%parallel_loop3A_1133, %parallel_loop3A_1136] : memref<768x128xf32, #tpu.memory_space<vmem>>[vector<16xi32>, vector<16xi32>], vector<16xf32>,
      %parallel_loop3A_1138 = arith.constant 256 : i32
      %parallel_loop3A_1139 = vector.broadcast %parallel_loop3A_1138 : i32 to vector<16xi32>
      %parallel_loop3A_1140 = arith.addi %parallel_loop3A_1133, %parallel_loop3A_1139 : vector<16xi32>
      %parallel_loop3A_1141 = tpu.vector_load_idx %arg6[%parallel_loop3A_1140, %parallel_loop3A_1136] : memref<768x128xf32, #tpu.memory_space<vmem>>[vector<16xi32>, vector<16xi32>], vector<16xf32>,
      %parallel_loop3A_1142 = arith.constant 512 : i32
      %parallel_loop3A_1143 = vector.broadcast %parallel_loop3A_1142 : i32 to vector<16xi32>
      %parallel_loop3A_1144 = arith.addi %parallel_loop3A_1133, %parallel_loop3A_1143 : vector<16xi32>
      %parallel_loop3A_1145 = tpu.vector_load_idx %arg6[%parallel_loop3A_1144, %parallel_loop3A_1136] : memref<768x128xf32, #tpu.memory_space<vmem>>[vector<16xi32>, vector<16xi32>], vector<16xf32>,
      %parallel_loop3A_1146 = arith.subf %parallel_loop3A_1094, %parallel_loop3A_1137 : vector<16xf32>
      %parallel_loop3A_1147 = arith.subf %parallel_loop3A_1096, %parallel_loop3A_1141 : vector<16xf32>
      %parallel_loop3A_1148 = arith.subf %parallel_loop3A_1098, %parallel_loop3A_1145 : vector<16xf32>
      %parallel_loop3A_1149 = arith.mulf %parallel_loop3A_1146, %parallel_loop3A_1146 : vector<16xf32>
      %parallel_loop3A_1150 = arith.mulf %parallel_loop3A_1147, %parallel_loop3A_1147 : vector<16xf32>
      %parallel_loop3A_1151 = arith.addf %parallel_loop3A_1149, %parallel_loop3A_1150 : vector<16xf32>
      %parallel_loop3A_1152 = arith.mulf %parallel_loop3A_1148, %parallel_loop3A_1148 : vector<16xf32>
      %parallel_loop3A_1153 = arith.addf %parallel_loop3A_1151, %parallel_loop3A_1152 : vector<16xf32>
      %parallel_loop3A_1154 = arith.constant 9.99999968E-21 : f32
      %parallel_loop3A_1155 = vector.broadcast %parallel_loop3A_1154 : f32 to vector<16xf32>
      %parallel_loop3A_1156 = arith.maximumf %parallel_loop3A_1153, %parallel_loop3A_1155 : vector<16xf32>
      %parallel_loop3A_1157 = tpu.bitcast %parallel_loop3A_1156 : vector<16xf32> -> vector<16xi32>
      %parallel_loop3A_1158 = arith.constant 1 : i32
      %parallel_loop3A_1159 = vector.broadcast %parallel_loop3A_1158 : i32 to vector<16xi32>
      %parallel_loop3A_1160 = arith.shrsi %parallel_loop3A_1157, %parallel_loop3A_1159 : vector<16xi32>
      %parallel_loop3A_1161 = arith.constant 1597463007 : i32
      %parallel_loop3A_1162 = vector.broadcast %parallel_loop3A_1161 : i32 to vector<16xi32>
      %parallel_loop3A_1163 = arith.subi %parallel_loop3A_1162, %parallel_loop3A_1160 : vector<16xi32>
      %parallel_loop3A_1164 = tpu.bitcast %parallel_loop3A_1163 : vector<16xi32> -> vector<16xf32>
      %parallel_loop3A_1165 = arith.constant 5.000000e-01 : f32
      %parallel_loop3A_1166 = vector.broadcast %parallel_loop3A_1165 : f32 to vector<16xf32>
      %parallel_loop3A_1167 = arith.mulf %parallel_loop3A_1166, %parallel_loop3A_1156 : vector<16xf32>
      %parallel_loop3A_1168 = arith.mulf %parallel_loop3A_1167, %parallel_loop3A_1164 : vector<16xf32>
      %parallel_loop3A_1169 = arith.mulf %parallel_loop3A_1168, %parallel_loop3A_1164 : vector<16xf32>
      %parallel_loop3A_1170 = arith.constant 1.500000e+00 : f32
      %parallel_loop3A_1171 = vector.broadcast %parallel_loop3A_1170 : f32 to vector<16xf32>
      %parallel_loop3A_1172 = arith.subf %parallel_loop3A_1171, %parallel_loop3A_1169 : vector<16xf32>
      %parallel_loop3A_1173 = arith.mulf %parallel_loop3A_1164, %parallel_loop3A_1172 : vector<16xf32>
      %parallel_loop3A_1174 = arith.mulf %parallel_loop3A_1167, %parallel_loop3A_1173 : vector<16xf32>
      %parallel_loop3A_1175 = arith.mulf %parallel_loop3A_1174, %parallel_loop3A_1173 : vector<16xf32>
      %parallel_loop3A_1176 = arith.constant 1.500000e+00 : f32
      %parallel_loop3A_1177 = vector.broadcast %parallel_loop3A_1176 : f32 to vector<16xf32>
      %parallel_loop3A_1178 = arith.subf %parallel_loop3A_1177, %parallel_loop3A_1175 : vector<16xf32>
      %parallel_loop3A_1179 = arith.mulf %parallel_loop3A_1173, %parallel_loop3A_1178 : vector<16xf32>
      %parallel_loop3A_1180 = arith.mulf %parallel_loop3A_1153, %parallel_loop3A_1179 : vector<16xf32>
      %parallel_loop3A_1181 = arith.addf %parallel_loop3A_1072, %parallel_loop3A_1180 : vector<16xf32>
      %parallel_loop3A_1182 = arith.index_cast %parallel_loop3A_831 : i32 to index
      %parallel_loop3A_1183 = arith.constant 48 : index
      %parallel_loop3A_1184 = tpu.vector_load %arg7[%parallel_loop3A_1182, %parallel_loop3A_1183] {strides = array<i32>} : memref<96x128xf32, #tpu.memory_space<vmem>>, vector<16xf32>,
      %parallel_loop3A_1185 = arith.constant 32 : i32
      %parallel_loop3A_1186 = arith.addi %parallel_loop3A_1185, %parallel_loop3A_831 : i32
      %parallel_loop3A_1187 = arith.index_cast %parallel_loop3A_1186 : i32 to index
      %parallel_loop3A_1188 = arith.constant 48 : index
      %parallel_loop3A_1189 = tpu.vector_load %arg7[%parallel_loop3A_1187, %parallel_loop3A_1188] {strides = array<i32>} : memref<96x128xf32, #tpu.memory_space<vmem>>, vector<16xf32>,
      %parallel_loop3A_1190 = arith.constant 64 : i32
      %parallel_loop3A_1191 = arith.addi %parallel_loop3A_1190, %parallel_loop3A_831 : i32
      %parallel_loop3A_1192 = arith.index_cast %parallel_loop3A_1191 : i32 to index
      %parallel_loop3A_1193 = arith.constant 48 : index
      %parallel_loop3A_1194 = tpu.vector_load %arg7[%parallel_loop3A_1192, %parallel_loop3A_1193] {strides = array<i32>} : memref<96x128xf32, #tpu.memory_space<vmem>>, vector<16xf32>,
      %parallel_loop3A_1195 = arith.mulf %parallel_loop3A_834, %parallel_loop3A_1184 : vector<16xf32>
      %parallel_loop3A_1196 = arith.mulf %parallel_loop3A_839, %parallel_loop3A_1189 : vector<16xf32>
      %parallel_loop3A_1197 = arith.addf %parallel_loop3A_1195, %parallel_loop3A_1196 : vector<16xf32>
      %parallel_loop3A_1198 = arith.mulf %parallel_loop3A_844, %parallel_loop3A_1194 : vector<16xf32>
      %parallel_loop3A_1199 = arith.addf %parallel_loop3A_1197, %parallel_loop3A_1198 : vector<16xf32>
      %parallel_loop3A_1200 = arith.addf %parallel_loop3A_1199, %parallel_loop3A_849 : vector<16xf32>
      %parallel_loop3A_1201 = arith.mulf %parallel_loop3A_1200, %parallel_loop3A_854 : vector<16xf32>
      %parallel_loop3A_1202 = arith.mulf %parallel_loop3A_1201, %parallel_loop3A_834 : vector<16xf32>
      %parallel_loop3A_1203 = arith.subf %parallel_loop3A_1184, %parallel_loop3A_1202 : vector<16xf32>
      %parallel_loop3A_1204 = arith.mulf %parallel_loop3A_1201, %parallel_loop3A_839 : vector<16xf32>
      %parallel_loop3A_1205 = arith.subf %parallel_loop3A_1189, %parallel_loop3A_1204 : vector<16xf32>
      %parallel_loop3A_1206 = arith.mulf %parallel_loop3A_1201, %parallel_loop3A_844 : vector<16xf32>
      %parallel_loop3A_1207 = arith.subf %parallel_loop3A_1194, %parallel_loop3A_1206 : vector<16xf32>
      %parallel_loop3A_1208 = arith.constant 0.000000e+00 : f32
      %parallel_loop3A_1209 = arith.constant 3.200000e+01 : f32
      %parallel_loop3A_1210 = vector.broadcast %parallel_loop3A_1208 : f32 to vector<16xf32>
      %parallel_loop3A_1211 = arith.maximumf %parallel_loop3A_1210, %parallel_loop3A_1203 : vector<16xf32>
      %parallel_loop3A_1212 = vector.broadcast %parallel_loop3A_1209 : f32 to vector<16xf32>
      %parallel_loop3A_1213 = arith.minimumf %parallel_loop3A_1212, %parallel_loop3A_1211 : vector<16xf32>
      %parallel_loop3A_1214 = arith.fptosi %parallel_loop3A_1213 : vector<16xf32> to vector<16xi32>
      %parallel_loop3A_1215 = arith.constant 0.000000e+00 : f32
      %parallel_loop3A_1216 = arith.constant 3.200000e+01 : f32
      %parallel_loop3A_1217 = vector.broadcast %parallel_loop3A_1215 : f32 to vector<16xf32>
      %parallel_loop3A_1218 = arith.maximumf %parallel_loop3A_1217, %parallel_loop3A_1205 : vector<16xf32>
      %parallel_loop3A_1219 = vector.broadcast %parallel_loop3A_1216 : f32 to vector<16xf32>
      %parallel_loop3A_1220 = arith.minimumf %parallel_loop3A_1219, %parallel_loop3A_1218 : vector<16xf32>
      %parallel_loop3A_1221 = arith.fptosi %parallel_loop3A_1220 : vector<16xf32> to vector<16xi32>
      %parallel_loop3A_1222 = arith.constant 0.000000e+00 : f32
      %parallel_loop3A_1223 = arith.constant 3.200000e+01 : f32
      %parallel_loop3A_1224 = vector.broadcast %parallel_loop3A_1222 : f32 to vector<16xf32>
      %parallel_loop3A_1225 = arith.maximumf %parallel_loop3A_1224, %parallel_loop3A_1207 : vector<16xf32>
      %parallel_loop3A_1226 = vector.broadcast %parallel_loop3A_1223 : f32 to vector<16xf32>
      %parallel_loop3A_1227 = arith.minimumf %parallel_loop3A_1226, %parallel_loop3A_1225 : vector<16xf32>
      %parallel_loop3A_1228 = arith.fptosi %parallel_loop3A_1227 : vector<16xf32> to vector<16xi32>
      %parallel_loop3A_1229 = arith.constant 1024 : i32
      %parallel_loop3A_1230 = vector.broadcast %parallel_loop3A_1229 : i32 to vector<16xi32>
      %parallel_loop3A_1231 = arith.muli %parallel_loop3A_1214, %parallel_loop3A_1230 : vector<16xi32>
      %parallel_loop3A_1232 = arith.constant 32 : i32
      %parallel_loop3A_1233 = vector.broadcast %parallel_loop3A_1232 : i32 to vector<16xi32>
      %parallel_loop3A_1234 = arith.muli %parallel_loop3A_1221, %parallel_loop3A_1233 : vector<16xi32>
      %parallel_loop3A_1235 = arith.addi %parallel_loop3A_1231, %parallel_loop3A_1234 : vector<16xi32>
      %parallel_loop3A_1236 = arith.addi %parallel_loop3A_1235, %parallel_loop3A_1228 : vector<16xi32>
      %parallel_loop3A_1237 = arith.constant 32767 : i32
      %parallel_loop3A_1238 = vector.broadcast %parallel_loop3A_1237 : i32 to vector<16xi32>
      %parallel_loop3A_1239 = arith.minsi %parallel_loop3A_1236, %parallel_loop3A_1238 : vector<16xi32>
      %parallel_loop3A_1240 = arith.constant 7 : i32
      %parallel_loop3A_1241 = vector.broadcast %parallel_loop3A_1240 : i32 to vector<16xi32>
      %parallel_loop3A_1242 = arith.shrsi %parallel_loop3A_1239, %parallel_loop3A_1241 : vector<16xi32>
      %parallel_loop3A_1243 = arith.constant 127 : i32
      %parallel_loop3A_1244 = vector.broadcast %parallel_loop3A_1243 : i32 to vector<16xi32>
      %parallel_loop3A_1245 = arith.andi %parallel_loop3A_1239, %parallel_loop3A_1244 : vector<16xi32>
      %parallel_loop3A_1246 = tpu.vector_load_idx %arg6[%parallel_loop3A_1242, %parallel_loop3A_1245] : memref<768x128xf32, #tpu.memory_space<vmem>>[vector<16xi32>, vector<16xi32>], vector<16xf32>,
      %parallel_loop3A_1247 = arith.constant 256 : i32
      %parallel_loop3A_1248 = vector.broadcast %parallel_loop3A_1247 : i32 to vector<16xi32>
      %parallel_loop3A_1249 = arith.addi %parallel_loop3A_1242, %parallel_loop3A_1248 : vector<16xi32>
      %parallel_loop3A_1250 = tpu.vector_load_idx %arg6[%parallel_loop3A_1249, %parallel_loop3A_1245] : memref<768x128xf32, #tpu.memory_space<vmem>>[vector<16xi32>, vector<16xi32>], vector<16xf32>,
      %parallel_loop3A_1251 = arith.constant 512 : i32
      %parallel_loop3A_1252 = vector.broadcast %parallel_loop3A_1251 : i32 to vector<16xi32>
      %parallel_loop3A_1253 = arith.addi %parallel_loop3A_1242, %parallel_loop3A_1252 : vector<16xi32>
      %parallel_loop3A_1254 = tpu.vector_load_idx %arg6[%parallel_loop3A_1253, %parallel_loop3A_1245] : memref<768x128xf32, #tpu.memory_space<vmem>>[vector<16xi32>, vector<16xi32>], vector<16xf32>,
      %parallel_loop3A_1255 = arith.subf %parallel_loop3A_1203, %parallel_loop3A_1246 : vector<16xf32>
      %parallel_loop3A_1256 = arith.subf %parallel_loop3A_1205, %parallel_loop3A_1250 : vector<16xf32>
      %parallel_loop3A_1257 = arith.subf %parallel_loop3A_1207, %parallel_loop3A_1254 : vector<16xf32>
      %parallel_loop3A_1258 = arith.mulf %parallel_loop3A_1255, %parallel_loop3A_1255 : vector<16xf32>
      %parallel_loop3A_1259 = arith.mulf %parallel_loop3A_1256, %parallel_loop3A_1256 : vector<16xf32>
      %parallel_loop3A_1260 = arith.addf %parallel_loop3A_1258, %parallel_loop3A_1259 : vector<16xf32>
      %parallel_loop3A_1261 = arith.mulf %parallel_loop3A_1257, %parallel_loop3A_1257 : vector<16xf32>
      %parallel_loop3A_1262 = arith.addf %parallel_loop3A_1260, %parallel_loop3A_1261 : vector<16xf32>
      %parallel_loop3A_1263 = arith.constant 9.99999968E-21 : f32
      %parallel_loop3A_1264 = vector.broadcast %parallel_loop3A_1263 : f32 to vector<16xf32>
      %parallel_loop3A_1265 = arith.maximumf %parallel_loop3A_1262, %parallel_loop3A_1264 : vector<16xf32>
      %parallel_loop3A_1266 = tpu.bitcast %parallel_loop3A_1265 : vector<16xf32> -> vector<16xi32>
      %parallel_loop3A_1267 = arith.constant 1 : i32
      %parallel_loop3A_1268 = vector.broadcast %parallel_loop3A_1267 : i32 to vector<16xi32>
      %parallel_loop3A_1269 = arith.shrsi %parallel_loop3A_1266, %parallel_loop3A_1268 : vector<16xi32>
      %parallel_loop3A_1270 = arith.constant 1597463007 : i32
      %parallel_loop3A_1271 = vector.broadcast %parallel_loop3A_1270 : i32 to vector<16xi32>
      %parallel_loop3A_1272 = arith.subi %parallel_loop3A_1271, %parallel_loop3A_1269 : vector<16xi32>
      %parallel_loop3A_1273 = tpu.bitcast %parallel_loop3A_1272 : vector<16xi32> -> vector<16xf32>
      %parallel_loop3A_1274 = arith.constant 5.000000e-01 : f32
      %parallel_loop3A_1275 = vector.broadcast %parallel_loop3A_1274 : f32 to vector<16xf32>
      %parallel_loop3A_1276 = arith.mulf %parallel_loop3A_1275, %parallel_loop3A_1265 : vector<16xf32>
      %parallel_loop3A_1277 = arith.mulf %parallel_loop3A_1276, %parallel_loop3A_1273 : vector<16xf32>
      %parallel_loop3A_1278 = arith.mulf %parallel_loop3A_1277, %parallel_loop3A_1273 : vector<16xf32>
      %parallel_loop3A_1279 = arith.constant 1.500000e+00 : f32
      %parallel_loop3A_1280 = vector.broadcast %parallel_loop3A_1279 : f32 to vector<16xf32>
      %parallel_loop3A_1281 = arith.subf %parallel_loop3A_1280, %parallel_loop3A_1278 : vector<16xf32>
      %parallel_loop3A_1282 = arith.mulf %parallel_loop3A_1273, %parallel_loop3A_1281 : vector<16xf32>
      %parallel_loop3A_1283 = arith.mulf %parallel_loop3A_1276, %parallel_loop3A_1282 : vector<16xf32>
      %parallel_loop3A_1284 = arith.mulf %parallel_loop3A_1283, %parallel_loop3A_1282 : vector<16xf32>
      %parallel_loop3A_1285 = arith.constant 1.500000e+00 : f32
      %parallel_loop3A_1286 = vector.broadcast %parallel_loop3A_1285 : f32 to vector<16xf32>
      %parallel_loop3A_1287 = arith.subf %parallel_loop3A_1286, %parallel_loop3A_1284 : vector<16xf32>
      %parallel_loop3A_1288 = arith.mulf %parallel_loop3A_1282, %parallel_loop3A_1287 : vector<16xf32>
      %parallel_loop3A_1289 = arith.mulf %parallel_loop3A_1262, %parallel_loop3A_1288 : vector<16xf32>
      %parallel_loop3A_1290 = arith.addf %parallel_loop3A_1181, %parallel_loop3A_1289 : vector<16xf32>
      %parallel_loop3A_1291 = arith.index_cast %parallel_loop3A_831 : i32 to index
      %parallel_loop3A_1292 = arith.constant 64 : index
      %parallel_loop3A_1293 = tpu.vector_load %arg7[%parallel_loop3A_1291, %parallel_loop3A_1292] {strides = array<i32>} : memref<96x128xf32, #tpu.memory_space<vmem>>, vector<16xf32>,
      %parallel_loop3A_1294 = arith.constant 32 : i32
      %parallel_loop3A_1295 = arith.addi %parallel_loop3A_1294, %parallel_loop3A_831 : i32
      %parallel_loop3A_1296 = arith.index_cast %parallel_loop3A_1295 : i32 to index
      %parallel_loop3A_1297 = arith.constant 64 : index
      %parallel_loop3A_1298 = tpu.vector_load %arg7[%parallel_loop3A_1296, %parallel_loop3A_1297] {strides = array<i32>} : memref<96x128xf32, #tpu.memory_space<vmem>>, vector<16xf32>,
      %parallel_loop3A_1299 = arith.constant 64 : i32
      %parallel_loop3A_1300 = arith.addi %parallel_loop3A_1299, %parallel_loop3A_831 : i32
      %parallel_loop3A_1301 = arith.index_cast %parallel_loop3A_1300 : i32 to index
      %parallel_loop3A_1302 = arith.constant 64 : index
      %parallel_loop3A_1303 = tpu.vector_load %arg7[%parallel_loop3A_1301, %parallel_loop3A_1302] {strides = array<i32>} : memref<96x128xf32, #tpu.memory_space<vmem>>, vector<16xf32>,
      %parallel_loop3A_1304 = arith.mulf %parallel_loop3A_834, %parallel_loop3A_1293 : vector<16xf32>
      %parallel_loop3A_1305 = arith.mulf %parallel_loop3A_839, %parallel_loop3A_1298 : vector<16xf32>
      %parallel_loop3A_1306 = arith.addf %parallel_loop3A_1304, %parallel_loop3A_1305 : vector<16xf32>
      %parallel_loop3A_1307 = arith.mulf %parallel_loop3A_844, %parallel_loop3A_1303 : vector<16xf32>
      %parallel_loop3A_1308 = arith.addf %parallel_loop3A_1306, %parallel_loop3A_1307 : vector<16xf32>
      %parallel_loop3A_1309 = arith.addf %parallel_loop3A_1308, %parallel_loop3A_849 : vector<16xf32>
      %parallel_loop3A_1310 = arith.mulf %parallel_loop3A_1309, %parallel_loop3A_854 : vector<16xf32>
      %parallel_loop3A_1311 = arith.mulf %parallel_loop3A_1310, %parallel_loop3A_834 : vector<16xf32>
      %parallel_loop3A_1312 = arith.subf %parallel_loop3A_1293, %parallel_loop3A_1311 : vector<16xf32>
      %parallel_loop3A_1313 = arith.mulf %parallel_loop3A_1310, %parallel_loop3A_839 : vector<16xf32>
      %parallel_loop3A_1314 = arith.subf %parallel_loop3A_1298, %parallel_loop3A_1313 : vector<16xf32>
      %parallel_loop3A_1315 = arith.mulf %parallel_loop3A_1310, %parallel_loop3A_844 : vector<16xf32>
      %parallel_loop3A_1316 = arith.subf %parallel_loop3A_1303, %parallel_loop3A_1315 : vector<16xf32>
      %parallel_loop3A_1317 = arith.constant 0.000000e+00 : f32
      %parallel_loop3A_1318 = arith.constant 3.200000e+01 : f32
      %parallel_loop3A_1319 = vector.broadcast %parallel_loop3A_1317 : f32 to vector<16xf32>
      %parallel_loop3A_1320 = arith.maximumf %parallel_loop3A_1319, %parallel_loop3A_1312 : vector<16xf32>
      %parallel_loop3A_1321 = vector.broadcast %parallel_loop3A_1318 : f32 to vector<16xf32>
      %parallel_loop3A_1322 = arith.minimumf %parallel_loop3A_1321, %parallel_loop3A_1320 : vector<16xf32>
      %parallel_loop3A_1323 = arith.fptosi %parallel_loop3A_1322 : vector<16xf32> to vector<16xi32>
      %parallel_loop3A_1324 = arith.constant 0.000000e+00 : f32
      %parallel_loop3A_1325 = arith.constant 3.200000e+01 : f32
      %parallel_loop3A_1326 = vector.broadcast %parallel_loop3A_1324 : f32 to vector<16xf32>
      %parallel_loop3A_1327 = arith.maximumf %parallel_loop3A_1326, %parallel_loop3A_1314 : vector<16xf32>
      %parallel_loop3A_1328 = vector.broadcast %parallel_loop3A_1325 : f32 to vector<16xf32>
      %parallel_loop3A_1329 = arith.minimumf %parallel_loop3A_1328, %parallel_loop3A_1327 : vector<16xf32>
      %parallel_loop3A_1330 = arith.fptosi %parallel_loop3A_1329 : vector<16xf32> to vector<16xi32>
      %parallel_loop3A_1331 = arith.constant 0.000000e+00 : f32
      %parallel_loop3A_1332 = arith.constant 3.200000e+01 : f32
      %parallel_loop3A_1333 = vector.broadcast %parallel_loop3A_1331 : f32 to vector<16xf32>
      %parallel_loop3A_1334 = arith.maximumf %parallel_loop3A_1333, %parallel_loop3A_1316 : vector<16xf32>
      %parallel_loop3A_1335 = vector.broadcast %parallel_loop3A_1332 : f32 to vector<16xf32>
      %parallel_loop3A_1336 = arith.minimumf %parallel_loop3A_1335, %parallel_loop3A_1334 : vector<16xf32>
      %parallel_loop3A_1337 = arith.fptosi %parallel_loop3A_1336 : vector<16xf32> to vector<16xi32>
      %parallel_loop3A_1338 = arith.constant 1024 : i32
      %parallel_loop3A_1339 = vector.broadcast %parallel_loop3A_1338 : i32 to vector<16xi32>
      %parallel_loop3A_1340 = arith.muli %parallel_loop3A_1323, %parallel_loop3A_1339 : vector<16xi32>
      %parallel_loop3A_1341 = arith.constant 32 : i32
      %parallel_loop3A_1342 = vector.broadcast %parallel_loop3A_1341 : i32 to vector<16xi32>
      %parallel_loop3A_1343 = arith.muli %parallel_loop3A_1330, %parallel_loop3A_1342 : vector<16xi32>
      %parallel_loop3A_1344 = arith.addi %parallel_loop3A_1340, %parallel_loop3A_1343 : vector<16xi32>
      %parallel_loop3A_1345 = arith.addi %parallel_loop3A_1344, %parallel_loop3A_1337 : vector<16xi32>
      %parallel_loop3A_1346 = arith.constant 32767 : i32
      %parallel_loop3A_1347 = vector.broadcast %parallel_loop3A_1346 : i32 to vector<16xi32>
      %parallel_loop3A_1348 = arith.minsi %parallel_loop3A_1345, %parallel_loop3A_1347 : vector<16xi32>
      %parallel_loop3A_1349 = arith.constant 7 : i32
      %parallel_loop3A_1350 = vector.broadcast %parallel_loop3A_1349 : i32 to vector<16xi32>
      %parallel_loop3A_1351 = arith.shrsi %parallel_loop3A_1348, %parallel_loop3A_1350 : vector<16xi32>
      %parallel_loop3A_1352 = arith.constant 127 : i32
      %parallel_loop3A_1353 = vector.broadcast %parallel_loop3A_1352 : i32 to vector<16xi32>
      %parallel_loop3A_1354 = arith.andi %parallel_loop3A_1348, %parallel_loop3A_1353 : vector<16xi32>
      %parallel_loop3A_1355 = tpu.vector_load_idx %arg6[%parallel_loop3A_1351, %parallel_loop3A_1354] : memref<768x128xf32, #tpu.memory_space<vmem>>[vector<16xi32>, vector<16xi32>], vector<16xf32>,
      %parallel_loop3A_1356 = arith.constant 256 : i32
      %parallel_loop3A_1357 = vector.broadcast %parallel_loop3A_1356 : i32 to vector<16xi32>
      %parallel_loop3A_1358 = arith.addi %parallel_loop3A_1351, %parallel_loop3A_1357 : vector<16xi32>
      %parallel_loop3A_1359 = tpu.vector_load_idx %arg6[%parallel_loop3A_1358, %parallel_loop3A_1354] : memref<768x128xf32, #tpu.memory_space<vmem>>[vector<16xi32>, vector<16xi32>], vector<16xf32>,
      %parallel_loop3A_1360 = arith.constant 512 : i32
      %parallel_loop3A_1361 = vector.broadcast %parallel_loop3A_1360 : i32 to vector<16xi32>
      %parallel_loop3A_1362 = arith.addi %parallel_loop3A_1351, %parallel_loop3A_1361 : vector<16xi32>
      %parallel_loop3A_1363 = tpu.vector_load_idx %arg6[%parallel_loop3A_1362, %parallel_loop3A_1354] : memref<768x128xf32, #tpu.memory_space<vmem>>[vector<16xi32>, vector<16xi32>], vector<16xf32>,
      %parallel_loop3A_1364 = arith.subf %parallel_loop3A_1312, %parallel_loop3A_1355 : vector<16xf32>
      %parallel_loop3A_1365 = arith.subf %parallel_loop3A_1314, %parallel_loop3A_1359 : vector<16xf32>
      %parallel_loop3A_1366 = arith.subf %parallel_loop3A_1316, %parallel_loop3A_1363 : vector<16xf32>
      %parallel_loop3A_1367 = arith.mulf %parallel_loop3A_1364, %parallel_loop3A_1364 : vector<16xf32>
      %parallel_loop3A_1368 = arith.mulf %parallel_loop3A_1365, %parallel_loop3A_1365 : vector<16xf32>
      %parallel_loop3A_1369 = arith.addf %parallel_loop3A_1367, %parallel_loop3A_1368 : vector<16xf32>
      %parallel_loop3A_1370 = arith.mulf %parallel_loop3A_1366, %parallel_loop3A_1366 : vector<16xf32>
      %parallel_loop3A_1371 = arith.addf %parallel_loop3A_1369, %parallel_loop3A_1370 : vector<16xf32>
      %parallel_loop3A_1372 = arith.constant 9.99999968E-21 : f32
      %parallel_loop3A_1373 = vector.broadcast %parallel_loop3A_1372 : f32 to vector<16xf32>
      %parallel_loop3A_1374 = arith.maximumf %parallel_loop3A_1371, %parallel_loop3A_1373 : vector<16xf32>
      %parallel_loop3A_1375 = tpu.bitcast %parallel_loop3A_1374 : vector<16xf32> -> vector<16xi32>
      %parallel_loop3A_1376 = arith.constant 1 : i32
      %parallel_loop3A_1377 = vector.broadcast %parallel_loop3A_1376 : i32 to vector<16xi32>
      %parallel_loop3A_1378 = arith.shrsi %parallel_loop3A_1375, %parallel_loop3A_1377 : vector<16xi32>
      %parallel_loop3A_1379 = arith.constant 1597463007 : i32
      %parallel_loop3A_1380 = vector.broadcast %parallel_loop3A_1379 : i32 to vector<16xi32>
      %parallel_loop3A_1381 = arith.subi %parallel_loop3A_1380, %parallel_loop3A_1378 : vector<16xi32>
      %parallel_loop3A_1382 = tpu.bitcast %parallel_loop3A_1381 : vector<16xi32> -> vector<16xf32>
      %parallel_loop3A_1383 = arith.constant 5.000000e-01 : f32
      %parallel_loop3A_1384 = vector.broadcast %parallel_loop3A_1383 : f32 to vector<16xf32>
      %parallel_loop3A_1385 = arith.mulf %parallel_loop3A_1384, %parallel_loop3A_1374 : vector<16xf32>
      %parallel_loop3A_1386 = arith.mulf %parallel_loop3A_1385, %parallel_loop3A_1382 : vector<16xf32>
      %parallel_loop3A_1387 = arith.mulf %parallel_loop3A_1386, %parallel_loop3A_1382 : vector<16xf32>
      %parallel_loop3A_1388 = arith.constant 1.500000e+00 : f32
      %parallel_loop3A_1389 = vector.broadcast %parallel_loop3A_1388 : f32 to vector<16xf32>
      %parallel_loop3A_1390 = arith.subf %parallel_loop3A_1389, %parallel_loop3A_1387 : vector<16xf32>
      %parallel_loop3A_1391 = arith.mulf %parallel_loop3A_1382, %parallel_loop3A_1390 : vector<16xf32>
      %parallel_loop3A_1392 = arith.mulf %parallel_loop3A_1385, %parallel_loop3A_1391 : vector<16xf32>
      %parallel_loop3A_1393 = arith.mulf %parallel_loop3A_1392, %parallel_loop3A_1391 : vector<16xf32>
      %parallel_loop3A_1394 = arith.constant 1.500000e+00 : f32
      %parallel_loop3A_1395 = vector.broadcast %parallel_loop3A_1394 : f32 to vector<16xf32>
      %parallel_loop3A_1396 = arith.subf %parallel_loop3A_1395, %parallel_loop3A_1393 : vector<16xf32>
      %parallel_loop3A_1397 = arith.mulf %parallel_loop3A_1391, %parallel_loop3A_1396 : vector<16xf32>
      %parallel_loop3A_1398 = arith.mulf %parallel_loop3A_1371, %parallel_loop3A_1397 : vector<16xf32>
      %parallel_loop3A_1399 = arith.addf %parallel_loop3A_1290, %parallel_loop3A_1398 : vector<16xf32>
      %parallel_loop3A_1400 = arith.index_cast %parallel_loop3A_831 : i32 to index
      %parallel_loop3A_1401 = arith.constant 80 : index
      %parallel_loop3A_1402 = tpu.vector_load %arg7[%parallel_loop3A_1400, %parallel_loop3A_1401] {strides = array<i32>} : memref<96x128xf32, #tpu.memory_space<vmem>>, vector<16xf32>,
      %parallel_loop3A_1403 = arith.constant 32 : i32
      %parallel_loop3A_1404 = arith.addi %parallel_loop3A_1403, %parallel_loop3A_831 : i32
      %parallel_loop3A_1405 = arith.index_cast %parallel_loop3A_1404 : i32 to index
      %parallel_loop3A_1406 = arith.constant 80 : index
      %parallel_loop3A_1407 = tpu.vector_load %arg7[%parallel_loop3A_1405, %parallel_loop3A_1406] {strides = array<i32>} : memref<96x128xf32, #tpu.memory_space<vmem>>, vector<16xf32>,
      %parallel_loop3A_1408 = arith.constant 64 : i32
      %parallel_loop3A_1409 = arith.addi %parallel_loop3A_1408, %parallel_loop3A_831 : i32
      %parallel_loop3A_1410 = arith.index_cast %parallel_loop3A_1409 : i32 to index
      %parallel_loop3A_1411 = arith.constant 80 : index
      %parallel_loop3A_1412 = tpu.vector_load %arg7[%parallel_loop3A_1410, %parallel_loop3A_1411] {strides = array<i32>} : memref<96x128xf32, #tpu.memory_space<vmem>>, vector<16xf32>,
      %parallel_loop3A_1413 = arith.mulf %parallel_loop3A_834, %parallel_loop3A_1402 : vector<16xf32>
      %parallel_loop3A_1414 = arith.mulf %parallel_loop3A_839, %parallel_loop3A_1407 : vector<16xf32>
      %parallel_loop3A_1415 = arith.addf %parallel_loop3A_1413, %parallel_loop3A_1414 : vector<16xf32>
      %parallel_loop3A_1416 = arith.mulf %parallel_loop3A_844, %parallel_loop3A_1412 : vector<16xf32>
      %parallel_loop3A_1417 = arith.addf %parallel_loop3A_1415, %parallel_loop3A_1416 : vector<16xf32>
      %parallel_loop3A_1418 = arith.addf %parallel_loop3A_1417, %parallel_loop3A_849 : vector<16xf32>
      %parallel_loop3A_1419 = arith.mulf %parallel_loop3A_1418, %parallel_loop3A_854 : vector<16xf32>
      %parallel_loop3A_1420 = arith.mulf %parallel_loop3A_1419, %parallel_loop3A_834 : vector<16xf32>
      %parallel_loop3A_1421 = arith.subf %parallel_loop3A_1402, %parallel_loop3A_1420 : vector<16xf32>
      %parallel_loop3A_1422 = arith.mulf %parallel_loop3A_1419, %parallel_loop3A_839 : vector<16xf32>
      %parallel_loop3A_1423 = arith.subf %parallel_loop3A_1407, %parallel_loop3A_1422 : vector<16xf32>
      %parallel_loop3A_1424 = arith.mulf %parallel_loop3A_1419, %parallel_loop3A_844 : vector<16xf32>
      %parallel_loop3A_1425 = arith.subf %parallel_loop3A_1412, %parallel_loop3A_1424 : vector<16xf32>
      %parallel_loop3A_1426 = arith.constant 0.000000e+00 : f32
      %parallel_loop3A_1427 = arith.constant 3.200000e+01 : f32
      %parallel_loop3A_1428 = vector.broadcast %parallel_loop3A_1426 : f32 to vector<16xf32>
      %parallel_loop3A_1429 = arith.maximumf %parallel_loop3A_1428, %parallel_loop3A_1421 : vector<16xf32>
      %parallel_loop3A_1430 = vector.broadcast %parallel_loop3A_1427 : f32 to vector<16xf32>
      %parallel_loop3A_1431 = arith.minimumf %parallel_loop3A_1430, %parallel_loop3A_1429 : vector<16xf32>
      %parallel_loop3A_1432 = arith.fptosi %parallel_loop3A_1431 : vector<16xf32> to vector<16xi32>
      %parallel_loop3A_1433 = arith.constant 0.000000e+00 : f32
      %parallel_loop3A_1434 = arith.constant 3.200000e+01 : f32
      %parallel_loop3A_1435 = vector.broadcast %parallel_loop3A_1433 : f32 to vector<16xf32>
      %parallel_loop3A_1436 = arith.maximumf %parallel_loop3A_1435, %parallel_loop3A_1423 : vector<16xf32>
      %parallel_loop3A_1437 = vector.broadcast %parallel_loop3A_1434 : f32 to vector<16xf32>
      %parallel_loop3A_1438 = arith.minimumf %parallel_loop3A_1437, %parallel_loop3A_1436 : vector<16xf32>
      %parallel_loop3A_1439 = arith.fptosi %parallel_loop3A_1438 : vector<16xf32> to vector<16xi32>
      %parallel_loop3A_1440 = arith.constant 0.000000e+00 : f32
      %parallel_loop3A_1441 = arith.constant 3.200000e+01 : f32
      %parallel_loop3A_1442 = vector.broadcast %parallel_loop3A_1440 : f32 to vector<16xf32>
      %parallel_loop3A_1443 = arith.maximumf %parallel_loop3A_1442, %parallel_loop3A_1425 : vector<16xf32>
      %parallel_loop3A_1444 = vector.broadcast %parallel_loop3A_1441 : f32 to vector<16xf32>
      %parallel_loop3A_1445 = arith.minimumf %parallel_loop3A_1444, %parallel_loop3A_1443 : vector<16xf32>
      %parallel_loop3A_1446 = arith.fptosi %parallel_loop3A_1445 : vector<16xf32> to vector<16xi32>
      %parallel_loop3A_1447 = arith.constant 1024 : i32
      %parallel_loop3A_1448 = vector.broadcast %parallel_loop3A_1447 : i32 to vector<16xi32>
      %parallel_loop3A_1449 = arith.muli %parallel_loop3A_1432, %parallel_loop3A_1448 : vector<16xi32>
      %parallel_loop3A_1450 = arith.constant 32 : i32
      %parallel_loop3A_1451 = vector.broadcast %parallel_loop3A_1450 : i32 to vector<16xi32>
      %parallel_loop3A_1452 = arith.muli %parallel_loop3A_1439, %parallel_loop3A_1451 : vector<16xi32>
      %parallel_loop3A_1453 = arith.addi %parallel_loop3A_1449, %parallel_loop3A_1452 : vector<16xi32>
      %parallel_loop3A_1454 = arith.addi %parallel_loop3A_1453, %parallel_loop3A_1446 : vector<16xi32>
      %parallel_loop3A_1455 = arith.constant 32767 : i32
      %parallel_loop3A_1456 = vector.broadcast %parallel_loop3A_1455 : i32 to vector<16xi32>
      %parallel_loop3A_1457 = arith.minsi %parallel_loop3A_1454, %parallel_loop3A_1456 : vector<16xi32>
      %parallel_loop3A_1458 = arith.constant 7 : i32
      %parallel_loop3A_1459 = vector.broadcast %parallel_loop3A_1458 : i32 to vector<16xi32>
      %parallel_loop3A_1460 = arith.shrsi %parallel_loop3A_1457, %parallel_loop3A_1459 : vector<16xi32>
      %parallel_loop3A_1461 = arith.constant 127 : i32
      %parallel_loop3A_1462 = vector.broadcast %parallel_loop3A_1461 : i32 to vector<16xi32>
      %parallel_loop3A_1463 = arith.andi %parallel_loop3A_1457, %parallel_loop3A_1462 : vector<16xi32>
      %parallel_loop3A_1464 = tpu.vector_load_idx %arg6[%parallel_loop3A_1460, %parallel_loop3A_1463] : memref<768x128xf32, #tpu.memory_space<vmem>>[vector<16xi32>, vector<16xi32>], vector<16xf32>,
      %parallel_loop3A_1465 = arith.constant 256 : i32
      %parallel_loop3A_1466 = vector.broadcast %parallel_loop3A_1465 : i32 to vector<16xi32>
      %parallel_loop3A_1467 = arith.addi %parallel_loop3A_1460, %parallel_loop3A_1466 : vector<16xi32>
      %parallel_loop3A_1468 = tpu.vector_load_idx %arg6[%parallel_loop3A_1467, %parallel_loop3A_1463] : memref<768x128xf32, #tpu.memory_space<vmem>>[vector<16xi32>, vector<16xi32>], vector<16xf32>,
      %parallel_loop3A_1469 = arith.constant 512 : i32
      %parallel_loop3A_1470 = vector.broadcast %parallel_loop3A_1469 : i32 to vector<16xi32>
      %parallel_loop3A_1471 = arith.addi %parallel_loop3A_1460, %parallel_loop3A_1470 : vector<16xi32>
      %parallel_loop3A_1472 = tpu.vector_load_idx %arg6[%parallel_loop3A_1471, %parallel_loop3A_1463] : memref<768x128xf32, #tpu.memory_space<vmem>>[vector<16xi32>, vector<16xi32>], vector<16xf32>,
      %parallel_loop3A_1473 = arith.subf %parallel_loop3A_1421, %parallel_loop3A_1464 : vector<16xf32>
      %parallel_loop3A_1474 = arith.subf %parallel_loop3A_1423, %parallel_loop3A_1468 : vector<16xf32>
      %parallel_loop3A_1475 = arith.subf %parallel_loop3A_1425, %parallel_loop3A_1472 : vector<16xf32>
      %parallel_loop3A_1476 = arith.mulf %parallel_loop3A_1473, %parallel_loop3A_1473 : vector<16xf32>
      %parallel_loop3A_1477 = arith.mulf %parallel_loop3A_1474, %parallel_loop3A_1474 : vector<16xf32>
      %parallel_loop3A_1478 = arith.addf %parallel_loop3A_1476, %parallel_loop3A_1477 : vector<16xf32>
      %parallel_loop3A_1479 = arith.mulf %parallel_loop3A_1475, %parallel_loop3A_1475 : vector<16xf32>
      %parallel_loop3A_1480 = arith.addf %parallel_loop3A_1478, %parallel_loop3A_1479 : vector<16xf32>
      %parallel_loop3A_1481 = arith.constant 9.99999968E-21 : f32
      %parallel_loop3A_1482 = vector.broadcast %parallel_loop3A_1481 : f32 to vector<16xf32>
      %parallel_loop3A_1483 = arith.maximumf %parallel_loop3A_1480, %parallel_loop3A_1482 : vector<16xf32>
      %parallel_loop3A_1484 = tpu.bitcast %parallel_loop3A_1483 : vector<16xf32> -> vector<16xi32>
      %parallel_loop3A_1485 = arith.constant 1 : i32
      %parallel_loop3A_1486 = vector.broadcast %parallel_loop3A_1485 : i32 to vector<16xi32>
      %parallel_loop3A_1487 = arith.shrsi %parallel_loop3A_1484, %parallel_loop3A_1486 : vector<16xi32>
      %parallel_loop3A_1488 = arith.constant 1597463007 : i32
      %parallel_loop3A_1489 = vector.broadcast %parallel_loop3A_1488 : i32 to vector<16xi32>
      %parallel_loop3A_1490 = arith.subi %parallel_loop3A_1489, %parallel_loop3A_1487 : vector<16xi32>
      %parallel_loop3A_1491 = tpu.bitcast %parallel_loop3A_1490 : vector<16xi32> -> vector<16xf32>
      %parallel_loop3A_1492 = arith.constant 5.000000e-01 : f32
      %parallel_loop3A_1493 = vector.broadcast %parallel_loop3A_1492 : f32 to vector<16xf32>
      %parallel_loop3A_1494 = arith.mulf %parallel_loop3A_1493, %parallel_loop3A_1483 : vector<16xf32>
      %parallel_loop3A_1495 = arith.mulf %parallel_loop3A_1494, %parallel_loop3A_1491 : vector<16xf32>
      %parallel_loop3A_1496 = arith.mulf %parallel_loop3A_1495, %parallel_loop3A_1491 : vector<16xf32>
      %parallel_loop3A_1497 = arith.constant 1.500000e+00 : f32
      %parallel_loop3A_1498 = vector.broadcast %parallel_loop3A_1497 : f32 to vector<16xf32>
      %parallel_loop3A_1499 = arith.subf %parallel_loop3A_1498, %parallel_loop3A_1496 : vector<16xf32>
      %parallel_loop3A_1500 = arith.mulf %parallel_loop3A_1491, %parallel_loop3A_1499 : vector<16xf32>
      %parallel_loop3A_1501 = arith.mulf %parallel_loop3A_1494, %parallel_loop3A_1500 : vector<16xf32>
      %parallel_loop3A_1502 = arith.mulf %parallel_loop3A_1501, %parallel_loop3A_1500 : vector<16xf32>
      %parallel_loop3A_1503 = arith.constant 1.500000e+00 : f32
      %parallel_loop3A_1504 = vector.broadcast %parallel_loop3A_1503 : f32 to vector<16xf32>
      %parallel_loop3A_1505 = arith.subf %parallel_loop3A_1504, %parallel_loop3A_1502 : vector<16xf32>
      %parallel_loop3A_1506 = arith.mulf %parallel_loop3A_1500, %parallel_loop3A_1505 : vector<16xf32>
      %parallel_loop3A_1507 = arith.mulf %parallel_loop3A_1480, %parallel_loop3A_1506 : vector<16xf32>
      %parallel_loop3A_1508 = arith.addf %parallel_loop3A_1399, %parallel_loop3A_1507 : vector<16xf32>
      %parallel_loop3A_1509 = arith.index_cast %parallel_loop3A_831 : i32 to index
      %parallel_loop3A_1510 = arith.constant 96 : index
      %parallel_loop3A_1511 = tpu.vector_load %arg7[%parallel_loop3A_1509, %parallel_loop3A_1510] {strides = array<i32>} : memref<96x128xf32, #tpu.memory_space<vmem>>, vector<16xf32>,
      %parallel_loop3A_1512 = arith.constant 32 : i32
      %parallel_loop3A_1513 = arith.addi %parallel_loop3A_1512, %parallel_loop3A_831 : i32
      %parallel_loop3A_1514 = arith.index_cast %parallel_loop3A_1513 : i32 to index
      %parallel_loop3A_1515 = arith.constant 96 : index
      %parallel_loop3A_1516 = tpu.vector_load %arg7[%parallel_loop3A_1514, %parallel_loop3A_1515] {strides = array<i32>} : memref<96x128xf32, #tpu.memory_space<vmem>>, vector<16xf32>,
      %parallel_loop3A_1517 = arith.constant 64 : i32
      %parallel_loop3A_1518 = arith.addi %parallel_loop3A_1517, %parallel_loop3A_831 : i32
      %parallel_loop3A_1519 = arith.index_cast %parallel_loop3A_1518 : i32 to index
      %parallel_loop3A_1520 = arith.constant 96 : index
      %parallel_loop3A_1521 = tpu.vector_load %arg7[%parallel_loop3A_1519, %parallel_loop3A_1520] {strides = array<i32>} : memref<96x128xf32, #tpu.memory_space<vmem>>, vector<16xf32>,
      %parallel_loop3A_1522 = arith.mulf %parallel_loop3A_834, %parallel_loop3A_1511 : vector<16xf32>
      %parallel_loop3A_1523 = arith.mulf %parallel_loop3A_839, %parallel_loop3A_1516 : vector<16xf32>
      %parallel_loop3A_1524 = arith.addf %parallel_loop3A_1522, %parallel_loop3A_1523 : vector<16xf32>
      %parallel_loop3A_1525 = arith.mulf %parallel_loop3A_844, %parallel_loop3A_1521 : vector<16xf32>
      %parallel_loop3A_1526 = arith.addf %parallel_loop3A_1524, %parallel_loop3A_1525 : vector<16xf32>
      %parallel_loop3A_1527 = arith.addf %parallel_loop3A_1526, %parallel_loop3A_849 : vector<16xf32>
      %parallel_loop3A_1528 = arith.mulf %parallel_loop3A_1527, %parallel_loop3A_854 : vector<16xf32>
      %parallel_loop3A_1529 = arith.mulf %parallel_loop3A_1528, %parallel_loop3A_834 : vector<16xf32>
      %parallel_loop3A_1530 = arith.subf %parallel_loop3A_1511, %parallel_loop3A_1529 : vector<16xf32>
      %parallel_loop3A_1531 = arith.mulf %parallel_loop3A_1528, %parallel_loop3A_839 : vector<16xf32>
      %parallel_loop3A_1532 = arith.subf %parallel_loop3A_1516, %parallel_loop3A_1531 : vector<16xf32>
      %parallel_loop3A_1533 = arith.mulf %parallel_loop3A_1528, %parallel_loop3A_844 : vector<16xf32>
      %parallel_loop3A_1534 = arith.subf %parallel_loop3A_1521, %parallel_loop3A_1533 : vector<16xf32>
      %parallel_loop3A_1535 = arith.constant 0.000000e+00 : f32
      %parallel_loop3A_1536 = arith.constant 3.200000e+01 : f32
      %parallel_loop3A_1537 = vector.broadcast %parallel_loop3A_1535 : f32 to vector<16xf32>
      %parallel_loop3A_1538 = arith.maximumf %parallel_loop3A_1537, %parallel_loop3A_1530 : vector<16xf32>
      %parallel_loop3A_1539 = vector.broadcast %parallel_loop3A_1536 : f32 to vector<16xf32>
      %parallel_loop3A_1540 = arith.minimumf %parallel_loop3A_1539, %parallel_loop3A_1538 : vector<16xf32>
      %parallel_loop3A_1541 = arith.fptosi %parallel_loop3A_1540 : vector<16xf32> to vector<16xi32>
      %parallel_loop3A_1542 = arith.constant 0.000000e+00 : f32
      %parallel_loop3A_1543 = arith.constant 3.200000e+01 : f32
      %parallel_loop3A_1544 = vector.broadcast %parallel_loop3A_1542 : f32 to vector<16xf32>
      %parallel_loop3A_1545 = arith.maximumf %parallel_loop3A_1544, %parallel_loop3A_1532 : vector<16xf32>
      %parallel_loop3A_1546 = vector.broadcast %parallel_loop3A_1543 : f32 to vector<16xf32>
      %parallel_loop3A_1547 = arith.minimumf %parallel_loop3A_1546, %parallel_loop3A_1545 : vector<16xf32>
      %parallel_loop3A_1548 = arith.fptosi %parallel_loop3A_1547 : vector<16xf32> to vector<16xi32>
      %parallel_loop3A_1549 = arith.constant 0.000000e+00 : f32
      %parallel_loop3A_1550 = arith.constant 3.200000e+01 : f32
      %parallel_loop3A_1551 = vector.broadcast %parallel_loop3A_1549 : f32 to vector<16xf32>
      %parallel_loop3A_1552 = arith.maximumf %parallel_loop3A_1551, %parallel_loop3A_1534 : vector<16xf32>
      %parallel_loop3A_1553 = vector.broadcast %parallel_loop3A_1550 : f32 to vector<16xf32>
      %parallel_loop3A_1554 = arith.minimumf %parallel_loop3A_1553, %parallel_loop3A_1552 : vector<16xf32>
      %parallel_loop3A_1555 = arith.fptosi %parallel_loop3A_1554 : vector<16xf32> to vector<16xi32>
      %parallel_loop3A_1556 = arith.constant 1024 : i32
      %parallel_loop3A_1557 = vector.broadcast %parallel_loop3A_1556 : i32 to vector<16xi32>
      %parallel_loop3A_1558 = arith.muli %parallel_loop3A_1541, %parallel_loop3A_1557 : vector<16xi32>
      %parallel_loop3A_1559 = arith.constant 32 : i32
      %parallel_loop3A_1560 = vector.broadcast %parallel_loop3A_1559 : i32 to vector<16xi32>
      %parallel_loop3A_1561 = arith.muli %parallel_loop3A_1548, %parallel_loop3A_1560 : vector<16xi32>
      %parallel_loop3A_1562 = arith.addi %parallel_loop3A_1558, %parallel_loop3A_1561 : vector<16xi32>
      %parallel_loop3A_1563 = arith.addi %parallel_loop3A_1562, %parallel_loop3A_1555 : vector<16xi32>
      %parallel_loop3A_1564 = arith.constant 32767 : i32
      %parallel_loop3A_1565 = vector.broadcast %parallel_loop3A_1564 : i32 to vector<16xi32>
      %parallel_loop3A_1566 = arith.minsi %parallel_loop3A_1563, %parallel_loop3A_1565 : vector<16xi32>
      %parallel_loop3A_1567 = arith.constant 7 : i32
      %parallel_loop3A_1568 = vector.broadcast %parallel_loop3A_1567 : i32 to vector<16xi32>
      %parallel_loop3A_1569 = arith.shrsi %parallel_loop3A_1566, %parallel_loop3A_1568 : vector<16xi32>
      %parallel_loop3A_1570 = arith.constant 127 : i32
      %parallel_loop3A_1571 = vector.broadcast %parallel_loop3A_1570 : i32 to vector<16xi32>
      %parallel_loop3A_1572 = arith.andi %parallel_loop3A_1566, %parallel_loop3A_1571 : vector<16xi32>
      %parallel_loop3A_1573 = tpu.vector_load_idx %arg6[%parallel_loop3A_1569, %parallel_loop3A_1572] : memref<768x128xf32, #tpu.memory_space<vmem>>[vector<16xi32>, vector<16xi32>], vector<16xf32>,
      %parallel_loop3A_1574 = arith.constant 256 : i32
      %parallel_loop3A_1575 = vector.broadcast %parallel_loop3A_1574 : i32 to vector<16xi32>
      %parallel_loop3A_1576 = arith.addi %parallel_loop3A_1569, %parallel_loop3A_1575 : vector<16xi32>
      %parallel_loop3A_1577 = tpu.vector_load_idx %arg6[%parallel_loop3A_1576, %parallel_loop3A_1572] : memref<768x128xf32, #tpu.memory_space<vmem>>[vector<16xi32>, vector<16xi32>], vector<16xf32>,
      %parallel_loop3A_1578 = arith.constant 512 : i32
      %parallel_loop3A_1579 = vector.broadcast %parallel_loop3A_1578 : i32 to vector<16xi32>
      %parallel_loop3A_1580 = arith.addi %parallel_loop3A_1569, %parallel_loop3A_1579 : vector<16xi32>
      %parallel_loop3A_1581 = tpu.vector_load_idx %arg6[%parallel_loop3A_1580, %parallel_loop3A_1572] : memref<768x128xf32, #tpu.memory_space<vmem>>[vector<16xi32>, vector<16xi32>], vector<16xf32>,
      %parallel_loop3A_1582 = arith.subf %parallel_loop3A_1530, %parallel_loop3A_1573 : vector<16xf32>
      %parallel_loop3A_1583 = arith.subf %parallel_loop3A_1532, %parallel_loop3A_1577 : vector<16xf32>
      %parallel_loop3A_1584 = arith.subf %parallel_loop3A_1534, %parallel_loop3A_1581 : vector<16xf32>
      %parallel_loop3A_1585 = arith.mulf %parallel_loop3A_1582, %parallel_loop3A_1582 : vector<16xf32>
      %parallel_loop3A_1586 = arith.mulf %parallel_loop3A_1583, %parallel_loop3A_1583 : vector<16xf32>
      %parallel_loop3A_1587 = arith.addf %parallel_loop3A_1585, %parallel_loop3A_1586 : vector<16xf32>
      %parallel_loop3A_1588 = arith.mulf %parallel_loop3A_1584, %parallel_loop3A_1584 : vector<16xf32>
      %parallel_loop3A_1589 = arith.addf %parallel_loop3A_1587, %parallel_loop3A_1588 : vector<16xf32>
      %parallel_loop3A_1590 = arith.constant 9.99999968E-21 : f32
      %parallel_loop3A_1591 = vector.broadcast %parallel_loop3A_1590 : f32 to vector<16xf32>
      %parallel_loop3A_1592 = arith.maximumf %parallel_loop3A_1589, %parallel_loop3A_1591 : vector<16xf32>
      %parallel_loop3A_1593 = tpu.bitcast %parallel_loop3A_1592 : vector<16xf32> -> vector<16xi32>
      %parallel_loop3A_1594 = arith.constant 1 : i32
      %parallel_loop3A_1595 = vector.broadcast %parallel_loop3A_1594 : i32 to vector<16xi32>
      %parallel_loop3A_1596 = arith.shrsi %parallel_loop3A_1593, %parallel_loop3A_1595 : vector<16xi32>
      %parallel_loop3A_1597 = arith.constant 1597463007 : i32
      %parallel_loop3A_1598 = vector.broadcast %parallel_loop3A_1597 : i32 to vector<16xi32>
      %parallel_loop3A_1599 = arith.subi %parallel_loop3A_1598, %parallel_loop3A_1596 : vector<16xi32>
      %parallel_loop3A_1600 = tpu.bitcast %parallel_loop3A_1599 : vector<16xi32> -> vector<16xf32>
      %parallel_loop3A_1601 = arith.constant 5.000000e-01 : f32
      %parallel_loop3A_1602 = vector.broadcast %parallel_loop3A_1601 : f32 to vector<16xf32>
      %parallel_loop3A_1603 = arith.mulf %parallel_loop3A_1602, %parallel_loop3A_1592 : vector<16xf32>
      %parallel_loop3A_1604 = arith.mulf %parallel_loop3A_1603, %parallel_loop3A_1600 : vector<16xf32>
      %parallel_loop3A_1605 = arith.mulf %parallel_loop3A_1604, %parallel_loop3A_1600 : vector<16xf32>
      %parallel_loop3A_1606 = arith.constant 1.500000e+00 : f32
      %parallel_loop3A_1607 = vector.broadcast %parallel_loop3A_1606 : f32 to vector<16xf32>
      %parallel_loop3A_1608 = arith.subf %parallel_loop3A_1607, %parallel_loop3A_1605 : vector<16xf32>
      %parallel_loop3A_1609 = arith.mulf %parallel_loop3A_1600, %parallel_loop3A_1608 : vector<16xf32>
      %parallel_loop3A_1610 = arith.mulf %parallel_loop3A_1603, %parallel_loop3A_1609 : vector<16xf32>
      %parallel_loop3A_1611 = arith.mulf %parallel_loop3A_1610, %parallel_loop3A_1609 : vector<16xf32>
      %parallel_loop3A_1612 = arith.constant 1.500000e+00 : f32
      %parallel_loop3A_1613 = vector.broadcast %parallel_loop3A_1612 : f32 to vector<16xf32>
      %parallel_loop3A_1614 = arith.subf %parallel_loop3A_1613, %parallel_loop3A_1611 : vector<16xf32>
      %parallel_loop3A_1615 = arith.mulf %parallel_loop3A_1609, %parallel_loop3A_1614 : vector<16xf32>
      %parallel_loop3A_1616 = arith.mulf %parallel_loop3A_1589, %parallel_loop3A_1615 : vector<16xf32>
      %parallel_loop3A_1617 = arith.addf %parallel_loop3A_1508, %parallel_loop3A_1616 : vector<16xf32>
      %parallel_loop3A_1618 = arith.index_cast %parallel_loop3A_831 : i32 to index
      %parallel_loop3A_1619 = arith.constant 112 : index
      %parallel_loop3A_1620 = tpu.vector_load %arg7[%parallel_loop3A_1618, %parallel_loop3A_1619] {strides = array<i32>} : memref<96x128xf32, #tpu.memory_space<vmem>>, vector<16xf32>,
      %parallel_loop3A_1621 = arith.constant 32 : i32
      %parallel_loop3A_1622 = arith.addi %parallel_loop3A_1621, %parallel_loop3A_831 : i32
      %parallel_loop3A_1623 = arith.index_cast %parallel_loop3A_1622 : i32 to index
      %parallel_loop3A_1624 = arith.constant 112 : index
      %parallel_loop3A_1625 = tpu.vector_load %arg7[%parallel_loop3A_1623, %parallel_loop3A_1624] {strides = array<i32>} : memref<96x128xf32, #tpu.memory_space<vmem>>, vector<16xf32>,
      %parallel_loop3A_1626 = arith.constant 64 : i32
      %parallel_loop3A_1627 = arith.addi %parallel_loop3A_1626, %parallel_loop3A_831 : i32
      %parallel_loop3A_1628 = arith.index_cast %parallel_loop3A_1627 : i32 to index
      %parallel_loop3A_1629 = arith.constant 112 : index
      %parallel_loop3A_1630 = tpu.vector_load %arg7[%parallel_loop3A_1628, %parallel_loop3A_1629] {strides = array<i32>} : memref<96x128xf32, #tpu.memory_space<vmem>>, vector<16xf32>,
      %parallel_loop3A_1631 = arith.mulf %parallel_loop3A_834, %parallel_loop3A_1620 : vector<16xf32>
      %parallel_loop3A_1632 = arith.mulf %parallel_loop3A_839, %parallel_loop3A_1625 : vector<16xf32>
      %parallel_loop3A_1633 = arith.addf %parallel_loop3A_1631, %parallel_loop3A_1632 : vector<16xf32>
      %parallel_loop3A_1634 = arith.mulf %parallel_loop3A_844, %parallel_loop3A_1630 : vector<16xf32>
      %parallel_loop3A_1635 = arith.addf %parallel_loop3A_1633, %parallel_loop3A_1634 : vector<16xf32>
      %parallel_loop3A_1636 = arith.addf %parallel_loop3A_1635, %parallel_loop3A_849 : vector<16xf32>
      %parallel_loop3A_1637 = arith.mulf %parallel_loop3A_1636, %parallel_loop3A_854 : vector<16xf32>
      %parallel_loop3A_1638 = arith.mulf %parallel_loop3A_1637, %parallel_loop3A_834 : vector<16xf32>
      %parallel_loop3A_1639 = arith.subf %parallel_loop3A_1620, %parallel_loop3A_1638 : vector<16xf32>
      %parallel_loop3A_1640 = arith.mulf %parallel_loop3A_1637, %parallel_loop3A_839 : vector<16xf32>
      %parallel_loop3A_1641 = arith.subf %parallel_loop3A_1625, %parallel_loop3A_1640 : vector<16xf32>
      %parallel_loop3A_1642 = arith.mulf %parallel_loop3A_1637, %parallel_loop3A_844 : vector<16xf32>
      %parallel_loop3A_1643 = arith.subf %parallel_loop3A_1630, %parallel_loop3A_1642 : vector<16xf32>
      %parallel_loop3A_1644 = arith.constant 0.000000e+00 : f32
      %parallel_loop3A_1645 = arith.constant 3.200000e+01 : f32
      %parallel_loop3A_1646 = vector.broadcast %parallel_loop3A_1644 : f32 to vector<16xf32>
      %parallel_loop3A_1647 = arith.maximumf %parallel_loop3A_1646, %parallel_loop3A_1639 : vector<16xf32>
      %parallel_loop3A_1648 = vector.broadcast %parallel_loop3A_1645 : f32 to vector<16xf32>
      %parallel_loop3A_1649 = arith.minimumf %parallel_loop3A_1648, %parallel_loop3A_1647 : vector<16xf32>
      %parallel_loop3A_1650 = arith.fptosi %parallel_loop3A_1649 : vector<16xf32> to vector<16xi32>
      %parallel_loop3A_1651 = arith.constant 0.000000e+00 : f32
      %parallel_loop3A_1652 = arith.constant 3.200000e+01 : f32
      %parallel_loop3A_1653 = vector.broadcast %parallel_loop3A_1651 : f32 to vector<16xf32>
      %parallel_loop3A_1654 = arith.maximumf %parallel_loop3A_1653, %parallel_loop3A_1641 : vector<16xf32>
      %parallel_loop3A_1655 = vector.broadcast %parallel_loop3A_1652 : f32 to vector<16xf32>
      %parallel_loop3A_1656 = arith.minimumf %parallel_loop3A_1655, %parallel_loop3A_1654 : vector<16xf32>
      %parallel_loop3A_1657 = arith.fptosi %parallel_loop3A_1656 : vector<16xf32> to vector<16xi32>
      %parallel_loop3A_1658 = arith.constant 0.000000e+00 : f32
      %parallel_loop3A_1659 = arith.constant 3.200000e+01 : f32
      %parallel_loop3A_1660 = vector.broadcast %parallel_loop3A_1658 : f32 to vector<16xf32>
      %parallel_loop3A_1661 = arith.maximumf %parallel_loop3A_1660, %parallel_loop3A_1643 : vector<16xf32>
      %parallel_loop3A_1662 = vector.broadcast %parallel_loop3A_1659 : f32 to vector<16xf32>
      %parallel_loop3A_1663 = arith.minimumf %parallel_loop3A_1662, %parallel_loop3A_1661 : vector<16xf32>
      %parallel_loop3A_1664 = arith.fptosi %parallel_loop3A_1663 : vector<16xf32> to vector<16xi32>
      %parallel_loop3A_1665 = arith.constant 1024 : i32
      %parallel_loop3A_1666 = vector.broadcast %parallel_loop3A_1665 : i32 to vector<16xi32>
      %parallel_loop3A_1667 = arith.muli %parallel_loop3A_1650, %parallel_loop3A_1666 : vector<16xi32>
      %parallel_loop3A_1668 = arith.constant 32 : i32
      %parallel_loop3A_1669 = vector.broadcast %parallel_loop3A_1668 : i32 to vector<16xi32>
      %parallel_loop3A_1670 = arith.muli %parallel_loop3A_1657, %parallel_loop3A_1669 : vector<16xi32>
      %parallel_loop3A_1671 = arith.addi %parallel_loop3A_1667, %parallel_loop3A_1670 : vector<16xi32>
      %parallel_loop3A_1672 = arith.addi %parallel_loop3A_1671, %parallel_loop3A_1664 : vector<16xi32>
      %parallel_loop3A_1673 = arith.constant 32767 : i32
      %parallel_loop3A_1674 = vector.broadcast %parallel_loop3A_1673 : i32 to vector<16xi32>
      %parallel_loop3A_1675 = arith.minsi %parallel_loop3A_1672, %parallel_loop3A_1674 : vector<16xi32>
      %parallel_loop3A_1676 = arith.constant 7 : i32
      %parallel_loop3A_1677 = vector.broadcast %parallel_loop3A_1676 : i32 to vector<16xi32>
      %parallel_loop3A_1678 = arith.shrsi %parallel_loop3A_1675, %parallel_loop3A_1677 : vector<16xi32>
      %parallel_loop3A_1679 = arith.constant 127 : i32
      %parallel_loop3A_1680 = vector.broadcast %parallel_loop3A_1679 : i32 to vector<16xi32>
      %parallel_loop3A_1681 = arith.andi %parallel_loop3A_1675, %parallel_loop3A_1680 : vector<16xi32>
      %parallel_loop3A_1682 = tpu.vector_load_idx %arg6[%parallel_loop3A_1678, %parallel_loop3A_1681] : memref<768x128xf32, #tpu.memory_space<vmem>>[vector<16xi32>, vector<16xi32>], vector<16xf32>,
      %parallel_loop3A_1683 = arith.constant 256 : i32
      %parallel_loop3A_1684 = vector.broadcast %parallel_loop3A_1683 : i32 to vector<16xi32>
      %parallel_loop3A_1685 = arith.addi %parallel_loop3A_1678, %parallel_loop3A_1684 : vector<16xi32>
      %parallel_loop3A_1686 = tpu.vector_load_idx %arg6[%parallel_loop3A_1685, %parallel_loop3A_1681] : memref<768x128xf32, #tpu.memory_space<vmem>>[vector<16xi32>, vector<16xi32>], vector<16xf32>,
      %parallel_loop3A_1687 = arith.constant 512 : i32
      %parallel_loop3A_1688 = vector.broadcast %parallel_loop3A_1687 : i32 to vector<16xi32>
      %parallel_loop3A_1689 = arith.addi %parallel_loop3A_1678, %parallel_loop3A_1688 : vector<16xi32>
      %parallel_loop3A_1690 = tpu.vector_load_idx %arg6[%parallel_loop3A_1689, %parallel_loop3A_1681] : memref<768x128xf32, #tpu.memory_space<vmem>>[vector<16xi32>, vector<16xi32>], vector<16xf32>,
      %parallel_loop3A_1691 = arith.subf %parallel_loop3A_1639, %parallel_loop3A_1682 : vector<16xf32>
      %parallel_loop3A_1692 = arith.subf %parallel_loop3A_1641, %parallel_loop3A_1686 : vector<16xf32>
      %parallel_loop3A_1693 = arith.subf %parallel_loop3A_1643, %parallel_loop3A_1690 : vector<16xf32>
      %parallel_loop3A_1694 = arith.mulf %parallel_loop3A_1691, %parallel_loop3A_1691 : vector<16xf32>
      %parallel_loop3A_1695 = arith.mulf %parallel_loop3A_1692, %parallel_loop3A_1692 : vector<16xf32>
      %parallel_loop3A_1696 = arith.addf %parallel_loop3A_1694, %parallel_loop3A_1695 : vector<16xf32>
      %parallel_loop3A_1697 = arith.mulf %parallel_loop3A_1693, %parallel_loop3A_1693 : vector<16xf32>
      %parallel_loop3A_1698 = arith.addf %parallel_loop3A_1696, %parallel_loop3A_1697 : vector<16xf32>
      %parallel_loop3A_1699 = arith.constant 9.99999968E-21 : f32
      %parallel_loop3A_1700 = vector.broadcast %parallel_loop3A_1699 : f32 to vector<16xf32>
      %parallel_loop3A_1701 = arith.maximumf %parallel_loop3A_1698, %parallel_loop3A_1700 : vector<16xf32>
      %parallel_loop3A_1702 = tpu.bitcast %parallel_loop3A_1701 : vector<16xf32> -> vector<16xi32>
      %parallel_loop3A_1703 = arith.constant 1 : i32
      %parallel_loop3A_1704 = vector.broadcast %parallel_loop3A_1703 : i32 to vector<16xi32>
      %parallel_loop3A_1705 = arith.shrsi %parallel_loop3A_1702, %parallel_loop3A_1704 : vector<16xi32>
      %parallel_loop3A_1706 = arith.constant 1597463007 : i32
      %parallel_loop3A_1707 = vector.broadcast %parallel_loop3A_1706 : i32 to vector<16xi32>
      %parallel_loop3A_1708 = arith.subi %parallel_loop3A_1707, %parallel_loop3A_1705 : vector<16xi32>
      %parallel_loop3A_1709 = tpu.bitcast %parallel_loop3A_1708 : vector<16xi32> -> vector<16xf32>
      %parallel_loop3A_1710 = arith.constant 5.000000e-01 : f32
      %parallel_loop3A_1711 = vector.broadcast %parallel_loop3A_1710 : f32 to vector<16xf32>
      %parallel_loop3A_1712 = arith.mulf %parallel_loop3A_1711, %parallel_loop3A_1701 : vector<16xf32>
      %parallel_loop3A_1713 = arith.mulf %parallel_loop3A_1712, %parallel_loop3A_1709 : vector<16xf32>
      %parallel_loop3A_1714 = arith.mulf %parallel_loop3A_1713, %parallel_loop3A_1709 : vector<16xf32>
      %parallel_loop3A_1715 = arith.constant 1.500000e+00 : f32
      %parallel_loop3A_1716 = vector.broadcast %parallel_loop3A_1715 : f32 to vector<16xf32>
      %parallel_loop3A_1717 = arith.subf %parallel_loop3A_1716, %parallel_loop3A_1714 : vector<16xf32>
      %parallel_loop3A_1718 = arith.mulf %parallel_loop3A_1709, %parallel_loop3A_1717 : vector<16xf32>
      %parallel_loop3A_1719 = arith.mulf %parallel_loop3A_1712, %parallel_loop3A_1718 : vector<16xf32>
      %parallel_loop3A_1720 = arith.mulf %parallel_loop3A_1719, %parallel_loop3A_1718 : vector<16xf32>
      %parallel_loop3A_1721 = arith.constant 1.500000e+00 : f32
      %parallel_loop3A_1722 = vector.broadcast %parallel_loop3A_1721 : f32 to vector<16xf32>
      %parallel_loop3A_1723 = arith.subf %parallel_loop3A_1722, %parallel_loop3A_1720 : vector<16xf32>
      %parallel_loop3A_1724 = arith.mulf %parallel_loop3A_1718, %parallel_loop3A_1723 : vector<16xf32>
      %parallel_loop3A_1725 = arith.mulf %parallel_loop3A_1698, %parallel_loop3A_1724 : vector<16xf32>
      %parallel_loop3A_1726 = arith.addf %parallel_loop3A_1617, %parallel_loop3A_1725 : vector<16xf32>
      scf.yield %parallel_loop3A_1726 : vector<16xf32>
    } {sc.loop_unroll_factor = 1 : i64, sc.parallel_access}
    %parallel_loop3A_816 = arith.constant 0 : i32
    %parallel_loop3A_817 = arith.constant 96 : i32
    %parallel_loop3A_818 = arith.constant 1 : i32
    %parallel_loop3A_819 = scf.for %parallel_loop3A_824 = %parallel_loop3A_816 to %parallel_loop3A_817 step %parallel_loop3A_818 iter_args(%parallel_loop3A_825 = %parallel_loop3A_815) -> (vector<16xf32>)  : i32 {
      %parallel_loop3A_826 = arith.constant 5 : i32
      %parallel_loop3A_827 = arith.shrsi %parallel_loop3A_824, %parallel_loop3A_826 : i32
      %parallel_loop3A_828 = arith.constant 9 : i32
      %parallel_loop3A_829 = arith.muli %parallel_loop3A_827, %parallel_loop3A_828 : i32
      %parallel_loop3A_830 = arith.constant 31 : i32
      %parallel_loop3A_831 = arith.andi %parallel_loop3A_824, %parallel_loop3A_830 : i32
      %parallel_loop3A_832 = arith.constant 15 : i32
      %parallel_loop3A_833 = arith.addi %parallel_loop3A_832, %parallel_loop3A_829 : i32
      %parallel_loop3A_834 = arith.constant 0 : i32
      %parallel_loop3A_835 = arith.addi %parallel_loop3A_833, %parallel_loop3A_834 : i32
      %parallel_loop3A_836 = arith.index_cast %parallel_loop3A_835 : i32 to index
      %parallel_loop3A_837 = arith.constant 0 : index
      %parallel_loop3A_838 = tpu.vector_load %arg9[%parallel_loop3A_836, %parallel_loop3A_837] {strides = array<i32>} : memref<42x16xf32, #tpu.memory_space<vmem>>, vector<16xf32>,
      %parallel_loop3A_839 = arith.constant 15 : i32
      %parallel_loop3A_840 = arith.addi %parallel_loop3A_839, %parallel_loop3A_829 : i32
      %parallel_loop3A_841 = arith.constant 1 : i32
      %parallel_loop3A_842 = arith.addi %parallel_loop3A_840, %parallel_loop3A_841 : i32
      %parallel_loop3A_843 = arith.index_cast %parallel_loop3A_842 : i32 to index
      %parallel_loop3A_844 = arith.constant 0 : index
      %parallel_loop3A_845 = tpu.vector_load %arg9[%parallel_loop3A_843, %parallel_loop3A_844] {strides = array<i32>} : memref<42x16xf32, #tpu.memory_space<vmem>>, vector<16xf32>,
      %parallel_loop3A_846 = arith.constant 15 : i32
      %parallel_loop3A_847 = arith.addi %parallel_loop3A_846, %parallel_loop3A_829 : i32
      %parallel_loop3A_848 = arith.constant 2 : i32
      %parallel_loop3A_849 = arith.addi %parallel_loop3A_847, %parallel_loop3A_848 : i32
      %parallel_loop3A_850 = arith.index_cast %parallel_loop3A_849 : i32 to index
      %parallel_loop3A_851 = arith.constant 0 : index
      %parallel_loop3A_852 = tpu.vector_load %arg9[%parallel_loop3A_850, %parallel_loop3A_851] {strides = array<i32>} : memref<42x16xf32, #tpu.memory_space<vmem>>, vector<16xf32>,
      %parallel_loop3A_853 = arith.constant 15 : i32
      %parallel_loop3A_854 = arith.addi %parallel_loop3A_853, %parallel_loop3A_829 : i32
      %parallel_loop3A_855 = arith.constant 3 : i32
      %parallel_loop3A_856 = arith.addi %parallel_loop3A_854, %parallel_loop3A_855 : i32
      %parallel_loop3A_857 = arith.index_cast %parallel_loop3A_856 : i32 to index
      %parallel_loop3A_858 = arith.constant 0 : index
      %parallel_loop3A_859 = tpu.vector_load %arg9[%parallel_loop3A_857, %parallel_loop3A_858] {strides = array<i32>} : memref<42x16xf32, #tpu.memory_space<vmem>>, vector<16xf32>,
      %parallel_loop3A_860 = arith.constant 15 : i32
      %parallel_loop3A_861 = arith.addi %parallel_loop3A_860, %parallel_loop3A_829 : i32
      %parallel_loop3A_862 = arith.constant 4 : i32
      %parallel_loop3A_863 = arith.addi %parallel_loop3A_861, %parallel_loop3A_862 : i32
      %parallel_loop3A_864 = arith.index_cast %parallel_loop3A_863 : i32 to index
      %parallel_loop3A_865 = arith.constant 0 : index
      %parallel_loop3A_866 = tpu.vector_load %arg9[%parallel_loop3A_864, %parallel_loop3A_865] {strides = array<i32>} : memref<42x16xf32, #tpu.memory_space<vmem>>, vector<16xf32>,
      %parallel_loop3A_867 = arith.constant 15 : i32
      %parallel_loop3A_868 = arith.addi %parallel_loop3A_867, %parallel_loop3A_829 : i32
      %parallel_loop3A_869 = arith.constant 5 : i32
      %parallel_loop3A_870 = arith.addi %parallel_loop3A_868, %parallel_loop3A_869 : i32
      %parallel_loop3A_871 = arith.index_cast %parallel_loop3A_870 : i32 to index
      %parallel_loop3A_872 = arith.constant 0 : index
      %parallel_loop3A_873 = tpu.vector_load %arg9[%parallel_loop3A_871, %parallel_loop3A_872] {strides = array<i32>} : memref<42x16xf32, #tpu.memory_space<vmem>>, vector<16xf32>,
      %parallel_loop3A_874 = arith.constant 15 : i32
      %parallel_loop3A_875 = arith.addi %parallel_loop3A_874, %parallel_loop3A_829 : i32
      %parallel_loop3A_876 = arith.constant 6 : i32
      %parallel_loop3A_877 = arith.addi %parallel_loop3A_875, %parallel_loop3A_876 : i32
      %parallel_loop3A_878 = arith.index_cast %parallel_loop3A_877 : i32 to index
      %parallel_loop3A_879 = arith.constant 0 : index
      %parallel_loop3A_880 = tpu.vector_load %arg9[%parallel_loop3A_878, %parallel_loop3A_879] {strides = array<i32>} : memref<42x16xf32, #tpu.memory_space<vmem>>, vector<16xf32>,
      %parallel_loop3A_881 = arith.constant 15 : i32
      %parallel_loop3A_882 = arith.addi %parallel_loop3A_881, %parallel_loop3A_829 : i32
      %parallel_loop3A_883 = arith.constant 7 : i32
      %parallel_loop3A_884 = arith.addi %parallel_loop3A_882, %parallel_loop3A_883 : i32
      %parallel_loop3A_885 = arith.index_cast %parallel_loop3A_884 : i32 to index
      %parallel_loop3A_886 = arith.constant 0 : index
      %parallel_loop3A_887 = tpu.vector_load %arg9[%parallel_loop3A_885, %parallel_loop3A_886] {strides = array<i32>} : memref<42x16xf32, #tpu.memory_space<vmem>>, vector<16xf32>,
      %parallel_loop3A_888 = arith.constant 15 : i32
      %parallel_loop3A_889 = arith.addi %parallel_loop3A_888, %parallel_loop3A_829 : i32
      %parallel_loop3A_890 = arith.constant 8 : i32
      %parallel_loop3A_891 = arith.addi %parallel_loop3A_889, %parallel_loop3A_890 : i32
      %parallel_loop3A_892 = arith.index_cast %parallel_loop3A_891 : i32 to index
      %parallel_loop3A_893 = arith.constant 0 : index
      %parallel_loop3A_894 = tpu.vector_load %arg9[%parallel_loop3A_892, %parallel_loop3A_893] {strides = array<i32>} : memref<42x16xf32, #tpu.memory_space<vmem>>, vector<16xf32>,
      %parallel_loop3A_895 = arith.index_cast %parallel_loop3A_831 : i32 to index
      %parallel_loop3A_896 = arith.constant 0 : index
      %parallel_loop3A_897 = tpu.vector_load %arg7[%parallel_loop3A_895, %parallel_loop3A_896] {strides = array<i32>} : memref<96x128xf32, #tpu.memory_space<vmem>>, vector<16xf32>,
      %parallel_loop3A_898 = arith.constant 32 : i32
      %parallel_loop3A_899 = arith.addi %parallel_loop3A_898, %parallel_loop3A_831 : i32
      %parallel_loop3A_900 = arith.index_cast %parallel_loop3A_899 : i32 to index
      %parallel_loop3A_901 = arith.constant 0 : index
      %parallel_loop3A_902 = tpu.vector_load %arg7[%parallel_loop3A_900, %parallel_loop3A_901] {strides = array<i32>} : memref<96x128xf32, #tpu.memory_space<vmem>>, vector<16xf32>,
      %parallel_loop3A_903 = arith.constant 64 : i32
      %parallel_loop3A_904 = arith.addi %parallel_loop3A_903, %parallel_loop3A_831 : i32
      %parallel_loop3A_905 = arith.index_cast %parallel_loop3A_904 : i32 to index
      %parallel_loop3A_906 = arith.constant 0 : index
      %parallel_loop3A_907 = tpu.vector_load %arg7[%parallel_loop3A_905, %parallel_loop3A_906] {strides = array<i32>} : memref<96x128xf32, #tpu.memory_space<vmem>>, vector<16xf32>,
      %parallel_loop3A_908 = arith.mulf %parallel_loop3A_838, %parallel_loop3A_897 : vector<16xf32>
      %parallel_loop3A_909 = arith.mulf %parallel_loop3A_845, %parallel_loop3A_902 : vector<16xf32>
      %parallel_loop3A_910 = arith.addf %parallel_loop3A_908, %parallel_loop3A_909 : vector<16xf32>
      %parallel_loop3A_911 = arith.mulf %parallel_loop3A_852, %parallel_loop3A_907 : vector<16xf32>
      %parallel_loop3A_912 = arith.addf %parallel_loop3A_910, %parallel_loop3A_911 : vector<16xf32>
      %parallel_loop3A_913 = arith.mulf %parallel_loop3A_859, %parallel_loop3A_897 : vector<16xf32>
      %parallel_loop3A_914 = arith.mulf %parallel_loop3A_866, %parallel_loop3A_902 : vector<16xf32>
      %parallel_loop3A_915 = arith.addf %parallel_loop3A_913, %parallel_loop3A_914 : vector<16xf32>
      %parallel_loop3A_916 = arith.mulf %parallel_loop3A_873, %parallel_loop3A_907 : vector<16xf32>
      %parallel_loop3A_917 = arith.addf %parallel_loop3A_915, %parallel_loop3A_916 : vector<16xf32>
      %parallel_loop3A_918 = arith.mulf %parallel_loop3A_880, %parallel_loop3A_897 : vector<16xf32>
      %parallel_loop3A_919 = arith.mulf %parallel_loop3A_887, %parallel_loop3A_902 : vector<16xf32>
      %parallel_loop3A_920 = arith.addf %parallel_loop3A_918, %parallel_loop3A_919 : vector<16xf32>
      %parallel_loop3A_921 = arith.mulf %parallel_loop3A_894, %parallel_loop3A_907 : vector<16xf32>
      %parallel_loop3A_922 = arith.addf %parallel_loop3A_920, %parallel_loop3A_921 : vector<16xf32>
      %parallel_loop3A_923 = arith.constant 0.000000e+00 : f32
      %parallel_loop3A_924 = arith.constant 3.200000e+01 : f32
      %parallel_loop3A_925 = vector.broadcast %parallel_loop3A_923 : f32 to vector<16xf32>
      %parallel_loop3A_926 = arith.maximumf %parallel_loop3A_925, %parallel_loop3A_912 : vector<16xf32>
      %parallel_loop3A_927 = vector.broadcast %parallel_loop3A_924 : f32 to vector<16xf32>
      %parallel_loop3A_928 = arith.minimumf %parallel_loop3A_927, %parallel_loop3A_926 : vector<16xf32>
      %parallel_loop3A_929 = arith.fptosi %parallel_loop3A_928 : vector<16xf32> to vector<16xi32>
      %parallel_loop3A_930 = arith.constant 0.000000e+00 : f32
      %parallel_loop3A_931 = arith.constant 3.200000e+01 : f32
      %parallel_loop3A_932 = vector.broadcast %parallel_loop3A_930 : f32 to vector<16xf32>
      %parallel_loop3A_933 = arith.maximumf %parallel_loop3A_932, %parallel_loop3A_917 : vector<16xf32>
      %parallel_loop3A_934 = vector.broadcast %parallel_loop3A_931 : f32 to vector<16xf32>
      %parallel_loop3A_935 = arith.minimumf %parallel_loop3A_934, %parallel_loop3A_933 : vector<16xf32>
      %parallel_loop3A_936 = arith.fptosi %parallel_loop3A_935 : vector<16xf32> to vector<16xi32>
      %parallel_loop3A_937 = arith.constant 0.000000e+00 : f32
      %parallel_loop3A_938 = arith.constant 3.200000e+01 : f32
      %parallel_loop3A_939 = vector.broadcast %parallel_loop3A_937 : f32 to vector<16xf32>
      %parallel_loop3A_940 = arith.maximumf %parallel_loop3A_939, %parallel_loop3A_922 : vector<16xf32>
      %parallel_loop3A_941 = vector.broadcast %parallel_loop3A_938 : f32 to vector<16xf32>
      %parallel_loop3A_942 = arith.minimumf %parallel_loop3A_941, %parallel_loop3A_940 : vector<16xf32>
      %parallel_loop3A_943 = arith.fptosi %parallel_loop3A_942 : vector<16xf32> to vector<16xi32>
      %parallel_loop3A_944 = arith.constant 1024 : i32
      %parallel_loop3A_945 = vector.broadcast %parallel_loop3A_944 : i32 to vector<16xi32>
      %parallel_loop3A_946 = arith.muli %parallel_loop3A_929, %parallel_loop3A_945 : vector<16xi32>
      %parallel_loop3A_947 = arith.constant 32 : i32
      %parallel_loop3A_948 = vector.broadcast %parallel_loop3A_947 : i32 to vector<16xi32>
      %parallel_loop3A_949 = arith.muli %parallel_loop3A_936, %parallel_loop3A_948 : vector<16xi32>
      %parallel_loop3A_950 = arith.addi %parallel_loop3A_946, %parallel_loop3A_949 : vector<16xi32>
      %parallel_loop3A_951 = arith.addi %parallel_loop3A_950, %parallel_loop3A_943 : vector<16xi32>
      %parallel_loop3A_952 = arith.constant 32767 : i32
      %parallel_loop3A_953 = vector.broadcast %parallel_loop3A_952 : i32 to vector<16xi32>
      %parallel_loop3A_954 = arith.minsi %parallel_loop3A_951, %parallel_loop3A_953 : vector<16xi32>
      %parallel_loop3A_955 = arith.constant 7 : i32
      %parallel_loop3A_956 = vector.broadcast %parallel_loop3A_955 : i32 to vector<16xi32>
      %parallel_loop3A_957 = arith.shrsi %parallel_loop3A_954, %parallel_loop3A_956 : vector<16xi32>
      %parallel_loop3A_958 = arith.constant 127 : i32
      %parallel_loop3A_959 = vector.broadcast %parallel_loop3A_958 : i32 to vector<16xi32>
      %parallel_loop3A_960 = arith.andi %parallel_loop3A_954, %parallel_loop3A_959 : vector<16xi32>
      %parallel_loop3A_961 = tpu.vector_load_idx %arg6[%parallel_loop3A_957, %parallel_loop3A_960] : memref<768x128xf32, #tpu.memory_space<vmem>>[vector<16xi32>, vector<16xi32>], vector<16xf32>,
      %parallel_loop3A_962 = arith.constant 256 : i32
      %parallel_loop3A_963 = vector.broadcast %parallel_loop3A_962 : i32 to vector<16xi32>
      %parallel_loop3A_964 = arith.addi %parallel_loop3A_957, %parallel_loop3A_963 : vector<16xi32>
      %parallel_loop3A_965 = tpu.vector_load_idx %arg6[%parallel_loop3A_964, %parallel_loop3A_960] : memref<768x128xf32, #tpu.memory_space<vmem>>[vector<16xi32>, vector<16xi32>], vector<16xf32>,
      %parallel_loop3A_966 = arith.constant 512 : i32
      %parallel_loop3A_967 = vector.broadcast %parallel_loop3A_966 : i32 to vector<16xi32>
      %parallel_loop3A_968 = arith.addi %parallel_loop3A_957, %parallel_loop3A_967 : vector<16xi32>
      %parallel_loop3A_969 = tpu.vector_load_idx %arg6[%parallel_loop3A_968, %parallel_loop3A_960] : memref<768x128xf32, #tpu.memory_space<vmem>>[vector<16xi32>, vector<16xi32>], vector<16xf32>,
      %parallel_loop3A_970 = arith.subf %parallel_loop3A_912, %parallel_loop3A_961 : vector<16xf32>
      %parallel_loop3A_971 = arith.subf %parallel_loop3A_917, %parallel_loop3A_965 : vector<16xf32>
      %parallel_loop3A_972 = arith.subf %parallel_loop3A_922, %parallel_loop3A_969 : vector<16xf32>
      %parallel_loop3A_973 = arith.mulf %parallel_loop3A_970, %parallel_loop3A_970 : vector<16xf32>
      %parallel_loop3A_974 = arith.mulf %parallel_loop3A_971, %parallel_loop3A_971 : vector<16xf32>
      %parallel_loop3A_975 = arith.addf %parallel_loop3A_973, %parallel_loop3A_974 : vector<16xf32>
      %parallel_loop3A_976 = arith.mulf %parallel_loop3A_972, %parallel_loop3A_972 : vector<16xf32>
      %parallel_loop3A_977 = arith.addf %parallel_loop3A_975, %parallel_loop3A_976 : vector<16xf32>
      %parallel_loop3A_978 = arith.constant 9.99999968E-21 : f32
      %parallel_loop3A_979 = vector.broadcast %parallel_loop3A_978 : f32 to vector<16xf32>
      %parallel_loop3A_980 = arith.maximumf %parallel_loop3A_977, %parallel_loop3A_979 : vector<16xf32>
      %parallel_loop3A_981 = tpu.bitcast %parallel_loop3A_980 : vector<16xf32> -> vector<16xi32>
      %parallel_loop3A_982 = arith.constant 1 : i32
      %parallel_loop3A_983 = vector.broadcast %parallel_loop3A_982 : i32 to vector<16xi32>
      %parallel_loop3A_984 = arith.shrsi %parallel_loop3A_981, %parallel_loop3A_983 : vector<16xi32>
      %parallel_loop3A_985 = arith.constant 1597463007 : i32
      %parallel_loop3A_986 = vector.broadcast %parallel_loop3A_985 : i32 to vector<16xi32>
      %parallel_loop3A_987 = arith.subi %parallel_loop3A_986, %parallel_loop3A_984 : vector<16xi32>
      %parallel_loop3A_988 = tpu.bitcast %parallel_loop3A_987 : vector<16xi32> -> vector<16xf32>
      %parallel_loop3A_989 = arith.constant 5.000000e-01 : f32
      %parallel_loop3A_990 = vector.broadcast %parallel_loop3A_989 : f32 to vector<16xf32>
      %parallel_loop3A_991 = arith.mulf %parallel_loop3A_990, %parallel_loop3A_980 : vector<16xf32>
      %parallel_loop3A_992 = arith.mulf %parallel_loop3A_991, %parallel_loop3A_988 : vector<16xf32>
      %parallel_loop3A_993 = arith.mulf %parallel_loop3A_992, %parallel_loop3A_988 : vector<16xf32>
      %parallel_loop3A_994 = arith.constant 1.500000e+00 : f32
      %parallel_loop3A_995 = vector.broadcast %parallel_loop3A_994 : f32 to vector<16xf32>
      %parallel_loop3A_996 = arith.subf %parallel_loop3A_995, %parallel_loop3A_993 : vector<16xf32>
      %parallel_loop3A_997 = arith.mulf %parallel_loop3A_988, %parallel_loop3A_996 : vector<16xf32>
      %parallel_loop3A_998 = arith.mulf %parallel_loop3A_991, %parallel_loop3A_997 : vector<16xf32>
      %parallel_loop3A_999 = arith.mulf %parallel_loop3A_998, %parallel_loop3A_997 : vector<16xf32>
      %parallel_loop3A_1000 = arith.constant 1.500000e+00 : f32
      %parallel_loop3A_1001 = vector.broadcast %parallel_loop3A_1000 : f32 to vector<16xf32>
      %parallel_loop3A_1002 = arith.subf %parallel_loop3A_1001, %parallel_loop3A_999 : vector<16xf32>
      %parallel_loop3A_1003 = arith.mulf %parallel_loop3A_997, %parallel_loop3A_1002 : vector<16xf32>
      %parallel_loop3A_1004 = arith.mulf %parallel_loop3A_977, %parallel_loop3A_1003 : vector<16xf32>
      %parallel_loop3A_1005 = arith.addf %parallel_loop3A_825, %parallel_loop3A_1004 : vector<16xf32>
      %parallel_loop3A_1006 = arith.index_cast %parallel_loop3A_831 : i32 to index
      %parallel_loop3A_1007 = arith.constant 16 : index
      %parallel_loop3A_1008 = tpu.vector_load %arg7[%parallel_loop3A_1006, %parallel_loop3A_1007] {strides = array<i32>} : memref<96x128xf32, #tpu.memory_space<vmem>>, vector<16xf32>,
      %parallel_loop3A_1009 = arith.constant 32 : i32
      %parallel_loop3A_1010 = arith.addi %parallel_loop3A_1009, %parallel_loop3A_831 : i32
      %parallel_loop3A_1011 = arith.index_cast %parallel_loop3A_1010 : i32 to index
      %parallel_loop3A_1012 = arith.constant 16 : index
      %parallel_loop3A_1013 = tpu.vector_load %arg7[%parallel_loop3A_1011, %parallel_loop3A_1012] {strides = array<i32>} : memref<96x128xf32, #tpu.memory_space<vmem>>, vector<16xf32>,
      %parallel_loop3A_1014 = arith.constant 64 : i32
      %parallel_loop3A_1015 = arith.addi %parallel_loop3A_1014, %parallel_loop3A_831 : i32
      %parallel_loop3A_1016 = arith.index_cast %parallel_loop3A_1015 : i32 to index
      %parallel_loop3A_1017 = arith.constant 16 : index
      %parallel_loop3A_1018 = tpu.vector_load %arg7[%parallel_loop3A_1016, %parallel_loop3A_1017] {strides = array<i32>} : memref<96x128xf32, #tpu.memory_space<vmem>>, vector<16xf32>,
      %parallel_loop3A_1019 = arith.mulf %parallel_loop3A_838, %parallel_loop3A_1008 : vector<16xf32>
      %parallel_loop3A_1020 = arith.mulf %parallel_loop3A_845, %parallel_loop3A_1013 : vector<16xf32>
      %parallel_loop3A_1021 = arith.addf %parallel_loop3A_1019, %parallel_loop3A_1020 : vector<16xf32>
      %parallel_loop3A_1022 = arith.mulf %parallel_loop3A_852, %parallel_loop3A_1018 : vector<16xf32>
      %parallel_loop3A_1023 = arith.addf %parallel_loop3A_1021, %parallel_loop3A_1022 : vector<16xf32>
      %parallel_loop3A_1024 = arith.mulf %parallel_loop3A_859, %parallel_loop3A_1008 : vector<16xf32>
      %parallel_loop3A_1025 = arith.mulf %parallel_loop3A_866, %parallel_loop3A_1013 : vector<16xf32>
      %parallel_loop3A_1026 = arith.addf %parallel_loop3A_1024, %parallel_loop3A_1025 : vector<16xf32>
      %parallel_loop3A_1027 = arith.mulf %parallel_loop3A_873, %parallel_loop3A_1018 : vector<16xf32>
      %parallel_loop3A_1028 = arith.addf %parallel_loop3A_1026, %parallel_loop3A_1027 : vector<16xf32>
      %parallel_loop3A_1029 = arith.mulf %parallel_loop3A_880, %parallel_loop3A_1008 : vector<16xf32>
      %parallel_loop3A_1030 = arith.mulf %parallel_loop3A_887, %parallel_loop3A_1013 : vector<16xf32>
      %parallel_loop3A_1031 = arith.addf %parallel_loop3A_1029, %parallel_loop3A_1030 : vector<16xf32>
      %parallel_loop3A_1032 = arith.mulf %parallel_loop3A_894, %parallel_loop3A_1018 : vector<16xf32>
      %parallel_loop3A_1033 = arith.addf %parallel_loop3A_1031, %parallel_loop3A_1032 : vector<16xf32>
      %parallel_loop3A_1034 = arith.constant 0.000000e+00 : f32
      %parallel_loop3A_1035 = arith.constant 3.200000e+01 : f32
      %parallel_loop3A_1036 = vector.broadcast %parallel_loop3A_1034 : f32 to vector<16xf32>
      %parallel_loop3A_1037 = arith.maximumf %parallel_loop3A_1036, %parallel_loop3A_1023 : vector<16xf32>
      %parallel_loop3A_1038 = vector.broadcast %parallel_loop3A_1035 : f32 to vector<16xf32>
      %parallel_loop3A_1039 = arith.minimumf %parallel_loop3A_1038, %parallel_loop3A_1037 : vector<16xf32>
      %parallel_loop3A_1040 = arith.fptosi %parallel_loop3A_1039 : vector<16xf32> to vector<16xi32>
      %parallel_loop3A_1041 = arith.constant 0.000000e+00 : f32
      %parallel_loop3A_1042 = arith.constant 3.200000e+01 : f32
      %parallel_loop3A_1043 = vector.broadcast %parallel_loop3A_1041 : f32 to vector<16xf32>
      %parallel_loop3A_1044 = arith.maximumf %parallel_loop3A_1043, %parallel_loop3A_1028 : vector<16xf32>
      %parallel_loop3A_1045 = vector.broadcast %parallel_loop3A_1042 : f32 to vector<16xf32>
      %parallel_loop3A_1046 = arith.minimumf %parallel_loop3A_1045, %parallel_loop3A_1044 : vector<16xf32>
      %parallel_loop3A_1047 = arith.fptosi %parallel_loop3A_1046 : vector<16xf32> to vector<16xi32>
      %parallel_loop3A_1048 = arith.constant 0.000000e+00 : f32
      %parallel_loop3A_1049 = arith.constant 3.200000e+01 : f32
      %parallel_loop3A_1050 = vector.broadcast %parallel_loop3A_1048 : f32 to vector<16xf32>
      %parallel_loop3A_1051 = arith.maximumf %parallel_loop3A_1050, %parallel_loop3A_1033 : vector<16xf32>
      %parallel_loop3A_1052 = vector.broadcast %parallel_loop3A_1049 : f32 to vector<16xf32>
      %parallel_loop3A_1053 = arith.minimumf %parallel_loop3A_1052, %parallel_loop3A_1051 : vector<16xf32>
      %parallel_loop3A_1054 = arith.fptosi %parallel_loop3A_1053 : vector<16xf32> to vector<16xi32>
      %parallel_loop3A_1055 = arith.constant 1024 : i32
      %parallel_loop3A_1056 = vector.broadcast %parallel_loop3A_1055 : i32 to vector<16xi32>
      %parallel_loop3A_1057 = arith.muli %parallel_loop3A_1040, %parallel_loop3A_1056 : vector<16xi32>
      %parallel_loop3A_1058 = arith.constant 32 : i32
      %parallel_loop3A_1059 = vector.broadcast %parallel_loop3A_1058 : i32 to vector<16xi32>
      %parallel_loop3A_1060 = arith.muli %parallel_loop3A_1047, %parallel_loop3A_1059 : vector<16xi32>
      %parallel_loop3A_1061 = arith.addi %parallel_loop3A_1057, %parallel_loop3A_1060 : vector<16xi32>
      %parallel_loop3A_1062 = arith.addi %parallel_loop3A_1061, %parallel_loop3A_1054 : vector<16xi32>
      %parallel_loop3A_1063 = arith.constant 32767 : i32
      %parallel_loop3A_1064 = vector.broadcast %parallel_loop3A_1063 : i32 to vector<16xi32>
      %parallel_loop3A_1065 = arith.minsi %parallel_loop3A_1062, %parallel_loop3A_1064 : vector<16xi32>
      %parallel_loop3A_1066 = arith.constant 7 : i32
      %parallel_loop3A_1067 = vector.broadcast %parallel_loop3A_1066 : i32 to vector<16xi32>
      %parallel_loop3A_1068 = arith.shrsi %parallel_loop3A_1065, %parallel_loop3A_1067 : vector<16xi32>
      %parallel_loop3A_1069 = arith.constant 127 : i32
      %parallel_loop3A_1070 = vector.broadcast %parallel_loop3A_1069 : i32 to vector<16xi32>
      %parallel_loop3A_1071 = arith.andi %parallel_loop3A_1065, %parallel_loop3A_1070 : vector<16xi32>
      %parallel_loop3A_1072 = tpu.vector_load_idx %arg6[%parallel_loop3A_1068, %parallel_loop3A_1071] : memref<768x128xf32, #tpu.memory_space<vmem>>[vector<16xi32>, vector<16xi32>], vector<16xf32>,
      %parallel_loop3A_1073 = arith.constant 256 : i32
      %parallel_loop3A_1074 = vector.broadcast %parallel_loop3A_1073 : i32 to vector<16xi32>
      %parallel_loop3A_1075 = arith.addi %parallel_loop3A_1068, %parallel_loop3A_1074 : vector<16xi32>
      %parallel_loop3A_1076 = tpu.vector_load_idx %arg6[%parallel_loop3A_1075, %parallel_loop3A_1071] : memref<768x128xf32, #tpu.memory_space<vmem>>[vector<16xi32>, vector<16xi32>], vector<16xf32>,
      %parallel_loop3A_1077 = arith.constant 512 : i32
      %parallel_loop3A_1078 = vector.broadcast %parallel_loop3A_1077 : i32 to vector<16xi32>
      %parallel_loop3A_1079 = arith.addi %parallel_loop3A_1068, %parallel_loop3A_1078 : vector<16xi32>
      %parallel_loop3A_1080 = tpu.vector_load_idx %arg6[%parallel_loop3A_1079, %parallel_loop3A_1071] : memref<768x128xf32, #tpu.memory_space<vmem>>[vector<16xi32>, vector<16xi32>], vector<16xf32>,
      %parallel_loop3A_1081 = arith.subf %parallel_loop3A_1023, %parallel_loop3A_1072 : vector<16xf32>
      %parallel_loop3A_1082 = arith.subf %parallel_loop3A_1028, %parallel_loop3A_1076 : vector<16xf32>
      %parallel_loop3A_1083 = arith.subf %parallel_loop3A_1033, %parallel_loop3A_1080 : vector<16xf32>
      %parallel_loop3A_1084 = arith.mulf %parallel_loop3A_1081, %parallel_loop3A_1081 : vector<16xf32>
      %parallel_loop3A_1085 = arith.mulf %parallel_loop3A_1082, %parallel_loop3A_1082 : vector<16xf32>
      %parallel_loop3A_1086 = arith.addf %parallel_loop3A_1084, %parallel_loop3A_1085 : vector<16xf32>
      %parallel_loop3A_1087 = arith.mulf %parallel_loop3A_1083, %parallel_loop3A_1083 : vector<16xf32>
      %parallel_loop3A_1088 = arith.addf %parallel_loop3A_1086, %parallel_loop3A_1087 : vector<16xf32>
      %parallel_loop3A_1089 = arith.constant 9.99999968E-21 : f32
      %parallel_loop3A_1090 = vector.broadcast %parallel_loop3A_1089 : f32 to vector<16xf32>
      %parallel_loop3A_1091 = arith.maximumf %parallel_loop3A_1088, %parallel_loop3A_1090 : vector<16xf32>
      %parallel_loop3A_1092 = tpu.bitcast %parallel_loop3A_1091 : vector<16xf32> -> vector<16xi32>
      %parallel_loop3A_1093 = arith.constant 1 : i32
      %parallel_loop3A_1094 = vector.broadcast %parallel_loop3A_1093 : i32 to vector<16xi32>
      %parallel_loop3A_1095 = arith.shrsi %parallel_loop3A_1092, %parallel_loop3A_1094 : vector<16xi32>
      %parallel_loop3A_1096 = arith.constant 1597463007 : i32
      %parallel_loop3A_1097 = vector.broadcast %parallel_loop3A_1096 : i32 to vector<16xi32>
      %parallel_loop3A_1098 = arith.subi %parallel_loop3A_1097, %parallel_loop3A_1095 : vector<16xi32>
      %parallel_loop3A_1099 = tpu.bitcast %parallel_loop3A_1098 : vector<16xi32> -> vector<16xf32>
      %parallel_loop3A_1100 = arith.constant 5.000000e-01 : f32
      %parallel_loop3A_1101 = vector.broadcast %parallel_loop3A_1100 : f32 to vector<16xf32>
      %parallel_loop3A_1102 = arith.mulf %parallel_loop3A_1101, %parallel_loop3A_1091 : vector<16xf32>
      %parallel_loop3A_1103 = arith.mulf %parallel_loop3A_1102, %parallel_loop3A_1099 : vector<16xf32>
      %parallel_loop3A_1104 = arith.mulf %parallel_loop3A_1103, %parallel_loop3A_1099 : vector<16xf32>
      %parallel_loop3A_1105 = arith.constant 1.500000e+00 : f32
      %parallel_loop3A_1106 = vector.broadcast %parallel_loop3A_1105 : f32 to vector<16xf32>
      %parallel_loop3A_1107 = arith.subf %parallel_loop3A_1106, %parallel_loop3A_1104 : vector<16xf32>
      %parallel_loop3A_1108 = arith.mulf %parallel_loop3A_1099, %parallel_loop3A_1107 : vector<16xf32>
      %parallel_loop3A_1109 = arith.mulf %parallel_loop3A_1102, %parallel_loop3A_1108 : vector<16xf32>
      %parallel_loop3A_1110 = arith.mulf %parallel_loop3A_1109, %parallel_loop3A_1108 : vector<16xf32>
      %parallel_loop3A_1111 = arith.constant 1.500000e+00 : f32
      %parallel_loop3A_1112 = vector.broadcast %parallel_loop3A_1111 : f32 to vector<16xf32>
      %parallel_loop3A_1113 = arith.subf %parallel_loop3A_1112, %parallel_loop3A_1110 : vector<16xf32>
      %parallel_loop3A_1114 = arith.mulf %parallel_loop3A_1108, %parallel_loop3A_1113 : vector<16xf32>
      %parallel_loop3A_1115 = arith.mulf %parallel_loop3A_1088, %parallel_loop3A_1114 : vector<16xf32>
      %parallel_loop3A_1116 = arith.addf %parallel_loop3A_1005, %parallel_loop3A_1115 : vector<16xf32>
      %parallel_loop3A_1117 = arith.index_cast %parallel_loop3A_831 : i32 to index
      %parallel_loop3A_1118 = arith.constant 32 : index
      %parallel_loop3A_1119 = tpu.vector_load %arg7[%parallel_loop3A_1117, %parallel_loop3A_1118] {strides = array<i32>} : memref<96x128xf32, #tpu.memory_space<vmem>>, vector<16xf32>,
      %parallel_loop3A_1120 = arith.constant 32 : i32
      %parallel_loop3A_1121 = arith.addi %parallel_loop3A_1120, %parallel_loop3A_831 : i32
      %parallel_loop3A_1122 = arith.index_cast %parallel_loop3A_1121 : i32 to index
      %parallel_loop3A_1123 = arith.constant 32 : index
      %parallel_loop3A_1124 = tpu.vector_load %arg7[%parallel_loop3A_1122, %parallel_loop3A_1123] {strides = array<i32>} : memref<96x128xf32, #tpu.memory_space<vmem>>, vector<16xf32>,
      %parallel_loop3A_1125 = arith.constant 64 : i32
      %parallel_loop3A_1126 = arith.addi %parallel_loop3A_1125, %parallel_loop3A_831 : i32
      %parallel_loop3A_1127 = arith.index_cast %parallel_loop3A_1126 : i32 to index
      %parallel_loop3A_1128 = arith.constant 32 : index
      %parallel_loop3A_1129 = tpu.vector_load %arg7[%parallel_loop3A_1127, %parallel_loop3A_1128] {strides = array<i32>} : memref<96x128xf32, #tpu.memory_space<vmem>>, vector<16xf32>,
      %parallel_loop3A_1130 = arith.mulf %parallel_loop3A_838, %parallel_loop3A_1119 : vector<16xf32>
      %parallel_loop3A_1131 = arith.mulf %parallel_loop3A_845, %parallel_loop3A_1124 : vector<16xf32>
      %parallel_loop3A_1132 = arith.addf %parallel_loop3A_1130, %parallel_loop3A_1131 : vector<16xf32>
      %parallel_loop3A_1133 = arith.mulf %parallel_loop3A_852, %parallel_loop3A_1129 : vector<16xf32>
      %parallel_loop3A_1134 = arith.addf %parallel_loop3A_1132, %parallel_loop3A_1133 : vector<16xf32>
      %parallel_loop3A_1135 = arith.mulf %parallel_loop3A_859, %parallel_loop3A_1119 : vector<16xf32>
      %parallel_loop3A_1136 = arith.mulf %parallel_loop3A_866, %parallel_loop3A_1124 : vector<16xf32>
      %parallel_loop3A_1137 = arith.addf %parallel_loop3A_1135, %parallel_loop3A_1136 : vector<16xf32>
      %parallel_loop3A_1138 = arith.mulf %parallel_loop3A_873, %parallel_loop3A_1129 : vector<16xf32>
      %parallel_loop3A_1139 = arith.addf %parallel_loop3A_1137, %parallel_loop3A_1138 : vector<16xf32>
      %parallel_loop3A_1140 = arith.mulf %parallel_loop3A_880, %parallel_loop3A_1119 : vector<16xf32>
      %parallel_loop3A_1141 = arith.mulf %parallel_loop3A_887, %parallel_loop3A_1124 : vector<16xf32>
      %parallel_loop3A_1142 = arith.addf %parallel_loop3A_1140, %parallel_loop3A_1141 : vector<16xf32>
      %parallel_loop3A_1143 = arith.mulf %parallel_loop3A_894, %parallel_loop3A_1129 : vector<16xf32>
      %parallel_loop3A_1144 = arith.addf %parallel_loop3A_1142, %parallel_loop3A_1143 : vector<16xf32>
      %parallel_loop3A_1145 = arith.constant 0.000000e+00 : f32
      %parallel_loop3A_1146 = arith.constant 3.200000e+01 : f32
      %parallel_loop3A_1147 = vector.broadcast %parallel_loop3A_1145 : f32 to vector<16xf32>
      %parallel_loop3A_1148 = arith.maximumf %parallel_loop3A_1147, %parallel_loop3A_1134 : vector<16xf32>
      %parallel_loop3A_1149 = vector.broadcast %parallel_loop3A_1146 : f32 to vector<16xf32>
      %parallel_loop3A_1150 = arith.minimumf %parallel_loop3A_1149, %parallel_loop3A_1148 : vector<16xf32>
      %parallel_loop3A_1151 = arith.fptosi %parallel_loop3A_1150 : vector<16xf32> to vector<16xi32>
      %parallel_loop3A_1152 = arith.constant 0.000000e+00 : f32
      %parallel_loop3A_1153 = arith.constant 3.200000e+01 : f32
      %parallel_loop3A_1154 = vector.broadcast %parallel_loop3A_1152 : f32 to vector<16xf32>
      %parallel_loop3A_1155 = arith.maximumf %parallel_loop3A_1154, %parallel_loop3A_1139 : vector<16xf32>
      %parallel_loop3A_1156 = vector.broadcast %parallel_loop3A_1153 : f32 to vector<16xf32>
      %parallel_loop3A_1157 = arith.minimumf %parallel_loop3A_1156, %parallel_loop3A_1155 : vector<16xf32>
      %parallel_loop3A_1158 = arith.fptosi %parallel_loop3A_1157 : vector<16xf32> to vector<16xi32>
      %parallel_loop3A_1159 = arith.constant 0.000000e+00 : f32
      %parallel_loop3A_1160 = arith.constant 3.200000e+01 : f32
      %parallel_loop3A_1161 = vector.broadcast %parallel_loop3A_1159 : f32 to vector<16xf32>
      %parallel_loop3A_1162 = arith.maximumf %parallel_loop3A_1161, %parallel_loop3A_1144 : vector<16xf32>
      %parallel_loop3A_1163 = vector.broadcast %parallel_loop3A_1160 : f32 to vector<16xf32>
      %parallel_loop3A_1164 = arith.minimumf %parallel_loop3A_1163, %parallel_loop3A_1162 : vector<16xf32>
      %parallel_loop3A_1165 = arith.fptosi %parallel_loop3A_1164 : vector<16xf32> to vector<16xi32>
      %parallel_loop3A_1166 = arith.constant 1024 : i32
      %parallel_loop3A_1167 = vector.broadcast %parallel_loop3A_1166 : i32 to vector<16xi32>
      %parallel_loop3A_1168 = arith.muli %parallel_loop3A_1151, %parallel_loop3A_1167 : vector<16xi32>
      %parallel_loop3A_1169 = arith.constant 32 : i32
      %parallel_loop3A_1170 = vector.broadcast %parallel_loop3A_1169 : i32 to vector<16xi32>
      %parallel_loop3A_1171 = arith.muli %parallel_loop3A_1158, %parallel_loop3A_1170 : vector<16xi32>
      %parallel_loop3A_1172 = arith.addi %parallel_loop3A_1168, %parallel_loop3A_1171 : vector<16xi32>
      %parallel_loop3A_1173 = arith.addi %parallel_loop3A_1172, %parallel_loop3A_1165 : vector<16xi32>
      %parallel_loop3A_1174 = arith.constant 32767 : i32
      %parallel_loop3A_1175 = vector.broadcast %parallel_loop3A_1174 : i32 to vector<16xi32>
      %parallel_loop3A_1176 = arith.minsi %parallel_loop3A_1173, %parallel_loop3A_1175 : vector<16xi32>
      %parallel_loop3A_1177 = arith.constant 7 : i32
      %parallel_loop3A_1178 = vector.broadcast %parallel_loop3A_1177 : i32 to vector<16xi32>
      %parallel_loop3A_1179 = arith.shrsi %parallel_loop3A_1176, %parallel_loop3A_1178 : vector<16xi32>
      %parallel_loop3A_1180 = arith.constant 127 : i32
      %parallel_loop3A_1181 = vector.broadcast %parallel_loop3A_1180 : i32 to vector<16xi32>
      %parallel_loop3A_1182 = arith.andi %parallel_loop3A_1176, %parallel_loop3A_1181 : vector<16xi32>
      %parallel_loop3A_1183 = tpu.vector_load_idx %arg6[%parallel_loop3A_1179, %parallel_loop3A_1182] : memref<768x128xf32, #tpu.memory_space<vmem>>[vector<16xi32>, vector<16xi32>], vector<16xf32>,
      %parallel_loop3A_1184 = arith.constant 256 : i32
      %parallel_loop3A_1185 = vector.broadcast %parallel_loop3A_1184 : i32 to vector<16xi32>
      %parallel_loop3A_1186 = arith.addi %parallel_loop3A_1179, %parallel_loop3A_1185 : vector<16xi32>
      %parallel_loop3A_1187 = tpu.vector_load_idx %arg6[%parallel_loop3A_1186, %parallel_loop3A_1182] : memref<768x128xf32, #tpu.memory_space<vmem>>[vector<16xi32>, vector<16xi32>], vector<16xf32>,
      %parallel_loop3A_1188 = arith.constant 512 : i32
      %parallel_loop3A_1189 = vector.broadcast %parallel_loop3A_1188 : i32 to vector<16xi32>
      %parallel_loop3A_1190 = arith.addi %parallel_loop3A_1179, %parallel_loop3A_1189 : vector<16xi32>
      %parallel_loop3A_1191 = tpu.vector_load_idx %arg6[%parallel_loop3A_1190, %parallel_loop3A_1182] : memref<768x128xf32, #tpu.memory_space<vmem>>[vector<16xi32>, vector<16xi32>], vector<16xf32>,
      %parallel_loop3A_1192 = arith.subf %parallel_loop3A_1134, %parallel_loop3A_1183 : vector<16xf32>
      %parallel_loop3A_1193 = arith.subf %parallel_loop3A_1139, %parallel_loop3A_1187 : vector<16xf32>
      %parallel_loop3A_1194 = arith.subf %parallel_loop3A_1144, %parallel_loop3A_1191 : vector<16xf32>
      %parallel_loop3A_1195 = arith.mulf %parallel_loop3A_1192, %parallel_loop3A_1192 : vector<16xf32>
      %parallel_loop3A_1196 = arith.mulf %parallel_loop3A_1193, %parallel_loop3A_1193 : vector<16xf32>
      %parallel_loop3A_1197 = arith.addf %parallel_loop3A_1195, %parallel_loop3A_1196 : vector<16xf32>
      %parallel_loop3A_1198 = arith.mulf %parallel_loop3A_1194, %parallel_loop3A_1194 : vector<16xf32>
      %parallel_loop3A_1199 = arith.addf %parallel_loop3A_1197, %parallel_loop3A_1198 : vector<16xf32>
      %parallel_loop3A_1200 = arith.constant 9.99999968E-21 : f32
      %parallel_loop3A_1201 = vector.broadcast %parallel_loop3A_1200 : f32 to vector<16xf32>
      %parallel_loop3A_1202 = arith.maximumf %parallel_loop3A_1199, %parallel_loop3A_1201 : vector<16xf32>
      %parallel_loop3A_1203 = tpu.bitcast %parallel_loop3A_1202 : vector<16xf32> -> vector<16xi32>
      %parallel_loop3A_1204 = arith.constant 1 : i32
      %parallel_loop3A_1205 = vector.broadcast %parallel_loop3A_1204 : i32 to vector<16xi32>
      %parallel_loop3A_1206 = arith.shrsi %parallel_loop3A_1203, %parallel_loop3A_1205 : vector<16xi32>
      %parallel_loop3A_1207 = arith.constant 1597463007 : i32
      %parallel_loop3A_1208 = vector.broadcast %parallel_loop3A_1207 : i32 to vector<16xi32>
      %parallel_loop3A_1209 = arith.subi %parallel_loop3A_1208, %parallel_loop3A_1206 : vector<16xi32>
      %parallel_loop3A_1210 = tpu.bitcast %parallel_loop3A_1209 : vector<16xi32> -> vector<16xf32>
      %parallel_loop3A_1211 = arith.constant 5.000000e-01 : f32
      %parallel_loop3A_1212 = vector.broadcast %parallel_loop3A_1211 : f32 to vector<16xf32>
      %parallel_loop3A_1213 = arith.mulf %parallel_loop3A_1212, %parallel_loop3A_1202 : vector<16xf32>
      %parallel_loop3A_1214 = arith.mulf %parallel_loop3A_1213, %parallel_loop3A_1210 : vector<16xf32>
      %parallel_loop3A_1215 = arith.mulf %parallel_loop3A_1214, %parallel_loop3A_1210 : vector<16xf32>
      %parallel_loop3A_1216 = arith.constant 1.500000e+00 : f32
      %parallel_loop3A_1217 = vector.broadcast %parallel_loop3A_1216 : f32 to vector<16xf32>
      %parallel_loop3A_1218 = arith.subf %parallel_loop3A_1217, %parallel_loop3A_1215 : vector<16xf32>
      %parallel_loop3A_1219 = arith.mulf %parallel_loop3A_1210, %parallel_loop3A_1218 : vector<16xf32>
      %parallel_loop3A_1220 = arith.mulf %parallel_loop3A_1213, %parallel_loop3A_1219 : vector<16xf32>
      %parallel_loop3A_1221 = arith.mulf %parallel_loop3A_1220, %parallel_loop3A_1219 : vector<16xf32>
      %parallel_loop3A_1222 = arith.constant 1.500000e+00 : f32
      %parallel_loop3A_1223 = vector.broadcast %parallel_loop3A_1222 : f32 to vector<16xf32>
      %parallel_loop3A_1224 = arith.subf %parallel_loop3A_1223, %parallel_loop3A_1221 : vector<16xf32>
      %parallel_loop3A_1225 = arith.mulf %parallel_loop3A_1219, %parallel_loop3A_1224 : vector<16xf32>
      %parallel_loop3A_1226 = arith.mulf %parallel_loop3A_1199, %parallel_loop3A_1225 : vector<16xf32>
      %parallel_loop3A_1227 = arith.addf %parallel_loop3A_1116, %parallel_loop3A_1226 : vector<16xf32>
      %parallel_loop3A_1228 = arith.index_cast %parallel_loop3A_831 : i32 to index
      %parallel_loop3A_1229 = arith.constant 48 : index
      %parallel_loop3A_1230 = tpu.vector_load %arg7[%parallel_loop3A_1228, %parallel_loop3A_1229] {strides = array<i32>} : memref<96x128xf32, #tpu.memory_space<vmem>>, vector<16xf32>,
      %parallel_loop3A_1231 = arith.constant 32 : i32
      %parallel_loop3A_1232 = arith.addi %parallel_loop3A_1231, %parallel_loop3A_831 : i32
      %parallel_loop3A_1233 = arith.index_cast %parallel_loop3A_1232 : i32 to index
      %parallel_loop3A_1234 = arith.constant 48 : index
      %parallel_loop3A_1235 = tpu.vector_load %arg7[%parallel_loop3A_1233, %parallel_loop3A_1234] {strides = array<i32>} : memref<96x128xf32, #tpu.memory_space<vmem>>, vector<16xf32>,
      %parallel_loop3A_1236 = arith.constant 64 : i32
      %parallel_loop3A_1237 = arith.addi %parallel_loop3A_1236, %parallel_loop3A_831 : i32
      %parallel_loop3A_1238 = arith.index_cast %parallel_loop3A_1237 : i32 to index
      %parallel_loop3A_1239 = arith.constant 48 : index
      %parallel_loop3A_1240 = tpu.vector_load %arg7[%parallel_loop3A_1238, %parallel_loop3A_1239] {strides = array<i32>} : memref<96x128xf32, #tpu.memory_space<vmem>>, vector<16xf32>,
      %parallel_loop3A_1241 = arith.mulf %parallel_loop3A_838, %parallel_loop3A_1230 : vector<16xf32>
      %parallel_loop3A_1242 = arith.mulf %parallel_loop3A_845, %parallel_loop3A_1235 : vector<16xf32>
      %parallel_loop3A_1243 = arith.addf %parallel_loop3A_1241, %parallel_loop3A_1242 : vector<16xf32>
      %parallel_loop3A_1244 = arith.mulf %parallel_loop3A_852, %parallel_loop3A_1240 : vector<16xf32>
      %parallel_loop3A_1245 = arith.addf %parallel_loop3A_1243, %parallel_loop3A_1244 : vector<16xf32>
      %parallel_loop3A_1246 = arith.mulf %parallel_loop3A_859, %parallel_loop3A_1230 : vector<16xf32>
      %parallel_loop3A_1247 = arith.mulf %parallel_loop3A_866, %parallel_loop3A_1235 : vector<16xf32>
      %parallel_loop3A_1248 = arith.addf %parallel_loop3A_1246, %parallel_loop3A_1247 : vector<16xf32>
      %parallel_loop3A_1249 = arith.mulf %parallel_loop3A_873, %parallel_loop3A_1240 : vector<16xf32>
      %parallel_loop3A_1250 = arith.addf %parallel_loop3A_1248, %parallel_loop3A_1249 : vector<16xf32>
      %parallel_loop3A_1251 = arith.mulf %parallel_loop3A_880, %parallel_loop3A_1230 : vector<16xf32>
      %parallel_loop3A_1252 = arith.mulf %parallel_loop3A_887, %parallel_loop3A_1235 : vector<16xf32>
      %parallel_loop3A_1253 = arith.addf %parallel_loop3A_1251, %parallel_loop3A_1252 : vector<16xf32>
      %parallel_loop3A_1254 = arith.mulf %parallel_loop3A_894, %parallel_loop3A_1240 : vector<16xf32>
      %parallel_loop3A_1255 = arith.addf %parallel_loop3A_1253, %parallel_loop3A_1254 : vector<16xf32>
      %parallel_loop3A_1256 = arith.constant 0.000000e+00 : f32
      %parallel_loop3A_1257 = arith.constant 3.200000e+01 : f32
      %parallel_loop3A_1258 = vector.broadcast %parallel_loop3A_1256 : f32 to vector<16xf32>
      %parallel_loop3A_1259 = arith.maximumf %parallel_loop3A_1258, %parallel_loop3A_1245 : vector<16xf32>
      %parallel_loop3A_1260 = vector.broadcast %parallel_loop3A_1257 : f32 to vector<16xf32>
      %parallel_loop3A_1261 = arith.minimumf %parallel_loop3A_1260, %parallel_loop3A_1259 : vector<16xf32>
      %parallel_loop3A_1262 = arith.fptosi %parallel_loop3A_1261 : vector<16xf32> to vector<16xi32>
      %parallel_loop3A_1263 = arith.constant 0.000000e+00 : f32
      %parallel_loop3A_1264 = arith.constant 3.200000e+01 : f32
      %parallel_loop3A_1265 = vector.broadcast %parallel_loop3A_1263 : f32 to vector<16xf32>
      %parallel_loop3A_1266 = arith.maximumf %parallel_loop3A_1265, %parallel_loop3A_1250 : vector<16xf32>
      %parallel_loop3A_1267 = vector.broadcast %parallel_loop3A_1264 : f32 to vector<16xf32>
      %parallel_loop3A_1268 = arith.minimumf %parallel_loop3A_1267, %parallel_loop3A_1266 : vector<16xf32>
      %parallel_loop3A_1269 = arith.fptosi %parallel_loop3A_1268 : vector<16xf32> to vector<16xi32>
      %parallel_loop3A_1270 = arith.constant 0.000000e+00 : f32
      %parallel_loop3A_1271 = arith.constant 3.200000e+01 : f32
      %parallel_loop3A_1272 = vector.broadcast %parallel_loop3A_1270 : f32 to vector<16xf32>
      %parallel_loop3A_1273 = arith.maximumf %parallel_loop3A_1272, %parallel_loop3A_1255 : vector<16xf32>
      %parallel_loop3A_1274 = vector.broadcast %parallel_loop3A_1271 : f32 to vector<16xf32>
      %parallel_loop3A_1275 = arith.minimumf %parallel_loop3A_1274, %parallel_loop3A_1273 : vector<16xf32>
      %parallel_loop3A_1276 = arith.fptosi %parallel_loop3A_1275 : vector<16xf32> to vector<16xi32>
      %parallel_loop3A_1277 = arith.constant 1024 : i32
      %parallel_loop3A_1278 = vector.broadcast %parallel_loop3A_1277 : i32 to vector<16xi32>
      %parallel_loop3A_1279 = arith.muli %parallel_loop3A_1262, %parallel_loop3A_1278 : vector<16xi32>
      %parallel_loop3A_1280 = arith.constant 32 : i32
      %parallel_loop3A_1281 = vector.broadcast %parallel_loop3A_1280 : i32 to vector<16xi32>
      %parallel_loop3A_1282 = arith.muli %parallel_loop3A_1269, %parallel_loop3A_1281 : vector<16xi32>
      %parallel_loop3A_1283 = arith.addi %parallel_loop3A_1279, %parallel_loop3A_1282 : vector<16xi32>
      %parallel_loop3A_1284 = arith.addi %parallel_loop3A_1283, %parallel_loop3A_1276 : vector<16xi32>
      %parallel_loop3A_1285 = arith.constant 32767 : i32
      %parallel_loop3A_1286 = vector.broadcast %parallel_loop3A_1285 : i32 to vector<16xi32>
      %parallel_loop3A_1287 = arith.minsi %parallel_loop3A_1284, %parallel_loop3A_1286 : vector<16xi32>
      %parallel_loop3A_1288 = arith.constant 7 : i32
      %parallel_loop3A_1289 = vector.broadcast %parallel_loop3A_1288 : i32 to vector<16xi32>
      %parallel_loop3A_1290 = arith.shrsi %parallel_loop3A_1287, %parallel_loop3A_1289 : vector<16xi32>
      %parallel_loop3A_1291 = arith.constant 127 : i32
      %parallel_loop3A_1292 = vector.broadcast %parallel_loop3A_1291 : i32 to vector<16xi32>
      %parallel_loop3A_1293 = arith.andi %parallel_loop3A_1287, %parallel_loop3A_1292 : vector<16xi32>
      %parallel_loop3A_1294 = tpu.vector_load_idx %arg6[%parallel_loop3A_1290, %parallel_loop3A_1293] : memref<768x128xf32, #tpu.memory_space<vmem>>[vector<16xi32>, vector<16xi32>], vector<16xf32>,
      %parallel_loop3A_1295 = arith.constant 256 : i32
      %parallel_loop3A_1296 = vector.broadcast %parallel_loop3A_1295 : i32 to vector<16xi32>
      %parallel_loop3A_1297 = arith.addi %parallel_loop3A_1290, %parallel_loop3A_1296 : vector<16xi32>
      %parallel_loop3A_1298 = tpu.vector_load_idx %arg6[%parallel_loop3A_1297, %parallel_loop3A_1293] : memref<768x128xf32, #tpu.memory_space<vmem>>[vector<16xi32>, vector<16xi32>], vector<16xf32>,
      %parallel_loop3A_1299 = arith.constant 512 : i32
      %parallel_loop3A_1300 = vector.broadcast %parallel_loop3A_1299 : i32 to vector<16xi32>
      %parallel_loop3A_1301 = arith.addi %parallel_loop3A_1290, %parallel_loop3A_1300 : vector<16xi32>
      %parallel_loop3A_1302 = tpu.vector_load_idx %arg6[%parallel_loop3A_1301, %parallel_loop3A_1293] : memref<768x128xf32, #tpu.memory_space<vmem>>[vector<16xi32>, vector<16xi32>], vector<16xf32>,
      %parallel_loop3A_1303 = arith.subf %parallel_loop3A_1245, %parallel_loop3A_1294 : vector<16xf32>
      %parallel_loop3A_1304 = arith.subf %parallel_loop3A_1250, %parallel_loop3A_1298 : vector<16xf32>
      %parallel_loop3A_1305 = arith.subf %parallel_loop3A_1255, %parallel_loop3A_1302 : vector<16xf32>
      %parallel_loop3A_1306 = arith.mulf %parallel_loop3A_1303, %parallel_loop3A_1303 : vector<16xf32>
      %parallel_loop3A_1307 = arith.mulf %parallel_loop3A_1304, %parallel_loop3A_1304 : vector<16xf32>
      %parallel_loop3A_1308 = arith.addf %parallel_loop3A_1306, %parallel_loop3A_1307 : vector<16xf32>
      %parallel_loop3A_1309 = arith.mulf %parallel_loop3A_1305, %parallel_loop3A_1305 : vector<16xf32>
      %parallel_loop3A_1310 = arith.addf %parallel_loop3A_1308, %parallel_loop3A_1309 : vector<16xf32>
      %parallel_loop3A_1311 = arith.constant 9.99999968E-21 : f32
      %parallel_loop3A_1312 = vector.broadcast %parallel_loop3A_1311 : f32 to vector<16xf32>
      %parallel_loop3A_1313 = arith.maximumf %parallel_loop3A_1310, %parallel_loop3A_1312 : vector<16xf32>
      %parallel_loop3A_1314 = tpu.bitcast %parallel_loop3A_1313 : vector<16xf32> -> vector<16xi32>
      %parallel_loop3A_1315 = arith.constant 1 : i32
      %parallel_loop3A_1316 = vector.broadcast %parallel_loop3A_1315 : i32 to vector<16xi32>
      %parallel_loop3A_1317 = arith.shrsi %parallel_loop3A_1314, %parallel_loop3A_1316 : vector<16xi32>
      %parallel_loop3A_1318 = arith.constant 1597463007 : i32
      %parallel_loop3A_1319 = vector.broadcast %parallel_loop3A_1318 : i32 to vector<16xi32>
      %parallel_loop3A_1320 = arith.subi %parallel_loop3A_1319, %parallel_loop3A_1317 : vector<16xi32>
      %parallel_loop3A_1321 = tpu.bitcast %parallel_loop3A_1320 : vector<16xi32> -> vector<16xf32>
      %parallel_loop3A_1322 = arith.constant 5.000000e-01 : f32
      %parallel_loop3A_1323 = vector.broadcast %parallel_loop3A_1322 : f32 to vector<16xf32>
      %parallel_loop3A_1324 = arith.mulf %parallel_loop3A_1323, %parallel_loop3A_1313 : vector<16xf32>
      %parallel_loop3A_1325 = arith.mulf %parallel_loop3A_1324, %parallel_loop3A_1321 : vector<16xf32>
      %parallel_loop3A_1326 = arith.mulf %parallel_loop3A_1325, %parallel_loop3A_1321 : vector<16xf32>
      %parallel_loop3A_1327 = arith.constant 1.500000e+00 : f32
      %parallel_loop3A_1328 = vector.broadcast %parallel_loop3A_1327 : f32 to vector<16xf32>
      %parallel_loop3A_1329 = arith.subf %parallel_loop3A_1328, %parallel_loop3A_1326 : vector<16xf32>
      %parallel_loop3A_1330 = arith.mulf %parallel_loop3A_1321, %parallel_loop3A_1329 : vector<16xf32>
      %parallel_loop3A_1331 = arith.mulf %parallel_loop3A_1324, %parallel_loop3A_1330 : vector<16xf32>
      %parallel_loop3A_1332 = arith.mulf %parallel_loop3A_1331, %parallel_loop3A_1330 : vector<16xf32>
      %parallel_loop3A_1333 = arith.constant 1.500000e+00 : f32
      %parallel_loop3A_1334 = vector.broadcast %parallel_loop3A_1333 : f32 to vector<16xf32>
      %parallel_loop3A_1335 = arith.subf %parallel_loop3A_1334, %parallel_loop3A_1332 : vector<16xf32>
      %parallel_loop3A_1336 = arith.mulf %parallel_loop3A_1330, %parallel_loop3A_1335 : vector<16xf32>
      %parallel_loop3A_1337 = arith.mulf %parallel_loop3A_1310, %parallel_loop3A_1336 : vector<16xf32>
      %parallel_loop3A_1338 = arith.addf %parallel_loop3A_1227, %parallel_loop3A_1337 : vector<16xf32>
      %parallel_loop3A_1339 = arith.index_cast %parallel_loop3A_831 : i32 to index
      %parallel_loop3A_1340 = arith.constant 64 : index
      %parallel_loop3A_1341 = tpu.vector_load %arg7[%parallel_loop3A_1339, %parallel_loop3A_1340] {strides = array<i32>} : memref<96x128xf32, #tpu.memory_space<vmem>>, vector<16xf32>,
      %parallel_loop3A_1342 = arith.constant 32 : i32
      %parallel_loop3A_1343 = arith.addi %parallel_loop3A_1342, %parallel_loop3A_831 : i32
      %parallel_loop3A_1344 = arith.index_cast %parallel_loop3A_1343 : i32 to index
      %parallel_loop3A_1345 = arith.constant 64 : index
      %parallel_loop3A_1346 = tpu.vector_load %arg7[%parallel_loop3A_1344, %parallel_loop3A_1345] {strides = array<i32>} : memref<96x128xf32, #tpu.memory_space<vmem>>, vector<16xf32>,
      %parallel_loop3A_1347 = arith.constant 64 : i32
      %parallel_loop3A_1348 = arith.addi %parallel_loop3A_1347, %parallel_loop3A_831 : i32
      %parallel_loop3A_1349 = arith.index_cast %parallel_loop3A_1348 : i32 to index
      %parallel_loop3A_1350 = arith.constant 64 : index
      %parallel_loop3A_1351 = tpu.vector_load %arg7[%parallel_loop3A_1349, %parallel_loop3A_1350] {strides = array<i32>} : memref<96x128xf32, #tpu.memory_space<vmem>>, vector<16xf32>,
      %parallel_loop3A_1352 = arith.mulf %parallel_loop3A_838, %parallel_loop3A_1341 : vector<16xf32>
      %parallel_loop3A_1353 = arith.mulf %parallel_loop3A_845, %parallel_loop3A_1346 : vector<16xf32>
      %parallel_loop3A_1354 = arith.addf %parallel_loop3A_1352, %parallel_loop3A_1353 : vector<16xf32>
      %parallel_loop3A_1355 = arith.mulf %parallel_loop3A_852, %parallel_loop3A_1351 : vector<16xf32>
      %parallel_loop3A_1356 = arith.addf %parallel_loop3A_1354, %parallel_loop3A_1355 : vector<16xf32>
      %parallel_loop3A_1357 = arith.mulf %parallel_loop3A_859, %parallel_loop3A_1341 : vector<16xf32>
      %parallel_loop3A_1358 = arith.mulf %parallel_loop3A_866, %parallel_loop3A_1346 : vector<16xf32>
      %parallel_loop3A_1359 = arith.addf %parallel_loop3A_1357, %parallel_loop3A_1358 : vector<16xf32>
      %parallel_loop3A_1360 = arith.mulf %parallel_loop3A_873, %parallel_loop3A_1351 : vector<16xf32>
      %parallel_loop3A_1361 = arith.addf %parallel_loop3A_1359, %parallel_loop3A_1360 : vector<16xf32>
      %parallel_loop3A_1362 = arith.mulf %parallel_loop3A_880, %parallel_loop3A_1341 : vector<16xf32>
      %parallel_loop3A_1363 = arith.mulf %parallel_loop3A_887, %parallel_loop3A_1346 : vector<16xf32>
      %parallel_loop3A_1364 = arith.addf %parallel_loop3A_1362, %parallel_loop3A_1363 : vector<16xf32>
      %parallel_loop3A_1365 = arith.mulf %parallel_loop3A_894, %parallel_loop3A_1351 : vector<16xf32>
      %parallel_loop3A_1366 = arith.addf %parallel_loop3A_1364, %parallel_loop3A_1365 : vector<16xf32>
      %parallel_loop3A_1367 = arith.constant 0.000000e+00 : f32
      %parallel_loop3A_1368 = arith.constant 3.200000e+01 : f32
      %parallel_loop3A_1369 = vector.broadcast %parallel_loop3A_1367 : f32 to vector<16xf32>
      %parallel_loop3A_1370 = arith.maximumf %parallel_loop3A_1369, %parallel_loop3A_1356 : vector<16xf32>
      %parallel_loop3A_1371 = vector.broadcast %parallel_loop3A_1368 : f32 to vector<16xf32>
      %parallel_loop3A_1372 = arith.minimumf %parallel_loop3A_1371, %parallel_loop3A_1370 : vector<16xf32>
      %parallel_loop3A_1373 = arith.fptosi %parallel_loop3A_1372 : vector<16xf32> to vector<16xi32>
      %parallel_loop3A_1374 = arith.constant 0.000000e+00 : f32
      %parallel_loop3A_1375 = arith.constant 3.200000e+01 : f32
      %parallel_loop3A_1376 = vector.broadcast %parallel_loop3A_1374 : f32 to vector<16xf32>
      %parallel_loop3A_1377 = arith.maximumf %parallel_loop3A_1376, %parallel_loop3A_1361 : vector<16xf32>
      %parallel_loop3A_1378 = vector.broadcast %parallel_loop3A_1375 : f32 to vector<16xf32>
      %parallel_loop3A_1379 = arith.minimumf %parallel_loop3A_1378, %parallel_loop3A_1377 : vector<16xf32>
      %parallel_loop3A_1380 = arith.fptosi %parallel_loop3A_1379 : vector<16xf32> to vector<16xi32>
      %parallel_loop3A_1381 = arith.constant 0.000000e+00 : f32
      %parallel_loop3A_1382 = arith.constant 3.200000e+01 : f32
      %parallel_loop3A_1383 = vector.broadcast %parallel_loop3A_1381 : f32 to vector<16xf32>
      %parallel_loop3A_1384 = arith.maximumf %parallel_loop3A_1383, %parallel_loop3A_1366 : vector<16xf32>
      %parallel_loop3A_1385 = vector.broadcast %parallel_loop3A_1382 : f32 to vector<16xf32>
      %parallel_loop3A_1386 = arith.minimumf %parallel_loop3A_1385, %parallel_loop3A_1384 : vector<16xf32>
      %parallel_loop3A_1387 = arith.fptosi %parallel_loop3A_1386 : vector<16xf32> to vector<16xi32>
      %parallel_loop3A_1388 = arith.constant 1024 : i32
      %parallel_loop3A_1389 = vector.broadcast %parallel_loop3A_1388 : i32 to vector<16xi32>
      %parallel_loop3A_1390 = arith.muli %parallel_loop3A_1373, %parallel_loop3A_1389 : vector<16xi32>
      %parallel_loop3A_1391 = arith.constant 32 : i32
      %parallel_loop3A_1392 = vector.broadcast %parallel_loop3A_1391 : i32 to vector<16xi32>
      %parallel_loop3A_1393 = arith.muli %parallel_loop3A_1380, %parallel_loop3A_1392 : vector<16xi32>
      %parallel_loop3A_1394 = arith.addi %parallel_loop3A_1390, %parallel_loop3A_1393 : vector<16xi32>
      %parallel_loop3A_1395 = arith.addi %parallel_loop3A_1394, %parallel_loop3A_1387 : vector<16xi32>
      %parallel_loop3A_1396 = arith.constant 32767 : i32
      %parallel_loop3A_1397 = vector.broadcast %parallel_loop3A_1396 : i32 to vector<16xi32>
      %parallel_loop3A_1398 = arith.minsi %parallel_loop3A_1395, %parallel_loop3A_1397 : vector<16xi32>
      %parallel_loop3A_1399 = arith.constant 7 : i32
      %parallel_loop3A_1400 = vector.broadcast %parallel_loop3A_1399 : i32 to vector<16xi32>
      %parallel_loop3A_1401 = arith.shrsi %parallel_loop3A_1398, %parallel_loop3A_1400 : vector<16xi32>
      %parallel_loop3A_1402 = arith.constant 127 : i32
      %parallel_loop3A_1403 = vector.broadcast %parallel_loop3A_1402 : i32 to vector<16xi32>
      %parallel_loop3A_1404 = arith.andi %parallel_loop3A_1398, %parallel_loop3A_1403 : vector<16xi32>
      %parallel_loop3A_1405 = tpu.vector_load_idx %arg6[%parallel_loop3A_1401, %parallel_loop3A_1404] : memref<768x128xf32, #tpu.memory_space<vmem>>[vector<16xi32>, vector<16xi32>], vector<16xf32>,
      %parallel_loop3A_1406 = arith.constant 256 : i32
      %parallel_loop3A_1407 = vector.broadcast %parallel_loop3A_1406 : i32 to vector<16xi32>
      %parallel_loop3A_1408 = arith.addi %parallel_loop3A_1401, %parallel_loop3A_1407 : vector<16xi32>
      %parallel_loop3A_1409 = tpu.vector_load_idx %arg6[%parallel_loop3A_1408, %parallel_loop3A_1404] : memref<768x128xf32, #tpu.memory_space<vmem>>[vector<16xi32>, vector<16xi32>], vector<16xf32>,
      %parallel_loop3A_1410 = arith.constant 512 : i32
      %parallel_loop3A_1411 = vector.broadcast %parallel_loop3A_1410 : i32 to vector<16xi32>
      %parallel_loop3A_1412 = arith.addi %parallel_loop3A_1401, %parallel_loop3A_1411 : vector<16xi32>
      %parallel_loop3A_1413 = tpu.vector_load_idx %arg6[%parallel_loop3A_1412, %parallel_loop3A_1404] : memref<768x128xf32, #tpu.memory_space<vmem>>[vector<16xi32>, vector<16xi32>], vector<16xf32>,
      %parallel_loop3A_1414 = arith.subf %parallel_loop3A_1356, %parallel_loop3A_1405 : vector<16xf32>
      %parallel_loop3A_1415 = arith.subf %parallel_loop3A_1361, %parallel_loop3A_1409 : vector<16xf32>
      %parallel_loop3A_1416 = arith.subf %parallel_loop3A_1366, %parallel_loop3A_1413 : vector<16xf32>
      %parallel_loop3A_1417 = arith.mulf %parallel_loop3A_1414, %parallel_loop3A_1414 : vector<16xf32>
      %parallel_loop3A_1418 = arith.mulf %parallel_loop3A_1415, %parallel_loop3A_1415 : vector<16xf32>
      %parallel_loop3A_1419 = arith.addf %parallel_loop3A_1417, %parallel_loop3A_1418 : vector<16xf32>
      %parallel_loop3A_1420 = arith.mulf %parallel_loop3A_1416, %parallel_loop3A_1416 : vector<16xf32>
      %parallel_loop3A_1421 = arith.addf %parallel_loop3A_1419, %parallel_loop3A_1420 : vector<16xf32>
      %parallel_loop3A_1422 = arith.constant 9.99999968E-21 : f32
      %parallel_loop3A_1423 = vector.broadcast %parallel_loop3A_1422 : f32 to vector<16xf32>
      %parallel_loop3A_1424 = arith.maximumf %parallel_loop3A_1421, %parallel_loop3A_1423 : vector<16xf32>
      %parallel_loop3A_1425 = tpu.bitcast %parallel_loop3A_1424 : vector<16xf32> -> vector<16xi32>
      %parallel_loop3A_1426 = arith.constant 1 : i32
      %parallel_loop3A_1427 = vector.broadcast %parallel_loop3A_1426 : i32 to vector<16xi32>
      %parallel_loop3A_1428 = arith.shrsi %parallel_loop3A_1425, %parallel_loop3A_1427 : vector<16xi32>
      %parallel_loop3A_1429 = arith.constant 1597463007 : i32
      %parallel_loop3A_1430 = vector.broadcast %parallel_loop3A_1429 : i32 to vector<16xi32>
      %parallel_loop3A_1431 = arith.subi %parallel_loop3A_1430, %parallel_loop3A_1428 : vector<16xi32>
      %parallel_loop3A_1432 = tpu.bitcast %parallel_loop3A_1431 : vector<16xi32> -> vector<16xf32>
      %parallel_loop3A_1433 = arith.constant 5.000000e-01 : f32
      %parallel_loop3A_1434 = vector.broadcast %parallel_loop3A_1433 : f32 to vector<16xf32>
      %parallel_loop3A_1435 = arith.mulf %parallel_loop3A_1434, %parallel_loop3A_1424 : vector<16xf32>
      %parallel_loop3A_1436 = arith.mulf %parallel_loop3A_1435, %parallel_loop3A_1432 : vector<16xf32>
      %parallel_loop3A_1437 = arith.mulf %parallel_loop3A_1436, %parallel_loop3A_1432 : vector<16xf32>
      %parallel_loop3A_1438 = arith.constant 1.500000e+00 : f32
      %parallel_loop3A_1439 = vector.broadcast %parallel_loop3A_1438 : f32 to vector<16xf32>
      %parallel_loop3A_1440 = arith.subf %parallel_loop3A_1439, %parallel_loop3A_1437 : vector<16xf32>
      %parallel_loop3A_1441 = arith.mulf %parallel_loop3A_1432, %parallel_loop3A_1440 : vector<16xf32>
      %parallel_loop3A_1442 = arith.mulf %parallel_loop3A_1435, %parallel_loop3A_1441 : vector<16xf32>
      %parallel_loop3A_1443 = arith.mulf %parallel_loop3A_1442, %parallel_loop3A_1441 : vector<16xf32>
      %parallel_loop3A_1444 = arith.constant 1.500000e+00 : f32
      %parallel_loop3A_1445 = vector.broadcast %parallel_loop3A_1444 : f32 to vector<16xf32>
      %parallel_loop3A_1446 = arith.subf %parallel_loop3A_1445, %parallel_loop3A_1443 : vector<16xf32>
      %parallel_loop3A_1447 = arith.mulf %parallel_loop3A_1441, %parallel_loop3A_1446 : vector<16xf32>
      %parallel_loop3A_1448 = arith.mulf %parallel_loop3A_1421, %parallel_loop3A_1447 : vector<16xf32>
      %parallel_loop3A_1449 = arith.addf %parallel_loop3A_1338, %parallel_loop3A_1448 : vector<16xf32>
      %parallel_loop3A_1450 = arith.index_cast %parallel_loop3A_831 : i32 to index
      %parallel_loop3A_1451 = arith.constant 80 : index
      %parallel_loop3A_1452 = tpu.vector_load %arg7[%parallel_loop3A_1450, %parallel_loop3A_1451] {strides = array<i32>} : memref<96x128xf32, #tpu.memory_space<vmem>>, vector<16xf32>,
      %parallel_loop3A_1453 = arith.constant 32 : i32
      %parallel_loop3A_1454 = arith.addi %parallel_loop3A_1453, %parallel_loop3A_831 : i32
      %parallel_loop3A_1455 = arith.index_cast %parallel_loop3A_1454 : i32 to index
      %parallel_loop3A_1456 = arith.constant 80 : index
      %parallel_loop3A_1457 = tpu.vector_load %arg7[%parallel_loop3A_1455, %parallel_loop3A_1456] {strides = array<i32>} : memref<96x128xf32, #tpu.memory_space<vmem>>, vector<16xf32>,
      %parallel_loop3A_1458 = arith.constant 64 : i32
      %parallel_loop3A_1459 = arith.addi %parallel_loop3A_1458, %parallel_loop3A_831 : i32
      %parallel_loop3A_1460 = arith.index_cast %parallel_loop3A_1459 : i32 to index
      %parallel_loop3A_1461 = arith.constant 80 : index
      %parallel_loop3A_1462 = tpu.vector_load %arg7[%parallel_loop3A_1460, %parallel_loop3A_1461] {strides = array<i32>} : memref<96x128xf32, #tpu.memory_space<vmem>>, vector<16xf32>,
      %parallel_loop3A_1463 = arith.mulf %parallel_loop3A_838, %parallel_loop3A_1452 : vector<16xf32>
      %parallel_loop3A_1464 = arith.mulf %parallel_loop3A_845, %parallel_loop3A_1457 : vector<16xf32>
      %parallel_loop3A_1465 = arith.addf %parallel_loop3A_1463, %parallel_loop3A_1464 : vector<16xf32>
      %parallel_loop3A_1466 = arith.mulf %parallel_loop3A_852, %parallel_loop3A_1462 : vector<16xf32>
      %parallel_loop3A_1467 = arith.addf %parallel_loop3A_1465, %parallel_loop3A_1466 : vector<16xf32>
      %parallel_loop3A_1468 = arith.mulf %parallel_loop3A_859, %parallel_loop3A_1452 : vector<16xf32>
      %parallel_loop3A_1469 = arith.mulf %parallel_loop3A_866, %parallel_loop3A_1457 : vector<16xf32>
      %parallel_loop3A_1470 = arith.addf %parallel_loop3A_1468, %parallel_loop3A_1469 : vector<16xf32>
      %parallel_loop3A_1471 = arith.mulf %parallel_loop3A_873, %parallel_loop3A_1462 : vector<16xf32>
      %parallel_loop3A_1472 = arith.addf %parallel_loop3A_1470, %parallel_loop3A_1471 : vector<16xf32>
      %parallel_loop3A_1473 = arith.mulf %parallel_loop3A_880, %parallel_loop3A_1452 : vector<16xf32>
      %parallel_loop3A_1474 = arith.mulf %parallel_loop3A_887, %parallel_loop3A_1457 : vector<16xf32>
      %parallel_loop3A_1475 = arith.addf %parallel_loop3A_1473, %parallel_loop3A_1474 : vector<16xf32>
      %parallel_loop3A_1476 = arith.mulf %parallel_loop3A_894, %parallel_loop3A_1462 : vector<16xf32>
      %parallel_loop3A_1477 = arith.addf %parallel_loop3A_1475, %parallel_loop3A_1476 : vector<16xf32>
      %parallel_loop3A_1478 = arith.constant 0.000000e+00 : f32
      %parallel_loop3A_1479 = arith.constant 3.200000e+01 : f32
      %parallel_loop3A_1480 = vector.broadcast %parallel_loop3A_1478 : f32 to vector<16xf32>
      %parallel_loop3A_1481 = arith.maximumf %parallel_loop3A_1480, %parallel_loop3A_1467 : vector<16xf32>
      %parallel_loop3A_1482 = vector.broadcast %parallel_loop3A_1479 : f32 to vector<16xf32>
      %parallel_loop3A_1483 = arith.minimumf %parallel_loop3A_1482, %parallel_loop3A_1481 : vector<16xf32>
      %parallel_loop3A_1484 = arith.fptosi %parallel_loop3A_1483 : vector<16xf32> to vector<16xi32>
      %parallel_loop3A_1485 = arith.constant 0.000000e+00 : f32
      %parallel_loop3A_1486 = arith.constant 3.200000e+01 : f32
      %parallel_loop3A_1487 = vector.broadcast %parallel_loop3A_1485 : f32 to vector<16xf32>
      %parallel_loop3A_1488 = arith.maximumf %parallel_loop3A_1487, %parallel_loop3A_1472 : vector<16xf32>
      %parallel_loop3A_1489 = vector.broadcast %parallel_loop3A_1486 : f32 to vector<16xf32>
      %parallel_loop3A_1490 = arith.minimumf %parallel_loop3A_1489, %parallel_loop3A_1488 : vector<16xf32>
      %parallel_loop3A_1491 = arith.fptosi %parallel_loop3A_1490 : vector<16xf32> to vector<16xi32>
      %parallel_loop3A_1492 = arith.constant 0.000000e+00 : f32
      %parallel_loop3A_1493 = arith.constant 3.200000e+01 : f32
      %parallel_loop3A_1494 = vector.broadcast %parallel_loop3A_1492 : f32 to vector<16xf32>
      %parallel_loop3A_1495 = arith.maximumf %parallel_loop3A_1494, %parallel_loop3A_1477 : vector<16xf32>
      %parallel_loop3A_1496 = vector.broadcast %parallel_loop3A_1493 : f32 to vector<16xf32>
      %parallel_loop3A_1497 = arith.minimumf %parallel_loop3A_1496, %parallel_loop3A_1495 : vector<16xf32>
      %parallel_loop3A_1498 = arith.fptosi %parallel_loop3A_1497 : vector<16xf32> to vector<16xi32>
      %parallel_loop3A_1499 = arith.constant 1024 : i32
      %parallel_loop3A_1500 = vector.broadcast %parallel_loop3A_1499 : i32 to vector<16xi32>
      %parallel_loop3A_1501 = arith.muli %parallel_loop3A_1484, %parallel_loop3A_1500 : vector<16xi32>
      %parallel_loop3A_1502 = arith.constant 32 : i32
      %parallel_loop3A_1503 = vector.broadcast %parallel_loop3A_1502 : i32 to vector<16xi32>
      %parallel_loop3A_1504 = arith.muli %parallel_loop3A_1491, %parallel_loop3A_1503 : vector<16xi32>
      %parallel_loop3A_1505 = arith.addi %parallel_loop3A_1501, %parallel_loop3A_1504 : vector<16xi32>
      %parallel_loop3A_1506 = arith.addi %parallel_loop3A_1505, %parallel_loop3A_1498 : vector<16xi32>
      %parallel_loop3A_1507 = arith.constant 32767 : i32
      %parallel_loop3A_1508 = vector.broadcast %parallel_loop3A_1507 : i32 to vector<16xi32>
      %parallel_loop3A_1509 = arith.minsi %parallel_loop3A_1506, %parallel_loop3A_1508 : vector<16xi32>
      %parallel_loop3A_1510 = arith.constant 7 : i32
      %parallel_loop3A_1511 = vector.broadcast %parallel_loop3A_1510 : i32 to vector<16xi32>
      %parallel_loop3A_1512 = arith.shrsi %parallel_loop3A_1509, %parallel_loop3A_1511 : vector<16xi32>
      %parallel_loop3A_1513 = arith.constant 127 : i32
      %parallel_loop3A_1514 = vector.broadcast %parallel_loop3A_1513 : i32 to vector<16xi32>
      %parallel_loop3A_1515 = arith.andi %parallel_loop3A_1509, %parallel_loop3A_1514 : vector<16xi32>
      %parallel_loop3A_1516 = tpu.vector_load_idx %arg6[%parallel_loop3A_1512, %parallel_loop3A_1515] : memref<768x128xf32, #tpu.memory_space<vmem>>[vector<16xi32>, vector<16xi32>], vector<16xf32>,
      %parallel_loop3A_1517 = arith.constant 256 : i32
      %parallel_loop3A_1518 = vector.broadcast %parallel_loop3A_1517 : i32 to vector<16xi32>
      %parallel_loop3A_1519 = arith.addi %parallel_loop3A_1512, %parallel_loop3A_1518 : vector<16xi32>
      %parallel_loop3A_1520 = tpu.vector_load_idx %arg6[%parallel_loop3A_1519, %parallel_loop3A_1515] : memref<768x128xf32, #tpu.memory_space<vmem>>[vector<16xi32>, vector<16xi32>], vector<16xf32>,
      %parallel_loop3A_1521 = arith.constant 512 : i32
      %parallel_loop3A_1522 = vector.broadcast %parallel_loop3A_1521 : i32 to vector<16xi32>
      %parallel_loop3A_1523 = arith.addi %parallel_loop3A_1512, %parallel_loop3A_1522 : vector<16xi32>
      %parallel_loop3A_1524 = tpu.vector_load_idx %arg6[%parallel_loop3A_1523, %parallel_loop3A_1515] : memref<768x128xf32, #tpu.memory_space<vmem>>[vector<16xi32>, vector<16xi32>], vector<16xf32>,
      %parallel_loop3A_1525 = arith.subf %parallel_loop3A_1467, %parallel_loop3A_1516 : vector<16xf32>
      %parallel_loop3A_1526 = arith.subf %parallel_loop3A_1472, %parallel_loop3A_1520 : vector<16xf32>
      %parallel_loop3A_1527 = arith.subf %parallel_loop3A_1477, %parallel_loop3A_1524 : vector<16xf32>
      %parallel_loop3A_1528 = arith.mulf %parallel_loop3A_1525, %parallel_loop3A_1525 : vector<16xf32>
      %parallel_loop3A_1529 = arith.mulf %parallel_loop3A_1526, %parallel_loop3A_1526 : vector<16xf32>
      %parallel_loop3A_1530 = arith.addf %parallel_loop3A_1528, %parallel_loop3A_1529 : vector<16xf32>
      %parallel_loop3A_1531 = arith.mulf %parallel_loop3A_1527, %parallel_loop3A_1527 : vector<16xf32>
      %parallel_loop3A_1532 = arith.addf %parallel_loop3A_1530, %parallel_loop3A_1531 : vector<16xf32>
      %parallel_loop3A_1533 = arith.constant 9.99999968E-21 : f32
      %parallel_loop3A_1534 = vector.broadcast %parallel_loop3A_1533 : f32 to vector<16xf32>
      %parallel_loop3A_1535 = arith.maximumf %parallel_loop3A_1532, %parallel_loop3A_1534 : vector<16xf32>
      %parallel_loop3A_1536 = tpu.bitcast %parallel_loop3A_1535 : vector<16xf32> -> vector<16xi32>
      %parallel_loop3A_1537 = arith.constant 1 : i32
      %parallel_loop3A_1538 = vector.broadcast %parallel_loop3A_1537 : i32 to vector<16xi32>
      %parallel_loop3A_1539 = arith.shrsi %parallel_loop3A_1536, %parallel_loop3A_1538 : vector<16xi32>
      %parallel_loop3A_1540 = arith.constant 1597463007 : i32
      %parallel_loop3A_1541 = vector.broadcast %parallel_loop3A_1540 : i32 to vector<16xi32>
      %parallel_loop3A_1542 = arith.subi %parallel_loop3A_1541, %parallel_loop3A_1539 : vector<16xi32>
      %parallel_loop3A_1543 = tpu.bitcast %parallel_loop3A_1542 : vector<16xi32> -> vector<16xf32>
      %parallel_loop3A_1544 = arith.constant 5.000000e-01 : f32
      %parallel_loop3A_1545 = vector.broadcast %parallel_loop3A_1544 : f32 to vector<16xf32>
      %parallel_loop3A_1546 = arith.mulf %parallel_loop3A_1545, %parallel_loop3A_1535 : vector<16xf32>
      %parallel_loop3A_1547 = arith.mulf %parallel_loop3A_1546, %parallel_loop3A_1543 : vector<16xf32>
      %parallel_loop3A_1548 = arith.mulf %parallel_loop3A_1547, %parallel_loop3A_1543 : vector<16xf32>
      %parallel_loop3A_1549 = arith.constant 1.500000e+00 : f32
      %parallel_loop3A_1550 = vector.broadcast %parallel_loop3A_1549 : f32 to vector<16xf32>
      %parallel_loop3A_1551 = arith.subf %parallel_loop3A_1550, %parallel_loop3A_1548 : vector<16xf32>
      %parallel_loop3A_1552 = arith.mulf %parallel_loop3A_1543, %parallel_loop3A_1551 : vector<16xf32>
      %parallel_loop3A_1553 = arith.mulf %parallel_loop3A_1546, %parallel_loop3A_1552 : vector<16xf32>
      %parallel_loop3A_1554 = arith.mulf %parallel_loop3A_1553, %parallel_loop3A_1552 : vector<16xf32>
      %parallel_loop3A_1555 = arith.constant 1.500000e+00 : f32
      %parallel_loop3A_1556 = vector.broadcast %parallel_loop3A_1555 : f32 to vector<16xf32>
      %parallel_loop3A_1557 = arith.subf %parallel_loop3A_1556, %parallel_loop3A_1554 : vector<16xf32>
      %parallel_loop3A_1558 = arith.mulf %parallel_loop3A_1552, %parallel_loop3A_1557 : vector<16xf32>
      %parallel_loop3A_1559 = arith.mulf %parallel_loop3A_1532, %parallel_loop3A_1558 : vector<16xf32>
      %parallel_loop3A_1560 = arith.addf %parallel_loop3A_1449, %parallel_loop3A_1559 : vector<16xf32>
      %parallel_loop3A_1561 = arith.index_cast %parallel_loop3A_831 : i32 to index
      %parallel_loop3A_1562 = arith.constant 96 : index
      %parallel_loop3A_1563 = tpu.vector_load %arg7[%parallel_loop3A_1561, %parallel_loop3A_1562] {strides = array<i32>} : memref<96x128xf32, #tpu.memory_space<vmem>>, vector<16xf32>,
      %parallel_loop3A_1564 = arith.constant 32 : i32
      %parallel_loop3A_1565 = arith.addi %parallel_loop3A_1564, %parallel_loop3A_831 : i32
      %parallel_loop3A_1566 = arith.index_cast %parallel_loop3A_1565 : i32 to index
      %parallel_loop3A_1567 = arith.constant 96 : index
      %parallel_loop3A_1568 = tpu.vector_load %arg7[%parallel_loop3A_1566, %parallel_loop3A_1567] {strides = array<i32>} : memref<96x128xf32, #tpu.memory_space<vmem>>, vector<16xf32>,
      %parallel_loop3A_1569 = arith.constant 64 : i32
      %parallel_loop3A_1570 = arith.addi %parallel_loop3A_1569, %parallel_loop3A_831 : i32
      %parallel_loop3A_1571 = arith.index_cast %parallel_loop3A_1570 : i32 to index
      %parallel_loop3A_1572 = arith.constant 96 : index
      %parallel_loop3A_1573 = tpu.vector_load %arg7[%parallel_loop3A_1571, %parallel_loop3A_1572] {strides = array<i32>} : memref<96x128xf32, #tpu.memory_space<vmem>>, vector<16xf32>,
      %parallel_loop3A_1574 = arith.mulf %parallel_loop3A_838, %parallel_loop3A_1563 : vector<16xf32>
      %parallel_loop3A_1575 = arith.mulf %parallel_loop3A_845, %parallel_loop3A_1568 : vector<16xf32>
      %parallel_loop3A_1576 = arith.addf %parallel_loop3A_1574, %parallel_loop3A_1575 : vector<16xf32>
      %parallel_loop3A_1577 = arith.mulf %parallel_loop3A_852, %parallel_loop3A_1573 : vector<16xf32>
      %parallel_loop3A_1578 = arith.addf %parallel_loop3A_1576, %parallel_loop3A_1577 : vector<16xf32>
      %parallel_loop3A_1579 = arith.mulf %parallel_loop3A_859, %parallel_loop3A_1563 : vector<16xf32>
      %parallel_loop3A_1580 = arith.mulf %parallel_loop3A_866, %parallel_loop3A_1568 : vector<16xf32>
      %parallel_loop3A_1581 = arith.addf %parallel_loop3A_1579, %parallel_loop3A_1580 : vector<16xf32>
      %parallel_loop3A_1582 = arith.mulf %parallel_loop3A_873, %parallel_loop3A_1573 : vector<16xf32>
      %parallel_loop3A_1583 = arith.addf %parallel_loop3A_1581, %parallel_loop3A_1582 : vector<16xf32>
      %parallel_loop3A_1584 = arith.mulf %parallel_loop3A_880, %parallel_loop3A_1563 : vector<16xf32>
      %parallel_loop3A_1585 = arith.mulf %parallel_loop3A_887, %parallel_loop3A_1568 : vector<16xf32>
      %parallel_loop3A_1586 = arith.addf %parallel_loop3A_1584, %parallel_loop3A_1585 : vector<16xf32>
      %parallel_loop3A_1587 = arith.mulf %parallel_loop3A_894, %parallel_loop3A_1573 : vector<16xf32>
      %parallel_loop3A_1588 = arith.addf %parallel_loop3A_1586, %parallel_loop3A_1587 : vector<16xf32>
      %parallel_loop3A_1589 = arith.constant 0.000000e+00 : f32
      %parallel_loop3A_1590 = arith.constant 3.200000e+01 : f32
      %parallel_loop3A_1591 = vector.broadcast %parallel_loop3A_1589 : f32 to vector<16xf32>
      %parallel_loop3A_1592 = arith.maximumf %parallel_loop3A_1591, %parallel_loop3A_1578 : vector<16xf32>
      %parallel_loop3A_1593 = vector.broadcast %parallel_loop3A_1590 : f32 to vector<16xf32>
      %parallel_loop3A_1594 = arith.minimumf %parallel_loop3A_1593, %parallel_loop3A_1592 : vector<16xf32>
      %parallel_loop3A_1595 = arith.fptosi %parallel_loop3A_1594 : vector<16xf32> to vector<16xi32>
      %parallel_loop3A_1596 = arith.constant 0.000000e+00 : f32
      %parallel_loop3A_1597 = arith.constant 3.200000e+01 : f32
      %parallel_loop3A_1598 = vector.broadcast %parallel_loop3A_1596 : f32 to vector<16xf32>
      %parallel_loop3A_1599 = arith.maximumf %parallel_loop3A_1598, %parallel_loop3A_1583 : vector<16xf32>
      %parallel_loop3A_1600 = vector.broadcast %parallel_loop3A_1597 : f32 to vector<16xf32>
      %parallel_loop3A_1601 = arith.minimumf %parallel_loop3A_1600, %parallel_loop3A_1599 : vector<16xf32>
      %parallel_loop3A_1602 = arith.fptosi %parallel_loop3A_1601 : vector<16xf32> to vector<16xi32>
      %parallel_loop3A_1603 = arith.constant 0.000000e+00 : f32
      %parallel_loop3A_1604 = arith.constant 3.200000e+01 : f32
      %parallel_loop3A_1605 = vector.broadcast %parallel_loop3A_1603 : f32 to vector<16xf32>
      %parallel_loop3A_1606 = arith.maximumf %parallel_loop3A_1605, %parallel_loop3A_1588 : vector<16xf32>
      %parallel_loop3A_1607 = vector.broadcast %parallel_loop3A_1604 : f32 to vector<16xf32>
      %parallel_loop3A_1608 = arith.minimumf %parallel_loop3A_1607, %parallel_loop3A_1606 : vector<16xf32>
      %parallel_loop3A_1609 = arith.fptosi %parallel_loop3A_1608 : vector<16xf32> to vector<16xi32>
      %parallel_loop3A_1610 = arith.constant 1024 : i32
      %parallel_loop3A_1611 = vector.broadcast %parallel_loop3A_1610 : i32 to vector<16xi32>
      %parallel_loop3A_1612 = arith.muli %parallel_loop3A_1595, %parallel_loop3A_1611 : vector<16xi32>
      %parallel_loop3A_1613 = arith.constant 32 : i32
      %parallel_loop3A_1614 = vector.broadcast %parallel_loop3A_1613 : i32 to vector<16xi32>
      %parallel_loop3A_1615 = arith.muli %parallel_loop3A_1602, %parallel_loop3A_1614 : vector<16xi32>
      %parallel_loop3A_1616 = arith.addi %parallel_loop3A_1612, %parallel_loop3A_1615 : vector<16xi32>
      %parallel_loop3A_1617 = arith.addi %parallel_loop3A_1616, %parallel_loop3A_1609 : vector<16xi32>
      %parallel_loop3A_1618 = arith.constant 32767 : i32
      %parallel_loop3A_1619 = vector.broadcast %parallel_loop3A_1618 : i32 to vector<16xi32>
      %parallel_loop3A_1620 = arith.minsi %parallel_loop3A_1617, %parallel_loop3A_1619 : vector<16xi32>
      %parallel_loop3A_1621 = arith.constant 7 : i32
      %parallel_loop3A_1622 = vector.broadcast %parallel_loop3A_1621 : i32 to vector<16xi32>
      %parallel_loop3A_1623 = arith.shrsi %parallel_loop3A_1620, %parallel_loop3A_1622 : vector<16xi32>
      %parallel_loop3A_1624 = arith.constant 127 : i32
      %parallel_loop3A_1625 = vector.broadcast %parallel_loop3A_1624 : i32 to vector<16xi32>
      %parallel_loop3A_1626 = arith.andi %parallel_loop3A_1620, %parallel_loop3A_1625 : vector<16xi32>
      %parallel_loop3A_1627 = tpu.vector_load_idx %arg6[%parallel_loop3A_1623, %parallel_loop3A_1626] : memref<768x128xf32, #tpu.memory_space<vmem>>[vector<16xi32>, vector<16xi32>], vector<16xf32>,
      %parallel_loop3A_1628 = arith.constant 256 : i32
      %parallel_loop3A_1629 = vector.broadcast %parallel_loop3A_1628 : i32 to vector<16xi32>
      %parallel_loop3A_1630 = arith.addi %parallel_loop3A_1623, %parallel_loop3A_1629 : vector<16xi32>
      %parallel_loop3A_1631 = tpu.vector_load_idx %arg6[%parallel_loop3A_1630, %parallel_loop3A_1626] : memref<768x128xf32, #tpu.memory_space<vmem>>[vector<16xi32>, vector<16xi32>], vector<16xf32>,
      %parallel_loop3A_1632 = arith.constant 512 : i32
      %parallel_loop3A_1633 = vector.broadcast %parallel_loop3A_1632 : i32 to vector<16xi32>
      %parallel_loop3A_1634 = arith.addi %parallel_loop3A_1623, %parallel_loop3A_1633 : vector<16xi32>
      %parallel_loop3A_1635 = tpu.vector_load_idx %arg6[%parallel_loop3A_1634, %parallel_loop3A_1626] : memref<768x128xf32, #tpu.memory_space<vmem>>[vector<16xi32>, vector<16xi32>], vector<16xf32>,
      %parallel_loop3A_1636 = arith.subf %parallel_loop3A_1578, %parallel_loop3A_1627 : vector<16xf32>
      %parallel_loop3A_1637 = arith.subf %parallel_loop3A_1583, %parallel_loop3A_1631 : vector<16xf32>
      %parallel_loop3A_1638 = arith.subf %parallel_loop3A_1588, %parallel_loop3A_1635 : vector<16xf32>
      %parallel_loop3A_1639 = arith.mulf %parallel_loop3A_1636, %parallel_loop3A_1636 : vector<16xf32>
      %parallel_loop3A_1640 = arith.mulf %parallel_loop3A_1637, %parallel_loop3A_1637 : vector<16xf32>
      %parallel_loop3A_1641 = arith.addf %parallel_loop3A_1639, %parallel_loop3A_1640 : vector<16xf32>
      %parallel_loop3A_1642 = arith.mulf %parallel_loop3A_1638, %parallel_loop3A_1638 : vector<16xf32>
      %parallel_loop3A_1643 = arith.addf %parallel_loop3A_1641, %parallel_loop3A_1642 : vector<16xf32>
      %parallel_loop3A_1644 = arith.constant 9.99999968E-21 : f32
      %parallel_loop3A_1645 = vector.broadcast %parallel_loop3A_1644 : f32 to vector<16xf32>
      %parallel_loop3A_1646 = arith.maximumf %parallel_loop3A_1643, %parallel_loop3A_1645 : vector<16xf32>
      %parallel_loop3A_1647 = tpu.bitcast %parallel_loop3A_1646 : vector<16xf32> -> vector<16xi32>
      %parallel_loop3A_1648 = arith.constant 1 : i32
      %parallel_loop3A_1649 = vector.broadcast %parallel_loop3A_1648 : i32 to vector<16xi32>
      %parallel_loop3A_1650 = arith.shrsi %parallel_loop3A_1647, %parallel_loop3A_1649 : vector<16xi32>
      %parallel_loop3A_1651 = arith.constant 1597463007 : i32
      %parallel_loop3A_1652 = vector.broadcast %parallel_loop3A_1651 : i32 to vector<16xi32>
      %parallel_loop3A_1653 = arith.subi %parallel_loop3A_1652, %parallel_loop3A_1650 : vector<16xi32>
      %parallel_loop3A_1654 = tpu.bitcast %parallel_loop3A_1653 : vector<16xi32> -> vector<16xf32>
      %parallel_loop3A_1655 = arith.constant 5.000000e-01 : f32
      %parallel_loop3A_1656 = vector.broadcast %parallel_loop3A_1655 : f32 to vector<16xf32>
      %parallel_loop3A_1657 = arith.mulf %parallel_loop3A_1656, %parallel_loop3A_1646 : vector<16xf32>
      %parallel_loop3A_1658 = arith.mulf %parallel_loop3A_1657, %parallel_loop3A_1654 : vector<16xf32>
      %parallel_loop3A_1659 = arith.mulf %parallel_loop3A_1658, %parallel_loop3A_1654 : vector<16xf32>
      %parallel_loop3A_1660 = arith.constant 1.500000e+00 : f32
      %parallel_loop3A_1661 = vector.broadcast %parallel_loop3A_1660 : f32 to vector<16xf32>
      %parallel_loop3A_1662 = arith.subf %parallel_loop3A_1661, %parallel_loop3A_1659 : vector<16xf32>
      %parallel_loop3A_1663 = arith.mulf %parallel_loop3A_1654, %parallel_loop3A_1662 : vector<16xf32>
      %parallel_loop3A_1664 = arith.mulf %parallel_loop3A_1657, %parallel_loop3A_1663 : vector<16xf32>
      %parallel_loop3A_1665 = arith.mulf %parallel_loop3A_1664, %parallel_loop3A_1663 : vector<16xf32>
      %parallel_loop3A_1666 = arith.constant 1.500000e+00 : f32
      %parallel_loop3A_1667 = vector.broadcast %parallel_loop3A_1666 : f32 to vector<16xf32>
      %parallel_loop3A_1668 = arith.subf %parallel_loop3A_1667, %parallel_loop3A_1665 : vector<16xf32>
      %parallel_loop3A_1669 = arith.mulf %parallel_loop3A_1663, %parallel_loop3A_1668 : vector<16xf32>
      %parallel_loop3A_1670 = arith.mulf %parallel_loop3A_1643, %parallel_loop3A_1669 : vector<16xf32>
      %parallel_loop3A_1671 = arith.addf %parallel_loop3A_1560, %parallel_loop3A_1670 : vector<16xf32>
      %parallel_loop3A_1672 = arith.index_cast %parallel_loop3A_831 : i32 to index
      %parallel_loop3A_1673 = arith.constant 112 : index
      %parallel_loop3A_1674 = tpu.vector_load %arg7[%parallel_loop3A_1672, %parallel_loop3A_1673] {strides = array<i32>} : memref<96x128xf32, #tpu.memory_space<vmem>>, vector<16xf32>,
      %parallel_loop3A_1675 = arith.constant 32 : i32
      %parallel_loop3A_1676 = arith.addi %parallel_loop3A_1675, %parallel_loop3A_831 : i32
      %parallel_loop3A_1677 = arith.index_cast %parallel_loop3A_1676 : i32 to index
      %parallel_loop3A_1678 = arith.constant 112 : index
      %parallel_loop3A_1679 = tpu.vector_load %arg7[%parallel_loop3A_1677, %parallel_loop3A_1678] {strides = array<i32>} : memref<96x128xf32, #tpu.memory_space<vmem>>, vector<16xf32>,
      %parallel_loop3A_1680 = arith.constant 64 : i32
      %parallel_loop3A_1681 = arith.addi %parallel_loop3A_1680, %parallel_loop3A_831 : i32
      %parallel_loop3A_1682 = arith.index_cast %parallel_loop3A_1681 : i32 to index
      %parallel_loop3A_1683 = arith.constant 112 : index
      %parallel_loop3A_1684 = tpu.vector_load %arg7[%parallel_loop3A_1682, %parallel_loop3A_1683] {strides = array<i32>} : memref<96x128xf32, #tpu.memory_space<vmem>>, vector<16xf32>,
      %parallel_loop3A_1685 = arith.mulf %parallel_loop3A_838, %parallel_loop3A_1674 : vector<16xf32>
      %parallel_loop3A_1686 = arith.mulf %parallel_loop3A_845, %parallel_loop3A_1679 : vector<16xf32>
      %parallel_loop3A_1687 = arith.addf %parallel_loop3A_1685, %parallel_loop3A_1686 : vector<16xf32>
      %parallel_loop3A_1688 = arith.mulf %parallel_loop3A_852, %parallel_loop3A_1684 : vector<16xf32>
      %parallel_loop3A_1689 = arith.addf %parallel_loop3A_1687, %parallel_loop3A_1688 : vector<16xf32>
      %parallel_loop3A_1690 = arith.mulf %parallel_loop3A_859, %parallel_loop3A_1674 : vector<16xf32>
      %parallel_loop3A_1691 = arith.mulf %parallel_loop3A_866, %parallel_loop3A_1679 : vector<16xf32>
      %parallel_loop3A_1692 = arith.addf %parallel_loop3A_1690, %parallel_loop3A_1691 : vector<16xf32>
      %parallel_loop3A_1693 = arith.mulf %parallel_loop3A_873, %parallel_loop3A_1684 : vector<16xf32>
      %parallel_loop3A_1694 = arith.addf %parallel_loop3A_1692, %parallel_loop3A_1693 : vector<16xf32>
      %parallel_loop3A_1695 = arith.mulf %parallel_loop3A_880, %parallel_loop3A_1674 : vector<16xf32>
      %parallel_loop3A_1696 = arith.mulf %parallel_loop3A_887, %parallel_loop3A_1679 : vector<16xf32>
      %parallel_loop3A_1697 = arith.addf %parallel_loop3A_1695, %parallel_loop3A_1696 : vector<16xf32>
      %parallel_loop3A_1698 = arith.mulf %parallel_loop3A_894, %parallel_loop3A_1684 : vector<16xf32>
      %parallel_loop3A_1699 = arith.addf %parallel_loop3A_1697, %parallel_loop3A_1698 : vector<16xf32>
      %parallel_loop3A_1700 = arith.constant 0.000000e+00 : f32
      %parallel_loop3A_1701 = arith.constant 3.200000e+01 : f32
      %parallel_loop3A_1702 = vector.broadcast %parallel_loop3A_1700 : f32 to vector<16xf32>
      %parallel_loop3A_1703 = arith.maximumf %parallel_loop3A_1702, %parallel_loop3A_1689 : vector<16xf32>
      %parallel_loop3A_1704 = vector.broadcast %parallel_loop3A_1701 : f32 to vector<16xf32>
      %parallel_loop3A_1705 = arith.minimumf %parallel_loop3A_1704, %parallel_loop3A_1703 : vector<16xf32>
      %parallel_loop3A_1706 = arith.fptosi %parallel_loop3A_1705 : vector<16xf32> to vector<16xi32>
      %parallel_loop3A_1707 = arith.constant 0.000000e+00 : f32
      %parallel_loop3A_1708 = arith.constant 3.200000e+01 : f32
      %parallel_loop3A_1709 = vector.broadcast %parallel_loop3A_1707 : f32 to vector<16xf32>
      %parallel_loop3A_1710 = arith.maximumf %parallel_loop3A_1709, %parallel_loop3A_1694 : vector<16xf32>
      %parallel_loop3A_1711 = vector.broadcast %parallel_loop3A_1708 : f32 to vector<16xf32>
      %parallel_loop3A_1712 = arith.minimumf %parallel_loop3A_1711, %parallel_loop3A_1710 : vector<16xf32>
      %parallel_loop3A_1713 = arith.fptosi %parallel_loop3A_1712 : vector<16xf32> to vector<16xi32>
      %parallel_loop3A_1714 = arith.constant 0.000000e+00 : f32
      %parallel_loop3A_1715 = arith.constant 3.200000e+01 : f32
      %parallel_loop3A_1716 = vector.broadcast %parallel_loop3A_1714 : f32 to vector<16xf32>
      %parallel_loop3A_1717 = arith.maximumf %parallel_loop3A_1716, %parallel_loop3A_1699 : vector<16xf32>
      %parallel_loop3A_1718 = vector.broadcast %parallel_loop3A_1715 : f32 to vector<16xf32>
      %parallel_loop3A_1719 = arith.minimumf %parallel_loop3A_1718, %parallel_loop3A_1717 : vector<16xf32>
      %parallel_loop3A_1720 = arith.fptosi %parallel_loop3A_1719 : vector<16xf32> to vector<16xi32>
      %parallel_loop3A_1721 = arith.constant 1024 : i32
      %parallel_loop3A_1722 = vector.broadcast %parallel_loop3A_1721 : i32 to vector<16xi32>
      %parallel_loop3A_1723 = arith.muli %parallel_loop3A_1706, %parallel_loop3A_1722 : vector<16xi32>
      %parallel_loop3A_1724 = arith.constant 32 : i32
      %parallel_loop3A_1725 = vector.broadcast %parallel_loop3A_1724 : i32 to vector<16xi32>
      %parallel_loop3A_1726 = arith.muli %parallel_loop3A_1713, %parallel_loop3A_1725 : vector<16xi32>
      %parallel_loop3A_1727 = arith.addi %parallel_loop3A_1723, %parallel_loop3A_1726 : vector<16xi32>
      %parallel_loop3A_1728 = arith.addi %parallel_loop3A_1727, %parallel_loop3A_1720 : vector<16xi32>
      %parallel_loop3A_1729 = arith.constant 32767 : i32
      %parallel_loop3A_1730 = vector.broadcast %parallel_loop3A_1729 : i32 to vector<16xi32>
      %parallel_loop3A_1731 = arith.minsi %parallel_loop3A_1728, %parallel_loop3A_1730 : vector<16xi32>
      %parallel_loop3A_1732 = arith.constant 7 : i32
      %parallel_loop3A_1733 = vector.broadcast %parallel_loop3A_1732 : i32 to vector<16xi32>
      %parallel_loop3A_1734 = arith.shrsi %parallel_loop3A_1731, %parallel_loop3A_1733 : vector<16xi32>
      %parallel_loop3A_1735 = arith.constant 127 : i32
      %parallel_loop3A_1736 = vector.broadcast %parallel_loop3A_1735 : i32 to vector<16xi32>
      %parallel_loop3A_1737 = arith.andi %parallel_loop3A_1731, %parallel_loop3A_1736 : vector<16xi32>
      %parallel_loop3A_1738 = tpu.vector_load_idx %arg6[%parallel_loop3A_1734, %parallel_loop3A_1737] : memref<768x128xf32, #tpu.memory_space<vmem>>[vector<16xi32>, vector<16xi32>], vector<16xf32>,
      %parallel_loop3A_1739 = arith.constant 256 : i32
      %parallel_loop3A_1740 = vector.broadcast %parallel_loop3A_1739 : i32 to vector<16xi32>
      %parallel_loop3A_1741 = arith.addi %parallel_loop3A_1734, %parallel_loop3A_1740 : vector<16xi32>
      %parallel_loop3A_1742 = tpu.vector_load_idx %arg6[%parallel_loop3A_1741, %parallel_loop3A_1737] : memref<768x128xf32, #tpu.memory_space<vmem>>[vector<16xi32>, vector<16xi32>], vector<16xf32>,
      %parallel_loop3A_1743 = arith.constant 512 : i32
      %parallel_loop3A_1744 = vector.broadcast %parallel_loop3A_1743 : i32 to vector<16xi32>
      %parallel_loop3A_1745 = arith.addi %parallel_loop3A_1734, %parallel_loop3A_1744 : vector<16xi32>
      %parallel_loop3A_1746 = tpu.vector_load_idx %arg6[%parallel_loop3A_1745, %parallel_loop3A_1737] : memref<768x128xf32, #tpu.memory_space<vmem>>[vector<16xi32>, vector<16xi32>], vector<16xf32>,
      %parallel_loop3A_1747 = arith.subf %parallel_loop3A_1689, %parallel_loop3A_1738 : vector<16xf32>
      %parallel_loop3A_1748 = arith.subf %parallel_loop3A_1694, %parallel_loop3A_1742 : vector<16xf32>
      %parallel_loop3A_1749 = arith.subf %parallel_loop3A_1699, %parallel_loop3A_1746 : vector<16xf32>
      %parallel_loop3A_1750 = arith.mulf %parallel_loop3A_1747, %parallel_loop3A_1747 : vector<16xf32>
      %parallel_loop3A_1751 = arith.mulf %parallel_loop3A_1748, %parallel_loop3A_1748 : vector<16xf32>
      %parallel_loop3A_1752 = arith.addf %parallel_loop3A_1750, %parallel_loop3A_1751 : vector<16xf32>
      %parallel_loop3A_1753 = arith.mulf %parallel_loop3A_1749, %parallel_loop3A_1749 : vector<16xf32>
      %parallel_loop3A_1754 = arith.addf %parallel_loop3A_1752, %parallel_loop3A_1753 : vector<16xf32>
      %parallel_loop3A_1755 = arith.constant 9.99999968E-21 : f32
      %parallel_loop3A_1756 = vector.broadcast %parallel_loop3A_1755 : f32 to vector<16xf32>
      %parallel_loop3A_1757 = arith.maximumf %parallel_loop3A_1754, %parallel_loop3A_1756 : vector<16xf32>
      %parallel_loop3A_1758 = tpu.bitcast %parallel_loop3A_1757 : vector<16xf32> -> vector<16xi32>
      %parallel_loop3A_1759 = arith.constant 1 : i32
      %parallel_loop3A_1760 = vector.broadcast %parallel_loop3A_1759 : i32 to vector<16xi32>
      %parallel_loop3A_1761 = arith.shrsi %parallel_loop3A_1758, %parallel_loop3A_1760 : vector<16xi32>
      %parallel_loop3A_1762 = arith.constant 1597463007 : i32
      %parallel_loop3A_1763 = vector.broadcast %parallel_loop3A_1762 : i32 to vector<16xi32>
      %parallel_loop3A_1764 = arith.subi %parallel_loop3A_1763, %parallel_loop3A_1761 : vector<16xi32>
      %parallel_loop3A_1765 = tpu.bitcast %parallel_loop3A_1764 : vector<16xi32> -> vector<16xf32>
      %parallel_loop3A_1766 = arith.constant 5.000000e-01 : f32
      %parallel_loop3A_1767 = vector.broadcast %parallel_loop3A_1766 : f32 to vector<16xf32>
      %parallel_loop3A_1768 = arith.mulf %parallel_loop3A_1767, %parallel_loop3A_1757 : vector<16xf32>
      %parallel_loop3A_1769 = arith.mulf %parallel_loop3A_1768, %parallel_loop3A_1765 : vector<16xf32>
      %parallel_loop3A_1770 = arith.mulf %parallel_loop3A_1769, %parallel_loop3A_1765 : vector<16xf32>
      %parallel_loop3A_1771 = arith.constant 1.500000e+00 : f32
      %parallel_loop3A_1772 = vector.broadcast %parallel_loop3A_1771 : f32 to vector<16xf32>
      %parallel_loop3A_1773 = arith.subf %parallel_loop3A_1772, %parallel_loop3A_1770 : vector<16xf32>
      %parallel_loop3A_1774 = arith.mulf %parallel_loop3A_1765, %parallel_loop3A_1773 : vector<16xf32>
      %parallel_loop3A_1775 = arith.mulf %parallel_loop3A_1768, %parallel_loop3A_1774 : vector<16xf32>
      %parallel_loop3A_1776 = arith.mulf %parallel_loop3A_1775, %parallel_loop3A_1774 : vector<16xf32>
      %parallel_loop3A_1777 = arith.constant 1.500000e+00 : f32
      %parallel_loop3A_1778 = vector.broadcast %parallel_loop3A_1777 : f32 to vector<16xf32>
      %parallel_loop3A_1779 = arith.subf %parallel_loop3A_1778, %parallel_loop3A_1776 : vector<16xf32>
      %parallel_loop3A_1780 = arith.mulf %parallel_loop3A_1774, %parallel_loop3A_1779 : vector<16xf32>
      %parallel_loop3A_1781 = arith.mulf %parallel_loop3A_1754, %parallel_loop3A_1780 : vector<16xf32>
      %parallel_loop3A_1782 = arith.addf %parallel_loop3A_1671, %parallel_loop3A_1781 : vector<16xf32>
      scf.yield %parallel_loop3A_1782 : vector<16xf32>
    } {sc.loop_unroll_factor = 1 : i64, sc.parallel_access}
    %swap3A_820 = arith.constant 0 : index
    %swap3A_821 = tpu.vector_load %arg10[%swap3A_820] {strides = array<i32>} : memref<16xf32, #tpu.memory_space<vmem>>, vector<16xf32>,
    tpu.vector_store %arg10[%swap3A_820], %parallel_loop3A_819 {strides = array<i32>} : memref<16xf32, #tpu.memory_space<vmem>>, vector<16xf32>,
    %mul3A_822 = arith.constant 16 : i32
    %mul3A_823 = arith.muli %add3A, %mul3A_822 : i32
    "tpu.region"() ({
      %run_scoped3A = tpu.sem_alloc : memref<!tpu.dma_semaphore, #tpu.memory_space<semaphore_mem>>
      %dma_start3A_824 = tpu.memref_slice %arg5[%mul3A_823] : memref<512xf32, #tpu.memory_space<hbm>> -> memref<16xf32, #tpu.memory_space<hbm>>
      %dma_start3A_825 = tpu.memref_slice %arg5[%mul3A_823] : memref<512xf32, #tpu.memory_space<hbm>> -> memref<16xf32, #tpu.memory_space<hbm>>
      tpu.enqueue_dma source(%arg10 : memref<16xf32, #tpu.memory_space<vmem>>) target(%dma_start3A_825 : memref<16xf32, #tpu.memory_space<hbm>>) target_semaphore(%run_scoped3A : memref<!tpu.dma_semaphore, #tpu.memory_space<semaphore_mem>>)
      %dma_wait3A_826 = tpu.memref_slice %arg5[%mul3A_823] : memref<512xf32, #tpu.memory_space<hbm>> -> memref<16xf32, #tpu.memory_space<hbm>>
      %dma_wait3A_827 = tpu.memref_slice %arg5[%mul3A_823] : memref<512xf32, #tpu.memory_space<hbm>> -> memref<16xf32, #tpu.memory_space<hbm>>
      tpu.wait_dma2 semaphore(%run_scoped3A : memref<!tpu.dma_semaphore, #tpu.memory_space<semaphore_mem>>) src(%arg10 : memref<16xf32, #tpu.memory_space<vmem>>) dst(%dma_wait3A_827 : memref<16xf32, #tpu.memory_space<hbm>>)
      tpu.yield
    }) : () -> ()
    return
  }
}

</mosaic_0001>

<sc_bundles>
// kernel: kernel.3.cloned.1.call-start
scs
__scs_entry_jumppad:
0x0: {  	(pc) =	sbr.rel $0x88, $3  }
0x1: {  	(tag) =	ssettag $0x0;
	lr =	simm.s32 $0x1  }
0x2: {  	[smem:$0x3F9E] =	sst lr;
	_ =	strace $0xD0000000  }
0x3: {  	_ = 	snop  }
0x4: {  	_ = 	snop  }
0x5: {  	_ = 	snop  }
0x6: {  	_ = 	snop  }
0x7: {  	_ = 	snop  }
__scs_overlays_trampoline_lowered:
0x8: {  	[smem:$0x3FAD] =	sst s0  }
0x9: {  	[smem:$0x3FAE] =	sst s1  }
0xa: {  	[smem:$0x3FAF] =	sst s2  }
0xb: {  	[smem:$0x3FB0] =	sst s3  }
0xc: {  	[smem:$0x3FB1] =	sst s4  }
0xd: {  	[smem:$0x3FB2] =	sst s5  }
0xe: {  	[smem:$0x3FB3] =	sst s6  }
0xf: {  	[smem:$0x3FB4] =	sst s7  }
0x10: {  	[smem:$0x3FB5] =	sst s8  }
0x11: {  	[smem:$0x3FB6] =	sst s9;
	s0 =	simm.s32 @!p0 $0x0  }
0x12: {  	s1 =	sld [smem:$0x3F9C];
	s0 =	simm.s32 @p0 $0x1  }
0x13: {  	[smem:$0x3FB7] =	sst s0;
	s0 =	simm.s32 @!p1 $0x0  }
0x14: {  	s2 =	sld [smem:$0x3F9B];
	s0 =	simm.s32 @p1 $0x1  }
0x15: {  	[smem:$0x3FB8] =	sst s0;
	s0 =	simm.s32 @!p2 $0x0  }
0x16: {  	s3 =	sld [smem:$0x3FDB];
	s0 =	simm.s32 @p2 $0x1  }
0x17: {  	s4 =	simm.s32 $0x1BF5;
	[smem:$0x3FBA] =	sst s0  }
0x18: {  	s0 =	sld [smem:$0x3F9D];
	_ =	swait.ge [sflag:s4], $0x0  }
0x19: {  	s7 =	sld [smem:$0x3F9E]  }
0x1a: {  	s8 =	sadd.s32 $0xFFFFE003, lr  }
0x1b: {  	s9 =	sadd.s32 $0xFFFFFEF7, lr;
	s5 =	simm.s32 $0xFFFFFFFF;
	p2 =	slt.u32 s8, $0xFFFFF086  }
0x1c: {  	p1 =	slt.u32 s9, $0xF7A;
	s5 =	simm.s32 @!p2 $0x0  }
0x1d: {  	s5 =	simm.s32 @p1 $0x1;
	p0 =	seq.s32 s7, s2  }
0x1e: {  	s7 =	smul.u32 @!p0 $0xF7A, s2;
	p2 =	seq.s32 @!p0 s5, $0x0  }
0x1f: {  	s9 =	smul.u32 $0xF7A, s1;
	s8 =	simm.s32 @!p0 $0x1BF5;
	p2 =	por !p2, p0  }
0x20: {  	[sflag:s8] =	ssyncset.s32 @!p0 $0xFFFFF086;
	s6 =	sadd.s32 @!p0 s3, s7;
	s7 =	simm.s32 @!p0 $0x108  }
0x21: {  	s3 =	sadd.s32 s3, s9;
	s6 =	sadd.s32 @!p0 $0x88, s6;
	s7 =	simm.s32 @p2 $0x1082  }
0x22: {  	[simem:s7], [sflag:s8] =	dma.local @!p0 [hbm:s6], $0xF7A  }
0x23: {  	s9 =	sor.u32 $0xD0000000, s2;
	s6 =	simm.s32 $0x108;
	_ =	swait.ge @!p0 [sflag:s8], $0x0  }
0x24: {  	s3 =	sadd.s32 $0x88, s3;
	s6 =	simm.s32 @!p1 $0x1082;
	[sflag:s4] =	ssyncset.s32 $0xFFFFF086  }
0x25: {  	[simem:s6], [sflag:s4] =	dma.local [hbm:s3], $0xF7A  }
0x26: {  	[smem:$0x3F9E] =	sst s1;
	(tag) =	ssettag s2;
	_ =	strace s9  }
0x27: {  	s1 =	sld [smem:$0x3FAE]  }
0x28: {  	s2 =	sld [smem:$0x3FAF]  }
0x29: {  	s4 =	sld [smem:$0x3FB1]  }
0x2a: {  	p0 =	seq.s32 s5, $0x0;
	s5 =	sld [smem:$0x3FB2]  }
0x2b: {  	s6 =	sld [smem:$0x3FB3]  }
0x2c: {  	s7 =	sld [smem:$0x3FB4]  }
0x2d: {  	s3 =	simm.s32 $0x108;
	s8 =	sld [smem:$0x3FB5]  }
0x2e: {  	s3 =	simm.s32 @!p0 $0x1082;
	s9 =	sld [smem:$0x3FB6]  }
0x2f: {  	lr =	sadd.s32 s0, s3;
	s0 =	sld [smem:$0x3FAD]  }
0x30: {  	s3 =	sld [smem:$0x3FB0]  }
0x31: {  	[smem:$0x3FB9] =	sst s10  }
0x32: {  	s10 =	sld [smem:$0x3FB7];
	_ =	sdelay $0x3  }
0x33: {  	p0 =	seq.s32 s10, $0x1;
	s10 =	sld [smem:$0x3FB9];
	_ =	sdelay $0x3  }
0x34: {  	[smem:$0x3FB9] =	sst s10  }
0x35: {  	s10 =	sld [smem:$0x3FB8];
	_ =	sdelay $0x3  }
0x36: {  	p1 =	seq.s32 s10, $0x1;
	s10 =	sld [smem:$0x3FB9];
	_ =	sdelay $0x3  }
0x37: {  	[smem:$0x3FB9] =	sst s10  }
0x38: {  	s10 =	sld [smem:$0x3FBA]  }
0x39: {  	_ = 	snop;
	(pc) =	sbr.ind lr, $3  }
0x3a: {  	_ = 	snop  }
0x3b: {  	_ = 	snop  }
0x3c: {  	p2 =	seq.s32 s10, $0x1;
	s10 =	sld [smem:$0x3FB9]  }
0x3d: {  	_ =	shalt  }
0x3e: {  	_ =	shalt  }
0x3f: {  	_ =	shalt  }
0x40: {  	_ =	shalt  }
0x41: {  	_ =	shalt  }
0x42: {  	_ =	shalt  }
0x43: {  	_ =	shalt  }
0x44: {  	_ =	shalt  }
0x45: {  	_ =	shalt  }
0x46: {  	_ =	shalt  }
0x47: {  	_ =	shalt  }
0x48: {  	_ =	shalt  }
0x49: {  	_ =	shalt  }
0x4a: {  	_ =	shalt  }
0x4b: {  	_ =	shalt  }
0x4c: {  	_ =	shalt  }
0x4d: {  	_ =	shalt  }
0x4e: {  	_ =	shalt  }
0x4f: {  	_ =	shalt  }
0x50: {  	_ =	shalt  }
0x51: {  	_ =	shalt  }
0x52: {  	_ =	shalt  }
0x53: {  	_ =	shalt  }
0x54: {  	_ =	shalt  }
0x55: {  	_ =	shalt  }
0x56: {  	_ =	shalt  }
0x57: {  	_ =	shalt  }
0x58: {  	_ =	shalt  }
0x59: {  	_ =	shalt  }
0x5a: {  	_ =	shalt  }
0x5b: {  	_ =	shalt  }
0x5c: {  	_ =	shalt  }
0x5d: {  	_ =	shalt  }
0x5e: {  	_ =	shalt  }
0x5f: {  	_ =	shalt  }
0x60: {  	_ =	shalt  }
0x61: {  	_ =	shalt  }
0x62: {  	_ =	shalt  }
0x63: {  	_ =	shalt  }
0x64: {  	_ =	shalt  }
0x65: {  	_ =	shalt  }
0x66: {  	_ =	shalt  }
0x67: {  	_ =	shalt  }
0x68: {  	_ =	shalt  }
0x69: {  	_ =	shalt  }
0x6a: {  	_ =	shalt  }
0x6b: {  	_ =	shalt  }
0x6c: {  	_ =	shalt  }
0x6d: {  	_ =	shalt  }
0x6e: {  	_ =	shalt  }
0x6f: {  	_ =	shalt  }
0x70: {  	_ =	shalt  }
0x71: {  	_ =	shalt  }
0x72: {  	_ =	shalt  }
0x73: {  	_ =	shalt  }
0x74: {  	_ =	shalt  }
0x75: {  	_ =	shalt  }
0x76: {  	_ =	shalt  }
0x77: {  	_ =	shalt  }
0x78: {  	_ =	shalt  }
0x79: {  	_ =	shalt  }
0x7a: {  	_ =	shalt  }
0x7b: {  	_ =	shalt  }
0x7c: {  	_ =	shalt  }
0x7d: {  	_ =	shalt  }
0x7e: {  	_ =	shalt  }
0x7f: {  	_ =	shalt  }
0x80: {  	_ =	shalt  }
0x81: {  	_ =	shalt  }
0x82: {  	_ =	shalt  }
0x83: {  	_ =	shalt  }
0x84: {  	_ =	shalt  }
0x85: {  	_ =	shalt  }
0x86: {  	_ =	shalt  }
0x87: {  	_ =	shalt  }
.Lfunc_end0:
.L_simem_size_0:
called_computation_lowered:
.L_overlay_start_0:
0x88: {  	s2 =	sld [smem:$0x3FD9]  }
0x89: {  	s3 =	sld [smem:$0x3FFE];
	_ =	sdelay $0x1  }
0x8a: {  	s1 =	srdreg.scid  }
0x8b: {  	s0 =	sand.u32 $0x1, s1  }
0x8c: {  	s17 =	sshll.u32 s0, $0xA;
	s2 =	sadd.s32 s3, s2  }
0x8d: {  	s2 =	sadd.s32 s2, s17  }
0x8e: {  	[smem:$0x3FC5] =	sst s2  }
0x8f: {  	_ = 	snop  }
0x90: {  	s2 =	sld [smem:$0x3FC8]  }
0x91: {  	s18 =	sld [smem:$0x3FC7];
	(tm) =	ssettm $0x1  }
0x92: {  	s4 =	sld [smem:$0x3FFB];
	_ =	sdelay $0x3  }
0x93: {  	_ =	strace s4  }
0x94: {  	s4 =	sld [smem:$0x3FFC];
	_ =	sdelay $0x3  }
0x95: {  	_ =	strace s4  }
0x96: {  	s4 =	sld [smem:$0x3FFD];
	_ =	sdelay $0x3  }
0x97: {  	_ =	strace s4  }
0x98: {  	_ =	strace $0x8FFFFFFF  }
0x99: {  	s19 =	sld [smem:$0x3FDB];
	_ =	sdelay $0x1  }
0x9a: {  	s5 =	simm.s32 $_scs_section_size  }
0x9b: {  	s6 =	simm.s32 $_size__tile_overlayer_lowered;
	s7 =	simm.s32 $_tile_overlayer_lowered  }
0x9c: {  	s22 =	simm.s32 $0x1BFF;
	s21 =	sshll.u32 s7, $0x1;
	s4 =	sadd.s32 s5, s19  }
0x9d: {  	s8 =	simm.s32 $0x0;
	s20 =	sshll.u32 s6, $0x1;
	s6 =	sadd.s32 s21, s4  }
0x9e: {  	[timem:s8], [sflag:s22] =	dma.local [hbm:s6], s20  }
0x9f: {  	_ =	swait.ge [sflag:s22], s20  }
0xa0: {  	s5 =	ssub.s32 $0x0, s20;
	[sflag:s22] =	ssyncset.done $0x0  }
0xa1: {  	[sflag:s22] =	ssyncadd.s32 s5;
	_ =	sdelay $0x1  }
0xa2: {  	s23 =	simm.s32 $0x1B8B  }
0xa3: {  	_ =	swait.ge [sflag:s23], $0x1  }
0xa4: {  	[sflag:s23] =	ssyncset.done $0x0  }
0xa5: {  	s25 =	simm.s32 $0x1B8E;
	s24 =	sld [smem:$0x3FFE];
	[sflag:s23] =	ssyncadd.s32 $0xFFFFFFFF  }
0xa6: {  	s26 =	simm.s32 $execute0_lowered;
	[smem:$0x3FD2] =	sst s25  }
0xa7: {  	s6 =	sshll.u32 s26, $0x1;
	_ =	strace $0x80000046;
	[dreg:$0x1] =	wrdreg $0xFFFFFFFF  }
0xa8: {  	s28 =	simm.s32 $_size_execute0_lowered;
	s4 =	sadd.s32 s4, s6;
	[dreg:$0x0] =	wrdreg $0x0  }
0xa9: {  	s6 =	sshll.u32 s28, $0x1;
	[dreg:$0x2] =	wrdreg s4  }
0xaa: {  	[dreg:$0x3] =	wrdreg s6  }
0xab: {  	[dreg:$0x4] =	wrdreg $0xC0  }
0xac: {  	_ =	task [dreg:s8], $0x5FFFF  }
0xad: {  	[dreg:$0x1] =	wrdreg $0xFFFFFFFF  }
0xae: {  	[dreg:$0x0] =	wrdreg $0x60  }
0xaf: {  	[dreg:$0x2] =	wrdreg s18  }
0xb0: {  	[dreg:$0x3] =	wrdreg s2  }
0xb1: {  	[dreg:$0x4] =	wrdreg s24  }
0xb2: {  	[dreg:$0x5] =	wrdreg $0x9  }
0xb3: {  	_ =	task.clear_ibuf [dreg:s8], $0x6FFFF;
	_ =	strace $0x90000046  }
0xb4: {  	s29 =	simm.s32 $0x9;
	_ =	strace $0x80000048  }
0xb5: {  	_ =	swait.ge [sflag:s29], $0x1  }
0xb6: {  	[sflag:s29] =	ssyncadd.s32 $0xFFFFFFFF  }
0xb7: {  	_ =	strace $0x90000048  }
0xb8: {  	_ =	sfence  }
0xb9: {  	s30 =	sld [smem:$0x0];
	_ =	sdelay $0x2  }
0xba: {  	s31 =	sshll.u32 s1, $0xD;
	s1 =	sshrl.u32 s1, $0x2  }
0xbb: {  	s3 =	sand.u32 $0x4000, s31;
	s1 =	sadd.s32 s1, s30  }
0xbc: {  	s0 =	sor.u32 s3, s0;
	s1 =	sshll.u32 s1, $0x11  }
0xbd: {  	s0 =	sor.u32 s1, s0  }
0xbe: {  	s0 =	sadd.s32 $0x8F2B, s0  }
0xbf: {  	[sflag:s0] =	ssyncadd.remote.s32 $0x1  }
0xc0: {  	_ =	sfence.sel $0xFFFF  }
0xc1: {  	[dreg:$0x0] =	wrdreg $0xFFFFFFFF;
	(pc) =	sbr.abs _section_cstart, $3  }
0xc2: {  	[dreg:$0x1] =	wrdreg $0xFFFFFFFF  }
0xc3: {  	_ =	task.clear_ibuf [dreg:s8], $0x2FFFF;
	_ =	strace $0x9FFFFFFF  }
0xc4: {  	(tm) =	ssettm $0x7FFFFFFF  }
0xc5: {  	_ =	shalt  }
tec
execute0_lowered:
.L_overlay_start_1:
0x0: {  	(tag) =	ssettag $0x1  }
0x1: {  	s1 =	srdreg.scid;
	s0 =	stileid.u32  }
0x2: {  	s4 =	sand.u32 $0x1, s1;
	s30 =	sshll.u32 s0, $0x1  }
0x3: {  	s5 =	sor.u32 s4, s30  }
0x4: {  	p1 =	seq.s32 s4, $0x1;
	p0 =	seq.s32 s5, $0x0  }
0x5: {  	p0 =	por !p0, !p1  }
0x6: {  	s1 =	simm.s32 $0x1;
	p0 =	por !p0, !p0  }
0x7: {  	s1 =	simm.s32 @!p0 $0x0  }
0x8: {  	s6 =	ssub.s32 s0, s1  }
0x9: {  	s1 =	sand.u32 $0xE0, s6  }
0xa: {  	s1 =	sshrl.u32 s1, $0x5  }
0xb: {  	s7 =	sadd.s32 s1, s6  }
0xc: {  	s8 =	sand.u32 $0xFFFFFFF8, s7  }
0xd: {  	s8 =	ssub.s32 s6, s8  }
0xe: {  	p5 =	slt.s32 s6, $0x1;
	p6 =	sne.s32 s8, $0x0  }
0xf: {  	p0 =	por !p5, !p6  }
0x10: {  	s12 =	simm.s32 $0x1;
	p0 =	por !p0, !p0  }
0x11: {  	s9 =	rddreg [dreg:$0x0];
	s7 =	sshra.s32 s7, $0x3;
	s12 =	simm.s32 @!p0 $0x0  }
0x12: {  	s10 =	rddreg [dreg:$0x1];
	s15 =	sshll.u32 s8, $0x7;
	s12 =	ssub.s32 s7, s12  }
0x13: {  	s17 =	sshll.u32 s4, $0xF;
	s7 =	sand.u32 $0x380, s15;
	s18 =	sshll.u32 s12, $0x10  }
0x14: {  	s19 =	sor.u32 s17, s7;
	s8 =	sor.u32 s17, s18;
	s17 =	smul.u32 $0x18, s6  }
0x15: {  	s2 =	rddreg [dreg:$0x2];
	s3 =	simm.s32 $0x0  }
0x16: {  	[smem:$0x7FF] =	sst s3;
	v0 =	vmov s17  }
0x17: {  	s1 =	rddreg [dreg:$0x3];
	_ =	strace $0x80000047;
	v1 =	vor.u32 $0x1, v0;
	[tilespmem:$0x1FEA0] =	vst v0  }
0x18: {  	v2 =	vor.u32 $0x2, v0;
	[tilespmem:$0x1FE80] =	vst v1  }
0x19: {  	s24 =	sor.u32 $0x4, s17;
	v0 =	vor.u32 $0x3, v0;
	[tilespmem:$0x1FE90] =	vst v2  }
0x1a: {  	s31 =	ssub.s32 $0x2, s4;
	s29 =	sadd.s32 $0x8, s17;
	v48 =	vmov s24;
	[tilespmem:$0x1FEB0] =	vst v0  }
0x1b: {  	s13 =	sshrl.u32 s31, $0x1;
	s30 =	sadd.s32 $0xC, s17;
	v52 =	vmov s29;
	[tilespmem:$0x1FEE0] =	vst v48  }
0x1c: {  	s13 =	ssub.s32 s31, s13;
	s16 =	sshll.u32 s12, $0x12;
	s31 =	sadd.s32 $0x10, s17;
	v55 =	vmov s30;
	[tilespmem:$0x1FF20] =	vst v52  }
0x1d: {  	s14 =	sor.u32 s7, s16;
	s16 =	sor.u32 s18, s19;
	s18 =	sadd.s32 $0x14, s17;
	v57 =	vmov s31;
	[tilespmem:$0x1FF60] =	vst v55  }
0x1e: {  	v61 =	vmov s18;
	[tilespmem:$0x1FFA0] =	vst v57  }
0x1f: {  	v49 =	vor.u32 $0x1, v48;
	[tilespmem:$0x1FFE0] =	vst v61  }
0x20: {  	v50 =	vor.u32 $0x2, v48;
	[tilespmem:$0x1FEC0] =	vst v49  }
0x21: {  	v51 =	vor.u32 $0x3, v48;
	[tilespmem:$0x1FED0] =	vst v50  }
0x22: {  	v53 =	vor.u32 $0x1, v52;
	[tilespmem:$0x1FEF0] =	vst v51  }
0x23: {  	s5 =	sshll.u32 s5, $0x1;
	v54 =	vor.u32 $0x2, v52;
	[tilespmem:$0x1FF00] =	vst v53  }
0x24: {  	s4 =	simm.s32 $0x1;
	s11 =	sadd.s32 s5, s2;
	v0 =	vor.u32 $0x3, v52;
	[tilespmem:$0x1FF10] =	vst v54  }
0x25: {  	s11 =	sadd.s32 $0x200, s11;
	s12 =	smax.u32 s13, $0x1;
	s13 =	simm.s32 $0x1B000;
	v56 =	vor.u32 $0x1, v55;
	[tilespmem:$0x1FF30] =	vst v0  }
0x26: {  	s19 =	simm.s32 $0x10000;
	s15 =	sshrl.u32 s14, $0x3;
	s20 =	sshrl.u32 s16, $0x3;
	v58 =	vor.u32 $0x2, v55;
	[tilespmem:$0x1FF40] =	vst v56  }
0x27: {  	s21 =	sadd.s32 $0x80000, s14;
	s22 =	sor.u32 s7, s8;
	s14 =	sadd.s32 $0x100000, s14;
	v1 =	vor.u32 $0x3, v55;
	[tilespmem:$0x1FF50] =	vst v58  }
0x28: {  	s16 =	simm.s32 $0x18000;
	s5 =	sadd.s32 s9, s15;
	s6 =	sadd.s32 s10, s20;
	v59 =	vor.u32 $0x1, v57;
	[tilespmem:$0x1FF70] =	vst v1  }
0x29: {  	s23 =	sshrl.u32 s21, $0x3;
	s8 =	sadd.s32 $0x20000, s22;
	s25 =	sadd.s32 $0x40000, s22;
	v60 =	vor.u32 $0x2, v57;
	[tilespmem:$0x1FF80] =	vst v59  }
0x2a: {  	s26 =	sshrl.u32 s14, $0x3;
	s14 =	simm.s32 $0x80;
	s15 =	simm.s32 $0x400;
	v62 =	vor.u32 $0x1, v61;
	[tilespmem:$0x1FF90] =	vst v60  }
0x2b: {  	s17 =	simm.s32 $0x8000;
	s20 =	simm.s32 $0x1A000;
	s21 =	simm.s32 $0x1C980;
	v63 =	vor.u32 $0x2, v61;
	[tilespmem:$0x1FFC0] =	vst v62  }
0x2c: {  	s22 =	simm.s32 $0x2;
	s7 =	sadd.s32 s9, s23;
	s8 =	sshrl.u32 s8, $0x3;
	v0 =	vor.u32 $0x3, v57;
	[tilespmem:$0x1FFD0] =	vst v63  }
0x2d: {  	s28 =	sshrl.u32 s25, $0x3;
	s9 =	sadd.s32 s9, s26;
	s18 =	simm.s32 $0x19000;
	[tilespmem:$0x1FFB0] =	vst v0;
	v0 =	vor.u32 $0x3, v61  }
0x2e: {  	s23 =	simm.s32 $0x0;
	s8 =	sadd.s32 s10, s8;
	s10 =	sadd.s32 s10, s28;
	[tilespmem:$0x1FFF0] =	vst v0  }
.LBB2_1:
0x2f: {  	[tilespmem:s13], [sflag:$0x1] =	stream.linear.gather [hbm4b:s2+s3], $0x180, $0x38;
	[tilespmem:$0x1CA00] =	vst v63  }
0x30: {  	_ = 	snop  }
0x31: {  	[tilespmem:s3], [sflag:$0x1] =	stream.strided.gather [hbm4b:s5+s14], $0x8000, s15, s14, $0x38;
	[tilespmem:$0x1CA00] =	vst v63  }
0x32: {  	_ = 	snop  }
0x33: {  	[tilespmem:s16], [sflag:$0x1] =	stream.strided.gather [hbm4b:s6+s14], $0x1000, s15, s14, $0x38;
	[tilespmem:$0x1CA00] =	vst v63  }
0x34: {  	_ = 	snop  }
0x35: {  	[tilespmem:s17], [sflag:$0x1] =	stream.strided.gather [hbm4b:s7+s14], $0x8000, s15, s14, $0x38;
	[tilespmem:$0x1CA00] =	vst v63  }
0x36: {  	_ = 	snop  }
0x37: {  	[tilespmem:s18], [sflag:$0x1] =	stream.strided.gather [hbm4b:s8+s14], $0x1000, s15, s14, $0x38;
	[tilespmem:$0x1CA00] =	vst v63  }
0x38: {  	_ = 	snop  }
0x39: {  	[tilespmem:s19], [sflag:$0x1] =	stream.strided.gather [hbm4b:s9+s14], $0x8000, s15, s14, $0x38;
	[tilespmem:$0x1CA00] =	vst v63  }
0x3a: {  	_ = 	snop  }
0x3b: {  	[tilespmem:s20], [sflag:$0x1] =	stream.strided.gather [hbm4b:s10+s14], $0x1000, s15, s14, $0x38;
	[tilespmem:$0x1CA00] =	vst v63  }
0x3c: {  	_ =	swait.ge [sflag:s4], $0x180  }
0x3d: {  	[sflag:s4] =	ssyncset.done $0x0  }
0x3e: {  	[sflag:s4] =	ssyncadd.s32 $0xFFFFFE80  }
0x3f: {  	_ =	swait.ge [sflag:s4], $0x8000  }
0x40: {  	[sflag:s4] =	ssyncset.done $0x0  }
0x41: {  	[sflag:s4] =	ssyncadd.s32 $0xFFFF8000  }
0x42: {  	_ =	swait.ge [sflag:s4], $0x1000  }
0x43: {  	[sflag:s4] =	ssyncset.done $0x0  }
0x44: {  	[sflag:s4] =	ssyncadd.s32 $0xFFFFF000  }
0x45: {  	_ =	swait.ge [sflag:s4], $0x8000  }
0x46: {  	[sflag:s4] =	ssyncset.done $0x0  }
0x47: {  	[sflag:s4] =	ssyncadd.s32 $0xFFFF8000  }
0x48: {  	_ =	swait.ge [sflag:s4], $0x1000  }
0x49: {  	[sflag:s4] =	ssyncset.done $0x0  }
0x4a: {  	[sflag:s4] =	ssyncadd.s32 $0xFFFFF000  }
0x4b: {  	_ =	swait.ge [sflag:s4], $0x8000  }
0x4c: {  	[sflag:s4] =	ssyncset.done $0x0  }
0x4d: {  	[sflag:s4] =	ssyncadd.s32 $0xFFFF8000  }
0x4e: {  	_ =	swait.ge [sflag:s4], $0x1000  }
0x4f: {  	v0 =	vld [tilespmem:$0x1FEA0]  }
0x50: {  	v4 =	vld [tilespmem:$0x1FE80];
	_ =	sdelay $0x1  }
0x51: {  	v5 =	vld [tilespmem:$0x1FE90];
	_ =	sdelay $0x2  }
0x52: {  	[sflag:s4] =	ssyncset.done $0x0  }
0x53: {  	[sflag:s4] =	ssyncadd.s32 $0xFFFFF000  }
0x54: {  	v24 =	vld.idx.msk [tilespmem:v0+s13+$0x0], $0xffff  }
0x55: {  	v25 =	vld.idx.msk [tilespmem:v4+s13+$0x0], $0xffff;
	_ =	sdelay $0x1  }
0x56: {  	v26 =	vld.idx.msk [tilespmem:v5+s13+$0x0], $0xffff;
	_ =	sdelay $0x2  }
0x57: {  	v27 =	vmul.f32 v24, v24;
	v28 =	vmul.f32 v25, v25;
	_ =	sdelay $0x1  }
0x58: {  	v27 =	vadd.f32 v28, v27;
	v28 =	vmul.f32 v26, v26;
	_ =	sdelay $0x1  }
0x59: {  	v6 =	vld [tilespmem:$0x1FEB0];
	v27 =	vadd.f32 v28, v27;
	_ =	sdelay $0x1  }
0x5a: {  	(erf) = vrcp.f32 v27;
	_ =	sdelay $0x3  }
0x5b: {  	v7 =	vld [tilespmem:$0x1FEE0]  }
0x5c: {  	v8 =	vld [tilespmem:$0x1FEC0]  }
0x5d: {  	v27 =	vld.idx.msk [tilespmem:v6+s13+$0x0], $0xffff;
	_ =	sdelay $0x1  }
0x5e: {  	v9 =	vld [tilespmem:$0x1FED0];
	[tilespmem:$0x1B180] =	vst v24  }
0x5f: {  	[tilespmem:$0x1B200] =	vst v25;
	v24 =	vpop (erf)  }
0x60: {  	[tilespmem:$0x1B280] =	vst v26;
	v24 =	vadd.f32 v24, v24  }
0x61: {  	[tilespmem:$0x1B300] =	vst v27  }
0x62: {  	[tilespmem:$0x1B380] =	vst v24  }
0x63: {  	v24 =	vld.idx.msk [tilespmem:v7+s13+$0x0], $0xffff  }
0x64: {  	v25 =	vld.idx.msk [tilespmem:v8+s13+$0x0], $0xffff;
	_ =	sdelay $0x1  }
0x65: {  	v26 =	vld.idx.msk [tilespmem:v9+s13+$0x0], $0xffff;
	_ =	sdelay $0x2  }
0x66: {  	v27 =	vmul.f32 v24, v24;
	v28 =	vmul.f32 v25, v25;
	_ =	sdelay $0x1  }
0x67: {  	v27 =	vadd.f32 v28, v27;
	v28 =	vmul.f32 v26, v26;
	_ =	sdelay $0x1  }
0x68: {  	v10 =	vld [tilespmem:$0x1FEF0];
	v27 =	vadd.f32 v28, v27;
	_ =	sdelay $0x1  }
0x69: {  	(erf) = vrcp.f32 v27;
	_ =	sdelay $0x3  }
0x6a: {  	v11 =	vld [tilespmem:$0x1FF20]  }
0x6b: {  	v12 =	vld [tilespmem:$0x1FF00]  }
0x6c: {  	v27 =	vld.idx.msk [tilespmem:v10+s13+$0x0], $0xffff;
	_ =	sdelay $0x1  }
0x6d: {  	v13 =	vld [tilespmem:$0x1FF10];
	[tilespmem:$0x1B400] =	vst v24  }
0x6e: {  	[tilespmem:$0x1B480] =	vst v25;
	v24 =	vpop (erf)  }
0x6f: {  	[tilespmem:$0x1B500] =	vst v26;
	v24 =	vadd.f32 v24, v24  }
0x70: {  	[tilespmem:$0x1B580] =	vst v27  }
0x71: {  	[tilespmem:$0x1B600] =	vst v24  }
0x72: {  	v24 =	vld.idx.msk [tilespmem:v11+s13+$0x0], $0xffff  }
0x73: {  	v25 =	vld.idx.msk [tilespmem:v12+s13+$0x0], $0xffff;
	_ =	sdelay $0x1  }
0x74: {  	v26 =	vld.idx.msk [tilespmem:v13+s13+$0x0], $0xffff;
	_ =	sdelay $0x2  }
0x75: {  	v27 =	vmul.f32 v24, v24;
	v28 =	vmul.f32 v25, v25;
	_ =	sdelay $0x1  }
0x76: {  	v27 =	vadd.f32 v28, v27;
	v28 =	vmul.f32 v26, v26;
	_ =	sdelay $0x1  }
0x77: {  	v14 =	vld [tilespmem:$0x1FF30];
	v27 =	vadd.f32 v28, v27;
	_ =	sdelay $0x1  }
0x78: {  	(erf) = vrcp.f32 v27;
	_ =	sdelay $0x3  }
0x79: {  	v15 =	vld [tilespmem:$0x1FF60]  }
0x7a: {  	v16 =	vld [tilespmem:$0x1FF40]  }
0x7b: {  	v27 =	vld.idx.msk [tilespmem:v14+s13+$0x0], $0xffff;
	_ =	sdelay $0x1  }
0x7c: {  	v17 =	vld [tilespmem:$0x1FF50];
	[tilespmem:$0x1B680] =	vst v24  }
0x7d: {  	[tilespmem:$0x1B700] =	vst v25;
	v24 =	vpop (erf)  }
0x7e: {  	v18 =	vld [tilespmem:$0x1FF70];
	[tilespmem:$0x1B780] =	vst v26;
	v24 =	vadd.f32 v24, v24  }
0x7f: {  	[tilespmem:$0x1B800] =	vst v27  }
0x80: {  	[tilespmem:$0x1B880] =	vst v24  }
0x81: {  	v24 =	vld.idx.msk [tilespmem:v15+s13+$0x0], $0xffff  }
0x82: {  	v25 =	vld.idx.msk [tilespmem:v16+s13+$0x0], $0xffff;
	_ =	sdelay $0x1  }
0x83: {  	v26 =	vld.idx.msk [tilespmem:v17+s13+$0x0], $0xffff;
	_ =	sdelay $0x1  }
0x84: {  	v27 =	vld.idx.msk [tilespmem:v18+s13+$0x0], $0xffff  }
0x85: {  	v28 =	vmul.f32 v24, v24;
	v29 =	vmul.f32 v25, v25;
	_ =	sdelay $0x1  }
0x86: {  	v31 =	vmul.f32 v26, v26;
	v30 =	vadd.f32 v29, v28;
	_ =	sdelay $0x1  }
0x87: {  	v33 =	vmul.f32 v27, v27;
	v32 =	vadd.f32 v31, v30;
	_ =	sdelay $0x1  }
0x88: {  	v32 =	vadd.f32 v33, v32;
	_ =	sdelay $0x1  }
0x89: {  	v34 =	vshra.s32 v32, $0x1;
	v32 =	vmul.f32 $5.000000000e-01, v32  }
0x8a: {  	v34 =	vsub.s32 $0x5F3759DF, v34  }
0x8b: {  	v35 =	vmul.f32 v34, v32;
	_ =	sdelay $0x1  }
0x8c: {  	v35 =	vmul.f32 v34, v35;
	_ =	sdelay $0x1  }
0x8d: {  	v35 =	vsub.f32 $1.500000000e+00, v35;
	_ =	sdelay $0x1  }
0x8e: {  	v34 =	vmul.f32 v34, v35;
	_ =	sdelay $0x1  }
0x8f: {  	v35 =	vmul.f32 v34, v32;
	_ =	sdelay $0x1  }
0x90: {  	v35 =	vmul.f32 v35, v34;
	_ =	sdelay $0x1  }
0x91: {  	v35 =	vsub.f32 $1.500000000e+00, v35;
	_ =	sdelay $0x1  }
0x92: {  	v34 =	vmul.f32 v35, v34;
	_ =	sdelay $0x1  }
0x93: {  	v32 =	vmul.f32 v34, v32  }
0x94: {  	v19 =	vmul.f32 v26, v25;
	v36 =	vmul.f32 v27, v24  }
0x95: {  	v32 =	vmul.f32 v32, v34  }
0x96: {  	v37 =	vmul.f32 v27, v25;
	v38 =	vmul.f32 v26, v24;
	v20 =	vsub.f32 v19, v36  }
0x97: {  	v26 =	vmul.f32 v27, v26;
	v30 =	vsub.f32 v30, v31;
	v32 =	vsub.f32 $1.500000000e+00, v32  }
0x98: {  	v24 =	vmul.f32 v25, v24;
	v27 =	vadd.f32 v37, v38;
	v28 =	vsub.f32 v28, v29  }
0x99: {  	v29 =	vadd.f32 v36, v19;
	v30 =	vsub.f32 v30, v33;
	v32 =	vmul.f32 v32, v34  }
0x9a: {  	v22 =	vsub.f32 v26, v24;
	v25 =	vadd.f32 v20, v20  }
0x9b: {  	v23 =	vsub.f32 v37, v38;
	v27 =	vadd.f32 v27, v27;
	v30 =	vmul.f32 v32, v30  }
0x9c: {  	v24 =	vadd.f32 v26, v24;
	v29 =	vadd.f32 v29, v29;
	v25 =	vmul.f32 v32, v25  }
0x9d: {  	v21 =	vadd.f32 v31, v28;
	v26 =	vadd.f32 v23, v23;
	v27 =	vmul.f32 v32, v27;
	[tilespmem:$0x1B900] =	vst v30  }
0x9e: {  	v39 =	vld [tilespmem:$0x1FFA0];
	v24 =	vadd.f32 v24, v24;
	v29 =	vmul.f32 v32, v29;
	[tilespmem:$0x1B980] =	vst v25  }
0x9f: {  	v40 =	vld [tilespmem:$0x1FF80];
	v28 =	vsub.f32 v28, v31;
	v34 =	vsub.f32 v21, v33;
	v26 =	vmul.f32 v32, v26;
	[tilespmem:$0x1BA00] =	vst v27  }
0xa0: {  	v24 =	vmul.f32 v32, v24;
	v30 =	vadd.f32 v22, v22;
	[tilespmem:$0x1BA80] =	vst v29  }
0xa1: {  	v41 =	vld [tilespmem:$0x1FF90];
	v28 =	vadd.f32 v33, v28;
	v25 =	vmul.f32 v32, v34;
	[tilespmem:$0x1BC00] =	vst v26  }
0xa2: {  	[tilespmem:$0x1BC80] =	vst v24;
	v27 =	vmul.f32 v32, v30  }
0xa3: {  	v42 =	vld [tilespmem:$0x1FFB0];
	[tilespmem:$0x1BB00] =	vst v25;
	v25 =	vmul.f32 v32, v28  }
0xa4: {  	[tilespmem:$0x1BB80] =	vst v27  }
0xa5: {  	[tilespmem:$0x1BD00] =	vst v25  }
0xa6: {  	v24 =	vld.idx.msk [tilespmem:v39+s13+$0x0], $0xffff  }
0xa7: {  	v25 =	vld.idx.msk [tilespmem:v40+s13+$0x0], $0xffff;
	_ =	sdelay $0x1  }
0xa8: {  	v26 =	vld.idx.msk [tilespmem:v41+s13+$0x0], $0xffff;
	_ =	sdelay $0x1  }
0xa9: {  	v27 =	vld.idx.msk [tilespmem:v42+s13+$0x0], $0xffff  }
0xaa: {  	v28 =	vmul.f32 v24, v24;
	v29 =	vmul.f32 v25, v25;
	_ =	sdelay $0x1  }
0xab: {  	v31 =	vmul.f32 v26, v26;
	v30 =	vadd.f32 v29, v28;
	_ =	sdelay $0x1  }
0xac: {  	v44 =	vmul.f32 v27, v27;
	v43 =	vadd.f32 v31, v30;
	_ =	sdelay $0x1  }
0xad: {  	v32 =	vadd.f32 v44, v43;
	_ =	sdelay $0x1  }
0xae: {  	v45 =	vshra.s32 v32, $0x1;
	v32 =	vmul.f32 $5.000000000e-01, v32  }
0xaf: {  	v34 =	vsub.s32 $0x5F3759DF, v45  }
0xb0: {  	v46 =	vmul.f32 v34, v32;
	_ =	sdelay $0x1  }
0xb1: {  	v35 =	vmul.f32 v34, v46;
	_ =	sdelay $0x1  }
0xb2: {  	v35 =	vsub.f32 $1.500000000e+00, v35;
	_ =	sdelay $0x1  }
0xb3: {  	v34 =	vmul.f32 v34, v35;
	_ =	sdelay $0x1  }
0xb4: {  	v35 =	vmul.f32 v34, v32;
	_ =	sdelay $0x1  }
0xb5: {  	v35 =	vmul.f32 v35, v34;
	_ =	sdelay $0x1  }
0xb6: {  	v35 =	vsub.f32 $1.500000000e+00, v35;
	_ =	sdelay $0x1  }
0xb7: {  	v34 =	vmul.f32 v35, v34;
	_ =	sdelay $0x1  }
0xb8: {  	v32 =	vmul.f32 v34, v32  }
0xb9: {  	v47 =	vmul.f32 v26, v25;
	v48 =	vmul.f32 v27, v24  }
0xba: {  	v32 =	vmul.f32 v32, v34  }
0xbb: {  	v49 =	vmul.f32 v27, v25;
	v50 =	vmul.f32 v26, v24;
	v51 =	vsub.f32 v47, v48  }
0xbc: {  	v26 =	vmul.f32 v27, v26;
	v30 =	vsub.f32 v30, v31;
	v32 =	vsub.f32 $1.500000000e+00, v32  }
0xbd: {  	v24 =	vmul.f32 v25, v24;
	v27 =	vadd.f32 v49, v50;
	v28 =	vsub.f32 v28, v29  }
0xbe: {  	v29 =	vadd.f32 v48, v47;
	v30 =	vsub.f32 v30, v44;
	v32 =	vmul.f32 v32, v34  }
0xbf: {  	v53 =	vsub.f32 v26, v24;
	v25 =	vadd.f32 v51, v51  }
0xc0: {  	v54 =	vsub.f32 v49, v50;
	v27 =	vadd.f32 v27, v27;
	v30 =	vmul.f32 v32, v30  }
0xc1: {  	v24 =	vadd.f32 v26, v24;
	v29 =	vadd.f32 v29, v29;
	v25 =	vmul.f32 v32, v25  }
0xc2: {  	v52 =	vadd.f32 v31, v28;
	v26 =	vadd.f32 v54, v54;
	v27 =	vmul.f32 v32, v27;
	[tilespmem:$0x1BD80] =	vst v30  }
0xc3: {  	v55 =	vld [tilespmem:$0x1FFE0];
	v24 =	vadd.f32 v24, v24;
	v29 =	vmul.f32 v32, v29;
	[tilespmem:$0x1BE00] =	vst v25  }
0xc4: {  	v56 =	vld [tilespmem:$0x1FFC0];
	v28 =	vsub.f32 v28, v31;
	v34 =	vsub.f32 v52, v44;
	v26 =	vmul.f32 v32, v26;
	[tilespmem:$0x1BE80] =	vst v27  }
0xc5: {  	v24 =	vmul.f32 v32, v24;
	v30 =	vadd.f32 v53, v53;
	[tilespmem:$0x1BF00] =	vst v29  }
0xc6: {  	v57 =	vld [tilespmem:$0x1FFD0];
	v28 =	vadd.f32 v44, v28;
	v25 =	vmul.f32 v32, v34;
	[tilespmem:$0x1C080] =	vst v26  }
0xc7: {  	[tilespmem:$0x1C100] =	vst v24;
	v27 =	vmul.f32 v32, v30  }
0xc8: {  	v58 =	vld [tilespmem:$0x1FFF0];
	[tilespmem:$0x1BF80] =	vst v25;
	v25 =	vmul.f32 v32, v28  }
0xc9: {  	[tilespmem:$0x1C000] =	vst v27  }
0xca: {  	[tilespmem:$0x1C180] =	vst v25  }
0xcb: {  	v24 =	vld.idx.msk [tilespmem:v55+s13+$0x0], $0xffff  }
0xcc: {  	v25 =	vld.idx.msk [tilespmem:v56+s13+$0x0], $0xffff;
	_ =	sdelay $0x1  }
0xcd: {  	v26 =	vld.idx.msk [tilespmem:v57+s13+$0x0], $0xffff;
	_ =	sdelay $0x1  }
0xce: {  	v27 =	vld.idx.msk [tilespmem:v58+s13+$0x0], $0xffff  }
0xcf: {  	v28 =	vmul.f32 v24, v24;
	v29 =	vmul.f32 v25, v25;
	_ =	sdelay $0x1  }
0xd0: {  	v31 =	vmul.f32 v26, v26;
	v30 =	vadd.f32 v29, v28;
	_ =	sdelay $0x1  }
0xd1: {  	v60 =	vmul.f32 v27, v27;
	v59 =	vadd.f32 v31, v30;
	_ =	sdelay $0x1  }
0xd2: {  	v32 =	vadd.f32 v60, v59;
	_ =	sdelay $0x1  }
0xd3: {  	v61 =	vshra.s32 v32, $0x1;
	v32 =	vmul.f32 $5.000000000e-01, v32  }
0xd4: {  	v34 =	vsub.s32 $0x5F3759DF, v61  }
0xd5: {  	v62 =	vmul.f32 v34, v32;
	_ =	sdelay $0x1  }
0xd6: {  	v35 =	vmul.f32 v34, v62;
	_ =	sdelay $0x1  }
0xd7: {  	v35 =	vsub.f32 $1.500000000e+00, v35;
	_ =	sdelay $0x1  }
0xd8: {  	v34 =	vmul.f32 v34, v35;
	_ =	sdelay $0x1  }
0xd9: {  	v35 =	vmul.f32 v34, v32;
	_ =	sdelay $0x1  }
0xda: {  	v35 =	vmul.f32 v35, v34;
	_ =	sdelay $0x1  }
0xdb: {  	v35 =	vsub.f32 $1.500000000e+00, v35;
	_ =	sdelay $0x1  }
0xdc: {  	v34 =	vmul.f32 v35, v34;
	_ =	sdelay $0x1  }
0xdd: {  	v32 =	vmul.f32 v34, v32  }
0xde: {  	v63 =	vmul.f32 v26, v25;
	v0 =	vmul.f32 v27, v24  }
0xdf: {  	v32 =	vmul.f32 v32, v34  }
0xe0: {  	v1 =	vmul.f32 v27, v25;
	v2 =	vmul.f32 v26, v24;
	v3 =	vsub.f32 v63, v0  }
0xe1: {  	v26 =	vmul.f32 v27, v26;
	v30 =	vsub.f32 v30, v31;
	v32 =	vsub.f32 $1.500000000e+00, v32  }
0xe2: {  	v24 =	vmul.f32 v25, v24;
	v27 =	vadd.f32 v1, v2;
	v28 =	vsub.f32 v28, v29  }
0xe3: {  	v29 =	vadd.f32 v0, v63;
	v30 =	vsub.f32 v30, v60;
	v32 =	vmul.f32 v32, v34  }
0xe4: {  	v5 =	vsub.f32 v26, v24;
	v25 =	vadd.f32 v3, v3  }
0xe5: {  	v6 =	vsub.f32 v1, v2;
	v27 =	vadd.f32 v27, v27;
	v30 =	vmul.f32 v32, v30  }
0xe6: {  	v24 =	vadd.f32 v26, v24;
	v29 =	vadd.f32 v29, v29;
	v25 =	vmul.f32 v32, v25  }
0xe7: {  	v4 =	vadd.f32 v31, v28;
	v26 =	vadd.f32 v6, v6;
	v27 =	vmul.f32 v32, v27;
	[tilespmem:$0x1C200] =	vst v30  }
0xe8: {  	v24 =	vadd.f32 v24, v24;
	v29 =	vmul.f32 v32, v29;
	[tilespmem:$0x1C280] =	vst v25  }
0xe9: {  	v28 =	vsub.f32 v28, v31;
	v34 =	vsub.f32 v4, v60;
	v26 =	vmul.f32 v32, v26;
	[tilespmem:$0x1C300] =	vst v27  }
0xea: {  	v24 =	vmul.f32 v32, v24;
	v30 =	vadd.f32 v5, v5;
	[tilespmem:$0x1C380] =	vst v29  }
0xeb: {  	v28 =	vadd.f32 v60, v28;
	v25 =	vmul.f32 v32, v34;
	[tilespmem:$0x1C500] =	vst v26  }
0xec: {  	[tilespmem:$0x1C580] =	vst v24;
	v27 =	vmul.f32 v32, v30  }
0xed: {  	[tilespmem:$0x1C400] =	vst v25;
	v25 =	vmul.f32 v32, v28  }
0xee: {  	s24 =	simm.s32 $0x0;
	[tilespmem:$0x1C480] =	vst v27  }
0xef: {  	s25 =	sand.u32 $0xF80, s3;
	s24 =	smul.u32 $0xA00, s24;
	[tilespmem:$0x1C600] =	vst v25  }
0xf0: {  	v24 =	vld [tilespmem:s25+$0x1A070]  }
0xf1: {  	s24 =	sshra.s32 s24, $0x2;
	v25 =	vld [tilespmem:s25+$0x1A060]  }
0xf2: {  	v26 =	vld [tilespmem:s24+$0x1B280]  }
0xf3: {  	v27 =	vld [tilespmem:s25+$0x18070]  }
0xf4: {  	v28 =	vld [tilespmem:s25+$0x19070]  }
0xf5: {  	v33 =	vld [tilespmem:s24+$0x1B180]  }
0xf6: {  	v34 =	vld [tilespmem:s24+$0x1B200]  }
0xf7: {  	v31 =	vld [tilespmem:s25+$0x1A050]  }
0xf8: {  	v29 =	vld [tilespmem:s25+$0x18060]  }
0xf9: {  	v35 =	vld [tilespmem:s25+$0x19060]  }
0xfa: {  	v37 =	vld [tilespmem:s25+$0x18050]  }
0xfb: {  	v39 =	vld [tilespmem:s25+$0x19050]  }
0xfc: {  	v40 =	vld [tilespmem:s25+$0x18040]  }
0xfd: {  	v45 =	vld [tilespmem:s25+$0x19040]  }
0xfe: {  	v46 =	vld [tilespmem:s25+$0x18030]  }
0xff: {  	v47 =	vld [tilespmem:s25+$0x19030]  }
0x100: {  	v48 =	vld [tilespmem:s25+$0x18020]  }
0x101: {  	v49 =	vld [tilespmem:s25+$0x19020];
	v30 =	vmul.f32 v24, v26;
	v7 =	vmul.f32 v25, v26  }
0x102: {  	v50 =	vld [tilespmem:s25+$0x18010];
	v8 =	vmul.f32 v27, v33;
	v41 =	vmul.f32 v28, v34  }
0x103: {  	v51 =	vld [tilespmem:s25+$0x18000];
	v42 =	vmul.f32 v31, v26;
	v43 =	vmul.f32 v29, v33  }
0x104: {  	v54 =	vld [tilespmem:s25+$0x19000];
	v44 =	vmul.f32 v35, v34;
	v52 =	vmul.f32 v37, v33  }
0x105: {  	v55 =	vld [tilespmem:s25+$0x19010];
	v53 =	vmul.f32 v40, v33;
	v56 =	vmul.f32 v39, v34  }
0x106: {  	v38 =	vld [tilespmem:s25+$0x1A040];
	v57 =	vmul.f32 v45, v34;
	v59 =	vmul.f32 v46, v33  }
0x107: {  	v58 =	vld [tilespmem:s25+$0x1A030];
	v60 =	vmul.f32 v47, v34;
	v62 =	vmul.f32 v48, v33  }
0x108: {  	v61 =	vld [tilespmem:s25+$0x1A020];
	v63 =	vmul.f32 v49, v34;
	v9 =	vmul.f32 v51, v33  }
0x109: {  	v1 =	vld [tilespmem:s25+$0x1A010];
	v11 =	vmul.f32 v54, v34;
	v12 =	vmul.f32 v50, v33  }
0x10a: {  	v3 =	vld [tilespmem:s25+$0x1A000];
	v14 =	vmul.f32 v55, v34;
	v43 =	vadd.f32 v44, v43;
	v36 =	vadd.f32 v41, v8  }
0x10b: {  	v15 =	vmul.f32 v38, v26;
	v10 =	vadd.f32 v57, v53;
	v52 =	vadd.f32 v56, v52  }
0x10c: {  	v16 =	vmul.f32 v58, v26;
	v13 =	vadd.f32 v63, v62;
	v59 =	vadd.f32 v60, v59  }
0x10d: {  	v17 =	vld [tilespmem:s24+$0x1B300];
	v18 =	vmul.f32 v61, v26;
	v44 =	vadd.f32 v11, v9;
	v56 =	vadd.f32 v14, v12  }
0x10e: {  	v19 =	vmul.f32 v1, v26;
	v32 =	vadd.f32 v7, v43;
	v30 =	vadd.f32 v30, v36  }
0x10f: {  	v21 =	vld [tilespmem:s24+$0x1B380];
	v20 =	vmul.f32 v3, v26;
	v41 =	vadd.f32 v15, v10;
	v42 =	vadd.f32 v42, v52  }
0x110: {  	v43 =	vadd.f32 v18, v13;
	v53 =	vadd.f32 v16, v59  }
0x111: {  	v44 =	vadd.f32 v20, v44;
	v36 =	vadd.f32 v19, v56  }
0x112: {  	v32 =	vadd.f32 v32, v17;
	v30 =	vadd.f32 v30, v17  }
0x113: {  	v41 =	vadd.f32 v41, v17;
	v42 =	vadd.f32 v42, v17  }
0x114: {  	v43 =	vadd.f32 v43, v17;
	v53 =	vadd.f32 v53, v17;
	v32 =	vmul.f32 v32, v21  }
0x115: {  	v44 =	vadd.f32 v44, v17;
	v30 =	vmul.f32 v30, v21;
	v22 =	vmul.f32 v41, v21  }
0x116: {  	v36 =	vadd.f32 v36, v17;
	v23 =	vmul.f32 v42, v21;
	v43 =	vmul.f32 v43, v21  }
0x117: {  	v53 =	vmul.f32 v53, v21;
	v0 =	vmul.f32 v44, v21  }
0x118: {  	v52 =	vmul.f32 v36, v21;
	v2 =	vmul.f32 v30, v33  }
0x119: {  	v4 =	vmul.f32 v30, v26;
	v5 =	vmul.f32 v32, v33  }
0x11a: {  	v30 =	vmul.f32 v30, v34;
	v6 =	vmul.f32 v32, v34  }
0x11b: {  	v7 =	vmul.f32 v32, v26;
	v8 =	vmul.f32 v22, v33  }
0x11c: {  	v57 =	vmul.f32 v23, v34;
	v56 =	vmul.f32 v22, v26  }
0x11d: {  	v9 =	vmul.f32 v53, v33;
	v10 =	vmul.f32 v43, v34  }
0x11e: {  	v11 =	vmul.f32 v52, v33;
	v12 =	vmul.f32 v52, v26  }
0x11f: {  	v52 =	vmul.f32 v52, v34;
	v42 =	vsub.f32 v27, v2;
	v27 =	vmul.f32 v23, v33  }
0x120: {  	v32 =	vsub.f32 v24, v4;
	v24 =	vmul.f32 v23, v26;
	v41 =	vsub.f32 v29, v5  }
0x121: {  	v30 =	vsub.f32 v28, v30;
	v28 =	vmul.f32 v22, v34;
	v29 =	vsub.f32 v35, v6  }
0x122: {  	v36 =	vsub.f32 v25, v7;
	v25 =	vmul.f32 v53, v26;
	v35 =	vsub.f32 v39, v57  }
0x123: {  	v53 =	vmul.f32 v53, v34;
	v39 =	vsub.f32 v38, v56;
	v46 =	vsub.f32 v46, v9  }
0x124: {  	v44 =	vsub.f32 v37, v27;
	v27 =	vmul.f32 v43, v33;
	v37 =	vsub.f32 v31, v24  }
0x125: {  	v24 =	vmul.f32 v43, v26;
	v43 =	vsub.f32 v40, v8;
	v31 =	vsub.f32 v45, v28  }
0x126: {  	v13 =	vmul.f32 v0, v26;
	v40 =	vsub.f32 v58, v25;
	v28 =	vsub.f32 v47, v53  }
0x127: {  	v25 =	vmul.f32 v0, v33;
	v26 =	vsub.f32 v49, v10;
	v49 =	vsub.f32 v50, v11  }
0x128: {  	v33 =	vsub.f32 v3, v13;
	v3 =	vmax.f32 v41, $0.0e+00;
	v14 =	vmax.f32 v32, $0.0e+00  }
0x129: {  	v15 =	vmax.f32 v29, $0.0e+00;
	v16 =	vmax.f32 v36, $0.0e+00;
	v17 =	vmax.f32 v35, $0.0e+00  }
0x12a: {  	v57 =	vmax.f32 v46, $0.0e+00;
	v20 =	vmax.f32 v39, $0.0e+00;
	v50 =	vmin.f32 v15, $3.200000000e+01  }
0x12b: {  	v47 =	vmin.f32 v14, $3.200000000e+01;
	v4 =	vmin.f32 v20, $3.200000000e+01;
	v7 =	vmin.f32 v17, $3.200000000e+01  }
0x12c: {  	v3 =	vmin.f32 v3, $3.200000000e+01;
	v57 =	vmin.f32 v57, $3.200000000e+01;
	v45 =	vsub.f32 v48, v27  }
0x12d: {  	v38 =	vsub.f32 v61, v24;
	v24 =	vmul.f32 v0, v34;
	v34 =	vsub.f32 v1, v12  }
0x12e: {  	v48 =	vsub.f32 v51, v25;
	v27 =	vsub.f32 v55, v52;
	v1 =	vmax.f32 v42, $0.0e+00  }
0x12f: {  	v55 =	vmax.f32 v44, $0.0e+00;
	v56 =	vmax.f32 v43, $0.0e+00;
	v18 =	vmax.f32 v37, $0.0e+00  }
0x130: {  	v19 =	vmax.f32 v31, $0.0e+00;
	v51 =	vmin.f32 v16, $3.200000000e+01;
	v50 =	vtrunc.f32 v50  }
0x131: {  	v21 =	vmax.f32 v28, $0.0e+00;
	v22 =	vmax.f32 v40, $0.0e+00;
	v47 =	vtrunc.f32 v47  }
0x132: {  	v62 =	vmax.f32 v26, $0.0e+00;
	v3 =	vtrunc.f32 v3;
	v57 =	vtrunc.f32 v57  }
0x133: {  	v16 =	vmax.f32 v33, $0.0e+00;
	v51 =	vtrunc.f32 v51;
	v50 =	vcvt.f32.s32 v50  }
0x134: {  	v59 =	vmin.f32 v21, $3.200000000e+01;
	v47 =	vcvt.f32.s32 v47;
	v60 =	vmin.f32 v22, $3.200000000e+01  }
0x135: {  	v2 =	vmin.f32 v19, $3.200000000e+01;
	v53 =	vmin.f32 v18, $3.200000000e+01;
	v1 =	vmin.f32 v1, $3.200000000e+01  }
0x136: {  	v15 =	vmin.f32 v62, $3.200000000e+01;
	v18 =	vmax.f32 v49, $0.0e+00;
	v55 =	vmin.f32 v55, $3.200000000e+01  }
0x137: {  	v56 =	vmin.f32 v56, $3.200000000e+01;
	v3 =	vcvt.f32.s32 v3;
	v21 =	vcvt.f32.s32 v57  }
0x138: {  	v25 =	vsub.f32 v54, v24;
	v24 =	vmax.f32 v30, $0.0e+00;
	v51 =	vcvt.f32.s32 v51  }
0x139: {  	v63 =	vmax.f32 v38, $0.0e+00;
	v54 =	vtrunc.f32 v4;
	v6 =	vmax.f32 v27, $0.0e+00  }
0x13a: {  	v53 =	vtrunc.f32 v53;
	v11 =	vmax.f32 v34, $0.0e+00;
	v1 =	vtrunc.f32 v1  }
0x13b: {  	v17 =	vmax.f32 v45, $0.0e+00;
	v55 =	vtrunc.f32 v55;
	v56 =	vtrunc.f32 v56  }
0x13c: {  	v24 =	vmin.f32 v24, $3.200000000e+01;
	v50 =	vshll.u32 v50, $0x5;
	v8 =	vcvt.f32.s32 v54  }
0x13d: {  	v53 =	vcvt.f32.s32 v53;
	v52 =	vmin.f32 v11, $3.200000000e+01;
	v54 =	vtrunc.f32 v15  }
0x13e: {  	v1 =	vcvt.f32.s32 v1;
	v19 =	vmin.f32 v17, $3.200000000e+01;
	v55 =	vcvt.f32.s32 v55  }
0x13f: {  	v3 =	vshll.u32 v3, $0xA;
	v56 =	vcvt.f32.s32 v56;
	v24 =	vtrunc.f32 v24  }
0x140: {  	v23 =	vadd.s32 v51, v50;
	v50 =	vtrunc.f32 v59;
	v24 =	vcvt.f32.s32 v24  }
0x141: {  	v51 =	vtrunc.f32 v60;
	v52 =	vtrunc.f32 v52;
	v14 =	vmax.f32 v25, $0.0e+00  }
0x142: {  	v54 =	vcvt.f32.s32 v54;
	v50 =	vcvt.f32.s32 v50;
	v24 =	vshll.u32 v24, $0x5  }
0x143: {  	v51 =	vcvt.f32.s32 v51;
	v24 =	vadd.s32 v47, v24;
	v47 =	vtrunc.f32 v2  }
0x144: {  	v52 =	vcvt.f32.s32 v52;
	v50 =	vshll.u32 v50, $0x5;
	v5 =	vcvt.f32.s32 v47  }
0x145: {  	v47 =	vadd.s32 v51, v50;
	v50 =	vtrunc.f32 v7;
	v51 =	vmin.f32 v6, $3.200000000e+01  }
0x146: {  	v59 =	vmin.f32 v63, $3.200000000e+01;
	v10 =	vcvt.f32.s32 v50;
	v51 =	vtrunc.f32 v51  }
0x147: {  	v59 =	vtrunc.f32 v59;
	v1 =	vshll.u32 v1, $0xA;
	v13 =	vcvt.f32.s32 v51  }
0x148: {  	v62 =	vadd.s32 v3, v23;
	v59 =	vcvt.f32.s32 v59;
	v12 =	vshll.u32 v10, $0x5  }
0x149: {  	v51 =	vadd.s32 v53, v12;
	v58 =	vshll.u32 v13, $0x5;
	v53 =	vmin.f32 v14, $3.200000000e+01  }
0x14a: {  	v52 =	vadd.s32 v52, v58;
	v58 =	vmin.f32 v16, $3.200000000e+01;
	v53 =	vtrunc.f32 v53  }
0x14b: {  	v54 =	vshll.u32 v54, $0x5;
	v58 =	vtrunc.f32 v58;
	v53 =	vcvt.f32.s32 v53  }
0x14c: {  	v61 =	vshll.u32 v55, $0xA;
	v54 =	vadd.s32 v59, v54;
	v58 =	vcvt.f32.s32 v58  }
0x14d: {  	v59 =	vadd.s32 v1, v24;
	v1 =	vmin.f32 v18, $3.200000000e+01;
	v24 =	vshll.u32 v53, $0x5  }
0x14e: {  	v1 =	vtrunc.f32 v1;
	v53 =	vadd.s32 v58, v24;
	v24 =	vmax.f32 v48, $0.0e+00  }
0x14f: {  	v60 =	vshll.u32 v56, $0xA;
	v1 =	vcvt.f32.s32 v1;
	v24 =	vmin.f32 v24, $3.200000000e+01  }
0x150: {  	vm0 =	vlt.s32 v59, $0x7FFF;
	v58 =	vtrunc.f32 v19;
	v20 =	vtrunc.f32 v24  }
0x151: {  	v9 =	vshll.u32 v5, $0x5;
	v22 =	vcvt.f32.s32 v58;
	v23 =	vcvt.f32.s32 v20  }
0x152: {  	v50 =	vadd.s32 v8, v9;
	v56 =	vshll.u32 v1, $0xA;
	v58 =	vshll.u32 v21, $0xA  }
0x153: {  	s26 =	simm.s32 $0x0;
	s25 =	simm.s32 $0x1;
	v24 =	vimm.f32 $0.0e+00;
	v57 =	vshll.u32 v22, $0xA;
	v55 =	vshll.u32 v23, $0xA  }
.LBB2_2:
0x154: {  	s24 =	sshrl.u32 s25, $0x5;
	p0 =	sne.s32 s25, $0x5F;
	v1 =	vadd.s32 v61, v51;
	vm1 =	vlt.s32 v62, $0x7FFF;
	v3 =	vnsel vm0, $0x7FFF, v59;
	s26 =	sadd.s32 $0x80, s26  }
0x155: {  	v59 =	vadd.s32 v60, v50;
	s24 =	smul.u32 $0xA00, s24;
	s29 =	sand.u32 $0xF80, s26;
	vm0 =	vlt.s32 v1, $0x7FFF;
	v60 =	vnsel vm1, $0x7FFF, v62  }
0x156: {  	v58 =	vadd.s32 v58, v47;
	vm1 =	vlt.s32 v59, $0x7FFF;
	v51 =	vld [tilespmem:s29+$0x1A070];
	v1 =	vnsel vm0, $0x7FFF, v1  }
0x157: {  	v54 =	vadd.s32 v57, v54;
	vm0 =	vlt.s32 v58, $0x7FFF;
	v57 =	vnsel vm1, $0x7FFF, v59;
	s28 =	sshra.s32 s24, $0x2;
	v50 =	vld [tilespmem:s29+$0x1A060]  }
0x158: {  	v52 =	vadd.s32 v56, v52;
	vm1 =	vlt.s32 v54, $0x7FFF;
	s24 =	simm.s32 $0x0;
	v56 =	vnsel vm0, $0x7FFF, v58;
	v47 =	vld [tilespmem:s28+$0x1B280]  }
0x159: {  	v53 =	vadd.s32 v55, v53;
	vm0 =	vlt.s32 v52, $0x7FFF;
	v54 =	vnsel vm1, $0x7FFF, v54;
	v55 =	vld.idx.msk [tilespmem:v3+s24+$0x0], $0xffff  }
0x15a: {  	vm1 =	vlt.s32 v53, $0x7FFF;
	v52 =	vnsel vm0, $0x7FFF, v52;
	v58 =	vld.idx.msk [tilespmem:v60+s24+$0x0], $0xffff  }
0x15b: {  	v53 =	vnsel vm1, $0x7FFF, v53;
	v59 =	vld.idx.msk [tilespmem:v1+s24+$0x0], $0xffff  }
0x15c: {  	v62 =	vadd.s32 $0x10000, v3;
	v61 =	vld.idx.msk [tilespmem:v57+s24+$0x0], $0xffff  }
0x15d: {  	v4 =	vadd.s32 $0x10000, v60;
	v63 =	vld.idx.msk [tilespmem:v56+s24+$0x0], $0xffff  }
0x15e: {  	v3 =	vadd.s32 $0x8000, v3;
	v5 =	vld.idx.msk [tilespmem:v54+s24+$0x0], $0xffff  }
0x15f: {  	v7 =	vadd.s32 $0x10000, v1;
	v6 =	vld.idx.msk [tilespmem:v52+s24+$0x0], $0xffff  }
0x160: {  	v60 =	vadd.s32 $0x8000, v60;
	v9 =	vld.idx.msk [tilespmem:v53+s24+$0x0], $0xffff  }
0x161: {  	v10 =	vadd.s32 $0x10000, v57;
	v62 =	vld.idx.msk [tilespmem:v62+s24+$0x0], $0xffff  }
0x162: {  	v1 =	vadd.s32 $0x8000, v1;
	v4 =	vld.idx.msk [tilespmem:v4+s24+$0x0], $0xffff  }
0x163: {  	v12 =	vadd.s32 $0x10000, v56;
	v3 =	vld.idx.msk [tilespmem:v3+s24+$0x0], $0xffff  }
0x164: {  	v57 =	vadd.s32 $0x8000, v57;
	v7 =	vld.idx.msk [tilespmem:v7+s24+$0x0], $0xffff  }
0x165: {  	v13 =	vadd.s32 $0x10000, v54;
	v60 =	vld.idx.msk [tilespmem:v60+s24+$0x0], $0xffff  }
0x166: {  	v56 =	vadd.s32 $0x8000, v56;
	v42 =	vsub.f32 v42, v55;
	v10 =	vld.idx.msk [tilespmem:v10+s24+$0x0], $0xffff  }
0x167: {  	v55 =	vadd.s32 $0x10000, v52;
	v41 =	vsub.f32 v41, v58;
	v44 =	vsub.f32 v44, v59;
	v1 =	vld.idx.msk [tilespmem:v1+s24+$0x0], $0xffff  }
0x168: {  	v54 =	vadd.s32 $0x8000, v54;
	v43 =	vsub.f32 v43, v61;
	v46 =	vsub.f32 v46, v63;
	v12 =	vld.idx.msk [tilespmem:v12+s24+$0x0], $0xffff  }
0x169: {  	v58 =	vadd.s32 $0x10000, v53;
	v5 =	vsub.f32 v45, v5;
	v6 =	vsub.f32 v49, v6;
	v45 =	vld.idx.msk [tilespmem:v57+s24+$0x0], $0xffff  }
0x16a: {  	v9 =	vsub.f32 v48, v9;
	v48 =	vadd.s32 $0x8000, v52;
	v32 =	vsub.f32 v32, v62;
	v13 =	vld.idx.msk [tilespmem:v13+s24+$0x0], $0xffff  }
0x16b: {  	v49 =	vadd.s32 $0x8000, v53;
	v4 =	vsub.f32 v36, v4;
	v3 =	vsub.f32 v30, v3;
	v52 =	vld.idx.msk [tilespmem:v56+s24+$0x0], $0xffff  }
0x16c: {  	v30 =	vmul.f32 v51, v47;
	v7 =	vsub.f32 v37, v7;
	v37 =	vsub.f32 v29, v60;
	v36 =	vld.idx.msk [tilespmem:v55+s24+$0x0], $0xffff  }
0x16d: {  	v29 =	vmul.f32 v50, v47;
	v10 =	vsub.f32 v39, v10;
	v1 =	vsub.f32 v35, v1;
	v53 =	vld.idx.msk [tilespmem:v54+s24+$0x0], $0xffff  }
0x16e: {  	v39 =	vmul.f32 v41, v41;
	v12 =	vsub.f32 v40, v12;
	v40 =	vmul.f32 v42, v42;
	v35 =	vld.idx.msk [tilespmem:v58+s24+$0x0], $0xffff  }
0x16f: {  	v42 =	vmul.f32 v43, v43;
	v43 =	vmul.f32 v44, v44;
	v31 =	vsub.f32 v31, v45;
	v41 =	vld.idx.msk [tilespmem:v48+s24+$0x0], $0xffff  }
0x170: {  	v5 =	vmul.f32 v5, v5;
	v13 =	vsub.f32 v38, v13;
	v38 =	vmul.f32 v46, v46;
	v44 =	vld.idx.msk [tilespmem:v49+s24+$0x0], $0xffff  }
0x171: {  	v6 =	vmul.f32 v6, v6;
	v9 =	vmul.f32 v9, v9;
	v28 =	vsub.f32 v28, v52  }
0x172: {  	v32 =	vmul.f32 v32, v32;
	v4 =	vmul.f32 v4, v4;
	v34 =	vsub.f32 v34, v36  }
0x173: {  	v3 =	vmul.f32 v3, v3;
	v7 =	vmul.f32 v7, v7;
	v26 =	vsub.f32 v26, v53  }
0x174: {  	v10 =	vmul.f32 v10, v10;
	v36 =	vsub.f32 v33, v35;
	v33 =	vmul.f32 v37, v37  }
0x175: {  	v1 =	vmul.f32 v1, v1;
	v31 =	vmul.f32 v31, v31;
	v35 =	vsub.f32 v27, v41  }
0x176: {  	v37 =	vmul.f32 v26, v26;
	v41 =	vmul.f32 v28, v28;
	v25 =	vsub.f32 v25, v44;
	v27 =	vld [tilespmem:s29+$0x18070]  }
0x177: {  	v3 =	vadd.f32 v3, v40;
	v33 =	vadd.f32 v33, v39;
	v35 =	vmul.f32 v35, v35;
	v28 =	vld [tilespmem:s29+$0x19070]  }
0x178: {  	v1 =	vadd.f32 v1, v43;
	v31 =	vadd.f32 v31, v42;
	v39 =	vmul.f32 v25, v25;
	v26 =	vld [tilespmem:s28+$0x1B180]  }
0x179: {  	v12 =	vmul.f32 v12, v12;
	v5 =	vadd.f32 v37, v5;
	v37 =	vadd.f32 v41, v38;
	v25 =	vld [tilespmem:s28+$0x1B200]  }
0x17a: {  	v13 =	vmul.f32 v13, v13;
	v6 =	vadd.f32 v35, v6;
	v9 =	vadd.f32 v39, v9  }
0x17b: {  	v34 =	vmul.f32 v34, v34;
	v35 =	vadd.f32 v33, v4;
	v33 =	vadd.f32 v3, v32  }
0x17c: {  	v41 =	vadd.f32 v31, v10;
	v3 =	vmul.f32 v36, v36;
	v39 =	vadd.f32 v1, v7  }
0x17d: {  	v43 =	vadd.f32 v5, v13;
	v42 =	vadd.f32 v37, v12;
	v31 =	vmul.f32 v27, v26  }
0x17e: {  	v1 =	vadd.f32 v9, v3;
	v3 =	vadd.f32 v6, v34;
	v32 =	vmul.f32 v28, v25  }
0x17f: {  	v5 =	vmax.f32 v35, $9.999999680e-21;
	v4 =	vmax.f32 v39, $9.999999680e-21;
	v6 =	vmax.f32 v33, $9.999999680e-21  }
0x180: {  	v10 =	vmax.f32 v41, $9.999999680e-21;
	v7 =	vmax.f32 v43, $9.999999680e-21;
	v9 =	vmax.f32 v42, $9.999999680e-21  }
0x181: {  	v34 =	vshra.s32 v6, $0x1;
	v12 =	vmax.f32 v1, $9.999999680e-21;
	v13 =	vmax.f32 v3, $9.999999680e-21  }
0x182: {  	v36 =	vshra.s32 v5, $0x1;
	v5 =	vmul.f32 $5.000000000e-01, v5;
	v6 =	vmul.f32 $5.000000000e-01, v6  }
0x183: {  	v37 =	vshra.s32 v10, $0x1;
	v38 =	vshra.s32 v4, $0x1;
	v4 =	vmul.f32 $5.000000000e-01, v4  }
0x184: {  	v10 =	vmul.f32 $5.000000000e-01, v10;
	v40 =	vshra.s32 v9, $0x1;
	v9 =	vmul.f32 $5.000000000e-01, v9  }
0x185: {  	v45 =	vshra.s32 v7, $0x1;
	v7 =	vmul.f32 $5.000000000e-01, v7;
	v44 =	vshra.s32 v13, $0x1  }
0x186: {  	v46 =	vshra.s32 v12, $0x1;
	v12 =	vmul.f32 $5.000000000e-01, v12;
	v13 =	vmul.f32 $5.000000000e-01, v13  }
0x187: {  	v36 =	vsub.s32 $0x5F3759DF, v36;
	v38 =	vsub.s32 $0x5F3759DF, v38;
	v34 =	vsub.s32 $0x5F3759DF, v34  }
0x188: {  	v37 =	vsub.s32 $0x5F3759DF, v37;
	v40 =	vsub.s32 $0x5F3759DF, v40;
	v48 =	vmul.f32 v34, v6  }
0x189: {  	v52 =	vmul.f32 v36, v5;
	v49 =	vmul.f32 v38, v4;
	v46 =	vsub.s32 $0x5F3759DF, v46  }
0x18a: {  	v54 =	vmul.f32 v37, v10;
	v45 =	vsub.s32 $0x5F3759DF, v45;
	v53 =	vmul.f32 v46, v12  }
0x18b: {  	v55 =	vmul.f32 v45, v7;
	v56 =	vmul.f32 v40, v9;
	v44 =	vsub.s32 $0x5F3759DF, v44  }
0x18c: {  	v57 =	vmul.f32 v44, v13;
	v53 =	vmul.f32 v46, v53  }
0x18d: {  	v52 =	vmul.f32 v36, v52;
	v48 =	vmul.f32 v34, v48  }
0x18e: {  	v49 =	vmul.f32 v38, v49;
	v57 =	vmul.f32 v44, v57;
	v53 =	vsub.f32 $1.500000000e+00, v53  }
0x18f: {  	v54 =	vmul.f32 v37, v54;
	v55 =	vmul.f32 v45, v55;
	v48 =	vsub.f32 $1.500000000e+00, v48  }
0x190: {  	v56 =	vmul.f32 v40, v56;
	v46 =	vmul.f32 v46, v53;
	v53 =	vsub.f32 $1.500000000e+00, v57  }
0x191: {  	v55 =	vsub.f32 $1.500000000e+00, v55;
	v52 =	vsub.f32 $1.500000000e+00, v52;
	v57 =	vmul.f32 v34, v48  }
0x192: {  	v34 =	vsub.f32 $1.500000000e+00, v49;
	v12 =	vmul.f32 v46, v12;
	v44 =	vmul.f32 v44, v53  }
0x193: {  	v45 =	vmul.f32 v45, v55;
	v55 =	vmul.f32 v36, v52;
	v48 =	vsub.f32 $1.500000000e+00, v56  }
0x194: {  	v12 =	vmul.f32 v12, v46;
	v13 =	vmul.f32 v44, v13  }
0x195: {  	v36 =	vsub.f32 $1.500000000e+00, v54;
	v48 =	vmul.f32 v40, v48;
	v52 =	vmul.f32 v38, v34  }
0x196: {  	v7 =	vmul.f32 v45, v7;
	v12 =	vsub.f32 $1.500000000e+00, v12;
	v13 =	vmul.f32 v13, v44  }
0x197: {  	v49 =	vmul.f32 v37, v36;
	v9 =	vmul.f32 v48, v9  }
0x198: {  	v7 =	vmul.f32 v7, v45;
	v12 =	vmul.f32 v12, v46;
	v13 =	vsub.f32 $1.500000000e+00, v13  }
0x199: {  	v10 =	vmul.f32 v49, v10;
	v9 =	vmul.f32 v9, v48;
	v34 =	vld [tilespmem:s29+$0x1A050]  }
0x19a: {  	v7 =	vsub.f32 $1.500000000e+00, v7;
	v1 =	vmul.f32 v12, v1;
	v12 =	vmul.f32 v13, v44;
	v36 =	vld [tilespmem:s29+$0x18060]  }
0x19b: {  	v10 =	vmul.f32 v10, v49;
	v4 =	vmul.f32 v52, v4;
	v9 =	vsub.f32 $1.500000000e+00, v9;
	v37 =	vld [tilespmem:s29+$0x19060]  }
0x19c: {  	v7 =	vmul.f32 v7, v45;
	v1 =	vadd.f32 v1, v24;
	v3 =	vmul.f32 v12, v3;
	v38 =	vld [tilespmem:s29+$0x1A040]  }
0x19d: {  	v5 =	vmul.f32 v55, v5;
	v10 =	vsub.f32 $1.500000000e+00, v10;
	v4 =	vmul.f32 v4, v52;
	v40 =	vld [tilespmem:s29+$0x18050]  }
0x19e: {  	v1 =	vadd.f32 v3, v1;
	v3 =	vmul.f32 v7, v43;
	v7 =	vmul.f32 v9, v48;
	v45 =	vld [tilespmem:s29+$0x19050]  }
0x19f: {  	v5 =	vmul.f32 v5, v55;
	v6 =	vmul.f32 v57, v6;
	v4 =	vsub.f32 $1.500000000e+00, v4;
	v43 =	vld [tilespmem:s29+$0x18040]  }
0x1a0: {  	v1 =	vadd.f32 v3, v1;
	v3 =	vmul.f32 v7, v42;
	v7 =	vmul.f32 v10, v49;
	v46 =	vld [tilespmem:s29+$0x19040]  }
0x1a1: {  	v5 =	vsub.f32 $1.500000000e+00, v5;
	v6 =	vmul.f32 v6, v57;
	v9 =	vmul.f32 v34, v47;
	v48 =	vld [tilespmem:s29+$0x18030]  }
0x1a2: {  	v4 =	vmul.f32 v4, v52;
	v1 =	vadd.f32 v3, v1;
	v3 =	vmul.f32 v7, v41;
	v49 =	vld [tilespmem:s29+$0x19030]  }
0x1a3: {  	v6 =	vsub.f32 $1.500000000e+00, v6;
	v7 =	vmul.f32 v36, v26;
	v10 =	vmul.f32 v37, v25;
	v52 =	vld [tilespmem:s29+$0x18020]  }
0x1a4: {  	v1 =	vadd.f32 v3, v1;
	v3 =	vmul.f32 v4, v39;
	v4 =	vmul.f32 v5, v55;
	v53 =	vld [tilespmem:s29+$0x19020]  }
0x1a5: {  	v5 =	vmul.f32 v38, v47;
	v12 =	vmul.f32 v40, v26;
	v54 =	vld [tilespmem:s29+$0x18010]  }
0x1a6: {  	v1 =	vadd.f32 v3, v1;
	v3 =	vmul.f32 v4, v35;
	v4 =	vmul.f32 v6, v57;
	v55 =	vld [tilespmem:s29+$0x19010]  }
0x1a7: {  	v13 =	vmul.f32 v45, v25;
	v6 =	vmul.f32 v43, v26;
	v56 =	vld [tilespmem:s29+$0x18000]  }
0x1a8: {  	v1 =	vadd.f32 v3, v1;
	v3 =	vmul.f32 v4, v33;
	v35 =	vmul.f32 v46, v25;
	v57 =	vld [tilespmem:s29+$0x19000]  }
0x1a9: {  	v33 =	vmul.f32 v48, v26;
	v39 =	vmul.f32 v49, v25;
	v4 =	vld [tilespmem:s29+$0x1A030]  }
0x1aa: {  	v24 =	vadd.f32 v3, v1;
	v41 =	vmul.f32 v52, v26;
	v42 =	vmul.f32 v53, v25;
	v58 =	vld [tilespmem:s29+$0x1A020]  }
0x1ab: {  	v3 =	vmul.f32 v54, v26;
	v1 =	vld [tilespmem:s29+$0x1A010];
	v44 =	vmul.f32 v55, v25  }
0x1ac: {  	v7 =	vadd.f32 v10, v7;
	v10 =	vadd.f32 v32, v31;
	v59 =	vld [tilespmem:s29+$0x1A000];
	v60 =	vmul.f32 v56, v26  }
0x1ad: {  	v12 =	vadd.f32 v13, v12;
	v6 =	vadd.f32 v35, v6;
	v31 =	vmul.f32 v57, v25  }
0x1ae: {  	v32 =	vadd.f32 v39, v33;
	v13 =	vadd.f32 v42, v41;
	v33 =	vmul.f32 v4, v47  }
0x1af: {  	v3 =	vadd.f32 v44, v3;
	v35 =	vld [tilespmem:s28+$0x1B300];
	v31 =	vadd.f32 v31, v60;
	v39 =	vmul.f32 v58, v47  }
0x1b0: {  	v7 =	vadd.f32 v29, v7;
	v10 =	vadd.f32 v30, v10;
	v41 =	vmul.f32 v1, v47  }
0x1b1: {  	v5 =	vadd.f32 v5, v6;
	v6 =	vadd.f32 v9, v12;
	v29 =	vmul.f32 v59, v47  }
0x1b2: {  	v12 =	vadd.f32 v39, v13;
	v13 =	vadd.f32 v33, v32;
	v9 =	vld [tilespmem:s28+$0x1B380]  }
0x1b3: {  	v3 =	vadd.f32 v41, v3;
	v29 =	vadd.f32 v29, v31  }
0x1b4: {  	v7 =	vadd.f32 v7, v35;
	v10 =	vadd.f32 v10, v35  }
0x1b5: {  	v5 =	vadd.f32 v5, v35;
	v6 =	vadd.f32 v6, v35  }
0x1b6: {  	v12 =	vadd.f32 v12, v35;
	v13 =	vadd.f32 v13, v35  }
0x1b7: {  	v3 =	vadd.f32 v3, v35;
	v7 =	vmul.f32 v7, v9;
	v10 =	vmul.f32 v10, v9  }
0x1b8: {  	v29 =	vadd.f32 v29, v35;
	v5 =	vmul.f32 v5, v9;
	v6 =	vmul.f32 v6, v9  }
0x1b9: {  	v12 =	vmul.f32 v12, v9;
	v13 =	vmul.f32 v13, v9  }
0x1ba: {  	v33 =	vmul.f32 v29, v9;
	v3 =	vmul.f32 v3, v9  }
0x1bb: {  	v9 =	vmul.f32 v10, v26;
	v29 =	vmul.f32 v10, v47  }
0x1bc: {  	v30 =	vmul.f32 v7, v26;
	v10 =	vmul.f32 v10, v25  }
0x1bd: {  	v31 =	vmul.f32 v7, v25;
	v7 =	vmul.f32 v7, v47  }
0x1be: {  	v35 =	vmul.f32 v6, v26;
	v39 =	vmul.f32 v6, v47  }
0x1bf: {  	v60 =	vmul.f32 v5, v26;
	v6 =	vmul.f32 v6, v25  }
0x1c0: {  	v61 =	vmul.f32 v5, v25;
	v5 =	vmul.f32 v5, v47  }
0x1c1: {  	v62 =	vmul.f32 v13, v26;
	v63 =	vmul.f32 v13, v47  }
0x1c2: {  	v13 =	vmul.f32 v13, v25;
	v42 =	vsub.f32 v27, v9;
	v32 =	vsub.f32 v51, v29  }
0x1c3: {  	v9 =	vmul.f32 v12, v26;
	v41 =	vsub.f32 v36, v30;
	v30 =	vsub.f32 v28, v10  }
0x1c4: {  	v10 =	vmul.f32 v12, v47;
	v29 =	vsub.f32 v37, v31;
	v36 =	vsub.f32 v50, v7  }
0x1c5: {  	v7 =	vmul.f32 v12, v25;
	v44 =	vsub.f32 v40, v35;
	v37 =	vsub.f32 v34, v39  }
0x1c6: {  	v12 =	vmul.f32 v3, v26;
	v43 =	vsub.f32 v43, v60;
	v35 =	vsub.f32 v45, v6  }
0x1c7: {  	v6 =	vmul.f32 v3, v47;
	v31 =	vsub.f32 v46, v61;
	v39 =	vsub.f32 v38, v5  }
0x1c8: {  	v3 =	vmul.f32 v3, v25;
	v46 =	vsub.f32 v48, v62;
	v40 =	vsub.f32 v4, v63  }
0x1c9: {  	v4 =	vmul.f32 v33, v26;
	v28 =	vsub.f32 v49, v13;
	v45 =	vsub.f32 v52, v9  }
0x1ca: {  	v5 =	vmul.f32 v33, v47;
	v26 =	vsub.f32 v53, v7;
	v38 =	vsub.f32 v58, v10  }
0x1cb: {  	v7 =	vmul.f32 v33, v25;
	v49 =	vsub.f32 v54, v12;
	v34 =	vsub.f32 v1, v6  }
0x1cc: {  	v48 =	vsub.f32 v56, v4;
	v27 =	vsub.f32 v55, v3  }
0x1cd: {  	v33 =	vsub.f32 v59, v5;
	v1 =	vmax.f32 v42, $0.0e+00;
	v25 =	vsub.f32 v57, v7  }
0x1ce: {  	v3 =	vmax.f32 v41, $0.0e+00;
	v4 =	vmax.f32 v30, $0.0e+00;
	v5 =	vmax.f32 v32, $0.0e+00  }
0x1cf: {  	v6 =	vmax.f32 v44, $0.0e+00;
	v9 =	vmax.f32 v36, $0.0e+00;
	v7 =	vmax.f32 v29, $0.0e+00  }
0x1d0: {  	v10 =	vmax.f32 v43, $0.0e+00;
	v12 =	vmax.f32 v35, $0.0e+00;
	v13 =	vmax.f32 v37, $0.0e+00  }
0x1d1: {  	v47 =	vmax.f32 v46, $0.0e+00;
	v50 =	vmax.f32 v31, $0.0e+00;
	v51 =	vmax.f32 v39, $0.0e+00  }
0x1d2: {  	v53 =	vmax.f32 v28, $0.0e+00;
	v54 =	vmax.f32 v40, $0.0e+00;
	v52 =	vmax.f32 v45, $0.0e+00  }
0x1d3: {  	v55 =	vmax.f32 v49, $0.0e+00;
	v56 =	vmax.f32 v26, $0.0e+00;
	v57 =	vmax.f32 v38, $0.0e+00  }
0x1d4: {  	v58 =	vmax.f32 v48, $0.0e+00;
	v59 =	vmax.f32 v27, $0.0e+00;
	v60 =	vmax.f32 v34, $0.0e+00  }
0x1d5: {  	v1 =	vmin.f32 v1, $3.200000000e+01;
	v62 =	vmax.f32 v33, $0.0e+00;
	v61 =	vmax.f32 v25, $0.0e+00  }
0x1d6: {  	v3 =	vmin.f32 v3, $3.200000000e+01;
	v4 =	vmin.f32 v4, $3.200000000e+01;
	v5 =	vmin.f32 v5, $3.200000000e+01  }
0x1d7: {  	v6 =	vmin.f32 v6, $3.200000000e+01;
	v9 =	vmin.f32 v9, $3.200000000e+01;
	v7 =	vmin.f32 v7, $3.200000000e+01  }
0x1d8: {  	v10 =	vmin.f32 v10, $3.200000000e+01;
	v12 =	vmin.f32 v12, $3.200000000e+01;
	v13 =	vmin.f32 v13, $3.200000000e+01  }
0x1d9: {  	v47 =	vmin.f32 v47, $3.200000000e+01;
	v50 =	vmin.f32 v50, $3.200000000e+01;
	v51 =	vmin.f32 v51, $3.200000000e+01  }
0x1da: {  	v54 =	vmin.f32 v54, $3.200000000e+01;
	v1 =	vtrunc.f32 v1;
	v5 =	vtrunc.f32 v5  }
0x1db: {  	v53 =	vmin.f32 v53, $3.200000000e+01;
	v3 =	vtrunc.f32 v3;
	v4 =	vtrunc.f32 v4  }
0x1dc: {  	v9 =	vtrunc.f32 v9;
	v52 =	vmin.f32 v52, $3.200000000e+01;
	v7 =	vtrunc.f32 v7  }
0x1dd: {  	v6 =	vtrunc.f32 v6;
	v13 =	vtrunc.f32 v13;
	v57 =	vmin.f32 v57, $3.200000000e+01  }
0x1de: {  	v10 =	vtrunc.f32 v10;
	v12 =	vtrunc.f32 v12;
	v56 =	vmin.f32 v56, $3.200000000e+01  }
0x1df: {  	v50 =	vtrunc.f32 v50;
	v51 =	vtrunc.f32 v51;
	v55 =	vmin.f32 v55, $3.200000000e+01  }
0x1e0: {  	v47 =	vtrunc.f32 v47;
	v54 =	vtrunc.f32 v54;
	v60 =	vmin.f32 v60, $3.200000000e+01  }
0x1e1: {  	v53 =	vtrunc.f32 v53;
	v59 =	vmin.f32 v59, $3.200000000e+01;
	v52 =	vtrunc.f32 v52  }
0x1e2: {  	v58 =	vmin.f32 v58, $3.200000000e+01;
	v56 =	vtrunc.f32 v56;
	v57 =	vtrunc.f32 v57  }
0x1e3: {  	v62 =	vmin.f32 v62, $3.200000000e+01;
	v55 =	vtrunc.f32 v55;
	v60 =	vtrunc.f32 v60  }
0x1e4: {  	v58 =	vtrunc.f32 v58;
	v59 =	vtrunc.f32 v59;
	v61 =	vmin.f32 v61, $3.200000000e+01  }
0x1e5: {  	v62 =	vtrunc.f32 v62;
	v61 =	vtrunc.f32 v61  }
0x1e6: {  	v1 =	vcvt.f32.s32 v1;
	v5 =	vcvt.f32.s32 v5  }
0x1e7: {  	v3 =	vcvt.f32.s32 v3;
	v4 =	vcvt.f32.s32 v4  }
0x1e8: {  	v9 =	vcvt.f32.s32 v9;
	v7 =	vcvt.f32.s32 v7  }
0x1e9: {  	v6 =	vcvt.f32.s32 v6;
	v13 =	vcvt.f32.s32 v13  }
0x1ea: {  	v10 =	vcvt.f32.s32 v10;
	v12 =	vcvt.f32.s32 v12  }
0x1eb: {  	v50 =	vcvt.f32.s32 v50;
	v51 =	vcvt.f32.s32 v51  }
0x1ec: {  	v47 =	vcvt.f32.s32 v47;
	v54 =	vcvt.f32.s32 v54  }
0x1ed: {  	v53 =	vcvt.f32.s32 v53;
	v52 =	vcvt.f32.s32 v52  }
0x1ee: {  	v56 =	vcvt.f32.s32 v56;
	v63 =	vcvt.f32.s32 v57  }
0x1ef: {  	v15 =	vcvt.f32.s32 v55;
	v16 =	vcvt.f32.s32 v60  }
0x1f0: {  	v55 =	vcvt.f32.s32 v58;
	v59 =	vcvt.f32.s32 v59  }
0x1f1: {  	v62 =	vcvt.f32.s32 v62;
	v17 =	vcvt.f32.s32 v61  }
0x1f2: {  	v3 =	vshll.u32 v3, $0xA;
	v1 =	vshll.u32 v1, $0xA;
	v4 =	vshll.u32 v4, $0x5  }
0x1f3: {  	v61 =	vshll.u32 v6, $0xA;
	v6 =	vshll.u32 v12, $0x5;
	v7 =	vshll.u32 v7, $0x5  }
0x1f4: {  	v58 =	vshll.u32 v47, $0xA;
	v60 =	vshll.u32 v10, $0xA;
	v10 =	vshll.u32 v50, $0x5  }
0x1f5: {  	v47 =	vshll.u32 v53, $0x5;
	v57 =	vshll.u32 v52, $0xA;
	v12 =	vshll.u32 v56, $0x5  }
.Ltmp0:
0x1f6: {  	v55 =	vshll.u32 v55, $0xA;
	v56 =	vshll.u32 v15, $0xA;
	v15 =	vshll.u32 v59, $0x5;
	(pc) =	sbr.rel @p0 .LBB2_2-.Ltmp0, $4  }
0x1f7: {  	v4 =	vadd.s32 v5, v4;
	v7 =	vadd.s32 v9, v7;
	v17 =	vshll.u32 v17, $0x5  }
0x1f8: {  	v47 =	vadd.s32 v54, v47;
	v50 =	vadd.s32 v51, v10;
	v51 =	vadd.s32 v13, v6  }
0x1f9: {  	v59 =	vadd.s32 v1, v4;
	v52 =	vadd.s32 v16, v15;
	v54 =	vadd.s32 v63, v12  }
0x1fa: {  	s25 =	sadd.s32 $0x1, s25;
	vm0 =	vlt.s32 v59, $0x7FFF;
	v53 =	vadd.s32 v62, v17;
	v62 =	vadd.s32 v3, v7  }
0x1fb: {  	vm1 =	vlt.s32 v62, $0x7FFF;
	v3 =	vnsel vm0, $0x7FFF, v59  }
0x1fc: {  	v1 =	vadd.s32 v61, v51;
	v5 =	vnsel vm1, $0x7FFF, v62  }
0x1fd: {  	v4 =	vadd.s32 v60, v50;
	vm14 =	vlt.s32 v1, $0x7FFF;
	v17 =	vadd.s32 $0x10000, v3  }
0x1fe: {  	v6 =	vadd.s32 v58, v47;
	vm15 =	vlt.s32 v4, $0x7FFF;
	v1 =	vnsel vm14, $0x7FFF, v1  }
0x1ff: {  	v7 =	vadd.s32 v57, v54;
	vm4 =	vlt.s32 v6, $0x7FFF;
	v4 =	vnsel vm15, $0x7FFF, v4  }
0x200: {  	v9 =	vadd.s32 v56, v52;
	vm5 =	vlt.s32 v7, $0x7FFF;
	v6 =	vnsel vm4, $0x7FFF, v6;
	v12 =	vld.idx.msk [tilespmem:v3+s24+$0x0], $0xffff  }
0x201: {  	v10 =	vadd.s32 v55, v53;
	vm6 =	vlt.s32 v9, $0x7FFF;
	v7 =	vnsel vm5, $0x7FFF, v7;
	v13 =	vld.idx.msk [tilespmem:v5+s24+$0x0], $0xffff  }
0x202: {  	vm7 =	vlt.s32 v10, $0x7FFF;
	v9 =	vnsel vm6, $0x7FFF, v9;
	v17 =	vld.idx.msk [tilespmem:v17+s24+$0x0], $0xffff  }
0x203: {  	v10 =	vnsel vm7, $0x7FFF, v10;
	v15 =	vld.idx.msk [tilespmem:v1+s24+$0x0], $0xffff  }
0x204: {  	v8 =	vadd.s32 $0x10000, v5;
	v16 =	vld.idx.msk [tilespmem:v4+s24+$0x0], $0xffff  }
0x205: {  	v21 =	vadd.s32 $0x10000, v1;
	v63 =	vld.idx.msk [tilespmem:v6+s24+$0x0], $0xffff  }
0x206: {  	v23 =	vadd.s32 $0x10000, v4;
	v11 =	vld.idx.msk [tilespmem:v7+s24+$0x0], $0xffff  }
0x207: {  	v60 =	vadd.s32 $0x10000, v6;
	v20 =	vld.idx.msk [tilespmem:v9+s24+$0x0], $0xffff  }
0x208: {  	v3 =	vadd.s32 $0x8000, v3;
	v22 =	vld.idx.msk [tilespmem:v10+s24+$0x0], $0xffff  }
0x209: {  	v61 =	vadd.s32 $0x10000, v7;
	v50 =	vld.idx.msk [tilespmem:v8+s24+$0x0], $0xffff  }
0x20a: {  	v5 =	vadd.s32 $0x8000, v5;
	v53 =	vld.idx.msk [tilespmem:v21+s24+$0x0], $0xffff  }
0x20b: {  	v1 =	vadd.s32 $0x8000, v1;
	v62 =	vld.idx.msk [tilespmem:v23+s24+$0x0], $0xffff  }
0x20c: {  	v14 =	vadd.s32 $0x10000, v9;
	v4 =	vadd.s32 $0x8000, v4;
	v21 =	vld.idx.msk [tilespmem:v60+s24+$0x0], $0xffff;
	v12 =	vsub.f32 v42, v12  }
0x20d: {  	v7 =	vadd.s32 $0x8000, v7;
	v3 =	vld.idx.msk [tilespmem:v3+s24+$0x0], $0xffff;
	v13 =	vsub.f32 v41, v13;
	v17 =	vsub.f32 v32, v17  }
0x20e: {  	v6 =	vadd.s32 $0x8000, v6;
	v42 =	vld.idx.msk [tilespmem:v61+s24+$0x0], $0xffff;
	v15 =	vsub.f32 v44, v15;
	v63 =	vsub.f32 v46, v63  }
0x20f: {  	v9 =	vadd.s32 $0x8000, v9;
	v5 =	vld.idx.msk [tilespmem:v5+s24+$0x0], $0xffff;
	v16 =	vsub.f32 v43, v16;
	v20 =	vsub.f32 v49, v20  }
0x210: {  	v1 =	vld.idx.msk [tilespmem:v1+s24+$0x0], $0xffff;
	v45 =	vsub.f32 v45, v11;
	v48 =	vsub.f32 v48, v22;
	v22 =	vadd.s32 $0x10000, v10  }
0x211: {  	v4 =	vld.idx.msk [tilespmem:v4+s24+$0x0], $0xffff;
	v36 =	vsub.f32 v36, v50;
	v10 =	vadd.s32 $0x8000, v10;
	v12 =	vmul.f32 v12, v12  }
0x212: {  	v7 =	vld.idx.msk [tilespmem:v7+s24+$0x0], $0xffff;
	v23 =	vsub.f32 v39, v62;
	v13 =	vmul.f32 v13, v13;
	v17 =	vmul.f32 v17, v17  }
0x213: {  	v6 =	vld.idx.msk [tilespmem:v6+s24+$0x0], $0xffff;
	v49 =	vsub.f32 v40, v21;
	v16 =	vmul.f32 v16, v16;
	v15 =	vmul.f32 v15, v15  }
0x214: {  	v9 =	vld.idx.msk [tilespmem:v9+s24+$0x0], $0xffff;
	v50 =	vmul.f32 v45, v45;
	v51 =	vmul.f32 v63, v63;
	v3 =	vsub.f32 v30, v3  }
0x215: {  	v30 =	vsub.f32 v37, v53;
	v53 =	vmul.f32 v20, v20;
	v5 =	vsub.f32 v29, v5  }
0x216: {  	v54 =	vmul.f32 v23, v23;
	v29 =	vld.idx.msk [tilespmem:v14+s24+$0x0], $0xffff;
	v1 =	vsub.f32 v35, v1;
	v4 =	vsub.f32 v31, v4  }
0x217: {  	v31 =	vsub.f32 v38, v42;
	v7 =	vsub.f32 v26, v7;
	v3 =	vmul.f32 v3, v3  }
0x218: {  	v32 =	vld.idx.msk [tilespmem:v22+s24+$0x0], $0xffff;
	v6 =	vsub.f32 v28, v6;
	v5 =	vmul.f32 v5, v5;
	v4 =	vmul.f32 v4, v4  }
0x219: {  	v10 =	vld.idx.msk [tilespmem:v10+s24+$0x0], $0xffff;
	v9 =	vsub.f32 v27, v9;
	v1 =	vmul.f32 v1, v1;
	v7 =	vmul.f32 v7, v7  }
0x21a: {  	v6 =	vmul.f32 v6, v6;
	v3 =	vadd.f32 v3, v12;
	v5 =	vadd.f32 v5, v13  }
0x21b: {  	v9 =	vmul.f32 v9, v9;
	v28 =	vsub.f32 v34, v29;
	v4 =	vadd.f32 v4, v16  }
0x21c: {  	v55 =	vmul.f32 v49, v49;
	v1 =	vadd.f32 v1, v15;
	v7 =	vadd.f32 v7, v50  }
0x21d: {  	v29 =	vmul.f32 v36, v36;
	v6 =	vadd.f32 v6, v51;
	v9 =	vadd.f32 v9, v53  }
0x21e: {  	v26 =	vmul.f32 v30, v30;
	v30 =	vsub.f32 v33, v32;
	v10 =	vsub.f32 v25, v10  }
0x21f: {  	v56 =	vmul.f32 v31, v31;
	v25 =	vadd.f32 v3, v17;
	v5 =	vadd.f32 v5, v29  }
0x220: {  	v52 =	vmul.f32 v48, v48;
	v4 =	vadd.f32 v4, v54;
	v1 =	vadd.f32 v1, v26  }
0x221: {  	v57 =	vmul.f32 v28, v28;
	v7 =	vadd.f32 v7, v56;
	v6 =	vadd.f32 v6, v55  }
0x222: {  	v10 =	vmul.f32 v10, v10;
	v58 =	vmul.f32 v30, v30;
	v61 =	vmax.f32 v25, $9.999999680e-21  }
0x223: {  	v9 =	vadd.f32 v9, v57;
	v59 =	vmax.f32 v1, $9.999999680e-21;
	v60 =	vmax.f32 v5, $9.999999680e-21  }
0x224: {  	v62 =	vmax.f32 v7, $9.999999680e-21;
	v63 =	vmax.f32 v6, $9.999999680e-21;
	v0 =	vmax.f32 v4, $9.999999680e-21  }
0x225: {  	v28 =	vshra.s32 v61, $0x1;
	v13 =	vmul.f32 $5.000000000e-01, v61;
	v10 =	vadd.f32 v10, v52  }
0x226: {  	v29 =	vshra.s32 v60, $0x1;
	v12 =	vmul.f32 $5.000000000e-01, v60;
	v30 =	vshra.s32 v0, $0x1  }
0x227: {  	v31 =	vshra.s32 v59, $0x1;
	v2 =	vshra.s32 v63, $0x1;
	v16 =	vmul.f32 $5.000000000e-01, v63  }
0x228: {  	v17 =	vmul.f32 $5.000000000e-01, v0;
	v11 =	vshra.s32 v62, $0x1;
	v15 =	vmul.f32 $5.000000000e-01, v62  }
0x229: {  	v28 =	vsub.s32 $0x5F3759DF, v28;
	v27 =	vmax.f32 v9, $9.999999680e-21;
	v31 =	vsub.s32 $0x5F3759DF, v31  }
0x22a: {  	v29 =	vsub.s32 $0x5F3759DF, v29;
	v30 =	vsub.s32 $0x5F3759DF, v30;
	v19 =	vmul.f32 v28, v13  }
0x22b: {  	v34 =	vsub.s32 $0x5F3759DF, v11;
	v3 =	vadd.f32 v10, v58;
	v10 =	vmul.f32 $5.000000000e-01, v59  }
0x22c: {  	v8 =	vshra.s32 v27, $0x1;
	v27 =	vmul.f32 $5.000000000e-01, v27;
	v21 =	vmul.f32 v29, v12  }
0x22d: {  	v32 =	vsub.s32 $0x5F3759DF, v2;
	v23 =	vmul.f32 v30, v17;
	v45 =	vmul.f32 v34, v15  }
0x22e: {  	v46 =	vmul.f32 v32, v16;
	v33 =	vsub.s32 $0x5F3759DF, v8;
	v36 =	vmul.f32 v28, v19  }
0x22f: {  	v20 =	vmul.f32 v31, v10;
	v47 =	vmul.f32 v33, v27  }
0x230: {  	v38 =	vmul.f32 v29, v21;
	v41 =	vmul.f32 v34, v45  }
0x231: {  	v26 =	vmax.f32 v3, $9.999999680e-21;
	v40 =	vmul.f32 v30, v23;
	v42 =	vmul.f32 v32, v46  }
0x232: {  	v18 =	vshra.s32 v26, $0x1;
	v26 =	vmul.f32 $5.000000000e-01, v26;
	v36 =	vsub.f32 $1.500000000e+00, v36  }
0x233: {  	v35 =	vsub.s32 $0x5F3759DF, v18;
	v43 =	vmul.f32 v33, v47;
	v41 =	vsub.f32 $1.500000000e+00, v41  }
0x234: {  	v37 =	vmul.f32 v31, v20;
	v38 =	vsub.f32 $1.500000000e+00, v38;
	v50 =	vsub.f32 $1.500000000e+00, v42  }
0x235: {  	v51 =	vsub.f32 $1.500000000e+00, v40;
	v22 =	vmul.f32 v35, v26;
	v28 =	vmul.f32 v28, v36  }
0x236: {  	s25 =	simm.s32 $0x0;
	v48 =	vsub.f32 $1.500000000e+00, v43;
	v34 =	vmul.f32 v34, v41;
	v29 =	vmul.f32 v29, v38  }
0x237: {  	s26 =	smul.u32 $0x1200, s25;
	v49 =	vsub.f32 $1.500000000e+00, v37;
	v32 =	vmul.f32 v32, v50;
	v30 =	vmul.f32 v30, v51  }
0x238: {  	s31 =	sand.u32 $0xF80, s24;
	v39 =	vmul.f32 v35, v22;
	v13 =	vmul.f32 v28, v13  }
0x239: {  	s26 =	sshra.s32 s26, $0x2;
	v57 =	vld [tilespmem:s31+$0x18040];
	v33 =	vmul.f32 v33, v48;
	v31 =	vmul.f32 v31, v49  }
0x23a: {  	v36 =	vld [tilespmem:s26+$0x1BC00];
	v15 =	vmul.f32 v34, v15;
	v16 =	vmul.f32 v32, v16  }
0x23b: {  	v17 =	vmul.f32 v30, v17;
	v12 =	vmul.f32 v29, v12  }
0x23c: {  	v13 =	vmul.f32 v13, v28;
	v27 =	vmul.f32 v33, v27  }
0x23d: {  	v15 =	vmul.f32 v15, v34;
	v16 =	vmul.f32 v16, v32  }
0x23e: {  	v39 =	vsub.f32 $1.500000000e+00, v39;
	v17 =	vmul.f32 v17, v30;
	v10 =	vmul.f32 v31, v10  }
0x23f: {  	v12 =	vmul.f32 v12, v29;
	v47 =	vmul.f32 v57, v36  }
0x240: {  	v53 =	vld [tilespmem:s31+$0x18060];
	v35 =	vmul.f32 v35, v39;
	v27 =	vmul.f32 v27, v33;
	v15 =	vsub.f32 $1.500000000e+00, v15  }
0x241: {  	v54 =	vld [tilespmem:s31+$0x19060];
	v10 =	vmul.f32 v10, v31;
	v16 =	vsub.f32 $1.500000000e+00, v16;
	v17 =	vsub.f32 $1.500000000e+00, v17  }
0x242: {  	v12 =	vsub.f32 $1.500000000e+00, v12;
	v26 =	vmul.f32 v35, v26;
	v15 =	vmul.f32 v15, v34;
	v34 =	vld [tilespmem:s26+$0x1B980]  }
0x243: {  	v10 =	vsub.f32 $1.500000000e+00, v10;
	v16 =	vmul.f32 v16, v32;
	v32 =	vld [tilespmem:s26+$0x1BA80];
	v17 =	vmul.f32 v17, v30  }
0x244: {  	v30 =	vld [tilespmem:s26+$0x1BB00];
	v12 =	vmul.f32 v12, v29;
	v26 =	vmul.f32 v26, v35  }
0x245: {  	v58 =	vld [tilespmem:s31+$0x19040];
	v7 =	vmul.f32 v15, v7;
	v10 =	vmul.f32 v10, v31  }
0x246: {  	v59 =	vld [tilespmem:s31+$0x19030];
	v6 =	vmul.f32 v16, v6;
	v4 =	vmul.f32 v17, v4;
	v26 =	vsub.f32 $1.500000000e+00, v26  }
0x247: {  	v11 =	vld [tilespmem:s31+$0x18030];
	v5 =	vmul.f32 v12, v5;
	v1 =	vmul.f32 v10, v1  }
0x248: {  	v52 =	vld [tilespmem:s31+$0x19070];
	v26 =	vmul.f32 v26, v35;
	v56 =	vmul.f32 v54, v34  }
0x249: {  	v15 =	vld [tilespmem:s26+$0x1BC80];
	v16 =	vmul.f32 v53, v32;
	v10 =	vmul.f32 v54, v30  }
0x24a: {  	v62 =	vmul.f32 v58, v34;
	v37 =	vmul.f32 v57, v32  }
0x24b: {  	v63 =	vld [tilespmem:s31+$0x18020];
	v27 =	vsub.f32 $1.500000000e+00, v27;
	v39 =	vmul.f32 v58, v30;
	v23 =	vmul.f32 v59, v34  }
0x24c: {  	v40 =	vmul.f32 v11, v32;
	v43 =	vmul.f32 v59, v30  }
0x24d: {  	v35 =	vld [tilespmem:s26+$0x1B900];
	v3 =	vmul.f32 v26, v3;
	v26 =	vmul.f32 v27, v33  }
0x24e: {  	v21 =	vld [tilespmem:s31+$0x19020];
	v29 =	vmul.f32 v52, v15;
	v38 =	vmul.f32 v54, v15  }
0x24f: {  	v13 =	vsub.f32 $1.500000000e+00, v13;
	v27 =	vld [tilespmem:s31+$0x18070];
	v20 =	vmul.f32 v58, v15;
	v54 =	vmul.f32 v11, v36  }
0x250: {  	v10 =	vadd.f32 v10, v16;
	v58 =	vmul.f32 v63, v36;
	v9 =	vmul.f32 v26, v9  }
0x251: {  	v37 =	vadd.f32 v39, v37;
	v26 =	vmul.f32 v13, v28;
	v13 =	vmul.f32 v52, v34  }
0x252: {  	v55 =	vld [tilespmem:s31+$0x18050];
	v3 =	vadd.f32 v3, v24;
	v31 =	vmul.f32 v53, v35;
	v61 =	vmul.f32 v57, v35  }
0x253: {  	v50 =	vadd.f32 v43, v40;
	v24 =	vld [tilespmem:s31+$0x19050];
	v22 =	vmul.f32 v11, v35;
	v57 =	vmul.f32 v21, v34  }
0x254: {  	v3 =	vadd.f32 v9, v3;
	v12 =	vmul.f32 v27, v35;
	v28 =	vmul.f32 v27, v36  }
0x255: {  	v9 =	vmul.f32 v27, v32;
	v27 =	vmul.f32 v52, v30;
	v31 =	vadd.f32 v56, v31  }
0x256: {  	v56 =	vmul.f32 v63, v35;
	v45 =	vadd.f32 v62, v61;
	v61 =	vmul.f32 v21, v15  }
0x257: {  	v62 =	vmul.f32 v21, v30;
	v3 =	vadd.f32 v7, v3;
	v7 =	vmul.f32 v53, v36  }
0x258: {  	v8 =	vld [tilespmem:s31+$0x19000];
	v47 =	vadd.f32 v20, v47;
	v53 =	vmul.f32 v55, v36;
	v52 =	vmul.f32 v24, v34  }
0x259: {  	v60 =	vmul.f32 v24, v15;
	v28 =	vadd.f32 v29, v28;
	v29 =	vld [tilespmem:s31+$0x18010];
	v3 =	vadd.f32 v6, v3  }
0x25a: {  	v18 =	vld [tilespmem:s31+$0x1A010];
	v17 =	vmul.f32 v24, v30;
	v12 =	vadd.f32 v13, v12;
	v9 =	vadd.f32 v27, v9  }
0x25b: {  	v6 =	vmul.f32 v55, v35;
	v51 =	vadd.f32 v60, v53;
	v60 =	vld [tilespmem:s31+$0x19010];
	v3 =	vadd.f32 v4, v3  }
0x25c: {  	v20 =	vld [tilespmem:s31+$0x1A060];
	v16 =	vadd.f32 v57, v56;
	v7 =	vadd.f32 v38, v7;
	v4 =	vmul.f32 v55, v32  }
0x25d: {  	v27 =	vld [tilespmem:s31+$0x1A070];
	v55 =	vmul.f32 v59, v15;
	v6 =	vadd.f32 v52, v6;
	v1 =	vadd.f32 v1, v3  }
0x25e: {  	v59 =	vld [tilespmem:s31+$0x18000];
	v4 =	vadd.f32 v17, v4;
	v3 =	vmul.f32 v63, v32;
	v63 =	vmul.f32 v29, v35  }
0x25f: {  	v52 =	vld [tilespmem:s26+$0x1BB80];
	v11 =	vmul.f32 v29, v36;
	v29 =	vmul.f32 v29, v32;
	v24 =	vadd.f32 v5, v1  }
0x260: {  	v17 =	vld [tilespmem:s26+$0x1BA00];
	v1 =	vadd.f32 v23, v22;
	v21 =	vmul.f32 v60, v34;
	v22 =	vmul.f32 v60, v15  }
0x261: {  	v57 =	vld [tilespmem:s31+$0x1A040];
	v38 =	vadd.f32 v61, v58;
	v42 =	vmul.f32 v60, v30;
	v34 =	vmul.f32 v8, v34  }
0x262: {  	v13 =	vadd.f32 v55, v54;
	v5 =	vld [tilespmem:s26+$0x1BD00];
	v15 =	vmul.f32 v8, v15;
	v30 =	vmul.f32 v8, v30  }
0x263: {  	v3 =	vadd.f32 v62, v3;
	v35 =	vmul.f32 v59, v35;
	v36 =	vmul.f32 v59, v36  }
0x264: {  	v23 =	vld [tilespmem:s31+$0x1A050];
	v32 =	vmul.f32 v59, v32;
	v33 =	vmul.f32 v20, v52;
	v48 =	vadd.f32 v21, v63  }
0x265: {  	v49 =	vadd.f32 v22, v11;
	v54 =	vadd.f32 v42, v29;
	v44 =	vmul.f32 v27, v17  }
0x266: {  	v60 =	vld [tilespmem:s31+$0x1A030];
	v53 =	vadd.f32 v34, v35;
	v58 =	vmul.f32 v20, v17;
	v0 =	vmul.f32 v57, v17  }
0x267: {  	v55 =	vadd.f32 v30, v32;
	v56 =	vmul.f32 v18, v17;
	v46 =	vmul.f32 v27, v5  }
0x268: {  	v15 =	vadd.f32 v15, v36;
	v27 =	vmul.f32 v27, v52;
	v59 =	vmul.f32 v20, v5  }
0x269: {  	v42 =	vadd.f32 v44, v12;
	v61 =	vmul.f32 v23, v17;
	v62 =	vmul.f32 v23, v5  }
0x26a: {  	v41 =	vadd.f32 v58, v31;
	v63 =	vmul.f32 v23, v52;
	v2 =	vmul.f32 v57, v5  }
0x26b: {  	v21 =	vld [tilespmem:s31+$0x1A000];
	v19 =	vmul.f32 v60, v17;
	v43 =	vadd.f32 v0, v45;
	v48 =	vadd.f32 v56, v48  }
0x26c: {  	v20 =	vmul.f32 v60, v5;
	v29 =	vadd.f32 v46, v28;
	v30 =	vadd.f32 v27, v9  }
0x26d: {  	v22 =	vmul.f32 v60, v52;
	v28 =	vadd.f32 v33, v10;
	v34 =	vadd.f32 v59, v7  }
0x26e: {  	v58 =	vmul.f32 v18, v52;
	v44 =	vadd.f32 v61, v6;
	v35 =	vadd.f32 v62, v51  }
0x26f: {  	v27 =	vmul.f32 v57, v52;
	v36 =	vadd.f32 v63, v4;
	v39 =	vadd.f32 v2, v47  }
0x270: {  	v46 =	vadd.f32 v19, v1;
	v57 =	vmul.f32 v18, v5;
	v59 =	vmul.f32 v21, v17  }
0x271: {  	v40 =	vadd.f32 v20, v13;
	v60 =	vmul.f32 v21, v5;
	v61 =	vmul.f32 v21, v52  }
0x272: {  	v31 =	vld [tilespmem:s31+$0x1A020];
	v62 =	vmax.f32 v42, $0.0e+00;
	v63 =	vmax.f32 v41, $0.0e+00;
	v32 =	vadd.f32 v27, v37  }
0x273: {  	v1 =	vmin.f32 v62, $3.200000000e+01;
	v37 =	vadd.f32 v57, v49;
	v47 =	vadd.f32 v59, v53  }
0x274: {  	v49 =	vmul.f32 v26, v25;
	v26 =	vadd.f32 v58, v54;
	v25 =	vadd.f32 v61, v55  }
0x275: {  	v33 =	vadd.f32 v60, v15;
	v2 =	vmax.f32 v30, $0.0e+00;
	v19 =	vmax.f32 v28, $0.0e+00  }
0x276: {  	v20 =	vmax.f32 v29, $0.0e+00;
	v21 =	vmax.f32 v34, $0.0e+00;
	v54 =	vmax.f32 v40, $0.0e+00  }
0x277: {  	v1 =	vtrunc.f32 v1;
	v61 =	vmax.f32 v43, $0.0e+00;
	v23 =	vmul.f32 v31, v17  }
0x278: {  	v62 =	vmax.f32 v46, $0.0e+00;
	v51 =	vmul.f32 v31, v5;
	v27 =	vmul.f32 v31, v52  }
0x279: {  	v31 =	vadd.f32 v22, v50;
	v5 =	vmin.f32 v19, $3.200000000e+01;
	v22 =	vmax.f32 v44, $0.0e+00  }
0x27a: {  	v7 =	vmin.f32 v21, $3.200000000e+01;
	v50 =	vmax.f32 v35, $0.0e+00;
	v52 =	vmax.f32 v39, $0.0e+00  }
0x27b: {  	v4 =	vmin.f32 v2, $3.200000000e+01;
	v6 =	vmin.f32 v20, $3.200000000e+01;
	v17 =	vmin.f32 v54, $3.200000000e+01  }
0x27c: {  	v1 =	vcvt.f32.s32 v1;
	v2 =	vmax.f32 v48, $0.0e+00;
	v5 =	vtrunc.f32 v5  }
0x27d: {  	v7 =	vtrunc.f32 v7;
	v12 =	vmin.f32 v50, $3.200000000e+01;
	v6 =	vtrunc.f32 v6  }
0x27e: {  	v15 =	vmin.f32 v52, $3.200000000e+01;
	v4 =	vtrunc.f32 v4;
	v17 =	vtrunc.f32 v17  }
0x27f: {  	v57 =	vmax.f32 v26, $0.0e+00;
	v58 =	vmax.f32 v37, $0.0e+00;
	v59 =	vmax.f32 v25, $0.0e+00  }
0x280: {  	v9 =	vmin.f32 v22, $3.200000000e+01;
	v60 =	vmax.f32 v33, $0.0e+00;
	v45 =	vadd.f32 v23, v16  }
0x281: {  	v14 =	vmax.f32 v47, $0.0e+00;
	v27 =	vadd.f32 v27, v3;
	v38 =	vadd.f32 v51, v38  }
0x282: {  	v23 =	vmax.f32 v36, $0.0e+00;
	v5 =	vcvt.f32.s32 v5;
	v7 =	vcvt.f32.s32 v7  }
0x283: {  	v51 =	vmax.f32 v32, $0.0e+00;
	v12 =	vtrunc.f32 v12;
	v4 =	vcvt.f32.s32 v4  }
0x284: {  	v53 =	vmax.f32 v31, $0.0e+00;
	v6 =	vcvt.f32.s32 v6;
	v15 =	vtrunc.f32 v15  }
0x285: {  	v17 =	vcvt.f32.s32 v17;
	v3 =	vmin.f32 v63, $3.200000000e+01;
	v9 =	vtrunc.f32 v9  }
0x286: {  	v1 =	vshll.u32 v1, $0xA;
	v10 =	vmin.f32 v23, $3.200000000e+01;
	v13 =	vmin.f32 v51, $3.200000000e+01  }
0x287: {  	v16 =	vmin.f32 v53, $3.200000000e+01;
	v15 =	vcvt.f32.s32 v15;
	v12 =	vcvt.f32.s32 v12  }
0x288: {  	v3 =	vtrunc.f32 v3;
	v9 =	vcvt.f32.s32 v9;
	v5 =	vshll.u32 v5, $0x5  }
0x289: {  	v55 =	vmax.f32 v27, $0.0e+00;
	v10 =	vtrunc.f32 v10;
	v13 =	vtrunc.f32 v13  }
0x28a: {  	v16 =	vtrunc.f32 v16;
	v4 =	vshll.u32 v4, $0x5;
	v56 =	vmax.f32 v38, $0.0e+00  }
0x28b: {  	v3 =	vcvt.f32.s32 v3;
	v63 =	vmax.f32 v45, $0.0e+00;
	v5 =	vadd.s32 v7, v5  }
0x28c: {  	v16 =	vcvt.f32.s32 v16;
	v4 =	vadd.s32 v6, v4;
	v13 =	vcvt.f32.s32 v13  }
0x28d: {  	v10 =	vcvt.f32.s32 v10;
	v7 =	vmin.f32 v55, $3.200000000e+01;
	v6 =	vmin.f32 v56, $3.200000000e+01  }
0x28e: {  	v9 =	vshll.u32 v9, $0xA;
	v7 =	vtrunc.f32 v7;
	v6 =	vtrunc.f32 v6  }
0x28f: {  	v1 =	vadd.s32 v1, v4;
	v3 =	vshll.u32 v3, $0xA;
	v4 =	vmin.f32 v62, $3.200000000e+01  }
0x290: {  	v16 =	vshll.u32 v16, $0x5;
	v13 =	vshll.u32 v13, $0x5;
	v10 =	vshll.u32 v10, $0x5  }
0x291: {  	v7 =	vcvt.f32.s32 v7;
	v6 =	vcvt.f32.s32 v6;
	v3 =	vadd.s32 v3, v5  }
0x292: {  	v5 =	vmin.f32 v2, $3.200000000e+01;
	v4 =	vtrunc.f32 v4;
	vm8 =	vlt.s32 v1, $0x7FFF  }
0x293: {  	v16 =	vadd.s32 v17, v16;
	v13 =	vadd.s32 v15, v13;
	v10 =	vadd.s32 v12, v10  }
0x294: {  	v17 =	vmin.f32 v57, $3.200000000e+01;
	v15 =	vmin.f32 v58, $3.200000000e+01;
	v12 =	vmin.f32 v59, $3.200000000e+01  }
0x295: {  	v5 =	vtrunc.f32 v5;
	v4 =	vcvt.f32.s32 v4;
	vm9 =	vlt.s32 v3, $0x7FFF  }
0x296: {  	v58 =	vnsel vm8, $0x7FFF, v1;
	v17 =	vtrunc.f32 v17;
	v15 =	vtrunc.f32 v15  }
0x297: {  	v7 =	vshll.u32 v7, $0x5;
	v12 =	vtrunc.f32 v12;
	v9 =	vadd.s32 v9, v10  }
0x298: {  	v10 =	vmin.f32 v14, $3.200000000e+01;
	v5 =	vcvt.f32.s32 v5;
	v17 =	vcvt.f32.s32 v17  }
0x299: {  	v56 =	vnsel vm9, $0x7FFF, v3;
	v15 =	vcvt.f32.s32 v15;
	v6 =	vadd.s32 v6, v7  }
0x29a: {  	v12 =	vcvt.f32.s32 v12;
	v7 =	vmin.f32 v61, $3.200000000e+01;
	v17 =	vshll.u32 v17, $0x5  }
0x29b: {  	v10 =	vtrunc.f32 v10;
	v15 =	vadd.s32 v15, v17;
	v17 =	vmin.f32 v60, $3.200000000e+01  }
0x29c: {  	v4 =	vshll.u32 v4, $0xA;
	v7 =	vtrunc.f32 v7;
	v17 =	vtrunc.f32 v17  }
0x29d: {  	vm10 =	vlt.s32 v9, $0x7FFF;
	v10 =	vcvt.f32.s32 v10;
	v17 =	vcvt.f32.s32 v17  }
0x29e: {  	v21 =	vadd.s32 v4, v16;
	v54 =	vnsel vm10, $0x7FFF, v9;
	v12 =	vshll.u32 v12, $0x5  }
0x29f: {  	v7 =	vcvt.f32.s32 v7;
	v12 =	vadd.s32 v17, v12;
	v17 =	vmin.f32 v63, $3.200000000e+01  }
0x2a0: {  	v5 =	vshll.u32 v5, $0xA;
	vm12 =	vlt.s32 v21, $0x7FFF;
	v17 =	vtrunc.f32 v17  }
0x2a1: {  	v22 =	vshll.u32 v10, $0xA;
	v7 =	vshll.u32 v7, $0xA;
	v19 =	vcvt.f32.s32 v17  }
0x2a2: {  	v52 =	vnsel vm12, $0x7FFF, v21;
	v60 =	vadd.f32 v49, v24;
	v7 =	vadd.s32 v7, v13  }
0x2a3: {  	v5 =	vadd.s32 v5, v15;
	vm11 =	vlt.s32 v7, $0x7FFF;
	v20 =	vshll.u32 v19, $0xA  }
0x2a4: {  	v57 =	vld.idx.msk [tilespmem:v58+s3+$0x0], $0xffff;
	v53 =	vnsel vm11, $0x7FFF, v7;
	v23 =	vadd.s32 v22, v12;
	v1 =	vadd.s32 v20, v6  }
0x2a5: {  	v55 =	vld.idx.msk [tilespmem:v56+s3+$0x0], $0xffff;
	vm14 =	vlt.s32 v5, $0x7FFF;
	vm15 =	vlt.s32 v23, $0x7FFF;
	vm13 =	vlt.s32 v1, $0x7FFF  }
0x2a6: {  	s25 =	simm.s32 $0x1;
	v50 =	vnsel vm14, $0x7FFF, v5;
	v59 =	vld.idx.msk [tilespmem:v54+s3+$0x0], $0xffff;
	v49 =	vnsel vm15, $0x7FFF, v23;
	v51 =	vnsel vm13, $0x7FFF, v1  }
.LBB2_4:
0x2a7: {  	_ =	sdelay $0x1  }
0x2a8: {  	v1 =	vld.idx.msk [tilespmem:v53+s3+$0x0], $0xffff;
	v3 =	vadd.s32 $0x10000, v58  }
0x2a9: {  	v4 =	vld.idx.msk [tilespmem:v52+s3+$0x0], $0xffff;
	v5 =	vadd.s32 $0x10000, v56  }
0x2aa: {  	v6 =	vld.idx.msk [tilespmem:v51+s3+$0x0], $0xffff;
	v7 =	vadd.s32 $0x8000, v58  }
0x2ab: {  	v9 =	vld.idx.msk [tilespmem:v50+s3+$0x0], $0xffff;
	v10 =	vadd.s32 $0x10000, v54  }
0x2ac: {  	v12 =	vld.idx.msk [tilespmem:v49+s3+$0x0], $0xffff;
	v13 =	vadd.s32 $0x8000, v56  }
0x2ad: {  	v15 =	vadd.s32 $0x10000, v53;
	v3 =	vld.idx.msk [tilespmem:v3+s3+$0x0], $0xffff  }
0x2ae: {  	v16 =	vadd.s32 $0x8000, v54;
	v5 =	vld.idx.msk [tilespmem:v5+s3+$0x0], $0xffff  }
0x2af: {  	v17 =	vadd.s32 $0x10000, v52;
	v7 =	vld.idx.msk [tilespmem:v7+s3+$0x0], $0xffff  }
0x2b0: {  	v20 =	vadd.s32 $0x8000, v53;
	v10 =	vld.idx.msk [tilespmem:v10+s3+$0x0], $0xffff  }
0x2b1: {  	v21 =	vadd.s32 $0x10000, v51;
	v22 =	vadd.s32 $0x8000, v52;
	v13 =	vld.idx.msk [tilespmem:v13+s3+$0x0], $0xffff  }
0x2b2: {  	v23 =	vadd.s32 $0x10000, v50;
	v42 =	vsub.f32 v42, v57;
	v44 =	vsub.f32 v44, v59;
	v15 =	vld.idx.msk [tilespmem:v15+s3+$0x0], $0xffff  }
0x2b3: {  	v41 =	vsub.f32 v41, v55;
	v55 =	vadd.s32 $0x8000, v51;
	v57 =	vadd.s32 $0x10000, v49;
	v16 =	vld.idx.msk [tilespmem:v16+s3+$0x0], $0xffff  }
0x2b4: {  	v59 =	vadd.s32 $0x8000, v50;
	v17 =	vld.idx.msk [tilespmem:v17+s3+$0x0], $0xffff;
	v4 =	vsub.f32 v46, v4;
	v1 =	vsub.f32 v43, v1  }
0x2b5: {  	v9 =	vsub.f32 v48, v9;
	v6 =	vsub.f32 v45, v6;
	v58 =	vld.idx.msk [tilespmem:v20+s3+$0x0], $0xffff;
	v20 =	vmul.f32 v41, v41  }
0x2b6: {  	v12 =	vsub.f32 v47, v12;
	v61 =	vld.idx.msk [tilespmem:v21+s3+$0x0], $0xffff;
	v21 =	vmul.f32 v42, v42;
	v1 =	vmul.f32 v1, v1  }
0x2b7: {  	v6 =	vmul.f32 v6, v6;
	v4 =	vmul.f32 v4, v4;
	v3 =	vsub.f32 v29, v3  }
0x2b8: {  	v62 =	vld.idx.msk [tilespmem:v22+s3+$0x0], $0xffff;
	v12 =	vmul.f32 v12, v12;
	v5 =	vsub.f32 v34, v5;
	v7 =	vsub.f32 v30, v7  }
0x2b9: {  	v9 =	vmul.f32 v9, v9;
	v10 =	vsub.f32 v35, v10;
	v13 =	vsub.f32 v28, v13  }
0x2ba: {  	v22 =	vld.idx.msk [tilespmem:v59+s3+$0x0], $0xffff;
	v29 =	vadd.s32 $0x8000, v49;
	v15 =	vsub.f32 v39, v15;
	v16 =	vsub.f32 v36, v16  }
0x2bb: {  	v30 =	vld.idx.msk [tilespmem:v23+s3+$0x0], $0xffff;
	v17 =	vsub.f32 v40, v17;
	v23 =	vmul.f32 v44, v44;
	v5 =	vmul.f32 v5, v5  }
0x2bc: {  	v32 =	vsub.f32 v32, v58;
	v3 =	vmul.f32 v3, v3;
	v10 =	vmul.f32 v10, v10  }
0x2bd: {  	v28 =	vld.idx.msk [tilespmem:v55+s3+$0x0], $0xffff;
	v31 =	vsub.f32 v31, v62;
	v7 =	vmul.f32 v7, v7;
	v13 =	vmul.f32 v13, v13  }
0x2be: {  	v63 =	vld.idx.msk [tilespmem:v57+s3+$0x0], $0xffff;
	v38 =	vsub.f32 v38, v61;
	v32 =	vmul.f32 v32, v32;
	v16 =	vmul.f32 v16, v16  }
0x2bf: {  	v43 =	vmul.f32 v31, v31;
	v26 =	vsub.f32 v26, v22;
	v13 =	vadd.f32 v13, v20  }
0x2c0: {  	v15 =	vmul.f32 v15, v15;
	v7 =	vadd.f32 v7, v21;
	v1 =	vadd.f32 v32, v1  }
0x2c1: {  	v17 =	vmul.f32 v17, v17;
	v16 =	vadd.f32 v16, v23;
	v4 =	vadd.f32 v43, v4  }
0x2c2: {  	s26 =	sshrl.u32 s25, $0x5;
	v45 =	vmul.f32 v38, v38;
	v30 =	vsub.f32 v37, v30;
	v27 =	vsub.f32 v27, v28  }
0x2c3: {  	s24 =	sadd.s32 $0x80, s24;
	s28 =	smul.u32 $0x1200, s26;
	v28 =	vsub.f32 v33, v63;
	v44 =	vmul.f32 v26, v26;
	v34 =	vadd.f32 v15, v1  }
0x2c4: {  	s31 =	sand.u32 $0xF80, s24;
	v29 =	vld.idx.msk [tilespmem:v29+s3+$0x0], $0xffff;
	v32 =	vadd.f32 v10, v16;
	v35 =	vadd.f32 v17, v4;
	v27 =	vmul.f32 v27, v27  }
0x2c5: {  	s28 =	sshra.s32 s28, $0x2;
	v31 =	vld [tilespmem:s31+$0x1A070];
	v37 =	vmul.f32 v30, v30;
	v30 =	vadd.f32 v5, v13;
	v46 =	vmul.f32 v28, v28  }
0x2c6: {  	v26 =	vld [tilespmem:s28+$0x1BD00];
	v9 =	vadd.f32 v44, v9;
	v47 =	vmax.f32 v32, $9.999999680e-21;
	v50 =	vmax.f32 v35, $9.999999680e-21  }
0x2c7: {  	v51 =	vmax.f32 v34, $9.999999680e-21;
	v6 =	vadd.f32 v27, v6;
	v5 =	vmax.f32 v30, $9.999999680e-21  }
0x2c8: {  	v55 =	vshra.s32 v51, $0x1;
	v56 =	vshra.s32 v47, $0x1;
	v4 =	vmul.f32 $5.000000000e-01, v47  }
0x2c9: {  	v10 =	vmul.f32 $5.000000000e-01, v51;
	v29 =	vsub.f32 v25, v29;
	v54 =	vshra.s32 v5, $0x1  }
0x2ca: {  	v5 =	vmul.f32 $5.000000000e-01, v5;
	v33 =	vsub.s32 $0x5F3759DF, v56;
	v17 =	vsub.s32 $0x5F3759DF, v55  }
0x2cb: {  	v25 =	vld [tilespmem:s28+$0x1BA00];
	v36 =	vadd.f32 v45, v6;
	v28 =	vmul.f32 v31, v26;
	v63 =	vmul.f32 v33, v4  }
0x2cc: {  	v57 =	vshra.s32 v50, $0x1;
	v8 =	vmul.f32 v17, v10;
	v29 =	vmul.f32 v29, v29  }
0x2cd: {  	v16 =	vsub.s32 $0x5F3759DF, v54;
	v49 =	vmax.f32 v36, $9.999999680e-21;
	v42 =	vmul.f32 v33, v63  }
0x2ce: {  	v45 =	vmul.f32 v17, v8;
	v12 =	vadd.f32 v29, v12;
	v29 =	vadd.f32 v3, v7  }
0x2cf: {  	v3 =	vadd.f32 v37, v9;
	v9 =	vmul.f32 $5.000000000e-01, v50;
	v59 =	vshra.s32 v49, $0x1  }
0x2d0: {  	v7 =	vmul.f32 $5.000000000e-01, v49;
	v37 =	vsub.s32 $0x5F3759DF, v57;
	v0 =	vmul.f32 v31, v25  }
0x2d1: {  	v39 =	vsub.s32 $0x5F3759DF, v59;
	v22 =	vsub.f32 $1.500000000e+00, v45;
	v1 =	vadd.f32 v46, v12  }
0x2d2: {  	v48 =	vmax.f32 v29, $9.999999680e-21;
	v52 =	vmax.f32 v3, $9.999999680e-21;
	v11 =	vmul.f32 v39, v7  }
0x2d3: {  	v14 =	vmul.f32 v37, v9;
	v53 =	vshra.s32 v48, $0x1;
	v6 =	vmul.f32 $5.000000000e-01, v48  }
0x2d4: {  	[tilespmem:$0x1FE70] =	vst v0;
	v58 =	vshra.s32 v52, $0x1;
	v13 =	vmul.f32 $5.000000000e-01, v52;
	v0 =	vmul.f32 v16, v5  }
0x2d5: {  	v17 =	vmul.f32 v17, v22;
	v12 =	vmax.f32 v1, $9.999999680e-21;
	v15 =	vsub.s32 $0x5F3759DF, v53  }
0x2d6: {  	v38 =	vsub.s32 $0x5F3759DF, v58;
	v46 =	vmul.f32 v39, v11;
	v47 =	vmul.f32 v37, v14  }
0x2d7: {  	v61 =	vshra.s32 v12, $0x1;
	v12 =	vmul.f32 $5.000000000e-01, v12;
	v62 =	vmul.f32 v15, v6  }
0x2d8: {  	v18 =	vmul.f32 v38, v13;
	v43 =	vmul.f32 v16, v0  }
0x2d9: {  	v50 =	vld [tilespmem:s31+$0x1A050];
	v10 =	vmul.f32 v17, v10;
	v40 =	vsub.s32 $0x5F3759DF, v61;
	v46 =	vsub.f32 $1.500000000e+00, v46  }
0x2da: {  	v21 =	vsub.f32 $1.500000000e+00, v47;
	v2 =	vmul.f32 v40, v12;
	v41 =	vmul.f32 v15, v62  }
0x2db: {  	v48 =	vmul.f32 v38, v18;
	v43 =	vsub.f32 $1.500000000e+00, v43;
	v10 =	vmul.f32 v10, v17  }
0x2dc: {  	v20 =	vsub.f32 $1.500000000e+00, v42;
	v42 =	vld [tilespmem:s28+$0x1BB00];
	v39 =	vmul.f32 v39, v46;
	v37 =	vmul.f32 v37, v21  }
0x2dd: {  	v59 =	vld [tilespmem:s31+$0x19060];
	v44 =	vmul.f32 v40, v2;
	v41 =	vsub.f32 $1.500000000e+00, v41;
	v16 =	vmul.f32 v16, v43  }
0x2de: {  	v19 =	vsub.f32 $1.500000000e+00, v48;
	v43 =	vmul.f32 v50, v26;
	v7 =	vmul.f32 v39, v7  }
0x2df: {  	v10 =	vsub.f32 $1.500000000e+00, v10;
	v9 =	vmul.f32 v37, v9;
	v15 =	vmul.f32 v15, v41  }
0x2e0: {  	v38 =	vmul.f32 v38, v19;
	v41 =	vmul.f32 v33, v20  }
0x2e1: {  	v23 =	vld [tilespmem:s31+$0x1A060];
	v44 =	vsub.f32 $1.500000000e+00, v44;
	v5 =	vmul.f32 v16, v5;
	v54 =	vmul.f32 v10, v17  }
0x2e2: {  	v10 =	vmul.f32 v59, v42;
	v7 =	vmul.f32 v7, v39  }
0x2e3: {  	v9 =	vmul.f32 v9, v37;
	v40 =	vmul.f32 v40, v44  }
0x2e4: {  	v13 =	vmul.f32 v38, v13;
	v4 =	vmul.f32 v41, v4  }
0x2e5: {  	v33 =	vld [tilespmem:s28+$0x1BB80];
	v5 =	vmul.f32 v5, v16;
	v6 =	vmul.f32 v15, v6  }
0x2e6: {  	v55 =	vmul.f32 v54, v34;
	v34 =	vmul.f32 v23, v26;
	v7 =	vsub.f32 $1.500000000e+00, v7  }
0x2e7: {  	v9 =	vsub.f32 $1.500000000e+00, v9;
	v12 =	vmul.f32 v40, v12;
	v13 =	vmul.f32 v13, v38  }
0x2e8: {  	v63 =	vld [tilespmem:s31+$0x1A040];
	v4 =	vmul.f32 v4, v41;
	v6 =	vmul.f32 v6, v15  }
0x2e9: {  	v49 =	vld [tilespmem:s31+$0x19070];
	v5 =	vsub.f32 $1.500000000e+00, v5;
	v7 =	vmul.f32 v7, v39;
	v52 =	vmul.f32 v9, v37  }
0x2ea: {  	v58 =	vld [tilespmem:s31+$0x18060];
	v46 =	vmul.f32 v50, v33;
	v12 =	vmul.f32 v12, v40  }
0x2eb: {  	v37 =	vld [tilespmem:s28+$0x1B980];
	v13 =	vsub.f32 $1.500000000e+00, v13;
	v4 =	vsub.f32 $1.500000000e+00, v4;
	v57 =	vmul.f32 v5, v16  }
0x2ec: {  	v39 =	vld [tilespmem:s28+$0x1BC80];
	v6 =	vsub.f32 $1.500000000e+00, v6;
	v51 =	vmul.f32 v7, v36;
	v53 =	vmul.f32 v52, v35  }
0x2ed: {  	v14 =	vld [tilespmem:s31+$0x19020];
	v35 =	vmul.f32 v23, v25;
	v12 =	vsub.f32 $1.500000000e+00, v12;
	v47 =	vmul.f32 v13, v38  }
0x2ee: {  	v21 =	vld [tilespmem:s31+$0x19050];
	v4 =	vmul.f32 v4, v41;
	v61 =	vmul.f32 v6, v15  }
0x2ef: {  	v48 =	vld [tilespmem:s31+$0x18070];
	v12 =	vmul.f32 v12, v40;
	v3 =	vmul.f32 v47, v3  }
0x2f0: {  	v20 =	vld [tilespmem:s31+$0x18050];
	v56 =	vmul.f32 v4, v32;
	v9 =	vmul.f32 v49, v37  }
0x2f1: {  	v36 =	vld [tilespmem:s28+$0x1B900];
	v15 =	vmul.f32 v49, v39;
	v32 =	vmul.f32 v23, v33  }
0x2f2: {  	v38 =	vld [tilespmem:s28+$0x1BC00];
	v62 =	vmul.f32 v61, v29;
	v40 =	vmul.f32 v50, v25  }
0x2f3: {  	v41 =	vld [tilespmem:s28+$0x1BA80];
	v17 =	vmul.f32 v59, v37;
	v47 =	vmul.f32 v63, v25  }
0x2f4: {  	v4 =	vmul.f32 v63, v33;
	v54 =	vmul.f32 v21, v39  }
0x2f5: {  	v8 =	vld [tilespmem:s31+$0x19030];
	v2 =	vmul.f32 v14, v39;
	v1 =	vmul.f32 v12, v1  }
0x2f6: {  	v22 =	vld [tilespmem:s31+$0x18040];
	v7 =	vmul.f32 v48, v36;
	v12 =	vmul.f32 v49, v42  }
0x2f7: {  	v11 =	vld [tilespmem:s31+$0x18020];
	v49 =	vmul.f32 v20, v36;
	v6 =	vmul.f32 v48, v38  }
0x2f8: {  	v18 =	vld [tilespmem:s31+$0x19010];
	v13 =	vmul.f32 v48, v41;
	v29 =	vmul.f32 v58, v38  }
0x2f9: {  	v23 =	vld [tilespmem:s31+$0x19040];
	v5 =	vmul.f32 v58, v41;
	v48 =	vmul.f32 v63, v26  }
0x2fa: {  	v50 =	vld [tilespmem:s31+$0x18030];
	v52 =	vmul.f32 v20, v38;
	v16 =	vmul.f32 v20, v41  }
0x2fb: {  	v61 =	vld [tilespmem:s31+$0x18010];
	v45 =	vmul.f32 v22, v41;
	v63 =	vmul.f32 v8, v37  }
0x2fc: {  	v0 =	vmul.f32 v11, v38;
	v1 =	vadd.f32 v1, v60;
	v60 =	vmul.f32 v57, v30  }
0x2fd: {  	v30 =	vmul.f32 v59, v39;
	v59 =	vmul.f32 v22, v38;
	v7 =	vadd.f32 v9, v7  }
0x2fe: {  	v9 =	vmul.f32 v18, v39;
	v57 =	vmul.f32 v23, v37;
	v1 =	vadd.f32 v3, v1  }
0x2ff: {  	v44 =	vmul.f32 v23, v42;
	v19 =	vmul.f32 v50, v38  }
0x300: {  	v24 =	vmul.f32 v61, v38;
	v6 =	vadd.f32 v15, v6;
	v1 =	vadd.f32 v51, v1  }
0x301: {  	v20 =	vld [tilespmem:s31+$0x19000];
	v12 =	vadd.f32 v12, v13;
	v13 =	vmul.f32 v61, v41;
	v5 =	vadd.f32 v10, v5  }
0x302: {  	v15 =	vmul.f32 v18, v42;
	v0 =	vadd.f32 v2, v0;
	v1 =	vadd.f32 v53, v1  }
0x303: {  	v3 =	vmul.f32 v58, v36;
	v10 =	vadd.f32 v30, v29;
	v51 =	vmul.f32 v21, v37  }
0x304: {  	v58 =	vmul.f32 v14, v42;
	v9 =	vadd.f32 v9, v24;
	v1 =	vadd.f32 v55, v1  }
0x305: {  	v3 =	vadd.f32 v17, v3;
	v53 =	vmul.f32 v8, v42;
	v17 =	vadd.f32 v51, v49  }
0x306: {  	v51 =	vmul.f32 v20, v42;
	v55 =	vmul.f32 v11, v41;
	v1 =	vadd.f32 v56, v1  }
0x307: {  	v13 =	vadd.f32 v15, v13;
	v24 =	vld [tilespmem:$0x1FE70];
	v56 =	vmul.f32 v22, v36;
	v22 =	vmul.f32 v11, v36  }
0x308: {  	v11 =	vmul.f32 v61, v36;
	v1 =	vadd.f32 v60, v1;
	v60 =	vmul.f32 v23, v39  }
0x309: {  	v34 =	vadd.f32 v34, v10;
	v23 =	vmul.f32 v14, v37;
	v14 =	vmul.f32 v18, v37  }
0x30a: {  	v27 =	vadd.f32 v62, v1;
	v1 =	vmul.f32 v21, v42;
	v21 =	vmul.f32 v8, v39;
	v8 =	vld [tilespmem:s31+$0x18000]  }
0x30b: {  	v18 =	vadd.f32 v54, v52;
	v62 =	vmul.f32 v50, v36;
	v22 =	vadd.f32 v23, v22  }
0x30c: {  	v50 =	vmul.f32 v50, v41;
	v11 =	vadd.f32 v14, v11;
	v42 =	vadd.f32 v24, v7  }
0x30d: {  	v31 =	vmul.f32 v31, v33;
	v30 =	vld [tilespmem:s31+$0x1A030];
	v1 =	vadd.f32 v1, v16;
	v49 =	vadd.f32 v63, v62  }
0x30e: {  	v19 =	vadd.f32 v21, v19;
	v62 =	vmul.f32 v20, v39;
	v23 =	vadd.f32 v53, v50  }
0x30f: {  	v50 =	vadd.f32 v58, v55;
	v29 =	vmul.f32 v8, v36;
	v36 =	vadd.f32 v57, v56  }
0x310: {  	v63 =	vld [tilespmem:s31+$0x1A020];
	v57 =	vmul.f32 v20, v37;
	v37 =	vadd.f32 v44, v45;
	v45 =	vadd.f32 v60, v59  }
0x311: {  	v55 =	vld [tilespmem:s31+$0x1A010];
	v38 =	vmul.f32 v8, v38;
	v8 =	vmul.f32 v8, v41;
	v41 =	vadd.f32 v35, v3  }
0x312: {  	v53 =	vmul.f32 v30, v25;
	v44 =	vadd.f32 v40, v17;
	v35 =	vadd.f32 v43, v18  }
0x313: {  	v56 =	vmul.f32 v30, v26;
	v52 =	vadd.f32 v57, v29;
	v2 =	vadd.f32 v51, v8  }
0x314: {  	v54 =	vadd.f32 v62, v38;
	v57 =	vmul.f32 v30, v33;
	v29 =	vadd.f32 v28, v6  }
0x315: {  	v58 =	vmul.f32 v63, v25;
	v30 =	vadd.f32 v31, v12;
	v61 =	vmul.f32 v63, v26  }
0x316: {  	v28 =	vadd.f32 v32, v5;
	v62 =	vmul.f32 v63, v33;
	v63 =	vmul.f32 v55, v25  }
0x317: {  	v43 =	vadd.f32 v47, v36;
	v36 =	vadd.f32 v46, v1;
	v17 =	vmul.f32 v55, v26  }
0x318: {  	v32 =	vadd.f32 v4, v37;
	v39 =	vadd.f32 v48, v45;
	v18 =	vmul.f32 v55, v33  }
0x319: {  	v46 =	vadd.f32 v53, v49;
	v40 =	vadd.f32 v56, v19;
	v1 =	vmax.f32 v41, $0.0e+00  }
0x31a: {  	v4 =	vmax.f32 v44, $0.0e+00;
	v6 =	vmax.f32 v34, $0.0e+00;
	v1 =	vmin.f32 v1, $3.200000000e+01  }
0x31b: {  	v4 =	vmin.f32 v4, $3.200000000e+01;
	v45 =	vadd.f32 v58, v22;
	v31 =	vadd.f32 v57, v23  }
0x31c: {  	v60 =	vmovc v27;
	v59 =	vld [tilespmem:s31+$0x1A000];
	v6 =	vmin.f32 v6, $3.200000000e+01;
	v27 =	vadd.f32 v62, v50;
	v38 =	vadd.f32 v61, v0  }
0x31d: {  	v48 =	vadd.f32 v63, v11;
	v37 =	vadd.f32 v17, v9;
	v0 =	vmax.f32 v42, $0.0e+00  }
0x31e: {  	v3 =	vmax.f32 v29, $0.0e+00;
	v5 =	vmax.f32 v28, $0.0e+00;
	v7 =	vmax.f32 v43, $0.0e+00  }
0x31f: {  	v8 =	vmax.f32 v36, $0.0e+00;
	v9 =	vmax.f32 v35, $0.0e+00;
	v49 =	vmax.f32 v46, $0.0e+00  }
0x320: {  	v50 =	vmax.f32 v32, $0.0e+00;
	v1 =	vtrunc.f32 v1;
	v6 =	vtrunc.f32 v6  }
0x321: {  	v51 =	vmax.f32 v39, $0.0e+00;
	v4 =	vtrunc.f32 v4;
	v20 =	vmul.f32 v59, v25  }
0x322: {  	v23 =	vmul.f32 v59, v26;
	v33 =	vmul.f32 v59, v33;
	v26 =	vadd.f32 v18, v13  }
0x323: {  	v0 =	vmin.f32 v0, $3.200000000e+01;
	v3 =	vmin.f32 v3, $3.200000000e+01;
	v5 =	vmin.f32 v5, $3.200000000e+01  }
0x324: {  	v7 =	vmin.f32 v7, $3.200000000e+01;
	v8 =	vmin.f32 v8, $3.200000000e+01;
	v9 =	vmin.f32 v9, $3.200000000e+01  }
0x325: {  	v10 =	vmin.f32 v49, $3.200000000e+01;
	v11 =	vmin.f32 v50, $3.200000000e+01;
	v1 =	vcvt.f32.s32 v1  }
0x326: {  	v12 =	vmin.f32 v51, $3.200000000e+01;
	v6 =	vcvt.f32.s32 v6;
	v4 =	vcvt.f32.s32 v4  }
0x327: {  	v53 =	vmax.f32 v31, $0.0e+00;
	v55 =	vmax.f32 v48, $0.0e+00;
	v0 =	vtrunc.f32 v0  }
0x328: {  	v56 =	vmax.f32 v27, $0.0e+00;
	v3 =	vtrunc.f32 v3;
	v5 =	vtrunc.f32 v5  }
0x329: {  	v57 =	vmax.f32 v38, $0.0e+00;
	v9 =	vtrunc.f32 v9;
	v7 =	vtrunc.f32 v7  }
0x32a: {  	v61 =	vmax.f32 v37, $0.0e+00;
	v8 =	vtrunc.f32 v8;
	v11 =	vtrunc.f32 v11  }
0x32b: {  	v12 =	vtrunc.f32 v12;
	v10 =	vtrunc.f32 v10;
	v47 =	vadd.f32 v20, v52  }
0x32c: {  	v25 =	vadd.f32 v33, v2;
	v33 =	vadd.f32 v23, v54;
	v2 =	vmax.f32 v30, $0.0e+00  }
0x32d: {  	v52 =	vmax.f32 v45, $0.0e+00;
	v54 =	vmax.f32 v40, $0.0e+00;
	v59 =	vmax.f32 v26, $0.0e+00  }
0x32e: {  	v14 =	vmin.f32 v53, $3.200000000e+01;
	v18 =	vmin.f32 v57, $3.200000000e+01;
	v0 =	vcvt.f32.s32 v0  }
0x32f: {  	v17 =	vmin.f32 v56, $3.200000000e+01;
	v3 =	vcvt.f32.s32 v3;
	v5 =	vcvt.f32.s32 v5  }
0x330: {  	v16 =	vmin.f32 v55, $3.200000000e+01;
	v9 =	vcvt.f32.s32 v9;
	v7 =	vcvt.f32.s32 v7  }
0x331: {  	v21 =	vmin.f32 v61, $3.200000000e+01;
	v8 =	vcvt.f32.s32 v8;
	v11 =	vcvt.f32.s32 v11  }
0x332: {  	v12 =	vcvt.f32.s32 v12;
	v10 =	vcvt.f32.s32 v10;
	v1 =	vshll.u32 v1, $0xA  }
0x333: {  	v4 =	vshll.u32 v4, $0xA;
	v2 =	vmin.f32 v2, $3.200000000e+01;
	v14 =	vtrunc.f32 v14  }
0x334: {  	v15 =	vmin.f32 v54, $3.200000000e+01;
	v17 =	vtrunc.f32 v17;
	v18 =	vtrunc.f32 v18  }
0x335: {  	v13 =	vmin.f32 v52, $3.200000000e+01;
	v16 =	vtrunc.f32 v16;
	v21 =	vtrunc.f32 v21  }
0x336: {  	v20 =	vmin.f32 v59, $3.200000000e+01;
	v2 =	vtrunc.f32 v2;
	v15 =	vtrunc.f32 v15  }
0x337: {  	v58 =	vmax.f32 v47, $0.0e+00;
	v13 =	vtrunc.f32 v13;
	v20 =	vtrunc.f32 v20  }
0x338: {  	v62 =	vmax.f32 v25, $0.0e+00;
	v14 =	vcvt.f32.s32 v14;
	v17 =	vcvt.f32.s32 v17  }
0x339: {  	v63 =	vmax.f32 v33, $0.0e+00;
	v18 =	vcvt.f32.s32 v18;
	v16 =	vcvt.f32.s32 v16  }
0x33a: {  	v21 =	vcvt.f32.s32 v21;
	v0 =	vshll.u32 v0, $0xA;
	v8 =	vshll.u32 v8, $0x5  }
0x33b: {  	v5 =	vshll.u32 v5, $0x5;
	v10 =	vshll.u32 v10, $0xA;
	v7 =	vshll.u32 v7, $0xA  }
0x33c: {  	v11 =	vshll.u32 v11, $0x5;
	v19 =	vmin.f32 v58, $3.200000000e+01;
	v23 =	vmin.f32 v63, $3.200000000e+01  }
0x33d: {  	v22 =	vmin.f32 v62, $3.200000000e+01;
	v2 =	vcvt.f32.s32 v2;
	v15 =	vcvt.f32.s32 v15  }
0x33e: {  	v13 =	vcvt.f32.s32 v13;
	v20 =	vcvt.f32.s32 v20;
	v5 =	vadd.s32 v6, v5  }
0x33f: {  	v8 =	vadd.s32 v9, v8;
	v19 =	vtrunc.f32 v19;
	v22 =	vtrunc.f32 v22  }
0x340: {  	v23 =	vtrunc.f32 v23;
	v17 =	vshll.u32 v17, $0x5;
	v14 =	vshll.u32 v14, $0x5  }
0x341: {  	v16 =	vshll.u32 v16, $0xA;
	v1 =	vadd.s32 v1, v5;
	v19 =	vcvt.f32.s32 v19  }
0x342: {  	v4 =	vadd.s32 v4, v8;
	v22 =	vcvt.f32.s32 v22;
	v23 =	vcvt.f32.s32 v23  }
0x343: {  	v2 =	vshll.u32 v2, $0x5;
	v13 =	vshll.u32 v13, $0xA;
	v20 =	vshll.u32 v20, $0x5  }
0x344: {  	v14 =	vadd.s32 v15, v14;
	v15 =	vadd.s32 v12, v11;
	v49 =	vadd.s32 v18, v17  }
0x345: {  	vm1 =	vlt.s32 v1, $0x7FFF;
	vm10 =	vlt.s32 v4, $0x7FFF;
	v2 =	vadd.s32 v3, v2  }
0x346: {  	v21 =	vadd.s32 v21, v20;
	v56 =	vnsel vm1, $0x7FFF, v1;
	v0 =	vadd.s32 v0, v2  }
0x347: {  	v51 =	vadd.s32 v7, v15;
	v54 =	vnsel vm10, $0x7FFF, v4;
	vm0 =	vlt.s32 v0, $0x7FFF  }
0x348: {  	p0 =	sne.s32 s25, $0x5F;
	v59 =	vadd.s32 v10, v14;
	v61 =	vadd.s32 v13, v49;
	v58 =	vnsel vm0, $0x7FFF, v0  }
.Ltmp1:
0x349: {  	v19 =	vshll.u32 v19, $0xA;
	v22 =	vshll.u32 v22, $0x5;
	vm11 =	vlt.s32 v51, $0x7FFF;
	(pc) =	sbr.rel @p0 .LBB2_4-.Ltmp1, $4  }
0x34a: {  	vm12 =	vlt.s32 v59, $0x7FFF;
	v62 =	vadd.s32 v16, v21;
	v50 =	vadd.s32 v23, v22  }
0x34b: {  	vm13 =	vlt.s32 v61, $0x7FFF;
	v53 =	vnsel vm11, $0x7FFF, v51;
	v63 =	vadd.s32 v19, v50;
	v55 =	vld.idx.msk [tilespmem:v56+s3+$0x0], $0xffff  }
0x34c: {  	v52 =	vnsel vm12, $0x7FFF, v59;
	vm14 =	vlt.s32 v62, $0x7FFF;
	vm15 =	vlt.s32 v63, $0x7FFF;
	v59 =	vld.idx.msk [tilespmem:v54+s3+$0x0], $0xffff  }
0x34d: {  	s25 =	sadd.s32 $0x1, s25;
	v51 =	vnsel vm13, $0x7FFF, v61;
	v50 =	vnsel vm14, $0x7FFF, v62;
	v49 =	vnsel vm15, $0x7FFF, v63;
	v57 =	vld.idx.msk [tilespmem:v58+s3+$0x0], $0xffff  }
0x34e: {  	_ =	sdelay $0x3  }
0x34f: {  	v0 =	vld.idx.msk [tilespmem:v53+s3+$0x0], $0xffff;
	v1 =	vadd.s32 $0x10000, v58  }
0x350: {  	v2 =	vld.idx.msk [tilespmem:v52+s3+$0x0], $0xffff;
	v3 =	vadd.s32 $0x10000, v56  }
0x351: {  	v4 =	vld.idx.msk [tilespmem:v51+s3+$0x0], $0xffff;
	v5 =	vadd.s32 $0x8000, v58  }
0x352: {  	v6 =	vld.idx.msk [tilespmem:v50+s3+$0x0], $0xffff;
	v7 =	vadd.s32 $0x10000, v54  }
0x353: {  	v8 =	vld.idx.msk [tilespmem:v49+s3+$0x0], $0xffff;
	v9 =	vadd.s32 $0x8000, v56  }
0x354: {  	v10 =	vadd.s32 $0x10000, v53;
	v1 =	vld.idx.msk [tilespmem:v1+s3+$0x0], $0xffff  }
0x355: {  	v11 =	vadd.s32 $0x8000, v54;
	v3 =	vld.idx.msk [tilespmem:v3+s3+$0x0], $0xffff  }
0x356: {  	v12 =	vadd.s32 $0x10000, v52;
	v5 =	vld.idx.msk [tilespmem:v5+s3+$0x0], $0xffff  }
0x357: {  	v13 =	vadd.s32 $0x8000, v53;
	v7 =	vld.idx.msk [tilespmem:v7+s3+$0x0], $0xffff  }
0x358: {  	v14 =	vadd.s32 $0x10000, v51;
	v9 =	vld.idx.msk [tilespmem:v9+s3+$0x0], $0xffff  }
0x359: {  	v16 =	vadd.s32 $0x8000, v52;
	v19 =	vadd.s32 $0x10000, v50;
	v20 =	vadd.s32 $0x8000, v51;
	v10 =	vld.idx.msk [tilespmem:v10+s3+$0x0], $0xffff  }
0x35a: {  	v21 =	vadd.s32 $0x10000, v49;
	v18 =	vsub.f32 v41, v55;
	v17 =	vsub.f32 v44, v59;
	v11 =	vld.idx.msk [tilespmem:v11+s3+$0x0], $0xffff  }
0x35b: {  	v22 =	vadd.s32 $0x8000, v50;
	v15 =	vsub.f32 v42, v57;
	v2 =	vsub.f32 v46, v2;
	v12 =	vld.idx.msk [tilespmem:v12+s3+$0x0], $0xffff  }
0x35c: {  	v23 =	vadd.s32 $0x8000, v49;
	v0 =	vsub.f32 v43, v0;
	v6 =	vsub.f32 v48, v6;
	v13 =	vld.idx.msk [tilespmem:v13+s3+$0x0], $0xffff  }
0x35d: {  	v18 =	vmul.f32 v18, v18;
	v4 =	vsub.f32 v45, v4;
	v8 =	vsub.f32 v47, v8;
	v14 =	vld.idx.msk [tilespmem:v14+s3+$0x0], $0xffff  }
0x35e: {  	v16 =	vld.idx.msk [tilespmem:v16+s3+$0x0], $0xffff;
	v17 =	vmul.f32 v17, v17;
	v15 =	vmul.f32 v15, v15;
	v1 =	vsub.f32 v29, v1  }
0x35f: {  	v19 =	vld.idx.msk [tilespmem:v19+s3+$0x0], $0xffff;
	v0 =	vmul.f32 v0, v0;
	v3 =	vsub.f32 v34, v3;
	v5 =	vsub.f32 v30, v5  }
0x360: {  	v20 =	vld.idx.msk [tilespmem:v20+s3+$0x0], $0xffff;
	v4 =	vmul.f32 v4, v4;
	v7 =	vsub.f32 v35, v7;
	v9 =	vsub.f32 v28, v9  }
0x361: {  	v21 =	vld.idx.msk [tilespmem:v21+s3+$0x0], $0xffff;
	v2 =	vmul.f32 v2, v2;
	v10 =	vsub.f32 v39, v10;
	v11 =	vsub.f32 v36, v11  }
0x362: {  	v22 =	vld.idx.msk [tilespmem:v22+s3+$0x0], $0xffff;
	v8 =	vmul.f32 v8, v8;
	v12 =	vsub.f32 v40, v12;
	v13 =	vsub.f32 v32, v13  }
0x363: {  	v23 =	vld.idx.msk [tilespmem:v23+s3+$0x0], $0xffff;
	v6 =	vmul.f32 v6, v6;
	v14 =	vsub.f32 v38, v14;
	v16 =	vsub.f32 v31, v16  }
0x364: {  	v19 =	vsub.f32 v37, v19;
	v3 =	vmul.f32 v3, v3;
	v1 =	vmul.f32 v1, v1  }
0x365: {  	v20 =	vsub.f32 v27, v20;
	v7 =	vmul.f32 v7, v7;
	v5 =	vmul.f32 v5, v5  }
0x366: {  	v21 =	vsub.f32 v33, v21;
	v10 =	vmul.f32 v10, v10;
	v9 =	vmul.f32 v9, v9  }
0x367: {  	v22 =	vsub.f32 v26, v22;
	v13 =	vmul.f32 v13, v13;
	v11 =	vmul.f32 v11, v11  }
0x368: {  	v23 =	vsub.f32 v25, v23;
	v20 =	vmul.f32 v20, v20;
	v16 =	vmul.f32 v16, v16  }
0x369: {  	v22 =	vmul.f32 v22, v22;
	v9 =	vadd.f32 v9, v18;
	v5 =	vadd.f32 v5, v15  }
0x36a: {  	v24 =	vmul.f32 v23, v23;
	v0 =	vadd.f32 v13, v0;
	v11 =	vadd.f32 v11, v17  }
0x36b: {  	v12 =	vmul.f32 v12, v12;
	v4 =	vadd.f32 v20, v4;
	v2 =	vadd.f32 v16, v2  }
0x36c: {  	v25 =	vmul.f32 v14, v14;
	v8 =	vadd.f32 v24, v8;
	v6 =	vadd.f32 v22, v6  }
0x36d: {  	v26 =	vmul.f32 v19, v19;
	v3 =	vadd.f32 v3, v9;
	v1 =	vadd.f32 v1, v5  }
0x36e: {  	v27 =	vmul.f32 v21, v21;
	v0 =	vadd.f32 v10, v0;
	v7 =	vadd.f32 v7, v11  }
0x36f: {  	v4 =	vadd.f32 v25, v4;
	v2 =	vadd.f32 v12, v2  }
0x370: {  	v5 =	vadd.f32 v27, v8;
	v6 =	vadd.f32 v26, v6  }
0x371: {  	v28 =	vmax.f32 v7, $9.999999680e-21;
	v9 =	vmax.f32 v3, $9.999999680e-21;
	v29 =	vmax.f32 v1, $9.999999680e-21  }
0x372: {  	v30 =	vmax.f32 v4, $9.999999680e-21;
	v12 =	vmax.f32 v2, $9.999999680e-21;
	v31 =	vmax.f32 v0, $9.999999680e-21  }
0x373: {  	v32 =	vmax.f32 v5, $9.999999680e-21;
	v33 =	vmax.f32 v6, $9.999999680e-21;
	v34 =	vshra.s32 v29, $0x1  }
0x374: {  	v35 =	vshra.s32 v9, $0x1;
	v9 =	vmul.f32 $5.000000000e-01, v9;
	v10 =	vmul.f32 $5.000000000e-01, v29  }
0x375: {  	v36 =	vshra.s32 v31, $0x1;
	v37 =	vshra.s32 v28, $0x1;
	v8 =	vmul.f32 $5.000000000e-01, v28  }
0x376: {  	v38 =	vshra.s32 v12, $0x1;
	v12 =	vmul.f32 $5.000000000e-01, v12;
	v13 =	vmul.f32 $5.000000000e-01, v31  }
0x377: {  	v39 =	vshra.s32 v33, $0x1;
	v40 =	vshra.s32 v30, $0x1;
	v11 =	vmul.f32 $5.000000000e-01, v30  }
0x378: {  	v41 =	vshra.s32 v32, $0x1;
	v14 =	vmul.f32 $5.000000000e-01, v32;
	v15 =	vmul.f32 $5.000000000e-01, v33  }
0x379: {  	v19 =	vsub.s32 $0x5F3759DF, v37;
	v17 =	vsub.s32 $0x5F3759DF, v35;
	v16 =	vsub.s32 $0x5F3759DF, v34  }
0x37a: {  	v20 =	vsub.s32 $0x5F3759DF, v38;
	v18 =	vsub.s32 $0x5F3759DF, v36;
	v24 =	vmul.f32 v16, v10  }
0x37b: {  	v23 =	vsub.s32 $0x5F3759DF, v41;
	v42 =	vmul.f32 v19, v8;
	v43 =	vmul.f32 v17, v9  }
0x37c: {  	v22 =	vsub.s32 $0x5F3759DF, v40;
	v44 =	vmul.f32 v23, v14;
	v45 =	vmul.f32 v18, v13  }
0x37d: {  	v21 =	vsub.s32 $0x5F3759DF, v39;
	v46 =	vmul.f32 v22, v11;
	v47 =	vmul.f32 v20, v12  }
0x37e: {  	v48 =	vmul.f32 v21, v15;
	v27 =	vmul.f32 v23, v44  }
0x37f: {  	v26 =	vmul.f32 v17, v43;
	v24 =	vmul.f32 v16, v24  }
0x380: {  	v31 =	vmul.f32 v21, v48;
	v25 =	vmul.f32 v19, v42;
	v27 =	vsub.f32 $1.500000000e+00, v27  }
0x381: {  	v29 =	vmul.f32 v22, v46;
	v28 =	vmul.f32 v18, v45;
	v24 =	vsub.f32 $1.500000000e+00, v24  }
0x382: {  	v30 =	vmul.f32 v20, v47;
	v49 =	vsub.f32 $1.500000000e+00, v31;
	v23 =	vmul.f32 v23, v27  }
0x383: {  	v29 =	vsub.f32 $1.500000000e+00, v29;
	v26 =	vsub.f32 $1.500000000e+00, v26;
	v16 =	vmul.f32 v16, v24  }
0x384: {  	v50 =	vsub.f32 $1.500000000e+00, v25;
	v21 =	vmul.f32 v21, v49;
	v14 =	vmul.f32 v23, v14  }
0x385: {  	v51 =	vsub.f32 $1.500000000e+00, v30;
	v22 =	vmul.f32 v22, v29;
	v17 =	vmul.f32 v17, v26  }
0x386: {  	v15 =	vmul.f32 v21, v15;
	v14 =	vmul.f32 v14, v23  }
0x387: {  	v52 =	vsub.f32 $1.500000000e+00, v28;
	v20 =	vmul.f32 v20, v51;
	v19 =	vmul.f32 v19, v50  }
0x388: {  	v11 =	vmul.f32 v22, v11;
	v15 =	vmul.f32 v15, v21;
	v14 =	vsub.f32 $1.500000000e+00, v14  }
0x389: {  	v18 =	vmul.f32 v18, v52;
	v12 =	vmul.f32 v20, v12  }
0x38a: {  	v11 =	vmul.f32 v11, v22;
	v15 =	vsub.f32 $1.500000000e+00, v15;
	v14 =	vmul.f32 v14, v23  }
0x38b: {  	v13 =	vmul.f32 v18, v13;
	v12 =	vmul.f32 v12, v20  }
0x38c: {  	v11 =	vsub.f32 $1.500000000e+00, v11;
	v53 =	vmul.f32 v15, v21;
	v5 =	vmul.f32 v14, v5  }
0x38d: {  	v8 =	vmul.f32 v19, v8;
	v13 =	vmul.f32 v13, v18;
	v12 =	vsub.f32 $1.500000000e+00, v12  }
0x38e: {  	v11 =	vmul.f32 v11, v22;
	v6 =	vmul.f32 v53, v6;
	v5 =	vadd.f32 v5, v60  }
0x38f: {  	v9 =	vmul.f32 v17, v9;
	v8 =	vmul.f32 v8, v19;
	v13 =	vsub.f32 $1.500000000e+00, v13  }
0x390: {  	v54 =	vmul.f32 v12, v20;
	v4 =	vmul.f32 v11, v4;
	v5 =	vadd.f32 v6, v5  }
0x391: {  	v10 =	vmul.f32 v16, v10;
	v9 =	vmul.f32 v9, v17;
	v8 =	vsub.f32 $1.500000000e+00, v8  }
0x392: {  	v55 =	vmul.f32 v13, v18;
	v2 =	vmul.f32 v54, v2;
	v4 =	vadd.f32 v4, v5  }
0x393: {  	v57 =	vmul.f32 v10, v16;
	v56 =	vsub.f32 $1.500000000e+00, v9  }
0x394: {  	v58 =	vmul.f32 v8, v19;
	v0 =	vmul.f32 v55, v0;
	v2 =	vadd.f32 v2, v4  }
0x395: {  	v59 =	vsub.f32 $1.500000000e+00, v57  }
0x396: {  	v61 =	vmul.f32 v56, v17;
	v60 =	vmul.f32 v58, v7;
	v0 =	vadd.f32 v0, v2;
	_ =	sdelay $0x1  }
0x397: {  	v63 =	vmul.f32 v59, v16;
	v62 =	vmul.f32 v61, v3;
	v0 =	vadd.f32 v60, v0;
	_ =	sdelay $0x1  }
0x398: {  	v1 =	vmul.f32 v63, v1;
	v0 =	vadd.f32 v62, v0;
	_ =	sdelay $0x1  }
0x399: {  	s23 =	sadd.s32 $0x1, s23;
	v0 =	vadd.f32 v1, v0  }
0x39a: {  	p0 =	sne.s32 s23, s12  }
.Ltmp2:
0x39b: {  	[tilespmem:$0x1C980] =	vst v0;
	(pc) =	sbr.rel @p0 .LBB2_1-.Ltmp2, $4  }
0x39c: {  	[hbm4b:s11+s3] =	stream.linear.scatter [tilespmem:s21], [sflag:$0x2], $0x10, $0x38;
	[tilespmem:$0x1CA00] =	vst v63  }
0x39d: {  	_ =	swait.ge [sflag:s22], $0x10  }
0x39e: {  	[sflag:s22] =	ssyncset.done $0x0  }
0x39f: {  	[sflag:s22] =	ssyncadd.s32 $0xFFFFFFF0  }
0x3a0: {  	_ =	sfence.sel $0x180000  }
0x3a1: {  	[bflag:$0x0] =	sbarrier.arrive $0xFFFF  }
0x3a2: {  	p0 =	sne.s32 s0, $0x0;
	_ =	strace $0x90000047  }
0x3a3: {  	s0 =	sadd.s32 @!p0 $0x100000, s1;
	[bflag:$0x2] =	sbarrier.arrive $0xFFFF  }
0x3a4: {  	[sflag:s0] =	ssyncadd.tile.s32 @!p0 $0x1;
	_ =	shalt  }
.Lfunc_end2:
_tile_overlayer_lowered:
.L_overlay_start_2:
0x3a5: {  	(tag) =	ssettag $0x2  }
0x3a6: {  	s0 =	rddreg [dreg:$0x0];
	s2 =	stileid.u32  }
0x3a7: {  	s1 =	rddreg [dreg:$0x1];
	p0 =	sne.s32 s2, $0x0  }
0x3a8: {  	s3 =	rddreg [dreg:$0x2];
	[bflag:$0x3] =	sbarrier.arrive $0xFFFF;
	s2 =	simm.s32 @!p0 $0x1C02  }
0x3a9: {  	[timem:s3], [sflag:s2] =	dma.local @!p0 [hbm:s0], s1  }
0x3aa: {  	s0 =	simm.s32 @!p0 $0x2  }
0x3ab: {  	_ =	swait.ge @!p0 [sflag:s0], s1  }
0x3ac: {  	s1 =	ssub.s32 @!p0 $0x0, s1;
	[sflag:s0] =	ssyncset.done @!p0 $0x0  }
0x3ad: {  	[sflag:s0] =	ssyncadd.s32 @!p0 s1  }
0x3ae: {  	[bflag:$0x3] =	sbarrier.arrive $0xFFFF  }
0x3af: {  	_ =	shalt  }

</sc_bundles>
